<compile_context>
chip_gen: v7x
topology: tpu7x:2x2x1
jax: 0.10.2.dev20260603
libtpu: 0.0.44.dev20260713+nightly
codegen_flags: <defaults>
</compile_context>

<pallas_src>
import functools

import jax
import jax.numpy as jnp
from jax import lax
from jax.experimental import pallas as pl
from jax.experimental.pallas import tpu as pltpu
from jax.experimental.pallas import tpu_sc as plsc

_B = 8
_C = 96
_S = 224 * 224
_N = _C * _S
_K = int(round(0.1 * _N))

_NCORES = 2
_NSUB = 16
_CHUNK = _S // 4
_VREGS_PER_CHUNK = _CHUNK // 16

_MIN_I32 = -(2 ** 31)
_PASSES = ((21, 11), (10, 11), (0, 10))


def _sc_body(rows, group, x_hbm, bf_hbm, out_hbm, bf_v, stage0_v, stage1_v,
             hist_v, idx_v, tvec_v, merged_sh, sem0, sem1):
    rows_per_core = rows // _NCORES
    tiles_per_row = _NSUB // rows_per_core
    ch_per_tile = _C // tiles_per_row
    chunks_per_tile = ch_per_tile * 4
    zero_rows = rows_per_core * 2048 // _NSUB

    c = lax.axis_index("c")
    s = lax.axis_index("s")
    local_row = s // tiles_per_row
    grp = s % tiles_per_row
    grow = c * rows_per_core + local_row
    row = group * rows + grow
    lane = lax.iota(jnp.int32, 16)
    ones = jnp.ones((16,), jnp.int32)
    zeros16 = jnp.zeros((16,), jnp.int32)

    pltpu.sync_copy(bf_hbm, bf_v)

    def fill_idx(j, _):
        def fill_t(t, _):
            idx_v[j, pl.ds(t * 16, 16)] = (local_row * 2048 + j * 128
                                           + t * 16 + lane)
            return 0
        lax.fori_loop(0, 8, fill_t, 0)
        return 0
    lax.fori_loop(0, 16, fill_idx, 0)

    stages = (stage0_v, stage1_v)
    sems = (sem0, sem1)

    def chunk_src(i):
        ch = grp * ch_per_tile + i // 4
        q = i % 4
        return x_hbm.at[row, ch, pl.ds(q * _CHUNK, _CHUNK)]

    rem = jnp.int32(_K)
    prefix = jnp.int32(0)

    for shift, width in _PASSES:
        nbins = 1 << width
        first = shift == _PASSES[0][0]

        def zbody(i, _):
            hist_v[i, :] = zeros16
            return 0
        lax.fori_loop(0, 2048, zbody, 0)
        pltpu.sync_copy(hist_v.at[pl.ds(0, zero_rows), :],
                        merged_sh.at[pl.ds(s * zero_rows, zero_rows), :])
        plsc.subcore_barrier()

        shift_vec = jnp.full((16,), shift, jnp.int32)
        binmask_vec = jnp.full((16,), nbins - 1, jnp.int32)
        binsize_vec_u = jnp.full((16,), nbins, jnp.uint32)
        prefix_vec = jnp.full((16,), prefix << width, jnp.int32)

        pltpu.make_async_copy(chunk_src(0), stage0_v, sem0).start()
        pltpu.make_async_copy(chunk_src(1), stage1_v, sem1).start()

        def chunk_group(g, _):
            for b in range(2):
                i = 2 * g + b
                stage, sem = stages[b], sems[b]
                pltpu.make_async_copy(chunk_src(i), stage, sem).wait()
                ch = grp * ch_per_tile + i // 4
                bfv = bf_v[ch, :]

                @plsc.parallel_loop(0, _VREGS_PER_CHUNK, unroll=8)
                def _(j):
                    v = stage[pl.ds(j * 16, 16)]
                    boosted = v * bfv
                    bits = lax.bitcast_convert_type(boosted, jnp.int32)
                    neg = bits >> 31
                    key = bits ^ (neg | _MIN_I32)
                    if first:
                        bin_ = lax.shift_right_logical(key, shift_vec)
                        plsc.addupdate_scatter(hist_v, [bin_, lane], ones)
                    else:
                        rel = (lax.shift_right_logical(key, shift_vec)
                               - prefix_vec)
                        rel_u = lax.bitcast_convert_type(rel, jnp.uint32)
                        mk = rel_u < binsize_vec_u
                        bin_ = rel & binmask_vec
                        plsc.addupdate_scatter(hist_v, [bin_, lane], ones,
                                               mask=mk)

                @pl.when(i + 2 < chunks_per_tile)
                def _():
                    pltpu.make_async_copy(chunk_src(i + 2), stage, sem).start()
            return 0
        lax.fori_loop(0, chunks_per_tile // 2, chunk_group, 0)

        for j in range(16):
            pltpu.sync_copy(hist_v.at[pl.ds(j * 128, 128), :],
                            merged_sh.at[idx_v.at[j]], add=True)
        plsc.subcore_barrier()
        pltpu.sync_copy(merged_sh.at[pl.ds(local_row * 2048, 2048), :], hist_v)
        plsc.subcore_barrier()

        def scan_body(i, carry):
            cum, found, b_sel, rem_next = carry
            b = nbins - 1 - i
            cnt = jnp.sum(hist_v[b, :])
            cum_new = cum + cnt
            crossed = cum_new >= rem
            take = jnp.logical_and(crossed, jnp.logical_not(found))
            b_sel = jnp.where(take, b, b_sel)
            rem_next = jnp.where(take, rem - cum, rem_next)
            found = jnp.logical_or(found, crossed)
            return (cum_new, found, b_sel, rem_next)

        init = (jnp.int32(0), jnp.bool_(False), jnp.int32(0), rem)
        _, _, b_sel, rem = lax.fori_loop(0, nbins, scan_body, init)
        prefix = (prefix << width) | b_sel

    @pl.when(grp == 0)
    def _():
        tvec_v[...] = jnp.full((16,), prefix, jnp.int32)
        pltpu.sync_copy(tvec_v, out_hbm.at[grow])


@functools.lru_cache(maxsize=None)
def _sc_select_fn(rows, group):
    mesh = plsc.VectorSubcoreMesh(core_axis_name="c", subcore_axis_name="s")
    return pl.kernel(
        functools.partial(_sc_body, rows, group),
        out_type=jax.ShapeDtypeStruct((rows, 16), jnp.int32),
        mesh=mesh,
        scratch_types=[
            pltpu.VMEM((_C, 16), jnp.float32),
            pltpu.VMEM((_CHUNK,), jnp.float32),
            pltpu.VMEM((_CHUNK,), jnp.float32),
            pltpu.VMEM((2048, 16), jnp.int32),
            pltpu.VMEM((16, 128), jnp.int32),
            pltpu.VMEM((16,), jnp.int32),
            pltpu.VMEM_SHARED((rows // _NCORES * 2048, 16), jnp.int32),
            pltpu.SemaphoreType.DMA,
            pltpu.SemaphoreType.DMA,
        ],
        compiler_params=pltpu.CompilerParams(
            use_tc_tiling_on_sc=False,
            needs_layout_passes=False,
        ),
    )


def _apply_body(t_ref, bf_ref, x_ref, o_ref):
    xv = x_ref[...]
    boosted = xv * bf_ref[...]
    bits = lax.bitcast_convert_type(boosted, jnp.int32)
    neg = bits >> 31
    key = bits ^ (neg | _MIN_I32)
    key_u = lax.bitcast_convert_type(key, jnp.uint32)
    t_u = lax.bitcast_convert_type(t_ref[0, 0, 0], jnp.uint32)
    o_ref[...] = jnp.where(key_u >= t_u, xv, jnp.float32(0.0))


def _tc_apply(x3, bf3, thresholds, rows):
    NS = 4
    SB = _S // NS
    return pl.pallas_call(
        _apply_body,
        grid=(rows, NS),
        in_specs=[
            pl.BlockSpec((1, 1, 16), lambda b, j: (b, 0, 0),
                         memory_space=pltpu.SMEM),
            pl.BlockSpec((1, _C, 1), lambda b, j: (0, 0, 0)),
            pl.BlockSpec((1, _C, SB), lambda b, j: (b, 0, j)),
        ],
        out_specs=pl.BlockSpec((1, _C, SB), lambda b, j: (b, 0, j)),
        out_shape=jax.ShapeDtypeStruct((rows, _C, _S), jnp.float32),
    )(thresholds.reshape(rows, 1, 16), bf3, x3)


def kernel(x, duty_cycles):
    B, C, H, W = x.shape
    bf = jnp.exp(jnp.float32(_K / _N) - duty_cycles.reshape(C))
    bf_pad = jnp.broadcast_to(bf.reshape(C, 1), (C, 16))
    bf3 = bf.reshape(1, C, 1)
    x3 = x.reshape(B, C, _S)

    thresholds = _sc_select_fn(_B, 0)(x3, bf_pad)
    out = _tc_apply(x3, bf3, thresholds, _B)
    return out.reshape(B, C, H, W)

# --- scband reference (transcript-rebuilt; emitter-appended) ---
"""Pipeline reference for scband-kwinners2d-30270929502270 (READ-ONLY COPY).

The authoritative reference and input builder live on the scoring server;
editing this copy changes nothing except your own understanding.
"""

import jax, jax.numpy as jnp
import numpy as np

PERCENT_ON = 0.1
BOOST_STRENGTH = 1.0


def setup_inputs(seed: int = 0) -> dict:
    key = jax.random.key(seed)
    k1, k2 = jax.random.split(key)
    x = jax.random.normal(k1, (8, 96, 224, 224), dtype=jnp.float32)
    duty_cycles = jax.random.uniform(k2, (1, 96, 1, 1), dtype=jnp.float32)
    return {"x": x, "duty_cycles": duty_cycles}


def reference(x, duty_cycles):
    # KWinners2d forward (channel_first): k = percent_on * (C*H*W)
    input_shape = x.shape
    batch_size = input_shape[0]
    n = int(np.prod(input_shape[1:]))
    k = int(round(PERCENT_ON * n))
    boost_strength = jnp.maximum(jnp.float32(BOOST_STRENGTH), 0.0)
    target_density = jnp.float32(k / n)
    # boost factors per channel, broadcast over batch/spatial
    boost_factors = jnp.exp((target_density - duty_cycles) * boost_strength)
    boosted = x * boost_factors
    boosted_flat = boosted.reshape(batch_size, -1)
    flat_x = x.reshape(batch_size, -1)
    # top-k on boosted values (winners), but transmit the ORIGINAL x values
    _, indices = jax.lax.top_k(boosted_flat, k)
    updates = jnp.take_along_axis(flat_x, indices, axis=1)
    rows = jnp.arange(batch_size, dtype=jnp.int32)[:, None]
    rows = jnp.broadcast_to(rows, indices.shape)
    # tf.scatter_nd sums duplicates; top-k indices are unique per row so add == set
    res = jnp.zeros_like(flat_x).at[rows, indices].add(updates)
    return res.reshape(input_shape)

if __name__ == "__main__":
    import jax
    _d = setup_inputs()
    print(jax.jit(kernel)(*tuple(_d.values())))

</pallas_src>

<mosaic_0001>
#map = affine_map<(d0, d1) -> (0, 0, 0)>
#map1 = affine_map<(d0, d1) -> (0, 0)>
module attributes {stable_mosaic.version = 14 : i64} {
  func.func @_sc_body(%arg0: i32, %arg1: i32, %arg2: memref<8x96x50176xf32, #tpu.memory_space<hbm>>, %arg3: memref<96x16xf32, #tpu.memory_space<hbm>>, %arg4: memref<8x16xi32, #tpu.memory_space<hbm>>, %arg5: memref<96x16xf32, #tpu.memory_space<vmem>>, %arg6: memref<12544xf32, #tpu.memory_space<vmem>>, %arg7: memref<12544xf32, #tpu.memory_space<vmem>>, %arg8: memref<2048x16xi32, #tpu.memory_space<vmem>>, %arg9: memref<16x128xi32, #tpu.memory_space<vmem>>, %arg10: memref<16xi32, #tpu.memory_space<vmem>>, %arg11: memref<8192x16xi32, #tpu.memory_space<vmem_shared>>, %arg12: memref<!tpu.dma_semaphore, #tpu.memory_space<semaphore_mem>>, %arg13: memref<!tpu.dma_semaphore, #tpu.memory_space<semaphore_mem>>) attributes {dimension_semantics = [#tpu.dimension_semantics<core_parallel>, #tpu.dimension_semantics<subcore_parallel>], iteration_bounds = array<i64: 2, 16>, scalar_prefetch = 0 : i64, scratch_operands = 9 : i64, tpu.core_type = #tpu.core_type<sc_vector_subcore>, window_params = [{transform_indices = #map}, {transform_indices = #map1}, {transform_indices = #map1}]} {
    %jit3A = arith.constant 4 : i32
    %div3A = arith.divsi %arg1, %jit3A : i32
    %sign3A = arith.constant 0 : i32
    %sign3A_0 = arith.cmpi sgt, %arg1, %sign3A : i32
    %sign3A_1 = arith.extui %sign3A_0 : i1 to i32
    %sign3A_2 = arith.constant 0 : i32
    %sign3A_3 = arith.cmpi slt, %arg1, %sign3A_2 : i32
    %sign3A_4 = arith.extui %sign3A_3 : i1 to i32
    %sign3A_5 = arith.subi %sign3A_1, %sign3A_4 : i32
    %sign3A_6 = arith.constant 0 : i32
    %sign3A_7 = arith.cmpi sgt, %jit3A, %sign3A_6 : i32
    %sign3A_8 = arith.extui %sign3A_7 : i1 to i32
    %sign3A_9 = arith.constant 0 : i32
    %sign3A_10 = arith.cmpi slt, %jit3A, %sign3A_9 : i32
    %sign3A_11 = arith.extui %sign3A_10 : i1 to i32
    %sign3A_12 = arith.subi %sign3A_8, %sign3A_11 : i32
    %ne3A = arith.cmpi ne, %sign3A_5, %sign3A_12 : i32
    %rem3A = arith.remsi %arg1, %jit3A : i32
    %ne3A_13 = arith.constant 0 : i32
    %ne3A_14 = arith.cmpi ne, %rem3A, %ne3A_13 : i32
    %and3A = arith.andi %ne3A, %ne3A_14 : i1
    %sub3A = arith.constant 1 : i32
    %sub3A_15 = arith.subi %div3A, %sub3A : i32
    %select_n3A = arith.select %and3A, %sub3A_15, %div3A : i32
    %jit3A_16 = arith.constant 4 : i32
    %eq3A = arith.constant 0 : i32
    %eq3A_17 = arith.cmpi eq, %jit3A_16, %eq3A : i32
    %jit3A_18 = arith.constant 1 : i32
    %select_n3A_19 = arith.select %eq3A_17, %jit3A_18, %jit3A_16 : i32
    %rem3A_20 = arith.remsi %arg1, %select_n3A_19 : i32
    %ne3A_21 = arith.constant 0 : i32
    %ne3A_22 = arith.cmpi ne, %rem3A_20, %ne3A_21 : i32
    %lt3A = arith.constant 0 : i32
    %lt3A_23 = arith.cmpi slt, %rem3A_20, %lt3A : i32
    %lt3A_24 = arith.constant 0 : i32
    %lt3A_25 = arith.cmpi slt, %select_n3A_19, %lt3A_24 : i32
    %ne3A_26 = arith.xori %lt3A_23, %lt3A_25 : i1
    %and3A_27 = arith.andi %ne3A_26, %ne3A_22 : i1
    %add3A = arith.addi %rem3A_20, %select_n3A_19 : i32
    %select_n3A_28 = arith.select %and3A_27, %add3A, %rem3A_20 : i32
    %mul3A = arith.constant 4 : i32
    %mul3A_29 = arith.muli %arg0, %mul3A : i32
    %add3A_30 = arith.addi %mul3A_29, %select_n3A : i32
    %add3A_31 = arith.constant 0 : i32
    %add3A_32 = arith.addi %add3A_31, %add3A_30 : i32
    %iota3A = tpu.iota {dimensions = array<i32: 0>} : vector<16xi32>
    %broadcast_in_dim3A = arith.constant 1 : i32
    %broadcast_in_dim3A_33 = vector.broadcast %broadcast_in_dim3A : i32 to vector<16xi32>
    %broadcast_in_dim3A_34 = arith.constant 0 : i32
    %broadcast_in_dim3A_35 = vector.broadcast %broadcast_in_dim3A_34 : i32 to vector<16xi32>
    "tpu.region"() ({
      %run_scoped3A_278 = tpu.sem_alloc : memref<!tpu.dma_semaphore, #tpu.memory_space<semaphore_mem>>
      tpu.enqueue_dma source(%arg3 : memref<96x16xf32, #tpu.memory_space<hbm>>) target(%arg5 : memref<96x16xf32, #tpu.memory_space<vmem>>) target_semaphore(%run_scoped3A_278 : memref<!tpu.dma_semaphore, #tpu.memory_space<semaphore_mem>>)
      tpu.wait_dma2 semaphore(%run_scoped3A_278 : memref<!tpu.dma_semaphore, #tpu.memory_space<semaphore_mem>>) src(%arg3 : memref<96x16xf32, #tpu.memory_space<hbm>>) dst(%arg5 : memref<96x16xf32, #tpu.memory_space<vmem>>)
      tpu.yield
    }) : () -> ()
    %scan3A = arith.constant 0 : i32
    %scan3A_36 = arith.constant 0 : i32
    %scan3A_37 = arith.constant 16 : i32
    %scan3A_38 = arith.addi %scan3A_36, %scan3A_37 : i32
    %scan3A_39 = arith.constant 1 : i32
    %scan3A_40 = scf.for %scan3A_278 = %scan3A_36 to %scan3A_38 step %scan3A_39 iter_args(%scan3A_279 = %scan3A) -> (i32)  : i32 {
      %scan3A_280 = arith.constant 0 : i32
      %scan3A_281 = arith.constant 0 : i32
      %scan3A_282 = arith.constant 8 : i32
      %scan3A_283 = arith.addi %scan3A_281, %scan3A_282 : i32
      %scan3A_284 = arith.constant 1 : i32
      %scan3A_285 = scf.for %scan3A_288 = %scan3A_281 to %scan3A_283 step %scan3A_284 iter_args(%scan3A_289 = %scan3A_280) -> (i32)  : i32 {
        %mul3A_290 = arith.constant 2048 : i32
        %mul3A_291 = arith.muli %select_n3A, %mul3A_290 : i32
        %mul3A_292 = arith.constant 128 : i32
        %mul3A_293 = arith.muli %scan3A_278, %mul3A_292 : i32
        %add3A_294 = arith.addi %mul3A_291, %mul3A_293 : i32
        %mul3A_295 = arith.constant 16 : i32
        %mul3A_296 = arith.muli %scan3A_288, %mul3A_295 : i32
        %add3A_297 = arith.addi %add3A_294, %mul3A_296 : i32
        %add3A_298 = vector.broadcast %add3A_297 : i32 to vector<16xi32>
        %add3A_299 = arith.addi %add3A_298, %iota3A : vector<16xi32>
        %mul3A_300 = arith.constant 16 : i32
        %mul3A_301 = arith.muli %scan3A_288, %mul3A_300 : i32
        %swap3A = arith.index_cast %scan3A_278 : i32 to index
        %swap3A_302 = arith.index_cast %mul3A_301 : i32 to index
        %swap3A_303 = tpu.vector_load %arg9[%swap3A, %swap3A_302] {strides = array<i32>} : memref<16x128xi32, #tpu.memory_space<vmem>>, vector<16xi32>,
        tpu.vector_store %arg9[%swap3A, %swap3A_302], %add3A_299 {strides = array<i32>} : memref<16x128xi32, #tpu.memory_space<vmem>>, vector<16xi32>,
        %scan3A_304 = arith.constant 0 : i32
        scf.yield %scan3A_304 : i32
      }
      %scan3A_286 = arith.constant 8 : i32
      %scan3A_287 = arith.constant 0 : i32
      scf.yield %scan3A_287 : i32
    }
    %scan3A_41 = arith.constant 16 : i32
    %scan3A_42 = arith.constant 0 : i32
    %scan3A_43 = arith.constant 0 : i32
    %scan3A_44 = arith.constant 2048 : i32
    %scan3A_45 = arith.addi %scan3A_43, %scan3A_44 : i32
    %scan3A_46 = arith.constant 1 : i32
    %scan3A_47 = scf.for %scan3A_278 = %scan3A_43 to %scan3A_45 step %scan3A_46 iter_args(%scan3A_279 = %scan3A_42) -> (i32)  : i32 {
      %swap3A = arith.index_cast %scan3A_278 : i32 to index
      %swap3A_280 = arith.constant 0 : index
      %swap3A_281 = tpu.vector_load %arg8[%swap3A, %swap3A_280] {strides = array<i32>} : memref<2048x16xi32, #tpu.memory_space<vmem>>, vector<16xi32>,
      tpu.vector_store %arg8[%swap3A, %swap3A_280], %broadcast_in_dim3A_35 {strides = array<i32>} : memref<2048x16xi32, #tpu.memory_space<vmem>>, vector<16xi32>,
      %scan3A_282 = arith.constant 0 : i32
      scf.yield %scan3A_282 : i32
    }
    %scan3A_48 = arith.constant 2048 : i32
    %mul3A_49 = arith.constant 512 : i32
    %mul3A_50 = arith.muli %arg1, %mul3A_49 : i32
    "tpu.region"() ({
      %run_scoped3A_278 = tpu.sem_alloc : memref<!tpu.dma_semaphore, #tpu.memory_space<semaphore_mem>>
      %dma_start3A_279 = arith.constant 0 : i32
      %dma_start3A_280 = arith.constant 0 : i32
      %dma_start3A_281 = tpu.memref_slice %arg8[%dma_start3A_279, %dma_start3A_280] : memref<2048x16xi32, #tpu.memory_space<vmem>> -> memref<512x16xi32, #tpu.memory_space<vmem>>
      %dma_start3A_282 = arith.constant 0 : i32
      %dma_start3A_283 = tpu.memref_slice %arg11[%mul3A_50, %dma_start3A_282] : memref<8192x16xi32, #tpu.memory_space<vmem_shared>> -> memref<512x16xi32, #tpu.memory_space<vmem_shared>>
      %dma_start3A_284 = arith.constant 0 : i32
      %dma_start3A_285 = tpu.memref_slice %arg11[%mul3A_50, %dma_start3A_284] : memref<8192x16xi32, #tpu.memory_space<vmem_shared>> -> memref<512x16xi32, #tpu.memory_space<vmem_shared>>
      %dma_start3A_286 = arith.constant 0 : i32
      %dma_start3A_287 = arith.constant 0 : i32
      %dma_start3A_288 = tpu.memref_slice %arg8[%dma_start3A_286, %dma_start3A_287] : memref<2048x16xi32, #tpu.memory_space<vmem>> -> memref<512x16xi32, #tpu.memory_space<vmem>>
      tpu.enqueue_dma source(%dma_start3A_288 : memref<512x16xi32, #tpu.memory_space<vmem>>) target(%dma_start3A_285 : memref<512x16xi32, #tpu.memory_space<vmem_shared>>) target_semaphore(%run_scoped3A_278 : memref<!tpu.dma_semaphore, #tpu.memory_space<semaphore_mem>>)
      %dma_wait3A = arith.constant 0 : i32
      %dma_wait3A_289 = arith.constant 0 : i32
      %dma_wait3A_290 = tpu.memref_slice %arg8[%dma_wait3A, %dma_wait3A_289] : memref<2048x16xi32, #tpu.memory_space<vmem>> -> memref<512x16xi32, #tpu.memory_space<vmem>>
      %dma_wait3A_291 = arith.constant 0 : i32
      %dma_wait3A_292 = tpu.memref_slice %arg11[%mul3A_50, %dma_wait3A_291] : memref<8192x16xi32, #tpu.memory_space<vmem_shared>> -> memref<512x16xi32, #tpu.memory_space<vmem_shared>>
      %dma_wait3A_293 = arith.constant 0 : i32
      %dma_wait3A_294 = tpu.memref_slice %arg11[%mul3A_50, %dma_wait3A_293] : memref<8192x16xi32, #tpu.memory_space<vmem_shared>> -> memref<512x16xi32, #tpu.memory_space<vmem_shared>>
      %dma_wait3A_295 = arith.constant 0 : i32
      %dma_wait3A_296 = arith.constant 0 : i32
      %dma_wait3A_297 = tpu.memref_slice %arg8[%dma_wait3A_295, %dma_wait3A_296] : memref<2048x16xi32, #tpu.memory_space<vmem>> -> memref<512x16xi32, #tpu.memory_space<vmem>>
      tpu.wait_dma2 semaphore(%run_scoped3A_278 : memref<!tpu.dma_semaphore, #tpu.memory_space<semaphore_mem>>) src(%dma_wait3A_297 : memref<512x16xi32, #tpu.memory_space<vmem>>) dst(%dma_wait3A_294 : memref<512x16xi32, #tpu.memory_space<vmem_shared>>)
      tpu.yield
    }) : () -> ()
    %barrier3A = arith.constant 0 : index
    tpu.barrier barrier_id(%barrier3A)
    %broadcast_in_dim3A_51 = arith.constant 21 : i32
    %broadcast_in_dim3A_52 = vector.broadcast %broadcast_in_dim3A_51 : i32 to vector<16xi32>
    %broadcast_in_dim3A_53 = arith.constant 2047 : i32
    %broadcast_in_dim3A_54 = vector.broadcast %broadcast_in_dim3A_53 : i32 to vector<16xi32>
    %broadcast_in_dim3A_55 = arith.constant 2048 : i32
    %broadcast_in_dim3A_56 = vector.broadcast %broadcast_in_dim3A_55 : i32 to vector<16xi32>
    %shift_left3A = arith.constant 0 : i32
    %shift_left3A_57 = arith.constant 11 : i32
    %shift_left3A_58 = arith.shli %shift_left3A, %shift_left3A_57 : i32
    %broadcast_in_dim3A_59 = vector.broadcast %shift_left3A_58 : i32 to vector<16xi32>
    %mul3A_60 = arith.constant 24 : i32
    %mul3A_61 = arith.muli %select_n3A_28, %mul3A_60 : i32
    %add3A_62 = arith.constant 0 : i32
    %add3A_63 = arith.addi %mul3A_61, %add3A_62 : i32
    %dma_start3A = arith.constant 0 : i32
    %dma_start3A_64 = tpu.memref_slice %arg2[%add3A_32, %add3A_63, %dma_start3A] : memref<8x96x50176xf32, #tpu.memory_space<hbm>> -> memref<1x1x12544xf32, #tpu.memory_space<hbm>>
    %dma_start3A_65 = tpu.memref_squeeze %dma_start3A_64 : memref<1x1x12544xf32, #tpu.memory_space<hbm>> -> memref<12544xf32, #tpu.memory_space<hbm>>
    %dma_start3A_66 = arith.constant 0 : i32
    %dma_start3A_67 = tpu.memref_slice %arg2[%add3A_32, %add3A_63, %dma_start3A_66] : memref<8x96x50176xf32, #tpu.memory_space<hbm>> -> memref<1x1x12544xf32, #tpu.memory_space<hbm>>
    %dma_start3A_68 = tpu.memref_squeeze %dma_start3A_67 : memref<1x1x12544xf32, #tpu.memory_space<hbm>> -> memref<12544xf32, #tpu.memory_space<hbm>>
    tpu.enqueue_dma source(%dma_start3A_68 : memref<12544xf32, #tpu.memory_space<hbm>>) target(%arg6 : memref<12544xf32, #tpu.memory_space<vmem>>) target_semaphore(%arg12 : memref<!tpu.dma_semaphore, #tpu.memory_space<semaphore_mem>>)
    %mul3A_69 = arith.constant 24 : i32
    %mul3A_70 = arith.muli %select_n3A_28, %mul3A_69 : i32
    %add3A_71 = arith.constant 0 : i32
    %add3A_72 = arith.addi %mul3A_70, %add3A_71 : i32
    %dma_start3A_73 = arith.constant 12544 : i32
    %dma_start3A_74 = tpu.memref_slice %arg2[%add3A_32, %add3A_72, %dma_start3A_73] : memref<8x96x50176xf32, #tpu.memory_space<hbm>> -> memref<1x1x12544xf32, #tpu.memory_space<hbm>>
    %dma_start3A_75 = tpu.memref_squeeze %dma_start3A_74 : memref<1x1x12544xf32, #tpu.memory_space<hbm>> -> memref<12544xf32, #tpu.memory_space<hbm>>
    %dma_start3A_76 = arith.constant 12544 : i32
    %dma_start3A_77 = tpu.memref_slice %arg2[%add3A_32, %add3A_72, %dma_start3A_76] : memref<8x96x50176xf32, #tpu.memory_space<hbm>> -> memref<1x1x12544xf32, #tpu.memory_space<hbm>>
    %dma_start3A_78 = tpu.memref_squeeze %dma_start3A_77 : memref<1x1x12544xf32, #tpu.memory_space<hbm>> -> memref<12544xf32, #tpu.memory_space<hbm>>
    tpu.enqueue_dma source(%dma_start3A_78 : memref<12544xf32, #tpu.memory_space<hbm>>) target(%arg7 : memref<12544xf32, #tpu.memory_space<vmem>>) target_semaphore(%arg13 : memref<!tpu.dma_semaphore, #tpu.memory_space<semaphore_mem>>)
    %scan3A_79 = arith.constant 0 : i32
    %scan3A_80 = arith.constant 0 : i32
    %scan3A_81 = arith.constant 48 : i32
    %scan3A_82 = arith.addi %scan3A_80, %scan3A_81 : i32
    %scan3A_83 = arith.constant 1 : i32
    %scan3A_84 = scf.for %scan3A_278 = %scan3A_80 to %scan3A_82 step %scan3A_83 iter_args(%scan3A_279 = %scan3A_79) -> (i32)  : i32 {
      %mul3A_280 = arith.constant 2 : i32
      %mul3A_281 = arith.muli %mul3A_280, %scan3A_278 : i32
      %add3A_282 = arith.constant 0 : i32
      %add3A_283 = arith.addi %mul3A_281, %add3A_282 : i32
      %mul3A_284 = arith.constant 24 : i32
      %mul3A_285 = arith.muli %select_n3A_28, %mul3A_284 : i32
      %jit3A_286 = arith.constant 4 : i32
      %div3A_287 = arith.divsi %add3A_283, %jit3A_286 : i32
      %sign3A_288 = arith.constant 0 : i32
      %sign3A_289 = arith.cmpi sgt, %add3A_283, %sign3A_288 : i32
      %sign3A_290 = arith.extui %sign3A_289 : i1 to i32
      %sign3A_291 = arith.constant 0 : i32
      %sign3A_292 = arith.cmpi slt, %add3A_283, %sign3A_291 : i32
      %sign3A_293 = arith.extui %sign3A_292 : i1 to i32
      %sign3A_294 = arith.subi %sign3A_290, %sign3A_293 : i32
      %sign3A_295 = arith.constant 0 : i32
      %sign3A_296 = arith.cmpi sgt, %jit3A_286, %sign3A_295 : i32
      %sign3A_297 = arith.extui %sign3A_296 : i1 to i32
      %sign3A_298 = arith.constant 0 : i32
      %sign3A_299 = arith.cmpi slt, %jit3A_286, %sign3A_298 : i32
      %sign3A_300 = arith.extui %sign3A_299 : i1 to i32
      %sign3A_301 = arith.subi %sign3A_297, %sign3A_300 : i32
      %ne3A_302 = arith.cmpi ne, %sign3A_294, %sign3A_301 : i32
      %rem3A_303 = arith.remsi %add3A_283, %jit3A_286 : i32
      %ne3A_304 = arith.constant 0 : i32
      %ne3A_305 = arith.cmpi ne, %rem3A_303, %ne3A_304 : i32
      %and3A_306 = arith.andi %ne3A_302, %ne3A_305 : i1
      %sub3A_307 = arith.constant 1 : i32
      %sub3A_308 = arith.subi %div3A_287, %sub3A_307 : i32
      %select_n3A_309 = arith.select %and3A_306, %sub3A_308, %div3A_287 : i32
      %add3A_310 = arith.addi %mul3A_285, %select_n3A_309 : i32
      %jit3A_311 = arith.constant 4 : i32
      %eq3A_312 = arith.constant 0 : i32
      %eq3A_313 = arith.cmpi eq, %jit3A_311, %eq3A_312 : i32
      %jit3A_314 = arith.constant 1 : i32
      %select_n3A_315 = arith.select %eq3A_313, %jit3A_314, %jit3A_311 : i32
      %rem3A_316 = arith.remsi %add3A_283, %select_n3A_315 : i32
      %ne3A_317 = arith.constant 0 : i32
      %ne3A_318 = arith.cmpi ne, %rem3A_316, %ne3A_317 : i32
      %lt3A_319 = arith.constant 0 : i32
      %lt3A_320 = arith.cmpi slt, %rem3A_316, %lt3A_319 : i32
      %lt3A_321 = arith.constant 0 : i32
      %lt3A_322 = arith.cmpi slt, %select_n3A_315, %lt3A_321 : i32
      %ne3A_323 = arith.xori %lt3A_320, %lt3A_322 : i1
      %and3A_324 = arith.andi %ne3A_323, %ne3A_318 : i1
      %add3A_325 = arith.addi %rem3A_316, %select_n3A_315 : i32
      %select_n3A_326 = arith.select %and3A_324, %add3A_325, %rem3A_316 : i32
      %mul3A_327 = arith.constant 12544 : i32
      %mul3A_328 = arith.muli %select_n3A_326, %mul3A_327 : i32
      %dma_wait3A = tpu.memref_slice %arg2[%add3A_32, %add3A_310, %mul3A_328] : memref<8x96x50176xf32, #tpu.memory_space<hbm>> -> memref<1x1x12544xf32, #tpu.memory_space<hbm>>
      %dma_wait3A_329 = tpu.memref_squeeze %dma_wait3A : memref<1x1x12544xf32, #tpu.memory_space<hbm>> -> memref<12544xf32, #tpu.memory_space<hbm>>
      %dma_wait3A_330 = tpu.memref_slice %arg2[%add3A_32, %add3A_310, %mul3A_328] : memref<8x96x50176xf32, #tpu.memory_space<hbm>> -> memref<1x1x12544xf32, #tpu.memory_space<hbm>>
      %dma_wait3A_331 = tpu.memref_squeeze %dma_wait3A_330 : memref<1x1x12544xf32, #tpu.memory_space<hbm>> -> memref<12544xf32, #tpu.memory_space<hbm>>
      tpu.wait_dma2 semaphore(%arg12 : memref<!tpu.dma_semaphore, #tpu.memory_space<semaphore_mem>>) src(%dma_wait3A_331 : memref<12544xf32, #tpu.memory_space<hbm>>) dst(%arg6 : memref<12544xf32, #tpu.memory_space<vmem>>)
      %mul3A_332 = arith.constant 24 : i32
      %mul3A_333 = arith.muli %select_n3A_28, %mul3A_332 : i32
      %jit3A_334 = arith.constant 4 : i32
      %div3A_335 = arith.divsi %add3A_283, %jit3A_334 : i32
      %sign3A_336 = arith.constant 0 : i32
      %sign3A_337 = arith.cmpi sgt, %add3A_283, %sign3A_336 : i32
      %sign3A_338 = arith.extui %sign3A_337 : i1 to i32
      %sign3A_339 = arith.constant 0 : i32
      %sign3A_340 = arith.cmpi slt, %add3A_283, %sign3A_339 : i32
      %sign3A_341 = arith.extui %sign3A_340 : i1 to i32
      %sign3A_342 = arith.subi %sign3A_338, %sign3A_341 : i32
      %sign3A_343 = arith.constant 0 : i32
      %sign3A_344 = arith.cmpi sgt, %jit3A_334, %sign3A_343 : i32
      %sign3A_345 = arith.extui %sign3A_344 : i1 to i32
      %sign3A_346 = arith.constant 0 : i32
      %sign3A_347 = arith.cmpi slt, %jit3A_334, %sign3A_346 : i32
      %sign3A_348 = arith.extui %sign3A_347 : i1 to i32
      %sign3A_349 = arith.subi %sign3A_345, %sign3A_348 : i32
      %ne3A_350 = arith.cmpi ne, %sign3A_342, %sign3A_349 : i32
      %rem3A_351 = arith.remsi %add3A_283, %jit3A_334 : i32
      %ne3A_352 = arith.constant 0 : i32
      %ne3A_353 = arith.cmpi ne, %rem3A_351, %ne3A_352 : i32
      %and3A_354 = arith.andi %ne3A_350, %ne3A_353 : i1
      %sub3A_355 = arith.constant 1 : i32
      %sub3A_356 = arith.subi %div3A_335, %sub3A_355 : i32
      %select_n3A_357 = arith.select %and3A_354, %sub3A_356, %div3A_335 : i32
      %add3A_358 = arith.addi %mul3A_333, %select_n3A_357 : i32
      %get3A = arith.index_cast %add3A_358 : i32 to index
      %get3A_359 = arith.constant 0 : index
      %get3A_360 = tpu.vector_load %arg5[%get3A, %get3A_359] {strides = array<i32>} : memref<96x16xf32, #tpu.memory_space<vmem>>, vector<16xf32>,
      %parallel_loop3A = arith.constant 0 : i32
      %parallel_loop3A_361 = arith.constant 784 : i32
      %parallel_loop3A_362 = arith.constant 1 : i32
      scf.for %parallel_loop3A_464 = %parallel_loop3A to %parallel_loop3A_361 step %parallel_loop3A_362  : i32 {
        %parallel_loop3A_465 = arith.constant 16 : i32
        %parallel_loop3A_466 = arith.muli %parallel_loop3A_464, %parallel_loop3A_465 : i32
        %parallel_loop3A_467 = arith.index_cast %parallel_loop3A_466 : i32 to index
        %parallel_loop3A_468 = tpu.vector_load %arg6[%parallel_loop3A_467] {strides = array<i32>} : memref<12544xf32, #tpu.memory_space<vmem>>, vector<16xf32>,
        %parallel_loop3A_469 = arith.mulf %parallel_loop3A_468, %get3A_360 : vector<16xf32>
        %parallel_loop3A_470 = tpu.bitcast %parallel_loop3A_469 : vector<16xf32> -> vector<16xi32>
        %parallel_loop3A_471 = arith.constant 31 : i32
        %parallel_loop3A_472 = vector.broadcast %parallel_loop3A_471 : i32 to vector<16xi32>
        %parallel_loop3A_473 = arith.shrsi %parallel_loop3A_470, %parallel_loop3A_472 : vector<16xi32>
        %parallel_loop3A_474 = arith.constant -2147483648 : i32
        %parallel_loop3A_475 = vector.broadcast %parallel_loop3A_474 : i32 to vector<16xi32>
        %parallel_loop3A_476 = arith.ori %parallel_loop3A_473, %parallel_loop3A_475 : vector<16xi32>
        %parallel_loop3A_477 = arith.xori %parallel_loop3A_470, %parallel_loop3A_476 : vector<16xi32>
        %parallel_loop3A_478 = arith.shrui %parallel_loop3A_477, %broadcast_in_dim3A_52 : vector<16xi32>
        tpu.vector_store_idx %arg8[%parallel_loop3A_478, %iota3A], %broadcast_in_dim3A_33 {add = true} : memref<2048x16xi32, #tpu.memory_space<vmem>>[vector<16xi32>, vector<16xi32>], vector<16xi32>,
      } {sc.loop_unroll_factor = 8 : i64, sc.parallel_access}
      %add3A_363 = arith.constant 2 : i32
      %add3A_364 = arith.addi %add3A_283, %add3A_363 : i32
      %lt3A_365 = arith.constant 96 : i32
      %lt3A_366 = arith.cmpi slt, %add3A_364, %lt3A_365 : i32
      %convert_element_type3A_367 = arith.extui %lt3A_366 : i1 to i32
      %cond3A_368 = arith.constant 0 : i32
      %cond3A_369 = arith.cmpi ne, %convert_element_type3A_367, %cond3A_368 : i32
      scf.if %cond3A_369 {
        %add3A_464 = arith.constant 2 : i32
        %add3A_465 = arith.addi %add3A_283, %add3A_464 : i32
        %mul3A_466 = arith.constant 24 : i32
        %mul3A_467 = arith.muli %select_n3A_28, %mul3A_466 : i32
        %jit3A_468 = arith.constant 4 : i32
        %div3A_469 = arith.divsi %add3A_465, %jit3A_468 : i32
        %sign3A_470 = arith.constant 0 : i32
        %sign3A_471 = arith.cmpi sgt, %add3A_465, %sign3A_470 : i32
        %sign3A_472 = arith.extui %sign3A_471 : i1 to i32
        %sign3A_473 = arith.constant 0 : i32
        %sign3A_474 = arith.cmpi slt, %add3A_465, %sign3A_473 : i32
        %sign3A_475 = arith.extui %sign3A_474 : i1 to i32
        %sign3A_476 = arith.subi %sign3A_472, %sign3A_475 : i32
        %sign3A_477 = arith.constant 0 : i32
        %sign3A_478 = arith.cmpi sgt, %jit3A_468, %sign3A_477 : i32
        %sign3A_479 = arith.extui %sign3A_478 : i1 to i32
        %sign3A_480 = arith.constant 0 : i32
        %sign3A_481 = arith.cmpi slt, %jit3A_468, %sign3A_480 : i32
        %sign3A_482 = arith.extui %sign3A_481 : i1 to i32
        %sign3A_483 = arith.subi %sign3A_479, %sign3A_482 : i32
        %ne3A_484 = arith.cmpi ne, %sign3A_476, %sign3A_483 : i32
        %rem3A_485 = arith.remsi %add3A_465, %jit3A_468 : i32
        %ne3A_486 = arith.constant 0 : i32
        %ne3A_487 = arith.cmpi ne, %rem3A_485, %ne3A_486 : i32
        %and3A_488 = arith.andi %ne3A_484, %ne3A_487 : i1
        %sub3A_489 = arith.constant 1 : i32
        %sub3A_490 = arith.subi %div3A_469, %sub3A_489 : i32
        %select_n3A_491 = arith.select %and3A_488, %sub3A_490, %div3A_469 : i32
        %add3A_492 = arith.addi %mul3A_467, %select_n3A_491 : i32
        %jit3A_493 = arith.constant 4 : i32
        %eq3A_494 = arith.constant 0 : i32
        %eq3A_495 = arith.cmpi eq, %jit3A_493, %eq3A_494 : i32
        %jit3A_496 = arith.constant 1 : i32
        %select_n3A_497 = arith.select %eq3A_495, %jit3A_496, %jit3A_493 : i32
        %rem3A_498 = arith.remsi %add3A_465, %select_n3A_497 : i32
        %ne3A_499 = arith.constant 0 : i32
        %ne3A_500 = arith.cmpi ne, %rem3A_498, %ne3A_499 : i32
        %lt3A_501 = arith.constant 0 : i32
        %lt3A_502 = arith.cmpi slt, %rem3A_498, %lt3A_501 : i32
        %lt3A_503 = arith.constant 0 : i32
        %lt3A_504 = arith.cmpi slt, %select_n3A_497, %lt3A_503 : i32
        %ne3A_505 = arith.xori %lt3A_502, %lt3A_504 : i1
        %and3A_506 = arith.andi %ne3A_505, %ne3A_500 : i1
        %add3A_507 = arith.addi %rem3A_498, %select_n3A_497 : i32
        %select_n3A_508 = arith.select %and3A_506, %add3A_507, %rem3A_498 : i32
        %mul3A_509 = arith.constant 12544 : i32
        %mul3A_510 = arith.muli %select_n3A_508, %mul3A_509 : i32
        %dma_start3A_511 = tpu.memref_slice %arg2[%add3A_32, %add3A_492, %mul3A_510] : memref<8x96x50176xf32, #tpu.memory_space<hbm>> -> memref<1x1x12544xf32, #tpu.memory_space<hbm>>
        %dma_start3A_512 = tpu.memref_squeeze %dma_start3A_511 : memref<1x1x12544xf32, #tpu.memory_space<hbm>> -> memref<12544xf32, #tpu.memory_space<hbm>>
        %dma_start3A_513 = tpu.memref_slice %arg2[%add3A_32, %add3A_492, %mul3A_510] : memref<8x96x50176xf32, #tpu.memory_space<hbm>> -> memref<1x1x12544xf32, #tpu.memory_space<hbm>>
        %dma_start3A_514 = tpu.memref_squeeze %dma_start3A_513 : memref<1x1x12544xf32, #tpu.memory_space<hbm>> -> memref<12544xf32, #tpu.memory_space<hbm>>
        tpu.enqueue_dma source(%dma_start3A_514 : memref<12544xf32, #tpu.memory_space<hbm>>) target(%arg6 : memref<12544xf32, #tpu.memory_space<vmem>>) target_semaphore(%arg12 : memref<!tpu.dma_semaphore, #tpu.memory_space<semaphore_mem>>)
      } else {
      }
      %mul3A_370 = arith.constant 2 : i32
      %mul3A_371 = arith.muli %mul3A_370, %scan3A_278 : i32
      %add3A_372 = arith.constant 1 : i32
      %add3A_373 = arith.addi %mul3A_371, %add3A_372 : i32
      %mul3A_374 = arith.constant 24 : i32
      %mul3A_375 = arith.muli %select_n3A_28, %mul3A_374 : i32
      %jit3A_376 = arith.constant 4 : i32
      %div3A_377 = arith.divsi %add3A_373, %jit3A_376 : i32
      %sign3A_378 = arith.constant 0 : i32
      %sign3A_379 = arith.cmpi sgt, %add3A_373, %sign3A_378 : i32
      %sign3A_380 = arith.extui %sign3A_379 : i1 to i32
      %sign3A_381 = arith.constant 0 : i32
      %sign3A_382 = arith.cmpi slt, %add3A_373, %sign3A_381 : i32
      %sign3A_383 = arith.extui %sign3A_382 : i1 to i32
      %sign3A_384 = arith.subi %sign3A_380, %sign3A_383 : i32
      %sign3A_385 = arith.constant 0 : i32
      %sign3A_386 = arith.cmpi sgt, %jit3A_376, %sign3A_385 : i32
      %sign3A_387 = arith.extui %sign3A_386 : i1 to i32
      %sign3A_388 = arith.constant 0 : i32
      %sign3A_389 = arith.cmpi slt, %jit3A_376, %sign3A_388 : i32
      %sign3A_390 = arith.extui %sign3A_389 : i1 to i32
      %sign3A_391 = arith.subi %sign3A_387, %sign3A_390 : i32
      %ne3A_392 = arith.cmpi ne, %sign3A_384, %sign3A_391 : i32
      %rem3A_393 = arith.remsi %add3A_373, %jit3A_376 : i32
      %ne3A_394 = arith.constant 0 : i32
      %ne3A_395 = arith.cmpi ne, %rem3A_393, %ne3A_394 : i32
      %and3A_396 = arith.andi %ne3A_392, %ne3A_395 : i1
      %sub3A_397 = arith.constant 1 : i32
      %sub3A_398 = arith.subi %div3A_377, %sub3A_397 : i32
      %select_n3A_399 = arith.select %and3A_396, %sub3A_398, %div3A_377 : i32
      %add3A_400 = arith.addi %mul3A_375, %select_n3A_399 : i32
      %jit3A_401 = arith.constant 4 : i32
      %eq3A_402 = arith.constant 0 : i32
      %eq3A_403 = arith.cmpi eq, %jit3A_401, %eq3A_402 : i32
      %jit3A_404 = arith.constant 1 : i32
      %select_n3A_405 = arith.select %eq3A_403, %jit3A_404, %jit3A_401 : i32
      %rem3A_406 = arith.remsi %add3A_373, %select_n3A_405 : i32
      %ne3A_407 = arith.constant 0 : i32
      %ne3A_408 = arith.cmpi ne, %rem3A_406, %ne3A_407 : i32
      %lt3A_409 = arith.constant 0 : i32
      %lt3A_410 = arith.cmpi slt, %rem3A_406, %lt3A_409 : i32
      %lt3A_411 = arith.constant 0 : i32
      %lt3A_412 = arith.cmpi slt, %select_n3A_405, %lt3A_411 : i32
      %ne3A_413 = arith.xori %lt3A_410, %lt3A_412 : i1
      %and3A_414 = arith.andi %ne3A_413, %ne3A_408 : i1
      %add3A_415 = arith.addi %rem3A_406, %select_n3A_405 : i32
      %select_n3A_416 = arith.select %and3A_414, %add3A_415, %rem3A_406 : i32
      %mul3A_417 = arith.constant 12544 : i32
      %mul3A_418 = arith.muli %select_n3A_416, %mul3A_417 : i32
      %dma_wait3A_419 = tpu.memref_slice %arg2[%add3A_32, %add3A_400, %mul3A_418] : memref<8x96x50176xf32, #tpu.memory_space<hbm>> -> memref<1x1x12544xf32, #tpu.memory_space<hbm>>
      %dma_wait3A_420 = tpu.memref_squeeze %dma_wait3A_419 : memref<1x1x12544xf32, #tpu.memory_space<hbm>> -> memref<12544xf32, #tpu.memory_space<hbm>>
      %dma_wait3A_421 = tpu.memref_slice %arg2[%add3A_32, %add3A_400, %mul3A_418] : memref<8x96x50176xf32, #tpu.memory_space<hbm>> -> memref<1x1x12544xf32, #tpu.memory_space<hbm>>
      %dma_wait3A_422 = tpu.memref_squeeze %dma_wait3A_421 : memref<1x1x12544xf32, #tpu.memory_space<hbm>> -> memref<12544xf32, #tpu.memory_space<hbm>>
      tpu.wait_dma2 semaphore(%arg13 : memref<!tpu.dma_semaphore, #tpu.memory_space<semaphore_mem>>) src(%dma_wait3A_422 : memref<12544xf32, #tpu.memory_space<hbm>>) dst(%arg7 : memref<12544xf32, #tpu.memory_space<vmem>>)
      %mul3A_423 = arith.constant 24 : i32
      %mul3A_424 = arith.muli %select_n3A_28, %mul3A_423 : i32
      %jit3A_425 = arith.constant 4 : i32
      %div3A_426 = arith.divsi %add3A_373, %jit3A_425 : i32
      %sign3A_427 = arith.constant 0 : i32
      %sign3A_428 = arith.cmpi sgt, %add3A_373, %sign3A_427 : i32
      %sign3A_429 = arith.extui %sign3A_428 : i1 to i32
      %sign3A_430 = arith.constant 0 : i32
      %sign3A_431 = arith.cmpi slt, %add3A_373, %sign3A_430 : i32
      %sign3A_432 = arith.extui %sign3A_431 : i1 to i32
      %sign3A_433 = arith.subi %sign3A_429, %sign3A_432 : i32
      %sign3A_434 = arith.constant 0 : i32
      %sign3A_435 = arith.cmpi sgt, %jit3A_425, %sign3A_434 : i32
      %sign3A_436 = arith.extui %sign3A_435 : i1 to i32
      %sign3A_437 = arith.constant 0 : i32
      %sign3A_438 = arith.cmpi slt, %jit3A_425, %sign3A_437 : i32
      %sign3A_439 = arith.extui %sign3A_438 : i1 to i32
      %sign3A_440 = arith.subi %sign3A_436, %sign3A_439 : i32
      %ne3A_441 = arith.cmpi ne, %sign3A_433, %sign3A_440 : i32
      %rem3A_442 = arith.remsi %add3A_373, %jit3A_425 : i32
      %ne3A_443 = arith.constant 0 : i32
      %ne3A_444 = arith.cmpi ne, %rem3A_442, %ne3A_443 : i32
      %and3A_445 = arith.andi %ne3A_441, %ne3A_444 : i1
      %sub3A_446 = arith.constant 1 : i32
      %sub3A_447 = arith.subi %div3A_426, %sub3A_446 : i32
      %select_n3A_448 = arith.select %and3A_445, %sub3A_447, %div3A_426 : i32
      %add3A_449 = arith.addi %mul3A_424, %select_n3A_448 : i32
      %get3A_450 = arith.index_cast %add3A_449 : i32 to index
      %get3A_451 = arith.constant 0 : index
      %get3A_452 = tpu.vector_load %arg5[%get3A_450, %get3A_451] {strides = array<i32>} : memref<96x16xf32, #tpu.memory_space<vmem>>, vector<16xf32>,
      %parallel_loop3A_453 = arith.constant 0 : i32
      %parallel_loop3A_454 = arith.constant 784 : i32
      %parallel_loop3A_455 = arith.constant 1 : i32
      scf.for %parallel_loop3A_464 = %parallel_loop3A_453 to %parallel_loop3A_454 step %parallel_loop3A_455  : i32 {
        %parallel_loop3A_465 = arith.constant 16 : i32
        %parallel_loop3A_466 = arith.muli %parallel_loop3A_464, %parallel_loop3A_465 : i32
        %parallel_loop3A_467 = arith.index_cast %parallel_loop3A_466 : i32 to index
        %parallel_loop3A_468 = tpu.vector_load %arg7[%parallel_loop3A_467] {strides = array<i32>} : memref<12544xf32, #tpu.memory_space<vmem>>, vector<16xf32>,
        %parallel_loop3A_469 = arith.mulf %parallel_loop3A_468, %get3A_452 : vector<16xf32>
        %parallel_loop3A_470 = tpu.bitcast %parallel_loop3A_469 : vector<16xf32> -> vector<16xi32>
        %parallel_loop3A_471 = arith.constant 31 : i32
        %parallel_loop3A_472 = vector.broadcast %parallel_loop3A_471 : i32 to vector<16xi32>
        %parallel_loop3A_473 = arith.shrsi %parallel_loop3A_470, %parallel_loop3A_472 : vector<16xi32>
        %parallel_loop3A_474 = arith.constant -2147483648 : i32
        %parallel_loop3A_475 = vector.broadcast %parallel_loop3A_474 : i32 to vector<16xi32>
        %parallel_loop3A_476 = arith.ori %parallel_loop3A_473, %parallel_loop3A_475 : vector<16xi32>
        %parallel_loop3A_477 = arith.xori %parallel_loop3A_470, %parallel_loop3A_476 : vector<16xi32>
        %parallel_loop3A_478 = arith.shrui %parallel_loop3A_477, %broadcast_in_dim3A_52 : vector<16xi32>
        tpu.vector_store_idx %arg8[%parallel_loop3A_478, %iota3A], %broadcast_in_dim3A_33 {add = true} : memref<2048x16xi32, #tpu.memory_space<vmem>>[vector<16xi32>, vector<16xi32>], vector<16xi32>,
      } {sc.loop_unroll_factor = 8 : i64, sc.parallel_access}
      %add3A_456 = arith.constant 2 : i32
      %add3A_457 = arith.addi %add3A_373, %add3A_456 : i32
      %lt3A_458 = arith.constant 96 : i32
      %lt3A_459 = arith.cmpi slt, %add3A_457, %lt3A_458 : i32
      %convert_element_type3A_460 = arith.extui %lt3A_459 : i1 to i32
      %cond3A_461 = arith.constant 0 : i32
      %cond3A_462 = arith.cmpi ne, %convert_element_type3A_460, %cond3A_461 : i32
      scf.if %cond3A_462 {
        %add3A_464 = arith.constant 2 : i32
        %add3A_465 = arith.addi %add3A_373, %add3A_464 : i32
        %mul3A_466 = arith.constant 24 : i32
        %mul3A_467 = arith.muli %select_n3A_28, %mul3A_466 : i32
        %jit3A_468 = arith.constant 4 : i32
        %div3A_469 = arith.divsi %add3A_465, %jit3A_468 : i32
        %sign3A_470 = arith.constant 0 : i32
        %sign3A_471 = arith.cmpi sgt, %add3A_465, %sign3A_470 : i32
        %sign3A_472 = arith.extui %sign3A_471 : i1 to i32
        %sign3A_473 = arith.constant 0 : i32
        %sign3A_474 = arith.cmpi slt, %add3A_465, %sign3A_473 : i32
        %sign3A_475 = arith.extui %sign3A_474 : i1 to i32
        %sign3A_476 = arith.subi %sign3A_472, %sign3A_475 : i32
        %sign3A_477 = arith.constant 0 : i32
        %sign3A_478 = arith.cmpi sgt, %jit3A_468, %sign3A_477 : i32
        %sign3A_479 = arith.extui %sign3A_478 : i1 to i32
        %sign3A_480 = arith.constant 0 : i32
        %sign3A_481 = arith.cmpi slt, %jit3A_468, %sign3A_480 : i32
        %sign3A_482 = arith.extui %sign3A_481 : i1 to i32
        %sign3A_483 = arith.subi %sign3A_479, %sign3A_482 : i32
        %ne3A_484 = arith.cmpi ne, %sign3A_476, %sign3A_483 : i32
        %rem3A_485 = arith.remsi %add3A_465, %jit3A_468 : i32
        %ne3A_486 = arith.constant 0 : i32
        %ne3A_487 = arith.cmpi ne, %rem3A_485, %ne3A_486 : i32
        %and3A_488 = arith.andi %ne3A_484, %ne3A_487 : i1
        %sub3A_489 = arith.constant 1 : i32
        %sub3A_490 = arith.subi %div3A_469, %sub3A_489 : i32
        %select_n3A_491 = arith.select %and3A_488, %sub3A_490, %div3A_469 : i32
        %add3A_492 = arith.addi %mul3A_467, %select_n3A_491 : i32
        %jit3A_493 = arith.constant 4 : i32
        %eq3A_494 = arith.constant 0 : i32
        %eq3A_495 = arith.cmpi eq, %jit3A_493, %eq3A_494 : i32
        %jit3A_496 = arith.constant 1 : i32
        %select_n3A_497 = arith.select %eq3A_495, %jit3A_496, %jit3A_493 : i32
        %rem3A_498 = arith.remsi %add3A_465, %select_n3A_497 : i32
        %ne3A_499 = arith.constant 0 : i32
        %ne3A_500 = arith.cmpi ne, %rem3A_498, %ne3A_499 : i32
        %lt3A_501 = arith.constant 0 : i32
        %lt3A_502 = arith.cmpi slt, %rem3A_498, %lt3A_501 : i32
        %lt3A_503 = arith.constant 0 : i32
        %lt3A_504 = arith.cmpi slt, %select_n3A_497, %lt3A_503 : i32
        %ne3A_505 = arith.xori %lt3A_502, %lt3A_504 : i1
        %and3A_506 = arith.andi %ne3A_505, %ne3A_500 : i1
        %add3A_507 = arith.addi %rem3A_498, %select_n3A_497 : i32
        %select_n3A_508 = arith.select %and3A_506, %add3A_507, %rem3A_498 : i32
        %mul3A_509 = arith.constant 12544 : i32
        %mul3A_510 = arith.muli %select_n3A_508, %mul3A_509 : i32
        %dma_start3A_511 = tpu.memref_slice %arg2[%add3A_32, %add3A_492, %mul3A_510] : memref<8x96x50176xf32, #tpu.memory_space<hbm>> -> memref<1x1x12544xf32, #tpu.memory_space<hbm>>
        %dma_start3A_512 = tpu.memref_squeeze %dma_start3A_511 : memref<1x1x12544xf32, #tpu.memory_space<hbm>> -> memref<12544xf32, #tpu.memory_space<hbm>>
        %dma_start3A_513 = tpu.memref_slice %arg2[%add3A_32, %add3A_492, %mul3A_510] : memref<8x96x50176xf32, #tpu.memory_space<hbm>> -> memref<1x1x12544xf32, #tpu.memory_space<hbm>>
        %dma_start3A_514 = tpu.memref_squeeze %dma_start3A_513 : memref<1x1x12544xf32, #tpu.memory_space<hbm>> -> memref<12544xf32, #tpu.memory_space<hbm>>
        tpu.enqueue_dma source(%dma_start3A_514 : memref<12544xf32, #tpu.memory_space<hbm>>) target(%arg7 : memref<12544xf32, #tpu.memory_space<vmem>>) target_semaphore(%arg13 : memref<!tpu.dma_semaphore, #tpu.memory_space<semaphore_mem>>)
      } else {
      }
      %scan3A_463 = arith.constant 0 : i32
      scf.yield %scan3A_463 : i32
    }
    %scan3A_85 = arith.constant 48 : i32
    %run_scoped3A = arith.constant 0 : i32
    "tpu.region"() ({
      %run_scoped3A_278 = tpu.sem_alloc : memref<!tpu.dma_semaphore, #tpu.memory_space<semaphore_mem>>
      %dma_start3A_279 = arith.constant 0 : i32
      %dma_start3A_280 = arith.constant 0 : i32
      %dma_start3A_281 = tpu.memref_slice %arg8[%dma_start3A_279, %dma_start3A_280] : memref<2048x16xi32, #tpu.memory_space<vmem>> -> memref<128x16xi32, #tpu.memory_space<vmem>>
      %dma_start3A_282 = arith.constant 0 : i32
      %dma_start3A_283 = tpu.memref_slice %arg9[%run_scoped3A, %dma_start3A_282] : memref<16x128xi32, #tpu.memory_space<vmem>> -> memref<1x128xi32, #tpu.memory_space<vmem>>
      %dma_start3A_284 = tpu.memref_squeeze %dma_start3A_283 : memref<1x128xi32, #tpu.memory_space<vmem>> -> memref<128xi32, #tpu.memory_space<vmem>>
      %dma_start3A_285 = arith.constant 0 : i32
      %dma_start3A_286 = arith.constant 0 : i32
      %dma_start3A_287 = tpu.memref_slice %arg11[%dma_start3A_285, %dma_start3A_286] : memref<8192x16xi32, #tpu.memory_space<vmem_shared>> -> memref<8192x16xi32, #tpu.memory_space<vmem_shared>>
      tpu.enqueue_indirect_dma source(%dma_start3A_281 : memref<128x16xi32, #tpu.memory_space<vmem>>) target(%dma_start3A_287 : memref<8192x16xi32, #tpu.memory_space<vmem_shared>>) offsets(%dma_start3A_284 : memref<128xi32, #tpu.memory_space<vmem>>) semaphore(%run_scoped3A_278 : memref<!tpu.dma_semaphore, #tpu.memory_space<semaphore_mem>>) {add = true}
      %dma_wait3A = arith.constant 0 : i32
      %dma_wait3A_288 = arith.constant 0 : i32
      %dma_wait3A_289 = tpu.memref_slice %arg8[%dma_wait3A, %dma_wait3A_288] : memref<2048x16xi32, #tpu.memory_space<vmem>> -> memref<128x16xi32, #tpu.memory_space<vmem>>
      %dma_wait3A_290 = arith.constant 0 : i32
      %dma_wait3A_291 = tpu.memref_slice %arg9[%run_scoped3A, %dma_wait3A_290] : memref<16x128xi32, #tpu.memory_space<vmem>> -> memref<1x128xi32, #tpu.memory_space<vmem>>
      %dma_wait3A_292 = tpu.memref_squeeze %dma_wait3A_291 : memref<1x128xi32, #tpu.memory_space<vmem>> -> memref<128xi32, #tpu.memory_space<vmem>>
      %dma_wait3A_293 = arith.constant 0 : i32
      %dma_wait3A_294 = arith.constant 0 : i32
      %dma_wait3A_295 = tpu.memref_slice %arg11[%dma_wait3A_293, %dma_wait3A_294] : memref<8192x16xi32, #tpu.memory_space<vmem_shared>> -> memref<8192x16xi32, #tpu.memory_space<vmem_shared>>
      tpu.wait_indirect_dma semaphore(%run_scoped3A_278 : memref<!tpu.dma_semaphore, #tpu.memory_space<semaphore_mem>>) src(%dma_wait3A_289 : memref<128x16xi32, #tpu.memory_space<vmem>>) dst(%dma_wait3A_295 : memref<8192x16xi32, #tpu.memory_space<vmem_shared>>)
      tpu.yield
    }) : () -> ()
    %run_scoped3A_86 = arith.constant 1 : i32
    "tpu.region"() ({
      %run_scoped3A_278 = tpu.sem_alloc : memref<!tpu.dma_semaphore, #tpu.memory_space<semaphore_mem>>
      %dma_start3A_279 = arith.constant 128 : i32
      %dma_start3A_280 = arith.constant 0 : i32
      %dma_start3A_281 = tpu.memref_slice %arg8[%dma_start3A_279, %dma_start3A_280] : memref<2048x16xi32, #tpu.memory_space<vmem>> -> memref<128x16xi32, #tpu.memory_space<vmem>>
      %dma_start3A_282 = arith.constant 0 : i32
      %dma_start3A_283 = tpu.memref_slice %arg9[%run_scoped3A_86, %dma_start3A_282] : memref<16x128xi32, #tpu.memory_space<vmem>> -> memref<1x128xi32, #tpu.memory_space<vmem>>
      %dma_start3A_284 = tpu.memref_squeeze %dma_start3A_283 : memref<1x128xi32, #tpu.memory_space<vmem>> -> memref<128xi32, #tpu.memory_space<vmem>>
      %dma_start3A_285 = arith.constant 0 : i32
      %dma_start3A_286 = arith.constant 0 : i32
      %dma_start3A_287 = tpu.memref_slice %arg11[%dma_start3A_285, %dma_start3A_286] : memref<8192x16xi32, #tpu.memory_space<vmem_shared>> -> memref<8192x16xi32, #tpu.memory_space<vmem_shared>>
      tpu.enqueue_indirect_dma source(%dma_start3A_281 : memref<128x16xi32, #tpu.memory_space<vmem>>) target(%dma_start3A_287 : memref<8192x16xi32, #tpu.memory_space<vmem_shared>>) offsets(%dma_start3A_284 : memref<128xi32, #tpu.memory_space<vmem>>) semaphore(%run_scoped3A_278 : memref<!tpu.dma_semaphore, #tpu.memory_space<semaphore_mem>>) {add = true}
      %dma_wait3A = arith.constant 128 : i32
      %dma_wait3A_288 = arith.constant 0 : i32
      %dma_wait3A_289 = tpu.memref_slice %arg8[%dma_wait3A, %dma_wait3A_288] : memref<2048x16xi32, #tpu.memory_space<vmem>> -> memref<128x16xi32, #tpu.memory_space<vmem>>
      %dma_wait3A_290 = arith.constant 0 : i32
      %dma_wait3A_291 = tpu.memref_slice %arg9[%run_scoped3A_86, %dma_wait3A_290] : memref<16x128xi32, #tpu.memory_space<vmem>> -> memref<1x128xi32, #tpu.memory_space<vmem>>
      %dma_wait3A_292 = tpu.memref_squeeze %dma_wait3A_291 : memref<1x128xi32, #tpu.memory_space<vmem>> -> memref<128xi32, #tpu.memory_space<vmem>>
      %dma_wait3A_293 = arith.constant 0 : i32
      %dma_wait3A_294 = arith.constant 0 : i32
      %dma_wait3A_295 = tpu.memref_slice %arg11[%dma_wait3A_293, %dma_wait3A_294] : memref<8192x16xi32, #tpu.memory_space<vmem_shared>> -> memref<8192x16xi32, #tpu.memory_space<vmem_shared>>
      tpu.wait_indirect_dma semaphore(%run_scoped3A_278 : memref<!tpu.dma_semaphore, #tpu.memory_space<semaphore_mem>>) src(%dma_wait3A_289 : memref<128x16xi32, #tpu.memory_space<vmem>>) dst(%dma_wait3A_295 : memref<8192x16xi32, #tpu.memory_space<vmem_shared>>)
      tpu.yield
    }) : () -> ()
    %run_scoped3A_87 = arith.constant 2 : i32
    "tpu.region"() ({
      %run_scoped3A_278 = tpu.sem_alloc : memref<!tpu.dma_semaphore, #tpu.memory_space<semaphore_mem>>
      %dma_start3A_279 = arith.constant 256 : i32
      %dma_start3A_280 = arith.constant 0 : i32
      %dma_start3A_281 = tpu.memref_slice %arg8[%dma_start3A_279, %dma_start3A_280] : memref<2048x16xi32, #tpu.memory_space<vmem>> -> memref<128x16xi32, #tpu.memory_space<vmem>>
      %dma_start3A_282 = arith.constant 0 : i32
      %dma_start3A_283 = tpu.memref_slice %arg9[%run_scoped3A_87, %dma_start3A_282] : memref<16x128xi32, #tpu.memory_space<vmem>> -> memref<1x128xi32, #tpu.memory_space<vmem>>
      %dma_start3A_284 = tpu.memref_squeeze %dma_start3A_283 : memref<1x128xi32, #tpu.memory_space<vmem>> -> memref<128xi32, #tpu.memory_space<vmem>>
      %dma_start3A_285 = arith.constant 0 : i32
      %dma_start3A_286 = arith.constant 0 : i32
      %dma_start3A_287 = tpu.memref_slice %arg11[%dma_start3A_285, %dma_start3A_286] : memref<8192x16xi32, #tpu.memory_space<vmem_shared>> -> memref<8192x16xi32, #tpu.memory_space<vmem_shared>>
      tpu.enqueue_indirect_dma source(%dma_start3A_281 : memref<128x16xi32, #tpu.memory_space<vmem>>) target(%dma_start3A_287 : memref<8192x16xi32, #tpu.memory_space<vmem_shared>>) offsets(%dma_start3A_284 : memref<128xi32, #tpu.memory_space<vmem>>) semaphore(%run_scoped3A_278 : memref<!tpu.dma_semaphore, #tpu.memory_space<semaphore_mem>>) {add = true}
      %dma_wait3A = arith.constant 256 : i32
      %dma_wait3A_288 = arith.constant 0 : i32
      %dma_wait3A_289 = tpu.memref_slice %arg8[%dma_wait3A, %dma_wait3A_288] : memref<2048x16xi32, #tpu.memory_space<vmem>> -> memref<128x16xi32, #tpu.memory_space<vmem>>
      %dma_wait3A_290 = arith.constant 0 : i32
      %dma_wait3A_291 = tpu.memref_slice %arg9[%run_scoped3A_87, %dma_wait3A_290] : memref<16x128xi32, #tpu.memory_space<vmem>> -> memref<1x128xi32, #tpu.memory_space<vmem>>
      %dma_wait3A_292 = tpu.memref_squeeze %dma_wait3A_291 : memref<1x128xi32, #tpu.memory_space<vmem>> -> memref<128xi32, #tpu.memory_space<vmem>>
      %dma_wait3A_293 = arith.constant 0 : i32
      %dma_wait3A_294 = arith.constant 0 : i32
      %dma_wait3A_295 = tpu.memref_slice %arg11[%dma_wait3A_293, %dma_wait3A_294] : memref<8192x16xi32, #tpu.memory_space<vmem_shared>> -> memref<8192x16xi32, #tpu.memory_space<vmem_shared>>
      tpu.wait_indirect_dma semaphore(%run_scoped3A_278 : memref<!tpu.dma_semaphore, #tpu.memory_space<semaphore_mem>>) src(%dma_wait3A_289 : memref<128x16xi32, #tpu.memory_space<vmem>>) dst(%dma_wait3A_295 : memref<8192x16xi32, #tpu.memory_space<vmem_shared>>)
      tpu.yield
    }) : () -> ()
    %run_scoped3A_88 = arith.constant 3 : i32
    "tpu.region"() ({
      %run_scoped3A_278 = tpu.sem_alloc : memref<!tpu.dma_semaphore, #tpu.memory_space<semaphore_mem>>
      %dma_start3A_279 = arith.constant 384 : i32
      %dma_start3A_280 = arith.constant 0 : i32
      %dma_start3A_281 = tpu.memref_slice %arg8[%dma_start3A_279, %dma_start3A_280] : memref<2048x16xi32, #tpu.memory_space<vmem>> -> memref<128x16xi32, #tpu.memory_space<vmem>>
      %dma_start3A_282 = arith.constant 0 : i32
      %dma_start3A_283 = tpu.memref_slice %arg9[%run_scoped3A_88, %dma_start3A_282] : memref<16x128xi32, #tpu.memory_space<vmem>> -> memref<1x128xi32, #tpu.memory_space<vmem>>
      %dma_start3A_284 = tpu.memref_squeeze %dma_start3A_283 : memref<1x128xi32, #tpu.memory_space<vmem>> -> memref<128xi32, #tpu.memory_space<vmem>>
      %dma_start3A_285 = arith.constant 0 : i32
      %dma_start3A_286 = arith.constant 0 : i32
      %dma_start3A_287 = tpu.memref_slice %arg11[%dma_start3A_285, %dma_start3A_286] : memref<8192x16xi32, #tpu.memory_space<vmem_shared>> -> memref<8192x16xi32, #tpu.memory_space<vmem_shared>>
      tpu.enqueue_indirect_dma source(%dma_start3A_281 : memref<128x16xi32, #tpu.memory_space<vmem>>) target(%dma_start3A_287 : memref<8192x16xi32, #tpu.memory_space<vmem_shared>>) offsets(%dma_start3A_284 : memref<128xi32, #tpu.memory_space<vmem>>) semaphore(%run_scoped3A_278 : memref<!tpu.dma_semaphore, #tpu.memory_space<semaphore_mem>>) {add = true}
      %dma_wait3A = arith.constant 384 : i32
      %dma_wait3A_288 = arith.constant 0 : i32
      %dma_wait3A_289 = tpu.memref_slice %arg8[%dma_wait3A, %dma_wait3A_288] : memref<2048x16xi32, #tpu.memory_space<vmem>> -> memref<128x16xi32, #tpu.memory_space<vmem>>
      %dma_wait3A_290 = arith.constant 0 : i32
      %dma_wait3A_291 = tpu.memref_slice %arg9[%run_scoped3A_88, %dma_wait3A_290] : memref<16x128xi32, #tpu.memory_space<vmem>> -> memref<1x128xi32, #tpu.memory_space<vmem>>
      %dma_wait3A_292 = tpu.memref_squeeze %dma_wait3A_291 : memref<1x128xi32, #tpu.memory_space<vmem>> -> memref<128xi32, #tpu.memory_space<vmem>>
      %dma_wait3A_293 = arith.constant 0 : i32
      %dma_wait3A_294 = arith.constant 0 : i32
      %dma_wait3A_295 = tpu.memref_slice %arg11[%dma_wait3A_293, %dma_wait3A_294] : memref<8192x16xi32, #tpu.memory_space<vmem_shared>> -> memref<8192x16xi32, #tpu.memory_space<vmem_shared>>
      tpu.wait_indirect_dma semaphore(%run_scoped3A_278 : memref<!tpu.dma_semaphore, #tpu.memory_space<semaphore_mem>>) src(%dma_wait3A_289 : memref<128x16xi32, #tpu.memory_space<vmem>>) dst(%dma_wait3A_295 : memref<8192x16xi32, #tpu.memory_space<vmem_shared>>)
      tpu.yield
    }) : () -> ()
    %run_scoped3A_89 = arith.constant 4 : i32
    "tpu.region"() ({
      %run_scoped3A_278 = tpu.sem_alloc : memref<!tpu.dma_semaphore, #tpu.memory_space<semaphore_mem>>
      %dma_start3A_279 = arith.constant 512 : i32
      %dma_start3A_280 = arith.constant 0 : i32
      %dma_start3A_281 = tpu.memref_slice %arg8[%dma_start3A_279, %dma_start3A_280] : memref<2048x16xi32, #tpu.memory_space<vmem>> -> memref<128x16xi32, #tpu.memory_space<vmem>>
      %dma_start3A_282 = arith.constant 0 : i32
      %dma_start3A_283 = tpu.memref_slice %arg9[%run_scoped3A_89, %dma_start3A_282] : memref<16x128xi32, #tpu.memory_space<vmem>> -> memref<1x128xi32, #tpu.memory_space<vmem>>
      %dma_start3A_284 = tpu.memref_squeeze %dma_start3A_283 : memref<1x128xi32, #tpu.memory_space<vmem>> -> memref<128xi32, #tpu.memory_space<vmem>>
      %dma_start3A_285 = arith.constant 0 : i32
      %dma_start3A_286 = arith.constant 0 : i32
      %dma_start3A_287 = tpu.memref_slice %arg11[%dma_start3A_285, %dma_start3A_286] : memref<8192x16xi32, #tpu.memory_space<vmem_shared>> -> memref<8192x16xi32, #tpu.memory_space<vmem_shared>>
      tpu.enqueue_indirect_dma source(%dma_start3A_281 : memref<128x16xi32, #tpu.memory_space<vmem>>) target(%dma_start3A_287 : memref<8192x16xi32, #tpu.memory_space<vmem_shared>>) offsets(%dma_start3A_284 : memref<128xi32, #tpu.memory_space<vmem>>) semaphore(%run_scoped3A_278 : memref<!tpu.dma_semaphore, #tpu.memory_space<semaphore_mem>>) {add = true}
      %dma_wait3A = arith.constant 512 : i32
      %dma_wait3A_288 = arith.constant 0 : i32
      %dma_wait3A_289 = tpu.memref_slice %arg8[%dma_wait3A, %dma_wait3A_288] : memref<2048x16xi32, #tpu.memory_space<vmem>> -> memref<128x16xi32, #tpu.memory_space<vmem>>
      %dma_wait3A_290 = arith.constant 0 : i32
      %dma_wait3A_291 = tpu.memref_slice %arg9[%run_scoped3A_89, %dma_wait3A_290] : memref<16x128xi32, #tpu.memory_space<vmem>> -> memref<1x128xi32, #tpu.memory_space<vmem>>
      %dma_wait3A_292 = tpu.memref_squeeze %dma_wait3A_291 : memref<1x128xi32, #tpu.memory_space<vmem>> -> memref<128xi32, #tpu.memory_space<vmem>>
      %dma_wait3A_293 = arith.constant 0 : i32
      %dma_wait3A_294 = arith.constant 0 : i32
      %dma_wait3A_295 = tpu.memref_slice %arg11[%dma_wait3A_293, %dma_wait3A_294] : memref<8192x16xi32, #tpu.memory_space<vmem_shared>> -> memref<8192x16xi32, #tpu.memory_space<vmem_shared>>
      tpu.wait_indirect_dma semaphore(%run_scoped3A_278 : memref<!tpu.dma_semaphore, #tpu.memory_space<semaphore_mem>>) src(%dma_wait3A_289 : memref<128x16xi32, #tpu.memory_space<vmem>>) dst(%dma_wait3A_295 : memref<8192x16xi32, #tpu.memory_space<vmem_shared>>)
      tpu.yield
    }) : () -> ()
    %run_scoped3A_90 = arith.constant 5 : i32
    "tpu.region"() ({
      %run_scoped3A_278 = tpu.sem_alloc : memref<!tpu.dma_semaphore, #tpu.memory_space<semaphore_mem>>
      %dma_start3A_279 = arith.constant 640 : i32
      %dma_start3A_280 = arith.constant 0 : i32
      %dma_start3A_281 = tpu.memref_slice %arg8[%dma_start3A_279, %dma_start3A_280] : memref<2048x16xi32, #tpu.memory_space<vmem>> -> memref<128x16xi32, #tpu.memory_space<vmem>>
      %dma_start3A_282 = arith.constant 0 : i32
      %dma_start3A_283 = tpu.memref_slice %arg9[%run_scoped3A_90, %dma_start3A_282] : memref<16x128xi32, #tpu.memory_space<vmem>> -> memref<1x128xi32, #tpu.memory_space<vmem>>
      %dma_start3A_284 = tpu.memref_squeeze %dma_start3A_283 : memref<1x128xi32, #tpu.memory_space<vmem>> -> memref<128xi32, #tpu.memory_space<vmem>>
      %dma_start3A_285 = arith.constant 0 : i32
      %dma_start3A_286 = arith.constant 0 : i32
      %dma_start3A_287 = tpu.memref_slice %arg11[%dma_start3A_285, %dma_start3A_286] : memref<8192x16xi32, #tpu.memory_space<vmem_shared>> -> memref<8192x16xi32, #tpu.memory_space<vmem_shared>>
      tpu.enqueue_indirect_dma source(%dma_start3A_281 : memref<128x16xi32, #tpu.memory_space<vmem>>) target(%dma_start3A_287 : memref<8192x16xi32, #tpu.memory_space<vmem_shared>>) offsets(%dma_start3A_284 : memref<128xi32, #tpu.memory_space<vmem>>) semaphore(%run_scoped3A_278 : memref<!tpu.dma_semaphore, #tpu.memory_space<semaphore_mem>>) {add = true}
      %dma_wait3A = arith.constant 640 : i32
      %dma_wait3A_288 = arith.constant 0 : i32
      %dma_wait3A_289 = tpu.memref_slice %arg8[%dma_wait3A, %dma_wait3A_288] : memref<2048x16xi32, #tpu.memory_space<vmem>> -> memref<128x16xi32, #tpu.memory_space<vmem>>
      %dma_wait3A_290 = arith.constant 0 : i32
      %dma_wait3A_291 = tpu.memref_slice %arg9[%run_scoped3A_90, %dma_wait3A_290] : memref<16x128xi32, #tpu.memory_space<vmem>> -> memref<1x128xi32, #tpu.memory_space<vmem>>
      %dma_wait3A_292 = tpu.memref_squeeze %dma_wait3A_291 : memref<1x128xi32, #tpu.memory_space<vmem>> -> memref<128xi32, #tpu.memory_space<vmem>>
      %dma_wait3A_293 = arith.constant 0 : i32
      %dma_wait3A_294 = arith.constant 0 : i32
      %dma_wait3A_295 = tpu.memref_slice %arg11[%dma_wait3A_293, %dma_wait3A_294] : memref<8192x16xi32, #tpu.memory_space<vmem_shared>> -> memref<8192x16xi32, #tpu.memory_space<vmem_shared>>
      tpu.wait_indirect_dma semaphore(%run_scoped3A_278 : memref<!tpu.dma_semaphore, #tpu.memory_space<semaphore_mem>>) src(%dma_wait3A_289 : memref<128x16xi32, #tpu.memory_space<vmem>>) dst(%dma_wait3A_295 : memref<8192x16xi32, #tpu.memory_space<vmem_shared>>)
      tpu.yield
    }) : () -> ()
    %run_scoped3A_91 = arith.constant 6 : i32
    "tpu.region"() ({
      %run_scoped3A_278 = tpu.sem_alloc : memref<!tpu.dma_semaphore, #tpu.memory_space<semaphore_mem>>
      %dma_start3A_279 = arith.constant 768 : i32
      %dma_start3A_280 = arith.constant 0 : i32
      %dma_start3A_281 = tpu.memref_slice %arg8[%dma_start3A_279, %dma_start3A_280] : memref<2048x16xi32, #tpu.memory_space<vmem>> -> memref<128x16xi32, #tpu.memory_space<vmem>>
      %dma_start3A_282 = arith.constant 0 : i32
      %dma_start3A_283 = tpu.memref_slice %arg9[%run_scoped3A_91, %dma_start3A_282] : memref<16x128xi32, #tpu.memory_space<vmem>> -> memref<1x128xi32, #tpu.memory_space<vmem>>
      %dma_start3A_284 = tpu.memref_squeeze %dma_start3A_283 : memref<1x128xi32, #tpu.memory_space<vmem>> -> memref<128xi32, #tpu.memory_space<vmem>>
      %dma_start3A_285 = arith.constant 0 : i32
      %dma_start3A_286 = arith.constant 0 : i32
      %dma_start3A_287 = tpu.memref_slice %arg11[%dma_start3A_285, %dma_start3A_286] : memref<8192x16xi32, #tpu.memory_space<vmem_shared>> -> memref<8192x16xi32, #tpu.memory_space<vmem_shared>>
      tpu.enqueue_indirect_dma source(%dma_start3A_281 : memref<128x16xi32, #tpu.memory_space<vmem>>) target(%dma_start3A_287 : memref<8192x16xi32, #tpu.memory_space<vmem_shared>>) offsets(%dma_start3A_284 : memref<128xi32, #tpu.memory_space<vmem>>) semaphore(%run_scoped3A_278 : memref<!tpu.dma_semaphore, #tpu.memory_space<semaphore_mem>>) {add = true}
      %dma_wait3A = arith.constant 768 : i32
      %dma_wait3A_288 = arith.constant 0 : i32
      %dma_wait3A_289 = tpu.memref_slice %arg8[%dma_wait3A, %dma_wait3A_288] : memref<2048x16xi32, #tpu.memory_space<vmem>> -> memref<128x16xi32, #tpu.memory_space<vmem>>
      %dma_wait3A_290 = arith.constant 0 : i32
      %dma_wait3A_291 = tpu.memref_slice %arg9[%run_scoped3A_91, %dma_wait3A_290] : memref<16x128xi32, #tpu.memory_space<vmem>> -> memref<1x128xi32, #tpu.memory_space<vmem>>
      %dma_wait3A_292 = tpu.memref_squeeze %dma_wait3A_291 : memref<1x128xi32, #tpu.memory_space<vmem>> -> memref<128xi32, #tpu.memory_space<vmem>>
      %dma_wait3A_293 = arith.constant 0 : i32
      %dma_wait3A_294 = arith.constant 0 : i32
      %dma_wait3A_295 = tpu.memref_slice %arg11[%dma_wait3A_293, %dma_wait3A_294] : memref<8192x16xi32, #tpu.memory_space<vmem_shared>> -> memref<8192x16xi32, #tpu.memory_space<vmem_shared>>
      tpu.wait_indirect_dma semaphore(%run_scoped3A_278 : memref<!tpu.dma_semaphore, #tpu.memory_space<semaphore_mem>>) src(%dma_wait3A_289 : memref<128x16xi32, #tpu.memory_space<vmem>>) dst(%dma_wait3A_295 : memref<8192x16xi32, #tpu.memory_space<vmem_shared>>)
      tpu.yield
    }) : () -> ()
    %run_scoped3A_92 = arith.constant 7 : i32
    "tpu.region"() ({
      %run_scoped3A_278 = tpu.sem_alloc : memref<!tpu.dma_semaphore, #tpu.memory_space<semaphore_mem>>
      %dma_start3A_279 = arith.constant 896 : i32
      %dma_start3A_280 = arith.constant 0 : i32
      %dma_start3A_281 = tpu.memref_slice %arg8[%dma_start3A_279, %dma_start3A_280] : memref<2048x16xi32, #tpu.memory_space<vmem>> -> memref<128x16xi32, #tpu.memory_space<vmem>>
      %dma_start3A_282 = arith.constant 0 : i32
      %dma_start3A_283 = tpu.memref_slice %arg9[%run_scoped3A_92, %dma_start3A_282] : memref<16x128xi32, #tpu.memory_space<vmem>> -> memref<1x128xi32, #tpu.memory_space<vmem>>
      %dma_start3A_284 = tpu.memref_squeeze %dma_start3A_283 : memref<1x128xi32, #tpu.memory_space<vmem>> -> memref<128xi32, #tpu.memory_space<vmem>>
      %dma_start3A_285 = arith.constant 0 : i32
      %dma_start3A_286 = arith.constant 0 : i32
      %dma_start3A_287 = tpu.memref_slice %arg11[%dma_start3A_285, %dma_start3A_286] : memref<8192x16xi32, #tpu.memory_space<vmem_shared>> -> memref<8192x16xi32, #tpu.memory_space<vmem_shared>>
      tpu.enqueue_indirect_dma source(%dma_start3A_281 : memref<128x16xi32, #tpu.memory_space<vmem>>) target(%dma_start3A_287 : memref<8192x16xi32, #tpu.memory_space<vmem_shared>>) offsets(%dma_start3A_284 : memref<128xi32, #tpu.memory_space<vmem>>) semaphore(%run_scoped3A_278 : memref<!tpu.dma_semaphore, #tpu.memory_space<semaphore_mem>>) {add = true}
      %dma_wait3A = arith.constant 896 : i32
      %dma_wait3A_288 = arith.constant 0 : i32
      %dma_wait3A_289 = tpu.memref_slice %arg8[%dma_wait3A, %dma_wait3A_288] : memref<2048x16xi32, #tpu.memory_space<vmem>> -> memref<128x16xi32, #tpu.memory_space<vmem>>
      %dma_wait3A_290 = arith.constant 0 : i32
      %dma_wait3A_291 = tpu.memref_slice %arg9[%run_scoped3A_92, %dma_wait3A_290] : memref<16x128xi32, #tpu.memory_space<vmem>> -> memref<1x128xi32, #tpu.memory_space<vmem>>
      %dma_wait3A_292 = tpu.memref_squeeze %dma_wait3A_291 : memref<1x128xi32, #tpu.memory_space<vmem>> -> memref<128xi32, #tpu.memory_space<vmem>>
      %dma_wait3A_293 = arith.constant 0 : i32
      %dma_wait3A_294 = arith.constant 0 : i32
      %dma_wait3A_295 = tpu.memref_slice %arg11[%dma_wait3A_293, %dma_wait3A_294] : memref<8192x16xi32, #tpu.memory_space<vmem_shared>> -> memref<8192x16xi32, #tpu.memory_space<vmem_shared>>
      tpu.wait_indirect_dma semaphore(%run_scoped3A_278 : memref<!tpu.dma_semaphore, #tpu.memory_space<semaphore_mem>>) src(%dma_wait3A_289 : memref<128x16xi32, #tpu.memory_space<vmem>>) dst(%dma_wait3A_295 : memref<8192x16xi32, #tpu.memory_space<vmem_shared>>)
      tpu.yield
    }) : () -> ()
    %run_scoped3A_93 = arith.constant 8 : i32
    "tpu.region"() ({
      %run_scoped3A_278 = tpu.sem_alloc : memref<!tpu.dma_semaphore, #tpu.memory_space<semaphore_mem>>
      %dma_start3A_279 = arith.constant 1024 : i32
      %dma_start3A_280 = arith.constant 0 : i32
      %dma_start3A_281 = tpu.memref_slice %arg8[%dma_start3A_279, %dma_start3A_280] : memref<2048x16xi32, #tpu.memory_space<vmem>> -> memref<128x16xi32, #tpu.memory_space<vmem>>
      %dma_start3A_282 = arith.constant 0 : i32
      %dma_start3A_283 = tpu.memref_slice %arg9[%run_scoped3A_93, %dma_start3A_282] : memref<16x128xi32, #tpu.memory_space<vmem>> -> memref<1x128xi32, #tpu.memory_space<vmem>>
      %dma_start3A_284 = tpu.memref_squeeze %dma_start3A_283 : memref<1x128xi32, #tpu.memory_space<vmem>> -> memref<128xi32, #tpu.memory_space<vmem>>
      %dma_start3A_285 = arith.constant 0 : i32
      %dma_start3A_286 = arith.constant 0 : i32
      %dma_start3A_287 = tpu.memref_slice %arg11[%dma_start3A_285, %dma_start3A_286] : memref<8192x16xi32, #tpu.memory_space<vmem_shared>> -> memref<8192x16xi32, #tpu.memory_space<vmem_shared>>
      tpu.enqueue_indirect_dma source(%dma_start3A_281 : memref<128x16xi32, #tpu.memory_space<vmem>>) target(%dma_start3A_287 : memref<8192x16xi32, #tpu.memory_space<vmem_shared>>) offsets(%dma_start3A_284 : memref<128xi32, #tpu.memory_space<vmem>>) semaphore(%run_scoped3A_278 : memref<!tpu.dma_semaphore, #tpu.memory_space<semaphore_mem>>) {add = true}
      %dma_wait3A = arith.constant 1024 : i32
      %dma_wait3A_288 = arith.constant 0 : i32
      %dma_wait3A_289 = tpu.memref_slice %arg8[%dma_wait3A, %dma_wait3A_288] : memref<2048x16xi32, #tpu.memory_space<vmem>> -> memref<128x16xi32, #tpu.memory_space<vmem>>
      %dma_wait3A_290 = arith.constant 0 : i32
      %dma_wait3A_291 = tpu.memref_slice %arg9[%run_scoped3A_93, %dma_wait3A_290] : memref<16x128xi32, #tpu.memory_space<vmem>> -> memref<1x128xi32, #tpu.memory_space<vmem>>
      %dma_wait3A_292 = tpu.memref_squeeze %dma_wait3A_291 : memref<1x128xi32, #tpu.memory_space<vmem>> -> memref<128xi32, #tpu.memory_space<vmem>>
      %dma_wait3A_293 = arith.constant 0 : i32
      %dma_wait3A_294 = arith.constant 0 : i32
      %dma_wait3A_295 = tpu.memref_slice %arg11[%dma_wait3A_293, %dma_wait3A_294] : memref<8192x16xi32, #tpu.memory_space<vmem_shared>> -> memref<8192x16xi32, #tpu.memory_space<vmem_shared>>
      tpu.wait_indirect_dma semaphore(%run_scoped3A_278 : memref<!tpu.dma_semaphore, #tpu.memory_space<semaphore_mem>>) src(%dma_wait3A_289 : memref<128x16xi32, #tpu.memory_space<vmem>>) dst(%dma_wait3A_295 : memref<8192x16xi32, #tpu.memory_space<vmem_shared>>)
      tpu.yield
    }) : () -> ()
    %run_scoped3A_94 = arith.constant 9 : i32
    "tpu.region"() ({
      %run_scoped3A_278 = tpu.sem_alloc : memref<!tpu.dma_semaphore, #tpu.memory_space<semaphore_mem>>
      %dma_start3A_279 = arith.constant 1152 : i32
      %dma_start3A_280 = arith.constant 0 : i32
      %dma_start3A_281 = tpu.memref_slice %arg8[%dma_start3A_279, %dma_start3A_280] : memref<2048x16xi32, #tpu.memory_space<vmem>> -> memref<128x16xi32, #tpu.memory_space<vmem>>
      %dma_start3A_282 = arith.constant 0 : i32
      %dma_start3A_283 = tpu.memref_slice %arg9[%run_scoped3A_94, %dma_start3A_282] : memref<16x128xi32, #tpu.memory_space<vmem>> -> memref<1x128xi32, #tpu.memory_space<vmem>>
      %dma_start3A_284 = tpu.memref_squeeze %dma_start3A_283 : memref<1x128xi32, #tpu.memory_space<vmem>> -> memref<128xi32, #tpu.memory_space<vmem>>
      %dma_start3A_285 = arith.constant 0 : i32
      %dma_start3A_286 = arith.constant 0 : i32
      %dma_start3A_287 = tpu.memref_slice %arg11[%dma_start3A_285, %dma_start3A_286] : memref<8192x16xi32, #tpu.memory_space<vmem_shared>> -> memref<8192x16xi32, #tpu.memory_space<vmem_shared>>
      tpu.enqueue_indirect_dma source(%dma_start3A_281 : memref<128x16xi32, #tpu.memory_space<vmem>>) target(%dma_start3A_287 : memref<8192x16xi32, #tpu.memory_space<vmem_shared>>) offsets(%dma_start3A_284 : memref<128xi32, #tpu.memory_space<vmem>>) semaphore(%run_scoped3A_278 : memref<!tpu.dma_semaphore, #tpu.memory_space<semaphore_mem>>) {add = true}
      %dma_wait3A = arith.constant 1152 : i32
      %dma_wait3A_288 = arith.constant 0 : i32
      %dma_wait3A_289 = tpu.memref_slice %arg8[%dma_wait3A, %dma_wait3A_288] : memref<2048x16xi32, #tpu.memory_space<vmem>> -> memref<128x16xi32, #tpu.memory_space<vmem>>
      %dma_wait3A_290 = arith.constant 0 : i32
      %dma_wait3A_291 = tpu.memref_slice %arg9[%run_scoped3A_94, %dma_wait3A_290] : memref<16x128xi32, #tpu.memory_space<vmem>> -> memref<1x128xi32, #tpu.memory_space<vmem>>
      %dma_wait3A_292 = tpu.memref_squeeze %dma_wait3A_291 : memref<1x128xi32, #tpu.memory_space<vmem>> -> memref<128xi32, #tpu.memory_space<vmem>>
      %dma_wait3A_293 = arith.constant 0 : i32
      %dma_wait3A_294 = arith.constant 0 : i32
      %dma_wait3A_295 = tpu.memref_slice %arg11[%dma_wait3A_293, %dma_wait3A_294] : memref<8192x16xi32, #tpu.memory_space<vmem_shared>> -> memref<8192x16xi32, #tpu.memory_space<vmem_shared>>
      tpu.wait_indirect_dma semaphore(%run_scoped3A_278 : memref<!tpu.dma_semaphore, #tpu.memory_space<semaphore_mem>>) src(%dma_wait3A_289 : memref<128x16xi32, #tpu.memory_space<vmem>>) dst(%dma_wait3A_295 : memref<8192x16xi32, #tpu.memory_space<vmem_shared>>)
      tpu.yield
    }) : () -> ()
    %run_scoped3A_95 = arith.constant 10 : i32
    "tpu.region"() ({
      %run_scoped3A_278 = tpu.sem_alloc : memref<!tpu.dma_semaphore, #tpu.memory_space<semaphore_mem>>
      %dma_start3A_279 = arith.constant 1280 : i32
      %dma_start3A_280 = arith.constant 0 : i32
      %dma_start3A_281 = tpu.memref_slice %arg8[%dma_start3A_279, %dma_start3A_280] : memref<2048x16xi32, #tpu.memory_space<vmem>> -> memref<128x16xi32, #tpu.memory_space<vmem>>
      %dma_start3A_282 = arith.constant 0 : i32
      %dma_start3A_283 = tpu.memref_slice %arg9[%run_scoped3A_95, %dma_start3A_282] : memref<16x128xi32, #tpu.memory_space<vmem>> -> memref<1x128xi32, #tpu.memory_space<vmem>>
      %dma_start3A_284 = tpu.memref_squeeze %dma_start3A_283 : memref<1x128xi32, #tpu.memory_space<vmem>> -> memref<128xi32, #tpu.memory_space<vmem>>
      %dma_start3A_285 = arith.constant 0 : i32
      %dma_start3A_286 = arith.constant 0 : i32
      %dma_start3A_287 = tpu.memref_slice %arg11[%dma_start3A_285, %dma_start3A_286] : memref<8192x16xi32, #tpu.memory_space<vmem_shared>> -> memref<8192x16xi32, #tpu.memory_space<vmem_shared>>
      tpu.enqueue_indirect_dma source(%dma_start3A_281 : memref<128x16xi32, #tpu.memory_space<vmem>>) target(%dma_start3A_287 : memref<8192x16xi32, #tpu.memory_space<vmem_shared>>) offsets(%dma_start3A_284 : memref<128xi32, #tpu.memory_space<vmem>>) semaphore(%run_scoped3A_278 : memref<!tpu.dma_semaphore, #tpu.memory_space<semaphore_mem>>) {add = true}
      %dma_wait3A = arith.constant 1280 : i32
      %dma_wait3A_288 = arith.constant 0 : i32
      %dma_wait3A_289 = tpu.memref_slice %arg8[%dma_wait3A, %dma_wait3A_288] : memref<2048x16xi32, #tpu.memory_space<vmem>> -> memref<128x16xi32, #tpu.memory_space<vmem>>
      %dma_wait3A_290 = arith.constant 0 : i32
      %dma_wait3A_291 = tpu.memref_slice %arg9[%run_scoped3A_95, %dma_wait3A_290] : memref<16x128xi32, #tpu.memory_space<vmem>> -> memref<1x128xi32, #tpu.memory_space<vmem>>
      %dma_wait3A_292 = tpu.memref_squeeze %dma_wait3A_291 : memref<1x128xi32, #tpu.memory_space<vmem>> -> memref<128xi32, #tpu.memory_space<vmem>>
      %dma_wait3A_293 = arith.constant 0 : i32
      %dma_wait3A_294 = arith.constant 0 : i32
      %dma_wait3A_295 = tpu.memref_slice %arg11[%dma_wait3A_293, %dma_wait3A_294] : memref<8192x16xi32, #tpu.memory_space<vmem_shared>> -> memref<8192x16xi32, #tpu.memory_space<vmem_shared>>
      tpu.wait_indirect_dma semaphore(%run_scoped3A_278 : memref<!tpu.dma_semaphore, #tpu.memory_space<semaphore_mem>>) src(%dma_wait3A_289 : memref<128x16xi32, #tpu.memory_space<vmem>>) dst(%dma_wait3A_295 : memref<8192x16xi32, #tpu.memory_space<vmem_shared>>)
      tpu.yield
    }) : () -> ()
    %run_scoped3A_96 = arith.constant 11 : i32
    "tpu.region"() ({
      %run_scoped3A_278 = tpu.sem_alloc : memref<!tpu.dma_semaphore, #tpu.memory_space<semaphore_mem>>
      %dma_start3A_279 = arith.constant 1408 : i32
      %dma_start3A_280 = arith.constant 0 : i32
      %dma_start3A_281 = tpu.memref_slice %arg8[%dma_start3A_279, %dma_start3A_280] : memref<2048x16xi32, #tpu.memory_space<vmem>> -> memref<128x16xi32, #tpu.memory_space<vmem>>
      %dma_start3A_282 = arith.constant 0 : i32
      %dma_start3A_283 = tpu.memref_slice %arg9[%run_scoped3A_96, %dma_start3A_282] : memref<16x128xi32, #tpu.memory_space<vmem>> -> memref<1x128xi32, #tpu.memory_space<vmem>>
      %dma_start3A_284 = tpu.memref_squeeze %dma_start3A_283 : memref<1x128xi32, #tpu.memory_space<vmem>> -> memref<128xi32, #tpu.memory_space<vmem>>
      %dma_start3A_285 = arith.constant 0 : i32
      %dma_start3A_286 = arith.constant 0 : i32
      %dma_start3A_287 = tpu.memref_slice %arg11[%dma_start3A_285, %dma_start3A_286] : memref<8192x16xi32, #tpu.memory_space<vmem_shared>> -> memref<8192x16xi32, #tpu.memory_space<vmem_shared>>
      tpu.enqueue_indirect_dma source(%dma_start3A_281 : memref<128x16xi32, #tpu.memory_space<vmem>>) target(%dma_start3A_287 : memref<8192x16xi32, #tpu.memory_space<vmem_shared>>) offsets(%dma_start3A_284 : memref<128xi32, #tpu.memory_space<vmem>>) semaphore(%run_scoped3A_278 : memref<!tpu.dma_semaphore, #tpu.memory_space<semaphore_mem>>) {add = true}
      %dma_wait3A = arith.constant 1408 : i32
      %dma_wait3A_288 = arith.constant 0 : i32
      %dma_wait3A_289 = tpu.memref_slice %arg8[%dma_wait3A, %dma_wait3A_288] : memref<2048x16xi32, #tpu.memory_space<vmem>> -> memref<128x16xi32, #tpu.memory_space<vmem>>
      %dma_wait3A_290 = arith.constant 0 : i32
      %dma_wait3A_291 = tpu.memref_slice %arg9[%run_scoped3A_96, %dma_wait3A_290] : memref<16x128xi32, #tpu.memory_space<vmem>> -> memref<1x128xi32, #tpu.memory_space<vmem>>
      %dma_wait3A_292 = tpu.memref_squeeze %dma_wait3A_291 : memref<1x128xi32, #tpu.memory_space<vmem>> -> memref<128xi32, #tpu.memory_space<vmem>>
      %dma_wait3A_293 = arith.constant 0 : i32
      %dma_wait3A_294 = arith.constant 0 : i32
      %dma_wait3A_295 = tpu.memref_slice %arg11[%dma_wait3A_293, %dma_wait3A_294] : memref<8192x16xi32, #tpu.memory_space<vmem_shared>> -> memref<8192x16xi32, #tpu.memory_space<vmem_shared>>
      tpu.wait_indirect_dma semaphore(%run_scoped3A_278 : memref<!tpu.dma_semaphore, #tpu.memory_space<semaphore_mem>>) src(%dma_wait3A_289 : memref<128x16xi32, #tpu.memory_space<vmem>>) dst(%dma_wait3A_295 : memref<8192x16xi32, #tpu.memory_space<vmem_shared>>)
      tpu.yield
    }) : () -> ()
    %run_scoped3A_97 = arith.constant 12 : i32
    "tpu.region"() ({
      %run_scoped3A_278 = tpu.sem_alloc : memref<!tpu.dma_semaphore, #tpu.memory_space<semaphore_mem>>
      %dma_start3A_279 = arith.constant 1536 : i32
      %dma_start3A_280 = arith.constant 0 : i32
      %dma_start3A_281 = tpu.memref_slice %arg8[%dma_start3A_279, %dma_start3A_280] : memref<2048x16xi32, #tpu.memory_space<vmem>> -> memref<128x16xi32, #tpu.memory_space<vmem>>
      %dma_start3A_282 = arith.constant 0 : i32
      %dma_start3A_283 = tpu.memref_slice %arg9[%run_scoped3A_97, %dma_start3A_282] : memref<16x128xi32, #tpu.memory_space<vmem>> -> memref<1x128xi32, #tpu.memory_space<vmem>>
      %dma_start3A_284 = tpu.memref_squeeze %dma_start3A_283 : memref<1x128xi32, #tpu.memory_space<vmem>> -> memref<128xi32, #tpu.memory_space<vmem>>
      %dma_start3A_285 = arith.constant 0 : i32
      %dma_start3A_286 = arith.constant 0 : i32
      %dma_start3A_287 = tpu.memref_slice %arg11[%dma_start3A_285, %dma_start3A_286] : memref<8192x16xi32, #tpu.memory_space<vmem_shared>> -> memref<8192x16xi32, #tpu.memory_space<vmem_shared>>
      tpu.enqueue_indirect_dma source(%dma_start3A_281 : memref<128x16xi32, #tpu.memory_space<vmem>>) target(%dma_start3A_287 : memref<8192x16xi32, #tpu.memory_space<vmem_shared>>) offsets(%dma_start3A_284 : memref<128xi32, #tpu.memory_space<vmem>>) semaphore(%run_scoped3A_278 : memref<!tpu.dma_semaphore, #tpu.memory_space<semaphore_mem>>) {add = true}
      %dma_wait3A = arith.constant 1536 : i32
      %dma_wait3A_288 = arith.constant 0 : i32
      %dma_wait3A_289 = tpu.memref_slice %arg8[%dma_wait3A, %dma_wait3A_288] : memref<2048x16xi32, #tpu.memory_space<vmem>> -> memref<128x16xi32, #tpu.memory_space<vmem>>
      %dma_wait3A_290 = arith.constant 0 : i32
      %dma_wait3A_291 = tpu.memref_slice %arg9[%run_scoped3A_97, %dma_wait3A_290] : memref<16x128xi32, #tpu.memory_space<vmem>> -> memref<1x128xi32, #tpu.memory_space<vmem>>
      %dma_wait3A_292 = tpu.memref_squeeze %dma_wait3A_291 : memref<1x128xi32, #tpu.memory_space<vmem>> -> memref<128xi32, #tpu.memory_space<vmem>>
      %dma_wait3A_293 = arith.constant 0 : i32
      %dma_wait3A_294 = arith.constant 0 : i32
      %dma_wait3A_295 = tpu.memref_slice %arg11[%dma_wait3A_293, %dma_wait3A_294] : memref<8192x16xi32, #tpu.memory_space<vmem_shared>> -> memref<8192x16xi32, #tpu.memory_space<vmem_shared>>
      tpu.wait_indirect_dma semaphore(%run_scoped3A_278 : memref<!tpu.dma_semaphore, #tpu.memory_space<semaphore_mem>>) src(%dma_wait3A_289 : memref<128x16xi32, #tpu.memory_space<vmem>>) dst(%dma_wait3A_295 : memref<8192x16xi32, #tpu.memory_space<vmem_shared>>)
      tpu.yield
    }) : () -> ()
    %run_scoped3A_98 = arith.constant 13 : i32
    "tpu.region"() ({
      %run_scoped3A_278 = tpu.sem_alloc : memref<!tpu.dma_semaphore, #tpu.memory_space<semaphore_mem>>
      %dma_start3A_279 = arith.constant 1664 : i32
      %dma_start3A_280 = arith.constant 0 : i32
      %dma_start3A_281 = tpu.memref_slice %arg8[%dma_start3A_279, %dma_start3A_280] : memref<2048x16xi32, #tpu.memory_space<vmem>> -> memref<128x16xi32, #tpu.memory_space<vmem>>
      %dma_start3A_282 = arith.constant 0 : i32
      %dma_start3A_283 = tpu.memref_slice %arg9[%run_scoped3A_98, %dma_start3A_282] : memref<16x128xi32, #tpu.memory_space<vmem>> -> memref<1x128xi32, #tpu.memory_space<vmem>>
      %dma_start3A_284 = tpu.memref_squeeze %dma_start3A_283 : memref<1x128xi32, #tpu.memory_space<vmem>> -> memref<128xi32, #tpu.memory_space<vmem>>
      %dma_start3A_285 = arith.constant 0 : i32
      %dma_start3A_286 = arith.constant 0 : i32
      %dma_start3A_287 = tpu.memref_slice %arg11[%dma_start3A_285, %dma_start3A_286] : memref<8192x16xi32, #tpu.memory_space<vmem_shared>> -> memref<8192x16xi32, #tpu.memory_space<vmem_shared>>
      tpu.enqueue_indirect_dma source(%dma_start3A_281 : memref<128x16xi32, #tpu.memory_space<vmem>>) target(%dma_start3A_287 : memref<8192x16xi32, #tpu.memory_space<vmem_shared>>) offsets(%dma_start3A_284 : memref<128xi32, #tpu.memory_space<vmem>>) semaphore(%run_scoped3A_278 : memref<!tpu.dma_semaphore, #tpu.memory_space<semaphore_mem>>) {add = true}
      %dma_wait3A = arith.constant 1664 : i32
      %dma_wait3A_288 = arith.constant 0 : i32
      %dma_wait3A_289 = tpu.memref_slice %arg8[%dma_wait3A, %dma_wait3A_288] : memref<2048x16xi32, #tpu.memory_space<vmem>> -> memref<128x16xi32, #tpu.memory_space<vmem>>
      %dma_wait3A_290 = arith.constant 0 : i32
      %dma_wait3A_291 = tpu.memref_slice %arg9[%run_scoped3A_98, %dma_wait3A_290] : memref<16x128xi32, #tpu.memory_space<vmem>> -> memref<1x128xi32, #tpu.memory_space<vmem>>
      %dma_wait3A_292 = tpu.memref_squeeze %dma_wait3A_291 : memref<1x128xi32, #tpu.memory_space<vmem>> -> memref<128xi32, #tpu.memory_space<vmem>>
      %dma_wait3A_293 = arith.constant 0 : i32
      %dma_wait3A_294 = arith.constant 0 : i32
      %dma_wait3A_295 = tpu.memref_slice %arg11[%dma_wait3A_293, %dma_wait3A_294] : memref<8192x16xi32, #tpu.memory_space<vmem_shared>> -> memref<8192x16xi32, #tpu.memory_space<vmem_shared>>
      tpu.wait_indirect_dma semaphore(%run_scoped3A_278 : memref<!tpu.dma_semaphore, #tpu.memory_space<semaphore_mem>>) src(%dma_wait3A_289 : memref<128x16xi32, #tpu.memory_space<vmem>>) dst(%dma_wait3A_295 : memref<8192x16xi32, #tpu.memory_space<vmem_shared>>)
      tpu.yield
    }) : () -> ()
    %run_scoped3A_99 = arith.constant 14 : i32
    "tpu.region"() ({
      %run_scoped3A_278 = tpu.sem_alloc : memref<!tpu.dma_semaphore, #tpu.memory_space<semaphore_mem>>
      %dma_start3A_279 = arith.constant 1792 : i32
      %dma_start3A_280 = arith.constant 0 : i32
      %dma_start3A_281 = tpu.memref_slice %arg8[%dma_start3A_279, %dma_start3A_280] : memref<2048x16xi32, #tpu.memory_space<vmem>> -> memref<128x16xi32, #tpu.memory_space<vmem>>
      %dma_start3A_282 = arith.constant 0 : i32
      %dma_start3A_283 = tpu.memref_slice %arg9[%run_scoped3A_99, %dma_start3A_282] : memref<16x128xi32, #tpu.memory_space<vmem>> -> memref<1x128xi32, #tpu.memory_space<vmem>>
      %dma_start3A_284 = tpu.memref_squeeze %dma_start3A_283 : memref<1x128xi32, #tpu.memory_space<vmem>> -> memref<128xi32, #tpu.memory_space<vmem>>
      %dma_start3A_285 = arith.constant 0 : i32
      %dma_start3A_286 = arith.constant 0 : i32
      %dma_start3A_287 = tpu.memref_slice %arg11[%dma_start3A_285, %dma_start3A_286] : memref<8192x16xi32, #tpu.memory_space<vmem_shared>> -> memref<8192x16xi32, #tpu.memory_space<vmem_shared>>
      tpu.enqueue_indirect_dma source(%dma_start3A_281 : memref<128x16xi32, #tpu.memory_space<vmem>>) target(%dma_start3A_287 : memref<8192x16xi32, #tpu.memory_space<vmem_shared>>) offsets(%dma_start3A_284 : memref<128xi32, #tpu.memory_space<vmem>>) semaphore(%run_scoped3A_278 : memref<!tpu.dma_semaphore, #tpu.memory_space<semaphore_mem>>) {add = true}
      %dma_wait3A = arith.constant 1792 : i32
      %dma_wait3A_288 = arith.constant 0 : i32
      %dma_wait3A_289 = tpu.memref_slice %arg8[%dma_wait3A, %dma_wait3A_288] : memref<2048x16xi32, #tpu.memory_space<vmem>> -> memref<128x16xi32, #tpu.memory_space<vmem>>
      %dma_wait3A_290 = arith.constant 0 : i32
      %dma_wait3A_291 = tpu.memref_slice %arg9[%run_scoped3A_99, %dma_wait3A_290] : memref<16x128xi32, #tpu.memory_space<vmem>> -> memref<1x128xi32, #tpu.memory_space<vmem>>
      %dma_wait3A_292 = tpu.memref_squeeze %dma_wait3A_291 : memref<1x128xi32, #tpu.memory_space<vmem>> -> memref<128xi32, #tpu.memory_space<vmem>>
      %dma_wait3A_293 = arith.constant 0 : i32
      %dma_wait3A_294 = arith.constant 0 : i32
      %dma_wait3A_295 = tpu.memref_slice %arg11[%dma_wait3A_293, %dma_wait3A_294] : memref<8192x16xi32, #tpu.memory_space<vmem_shared>> -> memref<8192x16xi32, #tpu.memory_space<vmem_shared>>
      tpu.wait_indirect_dma semaphore(%run_scoped3A_278 : memref<!tpu.dma_semaphore, #tpu.memory_space<semaphore_mem>>) src(%dma_wait3A_289 : memref<128x16xi32, #tpu.memory_space<vmem>>) dst(%dma_wait3A_295 : memref<8192x16xi32, #tpu.memory_space<vmem_shared>>)
      tpu.yield
    }) : () -> ()
    %run_scoped3A_100 = arith.constant 15 : i32
    "tpu.region"() ({
      %run_scoped3A_278 = tpu.sem_alloc : memref<!tpu.dma_semaphore, #tpu.memory_space<semaphore_mem>>
      %dma_start3A_279 = arith.constant 1920 : i32
      %dma_start3A_280 = arith.constant 0 : i32
      %dma_start3A_281 = tpu.memref_slice %arg8[%dma_start3A_279, %dma_start3A_280] : memref<2048x16xi32, #tpu.memory_space<vmem>> -> memref<128x16xi32, #tpu.memory_space<vmem>>
      %dma_start3A_282 = arith.constant 0 : i32
      %dma_start3A_283 = tpu.memref_slice %arg9[%run_scoped3A_100, %dma_start3A_282] : memref<16x128xi32, #tpu.memory_space<vmem>> -> memref<1x128xi32, #tpu.memory_space<vmem>>
      %dma_start3A_284 = tpu.memref_squeeze %dma_start3A_283 : memref<1x128xi32, #tpu.memory_space<vmem>> -> memref<128xi32, #tpu.memory_space<vmem>>
      %dma_start3A_285 = arith.constant 0 : i32
      %dma_start3A_286 = arith.constant 0 : i32
      %dma_start3A_287 = tpu.memref_slice %arg11[%dma_start3A_285, %dma_start3A_286] : memref<8192x16xi32, #tpu.memory_space<vmem_shared>> -> memref<8192x16xi32, #tpu.memory_space<vmem_shared>>
      tpu.enqueue_indirect_dma source(%dma_start3A_281 : memref<128x16xi32, #tpu.memory_space<vmem>>) target(%dma_start3A_287 : memref<8192x16xi32, #tpu.memory_space<vmem_shared>>) offsets(%dma_start3A_284 : memref<128xi32, #tpu.memory_space<vmem>>) semaphore(%run_scoped3A_278 : memref<!tpu.dma_semaphore, #tpu.memory_space<semaphore_mem>>) {add = true}
      %dma_wait3A = arith.constant 1920 : i32
      %dma_wait3A_288 = arith.constant 0 : i32
      %dma_wait3A_289 = tpu.memref_slice %arg8[%dma_wait3A, %dma_wait3A_288] : memref<2048x16xi32, #tpu.memory_space<vmem>> -> memref<128x16xi32, #tpu.memory_space<vmem>>
      %dma_wait3A_290 = arith.constant 0 : i32
      %dma_wait3A_291 = tpu.memref_slice %arg9[%run_scoped3A_100, %dma_wait3A_290] : memref<16x128xi32, #tpu.memory_space<vmem>> -> memref<1x128xi32, #tpu.memory_space<vmem>>
      %dma_wait3A_292 = tpu.memref_squeeze %dma_wait3A_291 : memref<1x128xi32, #tpu.memory_space<vmem>> -> memref<128xi32, #tpu.memory_space<vmem>>
      %dma_wait3A_293 = arith.constant 0 : i32
      %dma_wait3A_294 = arith.constant 0 : i32
      %dma_wait3A_295 = tpu.memref_slice %arg11[%dma_wait3A_293, %dma_wait3A_294] : memref<8192x16xi32, #tpu.memory_space<vmem_shared>> -> memref<8192x16xi32, #tpu.memory_space<vmem_shared>>
      tpu.wait_indirect_dma semaphore(%run_scoped3A_278 : memref<!tpu.dma_semaphore, #tpu.memory_space<semaphore_mem>>) src(%dma_wait3A_289 : memref<128x16xi32, #tpu.memory_space<vmem>>) dst(%dma_wait3A_295 : memref<8192x16xi32, #tpu.memory_space<vmem_shared>>)
      tpu.yield
    }) : () -> ()
    %barrier3A_101 = arith.constant 0 : index
    tpu.barrier barrier_id(%barrier3A_101)
    %mul3A_102 = arith.constant 2048 : i32
    %mul3A_103 = arith.muli %select_n3A, %mul3A_102 : i32
    "tpu.region"() ({
      %run_scoped3A_278 = tpu.sem_alloc : memref<!tpu.dma_semaphore, #tpu.memory_space<semaphore_mem>>
      %dma_start3A_279 = arith.constant 0 : i32
      %dma_start3A_280 = tpu.memref_slice %arg11[%mul3A_103, %dma_start3A_279] : memref<8192x16xi32, #tpu.memory_space<vmem_shared>> -> memref<2048x16xi32, #tpu.memory_space<vmem_shared>>
      %dma_start3A_281 = arith.constant 0 : i32
      %dma_start3A_282 = tpu.memref_slice %arg11[%mul3A_103, %dma_start3A_281] : memref<8192x16xi32, #tpu.memory_space<vmem_shared>> -> memref<2048x16xi32, #tpu.memory_space<vmem_shared>>
      tpu.enqueue_dma source(%dma_start3A_282 : memref<2048x16xi32, #tpu.memory_space<vmem_shared>>) target(%arg8 : memref<2048x16xi32, #tpu.memory_space<vmem>>) target_semaphore(%run_scoped3A_278 : memref<!tpu.dma_semaphore, #tpu.memory_space<semaphore_mem>>)
      %dma_wait3A = arith.constant 0 : i32
      %dma_wait3A_283 = tpu.memref_slice %arg11[%mul3A_103, %dma_wait3A] : memref<8192x16xi32, #tpu.memory_space<vmem_shared>> -> memref<2048x16xi32, #tpu.memory_space<vmem_shared>>
      %dma_wait3A_284 = arith.constant 0 : i32
      %dma_wait3A_285 = tpu.memref_slice %arg11[%mul3A_103, %dma_wait3A_284] : memref<8192x16xi32, #tpu.memory_space<vmem_shared>> -> memref<2048x16xi32, #tpu.memory_space<vmem_shared>>
      tpu.wait_dma2 semaphore(%run_scoped3A_278 : memref<!tpu.dma_semaphore, #tpu.memory_space<semaphore_mem>>) src(%dma_wait3A_285 : memref<2048x16xi32, #tpu.memory_space<vmem_shared>>) dst(%arg8 : memref<2048x16xi32, #tpu.memory_space<vmem>>)
      tpu.yield
    }) : () -> ()
    %barrier3A_104 = arith.constant 0 : index
    tpu.barrier barrier_id(%barrier3A_104)
    %scan3A_105 = arith.constant 481690 : i32
    %scan3A_106 = arith.constant 0 : i32
    %scan3A_107 = arith.constant false
    %scan3A_108 = arith.constant 0 : i32
    %scan3A_109 = arith.constant 481690 : i32
    %scan3A_110 = arith.constant 0 : i32
    %scan3A_111 = arith.constant 2048 : i32
    %scan3A_112 = arith.addi %scan3A_110, %scan3A_111 : i32
    %scan3A_113 = arith.constant 1 : i32
    %scan3A_114:4 = scf.for %scan3A_278 = %scan3A_110 to %scan3A_112 step %scan3A_113 iter_args(%scan3A_279 = %scan3A_106, %scan3A_280 = %scan3A_107, %scan3A_281 = %scan3A_108, %scan3A_282 = %scan3A_109) -> (i32, i1, i32, i32)  : i32 {
      %sub3A_283 = arith.constant 2047 : i32
      %sub3A_284 = arith.subi %sub3A_283, %scan3A_278 : i32
      %get3A = arith.index_cast %sub3A_284 : i32 to index
      %get3A_285 = arith.constant 0 : index
      %get3A_286 = tpu.vector_load %arg8[%get3A, %get3A_285] {strides = array<i32>} : memref<2048x16xi32, #tpu.memory_space<vmem>>, vector<16xi32>,
      %reduce_sum3A = arith.constant true
      %reduce_sum3A_287 = vector.broadcast %reduce_sum3A : i1 to vector<16xi1>
      %reduce_sum3A_288 = tpu.scan <sum>, %get3A_286 masked %reduce_sum3A_287 : vector<16xi32>, vector<16xi1> -> vector<16xi32>
      %reduce_sum3A_289 = vector.extract %reduce_sum3A_288[15] : i32 from vector<16xi32>
      %add3A_290 = arith.addi %scan3A_279, %reduce_sum3A_289 : i32
      %ge3A = arith.cmpi sge, %add3A_290, %scan3A_105 : i32
      %not3A = arith.constant true
      %not3A_291 = arith.xori %scan3A_280, %not3A : i1
      %and3A_292 = arith.andi %ge3A, %not3A_291 : i1
      %select_n3A_293 = arith.select %and3A_292, %sub3A_284, %scan3A_281 : i32
      %sub3A_294 = arith.subi %scan3A_105, %scan3A_279 : i32
      %select_n3A_295 = arith.select %and3A_292, %sub3A_294, %scan3A_282 : i32
      %or3A_296 = arith.ori %scan3A_280, %ge3A : i1
      scf.yield %add3A_290, %or3A_296, %select_n3A_293, %select_n3A_295 : i32, i1, i32, i32
    }
    %scan3A_115 = arith.constant 2048 : i32
    %shift_left3A_116 = arith.constant 0 : i32
    %shift_left3A_117 = arith.constant 11 : i32
    %shift_left3A_118 = arith.shli %shift_left3A_116, %shift_left3A_117 : i32
    %or3A = arith.ori %shift_left3A_118, %scan3A_114#2 : i32
    %scan3A_119 = arith.constant 0 : i32
    %scan3A_120 = arith.constant 0 : i32
    %scan3A_121 = arith.constant 2048 : i32
    %scan3A_122 = arith.addi %scan3A_120, %scan3A_121 : i32
    %scan3A_123 = arith.constant 1 : i32
    %scan3A_124 = scf.for %scan3A_278 = %scan3A_120 to %scan3A_122 step %scan3A_123 iter_args(%scan3A_279 = %scan3A_119) -> (i32)  : i32 {
      %swap3A = arith.index_cast %scan3A_278 : i32 to index
      %swap3A_280 = arith.constant 0 : index
      %swap3A_281 = tpu.vector_load %arg8[%swap3A, %swap3A_280] {strides = array<i32>} : memref<2048x16xi32, #tpu.memory_space<vmem>>, vector<16xi32>,
      tpu.vector_store %arg8[%swap3A, %swap3A_280], %broadcast_in_dim3A_35 {strides = array<i32>} : memref<2048x16xi32, #tpu.memory_space<vmem>>, vector<16xi32>,
      %scan3A_282 = arith.constant 0 : i32
      scf.yield %scan3A_282 : i32
    }
    %scan3A_125 = arith.constant 2048 : i32
    %mul3A_126 = arith.constant 512 : i32
    %mul3A_127 = arith.muli %arg1, %mul3A_126 : i32
    "tpu.region"() ({
      %run_scoped3A_278 = tpu.sem_alloc : memref<!tpu.dma_semaphore, #tpu.memory_space<semaphore_mem>>
      %dma_start3A_279 = arith.constant 0 : i32
      %dma_start3A_280 = arith.constant 0 : i32
      %dma_start3A_281 = tpu.memref_slice %arg8[%dma_start3A_279, %dma_start3A_280] : memref<2048x16xi32, #tpu.memory_space<vmem>> -> memref<512x16xi32, #tpu.memory_space<vmem>>
      %dma_start3A_282 = arith.constant 0 : i32
      %dma_start3A_283 = tpu.memref_slice %arg11[%mul3A_127, %dma_start3A_282] : memref<8192x16xi32, #tpu.memory_space<vmem_shared>> -> memref<512x16xi32, #tpu.memory_space<vmem_shared>>
      %dma_start3A_284 = arith.constant 0 : i32
      %dma_start3A_285 = tpu.memref_slice %arg11[%mul3A_127, %dma_start3A_284] : memref<8192x16xi32, #tpu.memory_space<vmem_shared>> -> memref<512x16xi32, #tpu.memory_space<vmem_shared>>
      %dma_start3A_286 = arith.constant 0 : i32
      %dma_start3A_287 = arith.constant 0 : i32
      %dma_start3A_288 = tpu.memref_slice %arg8[%dma_start3A_286, %dma_start3A_287] : memref<2048x16xi32, #tpu.memory_space<vmem>> -> memref<512x16xi32, #tpu.memory_space<vmem>>
      tpu.enqueue_dma source(%dma_start3A_288 : memref<512x16xi32, #tpu.memory_space<vmem>>) target(%dma_start3A_285 : memref<512x16xi32, #tpu.memory_space<vmem_shared>>) target_semaphore(%run_scoped3A_278 : memref<!tpu.dma_semaphore, #tpu.memory_space<semaphore_mem>>)
      %dma_wait3A = arith.constant 0 : i32
      %dma_wait3A_289 = arith.constant 0 : i32
      %dma_wait3A_290 = tpu.memref_slice %arg8[%dma_wait3A, %dma_wait3A_289] : memref<2048x16xi32, #tpu.memory_space<vmem>> -> memref<512x16xi32, #tpu.memory_space<vmem>>
      %dma_wait3A_291 = arith.constant 0 : i32
      %dma_wait3A_292 = tpu.memref_slice %arg11[%mul3A_127, %dma_wait3A_291] : memref<8192x16xi32, #tpu.memory_space<vmem_shared>> -> memref<512x16xi32, #tpu.memory_space<vmem_shared>>
      %dma_wait3A_293 = arith.constant 0 : i32
      %dma_wait3A_294 = tpu.memref_slice %arg11[%mul3A_127, %dma_wait3A_293] : memref<8192x16xi32, #tpu.memory_space<vmem_shared>> -> memref<512x16xi32, #tpu.memory_space<vmem_shared>>
      %dma_wait3A_295 = arith.constant 0 : i32
      %dma_wait3A_296 = arith.constant 0 : i32
      %dma_wait3A_297 = tpu.memref_slice %arg8[%dma_wait3A_295, %dma_wait3A_296] : memref<2048x16xi32, #tpu.memory_space<vmem>> -> memref<512x16xi32, #tpu.memory_space<vmem>>
      tpu.wait_dma2 semaphore(%run_scoped3A_278 : memref<!tpu.dma_semaphore, #tpu.memory_space<semaphore_mem>>) src(%dma_wait3A_297 : memref<512x16xi32, #tpu.memory_space<vmem>>) dst(%dma_wait3A_294 : memref<512x16xi32, #tpu.memory_space<vmem_shared>>)
      tpu.yield
    }) : () -> ()
    %barrier3A_128 = arith.constant 0 : index
    tpu.barrier barrier_id(%barrier3A_128)
    %broadcast_in_dim3A_129 = arith.constant 10 : i32
    %broadcast_in_dim3A_130 = vector.broadcast %broadcast_in_dim3A_129 : i32 to vector<16xi32>
    %broadcast_in_dim3A_131 = arith.constant 2047 : i32
    %broadcast_in_dim3A_132 = vector.broadcast %broadcast_in_dim3A_131 : i32 to vector<16xi32>
    %broadcast_in_dim3A_133 = arith.constant 2048 : i32
    %broadcast_in_dim3A_134 = vector.broadcast %broadcast_in_dim3A_133 : i32 to vector<16xi32>
    %shift_left3A_135 = arith.constant 11 : i32
    %shift_left3A_136 = arith.shli %or3A, %shift_left3A_135 : i32
    %broadcast_in_dim3A_137 = vector.broadcast %shift_left3A_136 : i32 to vector<16xi32>
    %mul3A_138 = arith.constant 24 : i32
    %mul3A_139 = arith.muli %select_n3A_28, %mul3A_138 : i32
    %add3A_140 = arith.constant 0 : i32
    %add3A_141 = arith.addi %mul3A_139, %add3A_140 : i32
    %dma_start3A_142 = arith.constant 0 : i32
    %dma_start3A_143 = tpu.memref_slice %arg2[%add3A_32, %add3A_141, %dma_start3A_142] : memref<8x96x50176xf32, #tpu.memory_space<hbm>> -> memref<1x1x12544xf32, #tpu.memory_space<hbm>>
    %dma_start3A_144 = tpu.memref_squeeze %dma_start3A_143 : memref<1x1x12544xf32, #tpu.memory_space<hbm>> -> memref<12544xf32, #tpu.memory_space<hbm>>
    %dma_start3A_145 = arith.constant 0 : i32
    %dma_start3A_146 = tpu.memref_slice %arg2[%add3A_32, %add3A_141, %dma_start3A_145] : memref<8x96x50176xf32, #tpu.memory_space<hbm>> -> memref<1x1x12544xf32, #tpu.memory_space<hbm>>
    %dma_start3A_147 = tpu.memref_squeeze %dma_start3A_146 : memref<1x1x12544xf32, #tpu.memory_space<hbm>> -> memref<12544xf32, #tpu.memory_space<hbm>>
    tpu.enqueue_dma source(%dma_start3A_147 : memref<12544xf32, #tpu.memory_space<hbm>>) target(%arg6 : memref<12544xf32, #tpu.memory_space<vmem>>) target_semaphore(%arg12 : memref<!tpu.dma_semaphore, #tpu.memory_space<semaphore_mem>>)
    %mul3A_148 = arith.constant 24 : i32
    %mul3A_149 = arith.muli %select_n3A_28, %mul3A_148 : i32
    %add3A_150 = arith.constant 0 : i32
    %add3A_151 = arith.addi %mul3A_149, %add3A_150 : i32
    %dma_start3A_152 = arith.constant 12544 : i32
    %dma_start3A_153 = tpu.memref_slice %arg2[%add3A_32, %add3A_151, %dma_start3A_152] : memref<8x96x50176xf32, #tpu.memory_space<hbm>> -> memref<1x1x12544xf32, #tpu.memory_space<hbm>>
    %dma_start3A_154 = tpu.memref_squeeze %dma_start3A_153 : memref<1x1x12544xf32, #tpu.memory_space<hbm>> -> memref<12544xf32, #tpu.memory_space<hbm>>
    %dma_start3A_155 = arith.constant 12544 : i32
    %dma_start3A_156 = tpu.memref_slice %arg2[%add3A_32, %add3A_151, %dma_start3A_155] : memref<8x96x50176xf32, #tpu.memory_space<hbm>> -> memref<1x1x12544xf32, #tpu.memory_space<hbm>>
    %dma_start3A_157 = tpu.memref_squeeze %dma_start3A_156 : memref<1x1x12544xf32, #tpu.memory_space<hbm>> -> memref<12544xf32, #tpu.memory_space<hbm>>
    tpu.enqueue_dma source(%dma_start3A_157 : memref<12544xf32, #tpu.memory_space<hbm>>) target(%arg7 : memref<12544xf32, #tpu.memory_space<vmem>>) target_semaphore(%arg13 : memref<!tpu.dma_semaphore, #tpu.memory_space<semaphore_mem>>)
    %scan3A_158 = arith.constant 0 : i32
    %scan3A_159 = arith.constant 0 : i32
    %scan3A_160 = arith.constant 48 : i32
    %scan3A_161 = arith.addi %scan3A_159, %scan3A_160 : i32
    %scan3A_162 = arith.constant 1 : i32
    %scan3A_163 = scf.for %scan3A_278 = %scan3A_159 to %scan3A_161 step %scan3A_162 iter_args(%scan3A_279 = %scan3A_158) -> (i32)  : i32 {
      %mul3A_280 = arith.constant 2 : i32
      %mul3A_281 = arith.muli %mul3A_280, %scan3A_278 : i32
      %add3A_282 = arith.constant 0 : i32
      %add3A_283 = arith.addi %mul3A_281, %add3A_282 : i32
      %mul3A_284 = arith.constant 24 : i32
      %mul3A_285 = arith.muli %select_n3A_28, %mul3A_284 : i32
      %jit3A_286 = arith.constant 4 : i32
      %div3A_287 = arith.divsi %add3A_283, %jit3A_286 : i32
      %sign3A_288 = arith.constant 0 : i32
      %sign3A_289 = arith.cmpi sgt, %add3A_283, %sign3A_288 : i32
      %sign3A_290 = arith.extui %sign3A_289 : i1 to i32
      %sign3A_291 = arith.constant 0 : i32
      %sign3A_292 = arith.cmpi slt, %add3A_283, %sign3A_291 : i32
      %sign3A_293 = arith.extui %sign3A_292 : i1 to i32
      %sign3A_294 = arith.subi %sign3A_290, %sign3A_293 : i32
      %sign3A_295 = arith.constant 0 : i32
      %sign3A_296 = arith.cmpi sgt, %jit3A_286, %sign3A_295 : i32
      %sign3A_297 = arith.extui %sign3A_296 : i1 to i32
      %sign3A_298 = arith.constant 0 : i32
      %sign3A_299 = arith.cmpi slt, %jit3A_286, %sign3A_298 : i32
      %sign3A_300 = arith.extui %sign3A_299 : i1 to i32
      %sign3A_301 = arith.subi %sign3A_297, %sign3A_300 : i32
      %ne3A_302 = arith.cmpi ne, %sign3A_294, %sign3A_301 : i32
      %rem3A_303 = arith.remsi %add3A_283, %jit3A_286 : i32
      %ne3A_304 = arith.constant 0 : i32
      %ne3A_305 = arith.cmpi ne, %rem3A_303, %ne3A_304 : i32
      %and3A_306 = arith.andi %ne3A_302, %ne3A_305 : i1
      %sub3A_307 = arith.constant 1 : i32
      %sub3A_308 = arith.subi %div3A_287, %sub3A_307 : i32
      %select_n3A_309 = arith.select %and3A_306, %sub3A_308, %div3A_287 : i32
      %add3A_310 = arith.addi %mul3A_285, %select_n3A_309 : i32
      %jit3A_311 = arith.constant 4 : i32
      %eq3A_312 = arith.constant 0 : i32
      %eq3A_313 = arith.cmpi eq, %jit3A_311, %eq3A_312 : i32
      %jit3A_314 = arith.constant 1 : i32
      %select_n3A_315 = arith.select %eq3A_313, %jit3A_314, %jit3A_311 : i32
      %rem3A_316 = arith.remsi %add3A_283, %select_n3A_315 : i32
      %ne3A_317 = arith.constant 0 : i32
      %ne3A_318 = arith.cmpi ne, %rem3A_316, %ne3A_317 : i32
      %lt3A_319 = arith.constant 0 : i32
      %lt3A_320 = arith.cmpi slt, %rem3A_316, %lt3A_319 : i32
      %lt3A_321 = arith.constant 0 : i32
      %lt3A_322 = arith.cmpi slt, %select_n3A_315, %lt3A_321 : i32
      %ne3A_323 = arith.xori %lt3A_320, %lt3A_322 : i1
      %and3A_324 = arith.andi %ne3A_323, %ne3A_318 : i1
      %add3A_325 = arith.addi %rem3A_316, %select_n3A_315 : i32
      %select_n3A_326 = arith.select %and3A_324, %add3A_325, %rem3A_316 : i32
      %mul3A_327 = arith.constant 12544 : i32
      %mul3A_328 = arith.muli %select_n3A_326, %mul3A_327 : i32
      %dma_wait3A = tpu.memref_slice %arg2[%add3A_32, %add3A_310, %mul3A_328] : memref<8x96x50176xf32, #tpu.memory_space<hbm>> -> memref<1x1x12544xf32, #tpu.memory_space<hbm>>
      %dma_wait3A_329 = tpu.memref_squeeze %dma_wait3A : memref<1x1x12544xf32, #tpu.memory_space<hbm>> -> memref<12544xf32, #tpu.memory_space<hbm>>
      %dma_wait3A_330 = tpu.memref_slice %arg2[%add3A_32, %add3A_310, %mul3A_328] : memref<8x96x50176xf32, #tpu.memory_space<hbm>> -> memref<1x1x12544xf32, #tpu.memory_space<hbm>>
      %dma_wait3A_331 = tpu.memref_squeeze %dma_wait3A_330 : memref<1x1x12544xf32, #tpu.memory_space<hbm>> -> memref<12544xf32, #tpu.memory_space<hbm>>
      tpu.wait_dma2 semaphore(%arg12 : memref<!tpu.dma_semaphore, #tpu.memory_space<semaphore_mem>>) src(%dma_wait3A_331 : memref<12544xf32, #tpu.memory_space<hbm>>) dst(%arg6 : memref<12544xf32, #tpu.memory_space<vmem>>)
      %mul3A_332 = arith.constant 24 : i32
      %mul3A_333 = arith.muli %select_n3A_28, %mul3A_332 : i32
      %jit3A_334 = arith.constant 4 : i32
      %div3A_335 = arith.divsi %add3A_283, %jit3A_334 : i32
      %sign3A_336 = arith.constant 0 : i32
      %sign3A_337 = arith.cmpi sgt, %add3A_283, %sign3A_336 : i32
      %sign3A_338 = arith.extui %sign3A_337 : i1 to i32
      %sign3A_339 = arith.constant 0 : i32
      %sign3A_340 = arith.cmpi slt, %add3A_283, %sign3A_339 : i32
      %sign3A_341 = arith.extui %sign3A_340 : i1 to i32
      %sign3A_342 = arith.subi %sign3A_338, %sign3A_341 : i32
      %sign3A_343 = arith.constant 0 : i32
      %sign3A_344 = arith.cmpi sgt, %jit3A_334, %sign3A_343 : i32
      %sign3A_345 = arith.extui %sign3A_344 : i1 to i32
      %sign3A_346 = arith.constant 0 : i32
      %sign3A_347 = arith.cmpi slt, %jit3A_334, %sign3A_346 : i32
      %sign3A_348 = arith.extui %sign3A_347 : i1 to i32
      %sign3A_349 = arith.subi %sign3A_345, %sign3A_348 : i32
      %ne3A_350 = arith.cmpi ne, %sign3A_342, %sign3A_349 : i32
      %rem3A_351 = arith.remsi %add3A_283, %jit3A_334 : i32
      %ne3A_352 = arith.constant 0 : i32
      %ne3A_353 = arith.cmpi ne, %rem3A_351, %ne3A_352 : i32
      %and3A_354 = arith.andi %ne3A_350, %ne3A_353 : i1
      %sub3A_355 = arith.constant 1 : i32
      %sub3A_356 = arith.subi %div3A_335, %sub3A_355 : i32
      %select_n3A_357 = arith.select %and3A_354, %sub3A_356, %div3A_335 : i32
      %add3A_358 = arith.addi %mul3A_333, %select_n3A_357 : i32
      %get3A = arith.index_cast %add3A_358 : i32 to index
      %get3A_359 = arith.constant 0 : index
      %get3A_360 = tpu.vector_load %arg5[%get3A, %get3A_359] {strides = array<i32>} : memref<96x16xf32, #tpu.memory_space<vmem>>, vector<16xf32>,
      %parallel_loop3A = arith.constant 0 : i32
      %parallel_loop3A_361 = arith.constant 784 : i32
      %parallel_loop3A_362 = arith.constant 1 : i32
      scf.for %parallel_loop3A_464 = %parallel_loop3A to %parallel_loop3A_361 step %parallel_loop3A_362  : i32 {
        %parallel_loop3A_465 = arith.constant 16 : i32
        %parallel_loop3A_466 = arith.muli %parallel_loop3A_464, %parallel_loop3A_465 : i32
        %parallel_loop3A_467 = arith.index_cast %parallel_loop3A_466 : i32 to index
        %parallel_loop3A_468 = tpu.vector_load %arg6[%parallel_loop3A_467] {strides = array<i32>} : memref<12544xf32, #tpu.memory_space<vmem>>, vector<16xf32>,
        %parallel_loop3A_469 = arith.mulf %parallel_loop3A_468, %get3A_360 : vector<16xf32>
        %parallel_loop3A_470 = tpu.bitcast %parallel_loop3A_469 : vector<16xf32> -> vector<16xi32>
        %parallel_loop3A_471 = arith.constant 31 : i32
        %parallel_loop3A_472 = vector.broadcast %parallel_loop3A_471 : i32 to vector<16xi32>
        %parallel_loop3A_473 = arith.shrsi %parallel_loop3A_470, %parallel_loop3A_472 : vector<16xi32>
        %parallel_loop3A_474 = arith.constant -2147483648 : i32
        %parallel_loop3A_475 = vector.broadcast %parallel_loop3A_474 : i32 to vector<16xi32>
        %parallel_loop3A_476 = arith.ori %parallel_loop3A_473, %parallel_loop3A_475 : vector<16xi32>
        %parallel_loop3A_477 = arith.xori %parallel_loop3A_470, %parallel_loop3A_476 : vector<16xi32>
        %parallel_loop3A_478 = arith.shrui %parallel_loop3A_477, %broadcast_in_dim3A_130 : vector<16xi32>
        %parallel_loop3A_479 = arith.subi %parallel_loop3A_478, %broadcast_in_dim3A_137 : vector<16xi32>
        %parallel_loop3A_480 = tpu.bitcast %parallel_loop3A_479 : vector<16xi32> -> vector<16xi32>
        %parallel_loop3A_481 = arith.cmpi ult, %parallel_loop3A_480, %broadcast_in_dim3A_134 : vector<16xi32>
        %parallel_loop3A_482 = arith.andi %parallel_loop3A_479, %broadcast_in_dim3A_132 : vector<16xi32>
        tpu.vector_store_idx %arg8[%parallel_loop3A_482, %iota3A], %broadcast_in_dim3A_33 masked %parallel_loop3A_481 {add = true} : memref<2048x16xi32, #tpu.memory_space<vmem>>[vector<16xi32>, vector<16xi32>], vector<16xi32>, vector<16xi1>
      } {sc.loop_unroll_factor = 8 : i64, sc.parallel_access}
      %add3A_363 = arith.constant 2 : i32
      %add3A_364 = arith.addi %add3A_283, %add3A_363 : i32
      %lt3A_365 = arith.constant 96 : i32
      %lt3A_366 = arith.cmpi slt, %add3A_364, %lt3A_365 : i32
      %convert_element_type3A_367 = arith.extui %lt3A_366 : i1 to i32
      %cond3A_368 = arith.constant 0 : i32
      %cond3A_369 = arith.cmpi ne, %convert_element_type3A_367, %cond3A_368 : i32
      scf.if %cond3A_369 {
        %add3A_464 = arith.constant 2 : i32
        %add3A_465 = arith.addi %add3A_283, %add3A_464 : i32
        %mul3A_466 = arith.constant 24 : i32
        %mul3A_467 = arith.muli %select_n3A_28, %mul3A_466 : i32
        %jit3A_468 = arith.constant 4 : i32
        %div3A_469 = arith.divsi %add3A_465, %jit3A_468 : i32
        %sign3A_470 = arith.constant 0 : i32
        %sign3A_471 = arith.cmpi sgt, %add3A_465, %sign3A_470 : i32
        %sign3A_472 = arith.extui %sign3A_471 : i1 to i32
        %sign3A_473 = arith.constant 0 : i32
        %sign3A_474 = arith.cmpi slt, %add3A_465, %sign3A_473 : i32
        %sign3A_475 = arith.extui %sign3A_474 : i1 to i32
        %sign3A_476 = arith.subi %sign3A_472, %sign3A_475 : i32
        %sign3A_477 = arith.constant 0 : i32
        %sign3A_478 = arith.cmpi sgt, %jit3A_468, %sign3A_477 : i32
        %sign3A_479 = arith.extui %sign3A_478 : i1 to i32
        %sign3A_480 = arith.constant 0 : i32
        %sign3A_481 = arith.cmpi slt, %jit3A_468, %sign3A_480 : i32
        %sign3A_482 = arith.extui %sign3A_481 : i1 to i32
        %sign3A_483 = arith.subi %sign3A_479, %sign3A_482 : i32
        %ne3A_484 = arith.cmpi ne, %sign3A_476, %sign3A_483 : i32
        %rem3A_485 = arith.remsi %add3A_465, %jit3A_468 : i32
        %ne3A_486 = arith.constant 0 : i32
        %ne3A_487 = arith.cmpi ne, %rem3A_485, %ne3A_486 : i32
        %and3A_488 = arith.andi %ne3A_484, %ne3A_487 : i1
        %sub3A_489 = arith.constant 1 : i32
        %sub3A_490 = arith.subi %div3A_469, %sub3A_489 : i32
        %select_n3A_491 = arith.select %and3A_488, %sub3A_490, %div3A_469 : i32
        %add3A_492 = arith.addi %mul3A_467, %select_n3A_491 : i32
        %jit3A_493 = arith.constant 4 : i32
        %eq3A_494 = arith.constant 0 : i32
        %eq3A_495 = arith.cmpi eq, %jit3A_493, %eq3A_494 : i32
        %jit3A_496 = arith.constant 1 : i32
        %select_n3A_497 = arith.select %eq3A_495, %jit3A_496, %jit3A_493 : i32
        %rem3A_498 = arith.remsi %add3A_465, %select_n3A_497 : i32
        %ne3A_499 = arith.constant 0 : i32
        %ne3A_500 = arith.cmpi ne, %rem3A_498, %ne3A_499 : i32
        %lt3A_501 = arith.constant 0 : i32
        %lt3A_502 = arith.cmpi slt, %rem3A_498, %lt3A_501 : i32
        %lt3A_503 = arith.constant 0 : i32
        %lt3A_504 = arith.cmpi slt, %select_n3A_497, %lt3A_503 : i32
        %ne3A_505 = arith.xori %lt3A_502, %lt3A_504 : i1
        %and3A_506 = arith.andi %ne3A_505, %ne3A_500 : i1
        %add3A_507 = arith.addi %rem3A_498, %select_n3A_497 : i32
        %select_n3A_508 = arith.select %and3A_506, %add3A_507, %rem3A_498 : i32
        %mul3A_509 = arith.constant 12544 : i32
        %mul3A_510 = arith.muli %select_n3A_508, %mul3A_509 : i32
        %dma_start3A_511 = tpu.memref_slice %arg2[%add3A_32, %add3A_492, %mul3A_510] : memref<8x96x50176xf32, #tpu.memory_space<hbm>> -> memref<1x1x12544xf32, #tpu.memory_space<hbm>>
        %dma_start3A_512 = tpu.memref_squeeze %dma_start3A_511 : memref<1x1x12544xf32, #tpu.memory_space<hbm>> -> memref<12544xf32, #tpu.memory_space<hbm>>
        %dma_start3A_513 = tpu.memref_slice %arg2[%add3A_32, %add3A_492, %mul3A_510] : memref<8x96x50176xf32, #tpu.memory_space<hbm>> -> memref<1x1x12544xf32, #tpu.memory_space<hbm>>
        %dma_start3A_514 = tpu.memref_squeeze %dma_start3A_513 : memref<1x1x12544xf32, #tpu.memory_space<hbm>> -> memref<12544xf32, #tpu.memory_space<hbm>>
        tpu.enqueue_dma source(%dma_start3A_514 : memref<12544xf32, #tpu.memory_space<hbm>>) target(%arg6 : memref<12544xf32, #tpu.memory_space<vmem>>) target_semaphore(%arg12 : memref<!tpu.dma_semaphore, #tpu.memory_space<semaphore_mem>>)
      } else {
      }
      %mul3A_370 = arith.constant 2 : i32
      %mul3A_371 = arith.muli %mul3A_370, %scan3A_278 : i32
      %add3A_372 = arith.constant 1 : i32
      %add3A_373 = arith.addi %mul3A_371, %add3A_372 : i32
      %mul3A_374 = arith.constant 24 : i32
      %mul3A_375 = arith.muli %select_n3A_28, %mul3A_374 : i32
      %jit3A_376 = arith.constant 4 : i32
      %div3A_377 = arith.divsi %add3A_373, %jit3A_376 : i32
      %sign3A_378 = arith.constant 0 : i32
      %sign3A_379 = arith.cmpi sgt, %add3A_373, %sign3A_378 : i32
      %sign3A_380 = arith.extui %sign3A_379 : i1 to i32
      %sign3A_381 = arith.constant 0 : i32
      %sign3A_382 = arith.cmpi slt, %add3A_373, %sign3A_381 : i32
      %sign3A_383 = arith.extui %sign3A_382 : i1 to i32
      %sign3A_384 = arith.subi %sign3A_380, %sign3A_383 : i32
      %sign3A_385 = arith.constant 0 : i32
      %sign3A_386 = arith.cmpi sgt, %jit3A_376, %sign3A_385 : i32
      %sign3A_387 = arith.extui %sign3A_386 : i1 to i32
      %sign3A_388 = arith.constant 0 : i32
      %sign3A_389 = arith.cmpi slt, %jit3A_376, %sign3A_388 : i32
      %sign3A_390 = arith.extui %sign3A_389 : i1 to i32
      %sign3A_391 = arith.subi %sign3A_387, %sign3A_390 : i32
      %ne3A_392 = arith.cmpi ne, %sign3A_384, %sign3A_391 : i32
      %rem3A_393 = arith.remsi %add3A_373, %jit3A_376 : i32
      %ne3A_394 = arith.constant 0 : i32
      %ne3A_395 = arith.cmpi ne, %rem3A_393, %ne3A_394 : i32
      %and3A_396 = arith.andi %ne3A_392, %ne3A_395 : i1
      %sub3A_397 = arith.constant 1 : i32
      %sub3A_398 = arith.subi %div3A_377, %sub3A_397 : i32
      %select_n3A_399 = arith.select %and3A_396, %sub3A_398, %div3A_377 : i32
      %add3A_400 = arith.addi %mul3A_375, %select_n3A_399 : i32
      %jit3A_401 = arith.constant 4 : i32
      %eq3A_402 = arith.constant 0 : i32
      %eq3A_403 = arith.cmpi eq, %jit3A_401, %eq3A_402 : i32
      %jit3A_404 = arith.constant 1 : i32
      %select_n3A_405 = arith.select %eq3A_403, %jit3A_404, %jit3A_401 : i32
      %rem3A_406 = arith.remsi %add3A_373, %select_n3A_405 : i32
      %ne3A_407 = arith.constant 0 : i32
      %ne3A_408 = arith.cmpi ne, %rem3A_406, %ne3A_407 : i32
      %lt3A_409 = arith.constant 0 : i32
      %lt3A_410 = arith.cmpi slt, %rem3A_406, %lt3A_409 : i32
      %lt3A_411 = arith.constant 0 : i32
      %lt3A_412 = arith.cmpi slt, %select_n3A_405, %lt3A_411 : i32
      %ne3A_413 = arith.xori %lt3A_410, %lt3A_412 : i1
      %and3A_414 = arith.andi %ne3A_413, %ne3A_408 : i1
      %add3A_415 = arith.addi %rem3A_406, %select_n3A_405 : i32
      %select_n3A_416 = arith.select %and3A_414, %add3A_415, %rem3A_406 : i32
      %mul3A_417 = arith.constant 12544 : i32
      %mul3A_418 = arith.muli %select_n3A_416, %mul3A_417 : i32
      %dma_wait3A_419 = tpu.memref_slice %arg2[%add3A_32, %add3A_400, %mul3A_418] : memref<8x96x50176xf32, #tpu.memory_space<hbm>> -> memref<1x1x12544xf32, #tpu.memory_space<hbm>>
      %dma_wait3A_420 = tpu.memref_squeeze %dma_wait3A_419 : memref<1x1x12544xf32, #tpu.memory_space<hbm>> -> memref<12544xf32, #tpu.memory_space<hbm>>
      %dma_wait3A_421 = tpu.memref_slice %arg2[%add3A_32, %add3A_400, %mul3A_418] : memref<8x96x50176xf32, #tpu.memory_space<hbm>> -> memref<1x1x12544xf32, #tpu.memory_space<hbm>>
      %dma_wait3A_422 = tpu.memref_squeeze %dma_wait3A_421 : memref<1x1x12544xf32, #tpu.memory_space<hbm>> -> memref<12544xf32, #tpu.memory_space<hbm>>
      tpu.wait_dma2 semaphore(%arg13 : memref<!tpu.dma_semaphore, #tpu.memory_space<semaphore_mem>>) src(%dma_wait3A_422 : memref<12544xf32, #tpu.memory_space<hbm>>) dst(%arg7 : memref<12544xf32, #tpu.memory_space<vmem>>)
      %mul3A_423 = arith.constant 24 : i32
      %mul3A_424 = arith.muli %select_n3A_28, %mul3A_423 : i32
      %jit3A_425 = arith.constant 4 : i32
      %div3A_426 = arith.divsi %add3A_373, %jit3A_425 : i32
      %sign3A_427 = arith.constant 0 : i32
      %sign3A_428 = arith.cmpi sgt, %add3A_373, %sign3A_427 : i32
      %sign3A_429 = arith.extui %sign3A_428 : i1 to i32
      %sign3A_430 = arith.constant 0 : i32
      %sign3A_431 = arith.cmpi slt, %add3A_373, %sign3A_430 : i32
      %sign3A_432 = arith.extui %sign3A_431 : i1 to i32
      %sign3A_433 = arith.subi %sign3A_429, %sign3A_432 : i32
      %sign3A_434 = arith.constant 0 : i32
      %sign3A_435 = arith.cmpi sgt, %jit3A_425, %sign3A_434 : i32
      %sign3A_436 = arith.extui %sign3A_435 : i1 to i32
      %sign3A_437 = arith.constant 0 : i32
      %sign3A_438 = arith.cmpi slt, %jit3A_425, %sign3A_437 : i32
      %sign3A_439 = arith.extui %sign3A_438 : i1 to i32
      %sign3A_440 = arith.subi %sign3A_436, %sign3A_439 : i32
      %ne3A_441 = arith.cmpi ne, %sign3A_433, %sign3A_440 : i32
      %rem3A_442 = arith.remsi %add3A_373, %jit3A_425 : i32
      %ne3A_443 = arith.constant 0 : i32
      %ne3A_444 = arith.cmpi ne, %rem3A_442, %ne3A_443 : i32
      %and3A_445 = arith.andi %ne3A_441, %ne3A_444 : i1
      %sub3A_446 = arith.constant 1 : i32
      %sub3A_447 = arith.subi %div3A_426, %sub3A_446 : i32
      %select_n3A_448 = arith.select %and3A_445, %sub3A_447, %div3A_426 : i32
      %add3A_449 = arith.addi %mul3A_424, %select_n3A_448 : i32
      %get3A_450 = arith.index_cast %add3A_449 : i32 to index
      %get3A_451 = arith.constant 0 : index
      %get3A_452 = tpu.vector_load %arg5[%get3A_450, %get3A_451] {strides = array<i32>} : memref<96x16xf32, #tpu.memory_space<vmem>>, vector<16xf32>,
      %parallel_loop3A_453 = arith.constant 0 : i32
      %parallel_loop3A_454 = arith.constant 784 : i32
      %parallel_loop3A_455 = arith.constant 1 : i32
      scf.for %parallel_loop3A_464 = %parallel_loop3A_453 to %parallel_loop3A_454 step %parallel_loop3A_455  : i32 {
        %parallel_loop3A_465 = arith.constant 16 : i32
        %parallel_loop3A_466 = arith.muli %parallel_loop3A_464, %parallel_loop3A_465 : i32
        %parallel_loop3A_467 = arith.index_cast %parallel_loop3A_466 : i32 to index
        %parallel_loop3A_468 = tpu.vector_load %arg7[%parallel_loop3A_467] {strides = array<i32>} : memref<12544xf32, #tpu.memory_space<vmem>>, vector<16xf32>,
        %parallel_loop3A_469 = arith.mulf %parallel_loop3A_468, %get3A_452 : vector<16xf32>
        %parallel_loop3A_470 = tpu.bitcast %parallel_loop3A_469 : vector<16xf32> -> vector<16xi32>
        %parallel_loop3A_471 = arith.constant 31 : i32
        %parallel_loop3A_472 = vector.broadcast %parallel_loop3A_471 : i32 to vector<16xi32>
        %parallel_loop3A_473 = arith.shrsi %parallel_loop3A_470, %parallel_loop3A_472 : vector<16xi32>
        %parallel_loop3A_474 = arith.constant -2147483648 : i32
        %parallel_loop3A_475 = vector.broadcast %parallel_loop3A_474 : i32 to vector<16xi32>
        %parallel_loop3A_476 = arith.ori %parallel_loop3A_473, %parallel_loop3A_475 : vector<16xi32>
        %parallel_loop3A_477 = arith.xori %parallel_loop3A_470, %parallel_loop3A_476 : vector<16xi32>
        %parallel_loop3A_478 = arith.shrui %parallel_loop3A_477, %broadcast_in_dim3A_130 : vector<16xi32>
        %parallel_loop3A_479 = arith.subi %parallel_loop3A_478, %broadcast_in_dim3A_137 : vector<16xi32>
        %parallel_loop3A_480 = tpu.bitcast %parallel_loop3A_479 : vector<16xi32> -> vector<16xi32>
        %parallel_loop3A_481 = arith.cmpi ult, %parallel_loop3A_480, %broadcast_in_dim3A_134 : vector<16xi32>
        %parallel_loop3A_482 = arith.andi %parallel_loop3A_479, %broadcast_in_dim3A_132 : vector<16xi32>
        tpu.vector_store_idx %arg8[%parallel_loop3A_482, %iota3A], %broadcast_in_dim3A_33 masked %parallel_loop3A_481 {add = true} : memref<2048x16xi32, #tpu.memory_space<vmem>>[vector<16xi32>, vector<16xi32>], vector<16xi32>, vector<16xi1>
      } {sc.loop_unroll_factor = 8 : i64, sc.parallel_access}
      %add3A_456 = arith.constant 2 : i32
      %add3A_457 = arith.addi %add3A_373, %add3A_456 : i32
      %lt3A_458 = arith.constant 96 : i32
      %lt3A_459 = arith.cmpi slt, %add3A_457, %lt3A_458 : i32
      %convert_element_type3A_460 = arith.extui %lt3A_459 : i1 to i32
      %cond3A_461 = arith.constant 0 : i32
      %cond3A_462 = arith.cmpi ne, %convert_element_type3A_460, %cond3A_461 : i32
      scf.if %cond3A_462 {
        %add3A_464 = arith.constant 2 : i32
        %add3A_465 = arith.addi %add3A_373, %add3A_464 : i32
        %mul3A_466 = arith.constant 24 : i32
        %mul3A_467 = arith.muli %select_n3A_28, %mul3A_466 : i32
        %jit3A_468 = arith.constant 4 : i32
        %div3A_469 = arith.divsi %add3A_465, %jit3A_468 : i32
        %sign3A_470 = arith.constant 0 : i32
        %sign3A_471 = arith.cmpi sgt, %add3A_465, %sign3A_470 : i32
        %sign3A_472 = arith.extui %sign3A_471 : i1 to i32
        %sign3A_473 = arith.constant 0 : i32
        %sign3A_474 = arith.cmpi slt, %add3A_465, %sign3A_473 : i32
        %sign3A_475 = arith.extui %sign3A_474 : i1 to i32
        %sign3A_476 = arith.subi %sign3A_472, %sign3A_475 : i32
        %sign3A_477 = arith.constant 0 : i32
        %sign3A_478 = arith.cmpi sgt, %jit3A_468, %sign3A_477 : i32
        %sign3A_479 = arith.extui %sign3A_478 : i1 to i32
        %sign3A_480 = arith.constant 0 : i32
        %sign3A_481 = arith.cmpi slt, %jit3A_468, %sign3A_480 : i32
        %sign3A_482 = arith.extui %sign3A_481 : i1 to i32
        %sign3A_483 = arith.subi %sign3A_479, %sign3A_482 : i32
        %ne3A_484 = arith.cmpi ne, %sign3A_476, %sign3A_483 : i32
        %rem3A_485 = arith.remsi %add3A_465, %jit3A_468 : i32
        %ne3A_486 = arith.constant 0 : i32
        %ne3A_487 = arith.cmpi ne, %rem3A_485, %ne3A_486 : i32
        %and3A_488 = arith.andi %ne3A_484, %ne3A_487 : i1
        %sub3A_489 = arith.constant 1 : i32
        %sub3A_490 = arith.subi %div3A_469, %sub3A_489 : i32
        %select_n3A_491 = arith.select %and3A_488, %sub3A_490, %div3A_469 : i32
        %add3A_492 = arith.addi %mul3A_467, %select_n3A_491 : i32
        %jit3A_493 = arith.constant 4 : i32
        %eq3A_494 = arith.constant 0 : i32
        %eq3A_495 = arith.cmpi eq, %jit3A_493, %eq3A_494 : i32
        %jit3A_496 = arith.constant 1 : i32
        %select_n3A_497 = arith.select %eq3A_495, %jit3A_496, %jit3A_493 : i32
        %rem3A_498 = arith.remsi %add3A_465, %select_n3A_497 : i32
        %ne3A_499 = arith.constant 0 : i32
        %ne3A_500 = arith.cmpi ne, %rem3A_498, %ne3A_499 : i32
        %lt3A_501 = arith.constant 0 : i32
        %lt3A_502 = arith.cmpi slt, %rem3A_498, %lt3A_501 : i32
        %lt3A_503 = arith.constant 0 : i32
        %lt3A_504 = arith.cmpi slt, %select_n3A_497, %lt3A_503 : i32
        %ne3A_505 = arith.xori %lt3A_502, %lt3A_504 : i1
        %and3A_506 = arith.andi %ne3A_505, %ne3A_500 : i1
        %add3A_507 = arith.addi %rem3A_498, %select_n3A_497 : i32
        %select_n3A_508 = arith.select %and3A_506, %add3A_507, %rem3A_498 : i32
        %mul3A_509 = arith.constant 12544 : i32
        %mul3A_510 = arith.muli %select_n3A_508, %mul3A_509 : i32
        %dma_start3A_511 = tpu.memref_slice %arg2[%add3A_32, %add3A_492, %mul3A_510] : memref<8x96x50176xf32, #tpu.memory_space<hbm>> -> memref<1x1x12544xf32, #tpu.memory_space<hbm>>
        %dma_start3A_512 = tpu.memref_squeeze %dma_start3A_511 : memref<1x1x12544xf32, #tpu.memory_space<hbm>> -> memref<12544xf32, #tpu.memory_space<hbm>>
        %dma_start3A_513 = tpu.memref_slice %arg2[%add3A_32, %add3A_492, %mul3A_510] : memref<8x96x50176xf32, #tpu.memory_space<hbm>> -> memref<1x1x12544xf32, #tpu.memory_space<hbm>>
        %dma_start3A_514 = tpu.memref_squeeze %dma_start3A_513 : memref<1x1x12544xf32, #tpu.memory_space<hbm>> -> memref<12544xf32, #tpu.memory_space<hbm>>
        tpu.enqueue_dma source(%dma_start3A_514 : memref<12544xf32, #tpu.memory_space<hbm>>) target(%arg7 : memref<12544xf32, #tpu.memory_space<vmem>>) target_semaphore(%arg13 : memref<!tpu.dma_semaphore, #tpu.memory_space<semaphore_mem>>)
      } else {
      }
      %scan3A_463 = arith.constant 0 : i32
      scf.yield %scan3A_463 : i32
    }
    %scan3A_164 = arith.constant 48 : i32
    %run_scoped3A_165 = arith.constant 0 : i32
    "tpu.region"() ({
      %run_scoped3A_278 = tpu.sem_alloc : memref<!tpu.dma_semaphore, #tpu.memory_space<semaphore_mem>>
      %dma_start3A_279 = arith.constant 0 : i32
      %dma_start3A_280 = arith.constant 0 : i32
      %dma_start3A_281 = tpu.memref_slice %arg8[%dma_start3A_279, %dma_start3A_280] : memref<2048x16xi32, #tpu.memory_space<vmem>> -> memref<128x16xi32, #tpu.memory_space<vmem>>
      %dma_start3A_282 = arith.constant 0 : i32
      %dma_start3A_283 = tpu.memref_slice %arg9[%run_scoped3A_165, %dma_start3A_282] : memref<16x128xi32, #tpu.memory_space<vmem>> -> memref<1x128xi32, #tpu.memory_space<vmem>>
      %dma_start3A_284 = tpu.memref_squeeze %dma_start3A_283 : memref<1x128xi32, #tpu.memory_space<vmem>> -> memref<128xi32, #tpu.memory_space<vmem>>
      %dma_start3A_285 = arith.constant 0 : i32
      %dma_start3A_286 = arith.constant 0 : i32
      %dma_start3A_287 = tpu.memref_slice %arg11[%dma_start3A_285, %dma_start3A_286] : memref<8192x16xi32, #tpu.memory_space<vmem_shared>> -> memref<8192x16xi32, #tpu.memory_space<vmem_shared>>
      tpu.enqueue_indirect_dma source(%dma_start3A_281 : memref<128x16xi32, #tpu.memory_space<vmem>>) target(%dma_start3A_287 : memref<8192x16xi32, #tpu.memory_space<vmem_shared>>) offsets(%dma_start3A_284 : memref<128xi32, #tpu.memory_space<vmem>>) semaphore(%run_scoped3A_278 : memref<!tpu.dma_semaphore, #tpu.memory_space<semaphore_mem>>) {add = true}
      %dma_wait3A = arith.constant 0 : i32
      %dma_wait3A_288 = arith.constant 0 : i32
      %dma_wait3A_289 = tpu.memref_slice %arg8[%dma_wait3A, %dma_wait3A_288] : memref<2048x16xi32, #tpu.memory_space<vmem>> -> memref<128x16xi32, #tpu.memory_space<vmem>>
      %dma_wait3A_290 = arith.constant 0 : i32
      %dma_wait3A_291 = tpu.memref_slice %arg9[%run_scoped3A_165, %dma_wait3A_290] : memref<16x128xi32, #tpu.memory_space<vmem>> -> memref<1x128xi32, #tpu.memory_space<vmem>>
      %dma_wait3A_292 = tpu.memref_squeeze %dma_wait3A_291 : memref<1x128xi32, #tpu.memory_space<vmem>> -> memref<128xi32, #tpu.memory_space<vmem>>
      %dma_wait3A_293 = arith.constant 0 : i32
      %dma_wait3A_294 = arith.constant 0 : i32
      %dma_wait3A_295 = tpu.memref_slice %arg11[%dma_wait3A_293, %dma_wait3A_294] : memref<8192x16xi32, #tpu.memory_space<vmem_shared>> -> memref<8192x16xi32, #tpu.memory_space<vmem_shared>>
      tpu.wait_indirect_dma semaphore(%run_scoped3A_278 : memref<!tpu.dma_semaphore, #tpu.memory_space<semaphore_mem>>) src(%dma_wait3A_289 : memref<128x16xi32, #tpu.memory_space<vmem>>) dst(%dma_wait3A_295 : memref<8192x16xi32, #tpu.memory_space<vmem_shared>>)
      tpu.yield
    }) : () -> ()
    %run_scoped3A_166 = arith.constant 1 : i32
    "tpu.region"() ({
      %run_scoped3A_278 = tpu.sem_alloc : memref<!tpu.dma_semaphore, #tpu.memory_space<semaphore_mem>>
      %dma_start3A_279 = arith.constant 128 : i32
      %dma_start3A_280 = arith.constant 0 : i32
      %dma_start3A_281 = tpu.memref_slice %arg8[%dma_start3A_279, %dma_start3A_280] : memref<2048x16xi32, #tpu.memory_space<vmem>> -> memref<128x16xi32, #tpu.memory_space<vmem>>
      %dma_start3A_282 = arith.constant 0 : i32
      %dma_start3A_283 = tpu.memref_slice %arg9[%run_scoped3A_166, %dma_start3A_282] : memref<16x128xi32, #tpu.memory_space<vmem>> -> memref<1x128xi32, #tpu.memory_space<vmem>>
      %dma_start3A_284 = tpu.memref_squeeze %dma_start3A_283 : memref<1x128xi32, #tpu.memory_space<vmem>> -> memref<128xi32, #tpu.memory_space<vmem>>
      %dma_start3A_285 = arith.constant 0 : i32
      %dma_start3A_286 = arith.constant 0 : i32
      %dma_start3A_287 = tpu.memref_slice %arg11[%dma_start3A_285, %dma_start3A_286] : memref<8192x16xi32, #tpu.memory_space<vmem_shared>> -> memref<8192x16xi32, #tpu.memory_space<vmem_shared>>
      tpu.enqueue_indirect_dma source(%dma_start3A_281 : memref<128x16xi32, #tpu.memory_space<vmem>>) target(%dma_start3A_287 : memref<8192x16xi32, #tpu.memory_space<vmem_shared>>) offsets(%dma_start3A_284 : memref<128xi32, #tpu.memory_space<vmem>>) semaphore(%run_scoped3A_278 : memref<!tpu.dma_semaphore, #tpu.memory_space<semaphore_mem>>) {add = true}
      %dma_wait3A = arith.constant 128 : i32
      %dma_wait3A_288 = arith.constant 0 : i32
      %dma_wait3A_289 = tpu.memref_slice %arg8[%dma_wait3A, %dma_wait3A_288] : memref<2048x16xi32, #tpu.memory_space<vmem>> -> memref<128x16xi32, #tpu.memory_space<vmem>>
      %dma_wait3A_290 = arith.constant 0 : i32
      %dma_wait3A_291 = tpu.memref_slice %arg9[%run_scoped3A_166, %dma_wait3A_290] : memref<16x128xi32, #tpu.memory_space<vmem>> -> memref<1x128xi32, #tpu.memory_space<vmem>>
      %dma_wait3A_292 = tpu.memref_squeeze %dma_wait3A_291 : memref<1x128xi32, #tpu.memory_space<vmem>> -> memref<128xi32, #tpu.memory_space<vmem>>
      %dma_wait3A_293 = arith.constant 0 : i32
      %dma_wait3A_294 = arith.constant 0 : i32
      %dma_wait3A_295 = tpu.memref_slice %arg11[%dma_wait3A_293, %dma_wait3A_294] : memref<8192x16xi32, #tpu.memory_space<vmem_shared>> -> memref<8192x16xi32, #tpu.memory_space<vmem_shared>>
      tpu.wait_indirect_dma semaphore(%run_scoped3A_278 : memref<!tpu.dma_semaphore, #tpu.memory_space<semaphore_mem>>) src(%dma_wait3A_289 : memref<128x16xi32, #tpu.memory_space<vmem>>) dst(%dma_wait3A_295 : memref<8192x16xi32, #tpu.memory_space<vmem_shared>>)
      tpu.yield
    }) : () -> ()
    %run_scoped3A_167 = arith.constant 2 : i32
    "tpu.region"() ({
      %run_scoped3A_278 = tpu.sem_alloc : memref<!tpu.dma_semaphore, #tpu.memory_space<semaphore_mem>>
      %dma_start3A_279 = arith.constant 256 : i32
      %dma_start3A_280 = arith.constant 0 : i32
      %dma_start3A_281 = tpu.memref_slice %arg8[%dma_start3A_279, %dma_start3A_280] : memref<2048x16xi32, #tpu.memory_space<vmem>> -> memref<128x16xi32, #tpu.memory_space<vmem>>
      %dma_start3A_282 = arith.constant 0 : i32
      %dma_start3A_283 = tpu.memref_slice %arg9[%run_scoped3A_167, %dma_start3A_282] : memref<16x128xi32, #tpu.memory_space<vmem>> -> memref<1x128xi32, #tpu.memory_space<vmem>>
      %dma_start3A_284 = tpu.memref_squeeze %dma_start3A_283 : memref<1x128xi32, #tpu.memory_space<vmem>> -> memref<128xi32, #tpu.memory_space<vmem>>
      %dma_start3A_285 = arith.constant 0 : i32
      %dma_start3A_286 = arith.constant 0 : i32
      %dma_start3A_287 = tpu.memref_slice %arg11[%dma_start3A_285, %dma_start3A_286] : memref<8192x16xi32, #tpu.memory_space<vmem_shared>> -> memref<8192x16xi32, #tpu.memory_space<vmem_shared>>
      tpu.enqueue_indirect_dma source(%dma_start3A_281 : memref<128x16xi32, #tpu.memory_space<vmem>>) target(%dma_start3A_287 : memref<8192x16xi32, #tpu.memory_space<vmem_shared>>) offsets(%dma_start3A_284 : memref<128xi32, #tpu.memory_space<vmem>>) semaphore(%run_scoped3A_278 : memref<!tpu.dma_semaphore, #tpu.memory_space<semaphore_mem>>) {add = true}
      %dma_wait3A = arith.constant 256 : i32
      %dma_wait3A_288 = arith.constant 0 : i32
      %dma_wait3A_289 = tpu.memref_slice %arg8[%dma_wait3A, %dma_wait3A_288] : memref<2048x16xi32, #tpu.memory_space<vmem>> -> memref<128x16xi32, #tpu.memory_space<vmem>>
      %dma_wait3A_290 = arith.constant 0 : i32
      %dma_wait3A_291 = tpu.memref_slice %arg9[%run_scoped3A_167, %dma_wait3A_290] : memref<16x128xi32, #tpu.memory_space<vmem>> -> memref<1x128xi32, #tpu.memory_space<vmem>>
      %dma_wait3A_292 = tpu.memref_squeeze %dma_wait3A_291 : memref<1x128xi32, #tpu.memory_space<vmem>> -> memref<128xi32, #tpu.memory_space<vmem>>
      %dma_wait3A_293 = arith.constant 0 : i32
      %dma_wait3A_294 = arith.constant 0 : i32
      %dma_wait3A_295 = tpu.memref_slice %arg11[%dma_wait3A_293, %dma_wait3A_294] : memref<8192x16xi32, #tpu.memory_space<vmem_shared>> -> memref<8192x16xi32, #tpu.memory_space<vmem_shared>>
      tpu.wait_indirect_dma semaphore(%run_scoped3A_278 : memref<!tpu.dma_semaphore, #tpu.memory_space<semaphore_mem>>) src(%dma_wait3A_289 : memref<128x16xi32, #tpu.memory_space<vmem>>) dst(%dma_wait3A_295 : memref<8192x16xi32, #tpu.memory_space<vmem_shared>>)
      tpu.yield
    }) : () -> ()
    %run_scoped3A_168 = arith.constant 3 : i32
    "tpu.region"() ({
      %run_scoped3A_278 = tpu.sem_alloc : memref<!tpu.dma_semaphore, #tpu.memory_space<semaphore_mem>>
      %dma_start3A_279 = arith.constant 384 : i32
      %dma_start3A_280 = arith.constant 0 : i32
      %dma_start3A_281 = tpu.memref_slice %arg8[%dma_start3A_279, %dma_start3A_280] : memref<2048x16xi32, #tpu.memory_space<vmem>> -> memref<128x16xi32, #tpu.memory_space<vmem>>
      %dma_start3A_282 = arith.constant 0 : i32
      %dma_start3A_283 = tpu.memref_slice %arg9[%run_scoped3A_168, %dma_start3A_282] : memref<16x128xi32, #tpu.memory_space<vmem>> -> memref<1x128xi32, #tpu.memory_space<vmem>>
      %dma_start3A_284 = tpu.memref_squeeze %dma_start3A_283 : memref<1x128xi32, #tpu.memory_space<vmem>> -> memref<128xi32, #tpu.memory_space<vmem>>
      %dma_start3A_285 = arith.constant 0 : i32
      %dma_start3A_286 = arith.constant 0 : i32
      %dma_start3A_287 = tpu.memref_slice %arg11[%dma_start3A_285, %dma_start3A_286] : memref<8192x16xi32, #tpu.memory_space<vmem_shared>> -> memref<8192x16xi32, #tpu.memory_space<vmem_shared>>
      tpu.enqueue_indirect_dma source(%dma_start3A_281 : memref<128x16xi32, #tpu.memory_space<vmem>>) target(%dma_start3A_287 : memref<8192x16xi32, #tpu.memory_space<vmem_shared>>) offsets(%dma_start3A_284 : memref<128xi32, #tpu.memory_space<vmem>>) semaphore(%run_scoped3A_278 : memref<!tpu.dma_semaphore, #tpu.memory_space<semaphore_mem>>) {add = true}
      %dma_wait3A = arith.constant 384 : i32
      %dma_wait3A_288 = arith.constant 0 : i32
      %dma_wait3A_289 = tpu.memref_slice %arg8[%dma_wait3A, %dma_wait3A_288] : memref<2048x16xi32, #tpu.memory_space<vmem>> -> memref<128x16xi32, #tpu.memory_space<vmem>>
      %dma_wait3A_290 = arith.constant 0 : i32
      %dma_wait3A_291 = tpu.memref_slice %arg9[%run_scoped3A_168, %dma_wait3A_290] : memref<16x128xi32, #tpu.memory_space<vmem>> -> memref<1x128xi32, #tpu.memory_space<vmem>>
      %dma_wait3A_292 = tpu.memref_squeeze %dma_wait3A_291 : memref<1x128xi32, #tpu.memory_space<vmem>> -> memref<128xi32, #tpu.memory_space<vmem>>
      %dma_wait3A_293 = arith.constant 0 : i32
      %dma_wait3A_294 = arith.constant 0 : i32
      %dma_wait3A_295 = tpu.memref_slice %arg11[%dma_wait3A_293, %dma_wait3A_294] : memref<8192x16xi32, #tpu.memory_space<vmem_shared>> -> memref<8192x16xi32, #tpu.memory_space<vmem_shared>>
      tpu.wait_indirect_dma semaphore(%run_scoped3A_278 : memref<!tpu.dma_semaphore, #tpu.memory_space<semaphore_mem>>) src(%dma_wait3A_289 : memref<128x16xi32, #tpu.memory_space<vmem>>) dst(%dma_wait3A_295 : memref<8192x16xi32, #tpu.memory_space<vmem_shared>>)
      tpu.yield
    }) : () -> ()
    %run_scoped3A_169 = arith.constant 4 : i32
    "tpu.region"() ({
      %run_scoped3A_278 = tpu.sem_alloc : memref<!tpu.dma_semaphore, #tpu.memory_space<semaphore_mem>>
      %dma_start3A_279 = arith.constant 512 : i32
      %dma_start3A_280 = arith.constant 0 : i32
      %dma_start3A_281 = tpu.memref_slice %arg8[%dma_start3A_279, %dma_start3A_280] : memref<2048x16xi32, #tpu.memory_space<vmem>> -> memref<128x16xi32, #tpu.memory_space<vmem>>
      %dma_start3A_282 = arith.constant 0 : i32
      %dma_start3A_283 = tpu.memref_slice %arg9[%run_scoped3A_169, %dma_start3A_282] : memref<16x128xi32, #tpu.memory_space<vmem>> -> memref<1x128xi32, #tpu.memory_space<vmem>>
      %dma_start3A_284 = tpu.memref_squeeze %dma_start3A_283 : memref<1x128xi32, #tpu.memory_space<vmem>> -> memref<128xi32, #tpu.memory_space<vmem>>
      %dma_start3A_285 = arith.constant 0 : i32
      %dma_start3A_286 = arith.constant 0 : i32
      %dma_start3A_287 = tpu.memref_slice %arg11[%dma_start3A_285, %dma_start3A_286] : memref<8192x16xi32, #tpu.memory_space<vmem_shared>> -> memref<8192x16xi32, #tpu.memory_space<vmem_shared>>
      tpu.enqueue_indirect_dma source(%dma_start3A_281 : memref<128x16xi32, #tpu.memory_space<vmem>>) target(%dma_start3A_287 : memref<8192x16xi32, #tpu.memory_space<vmem_shared>>) offsets(%dma_start3A_284 : memref<128xi32, #tpu.memory_space<vmem>>) semaphore(%run_scoped3A_278 : memref<!tpu.dma_semaphore, #tpu.memory_space<semaphore_mem>>) {add = true}
      %dma_wait3A = arith.constant 512 : i32
      %dma_wait3A_288 = arith.constant 0 : i32
      %dma_wait3A_289 = tpu.memref_slice %arg8[%dma_wait3A, %dma_wait3A_288] : memref<2048x16xi32, #tpu.memory_space<vmem>> -> memref<128x16xi32, #tpu.memory_space<vmem>>
      %dma_wait3A_290 = arith.constant 0 : i32
      %dma_wait3A_291 = tpu.memref_slice %arg9[%run_scoped3A_169, %dma_wait3A_290] : memref<16x128xi32, #tpu.memory_space<vmem>> -> memref<1x128xi32, #tpu.memory_space<vmem>>
      %dma_wait3A_292 = tpu.memref_squeeze %dma_wait3A_291 : memref<1x128xi32, #tpu.memory_space<vmem>> -> memref<128xi32, #tpu.memory_space<vmem>>
      %dma_wait3A_293 = arith.constant 0 : i32
      %dma_wait3A_294 = arith.constant 0 : i32
      %dma_wait3A_295 = tpu.memref_slice %arg11[%dma_wait3A_293, %dma_wait3A_294] : memref<8192x16xi32, #tpu.memory_space<vmem_shared>> -> memref<8192x16xi32, #tpu.memory_space<vmem_shared>>
      tpu.wait_indirect_dma semaphore(%run_scoped3A_278 : memref<!tpu.dma_semaphore, #tpu.memory_space<semaphore_mem>>) src(%dma_wait3A_289 : memref<128x16xi32, #tpu.memory_space<vmem>>) dst(%dma_wait3A_295 : memref<8192x16xi32, #tpu.memory_space<vmem_shared>>)
      tpu.yield
    }) : () -> ()
    %run_scoped3A_170 = arith.constant 5 : i32
    "tpu.region"() ({
      %run_scoped3A_278 = tpu.sem_alloc : memref<!tpu.dma_semaphore, #tpu.memory_space<semaphore_mem>>
      %dma_start3A_279 = arith.constant 640 : i32
      %dma_start3A_280 = arith.constant 0 : i32
      %dma_start3A_281 = tpu.memref_slice %arg8[%dma_start3A_279, %dma_start3A_280] : memref<2048x16xi32, #tpu.memory_space<vmem>> -> memref<128x16xi32, #tpu.memory_space<vmem>>
      %dma_start3A_282 = arith.constant 0 : i32
      %dma_start3A_283 = tpu.memref_slice %arg9[%run_scoped3A_170, %dma_start3A_282] : memref<16x128xi32, #tpu.memory_space<vmem>> -> memref<1x128xi32, #tpu.memory_space<vmem>>
      %dma_start3A_284 = tpu.memref_squeeze %dma_start3A_283 : memref<1x128xi32, #tpu.memory_space<vmem>> -> memref<128xi32, #tpu.memory_space<vmem>>
      %dma_start3A_285 = arith.constant 0 : i32
      %dma_start3A_286 = arith.constant 0 : i32
      %dma_start3A_287 = tpu.memref_slice %arg11[%dma_start3A_285, %dma_start3A_286] : memref<8192x16xi32, #tpu.memory_space<vmem_shared>> -> memref<8192x16xi32, #tpu.memory_space<vmem_shared>>
      tpu.enqueue_indirect_dma source(%dma_start3A_281 : memref<128x16xi32, #tpu.memory_space<vmem>>) target(%dma_start3A_287 : memref<8192x16xi32, #tpu.memory_space<vmem_shared>>) offsets(%dma_start3A_284 : memref<128xi32, #tpu.memory_space<vmem>>) semaphore(%run_scoped3A_278 : memref<!tpu.dma_semaphore, #tpu.memory_space<semaphore_mem>>) {add = true}
      %dma_wait3A = arith.constant 640 : i32
      %dma_wait3A_288 = arith.constant 0 : i32
      %dma_wait3A_289 = tpu.memref_slice %arg8[%dma_wait3A, %dma_wait3A_288] : memref<2048x16xi32, #tpu.memory_space<vmem>> -> memref<128x16xi32, #tpu.memory_space<vmem>>
      %dma_wait3A_290 = arith.constant 0 : i32
      %dma_wait3A_291 = tpu.memref_slice %arg9[%run_scoped3A_170, %dma_wait3A_290] : memref<16x128xi32, #tpu.memory_space<vmem>> -> memref<1x128xi32, #tpu.memory_space<vmem>>
      %dma_wait3A_292 = tpu.memref_squeeze %dma_wait3A_291 : memref<1x128xi32, #tpu.memory_space<vmem>> -> memref<128xi32, #tpu.memory_space<vmem>>
      %dma_wait3A_293 = arith.constant 0 : i32
      %dma_wait3A_294 = arith.constant 0 : i32
      %dma_wait3A_295 = tpu.memref_slice %arg11[%dma_wait3A_293, %dma_wait3A_294] : memref<8192x16xi32, #tpu.memory_space<vmem_shared>> -> memref<8192x16xi32, #tpu.memory_space<vmem_shared>>
      tpu.wait_indirect_dma semaphore(%run_scoped3A_278 : memref<!tpu.dma_semaphore, #tpu.memory_space<semaphore_mem>>) src(%dma_wait3A_289 : memref<128x16xi32, #tpu.memory_space<vmem>>) dst(%dma_wait3A_295 : memref<8192x16xi32, #tpu.memory_space<vmem_shared>>)
      tpu.yield
    }) : () -> ()
    %run_scoped3A_171 = arith.constant 6 : i32
    "tpu.region"() ({
      %run_scoped3A_278 = tpu.sem_alloc : memref<!tpu.dma_semaphore, #tpu.memory_space<semaphore_mem>>
      %dma_start3A_279 = arith.constant 768 : i32
      %dma_start3A_280 = arith.constant 0 : i32
      %dma_start3A_281 = tpu.memref_slice %arg8[%dma_start3A_279, %dma_start3A_280] : memref<2048x16xi32, #tpu.memory_space<vmem>> -> memref<128x16xi32, #tpu.memory_space<vmem>>
      %dma_start3A_282 = arith.constant 0 : i32
      %dma_start3A_283 = tpu.memref_slice %arg9[%run_scoped3A_171, %dma_start3A_282] : memref<16x128xi32, #tpu.memory_space<vmem>> -> memref<1x128xi32, #tpu.memory_space<vmem>>
      %dma_start3A_284 = tpu.memref_squeeze %dma_start3A_283 : memref<1x128xi32, #tpu.memory_space<vmem>> -> memref<128xi32, #tpu.memory_space<vmem>>
      %dma_start3A_285 = arith.constant 0 : i32
      %dma_start3A_286 = arith.constant 0 : i32
      %dma_start3A_287 = tpu.memref_slice %arg11[%dma_start3A_285, %dma_start3A_286] : memref<8192x16xi32, #tpu.memory_space<vmem_shared>> -> memref<8192x16xi32, #tpu.memory_space<vmem_shared>>
      tpu.enqueue_indirect_dma source(%dma_start3A_281 : memref<128x16xi32, #tpu.memory_space<vmem>>) target(%dma_start3A_287 : memref<8192x16xi32, #tpu.memory_space<vmem_shared>>) offsets(%dma_start3A_284 : memref<128xi32, #tpu.memory_space<vmem>>) semaphore(%run_scoped3A_278 : memref<!tpu.dma_semaphore, #tpu.memory_space<semaphore_mem>>) {add = true}
      %dma_wait3A = arith.constant 768 : i32
      %dma_wait3A_288 = arith.constant 0 : i32
      %dma_wait3A_289 = tpu.memref_slice %arg8[%dma_wait3A, %dma_wait3A_288] : memref<2048x16xi32, #tpu.memory_space<vmem>> -> memref<128x16xi32, #tpu.memory_space<vmem>>
      %dma_wait3A_290 = arith.constant 0 : i32
      %dma_wait3A_291 = tpu.memref_slice %arg9[%run_scoped3A_171, %dma_wait3A_290] : memref<16x128xi32, #tpu.memory_space<vmem>> -> memref<1x128xi32, #tpu.memory_space<vmem>>
      %dma_wait3A_292 = tpu.memref_squeeze %dma_wait3A_291 : memref<1x128xi32, #tpu.memory_space<vmem>> -> memref<128xi32, #tpu.memory_space<vmem>>
      %dma_wait3A_293 = arith.constant 0 : i32
      %dma_wait3A_294 = arith.constant 0 : i32
      %dma_wait3A_295 = tpu.memref_slice %arg11[%dma_wait3A_293, %dma_wait3A_294] : memref<8192x16xi32, #tpu.memory_space<vmem_shared>> -> memref<8192x16xi32, #tpu.memory_space<vmem_shared>>
      tpu.wait_indirect_dma semaphore(%run_scoped3A_278 : memref<!tpu.dma_semaphore, #tpu.memory_space<semaphore_mem>>) src(%dma_wait3A_289 : memref<128x16xi32, #tpu.memory_space<vmem>>) dst(%dma_wait3A_295 : memref<8192x16xi32, #tpu.memory_space<vmem_shared>>)
      tpu.yield
    }) : () -> ()
    %run_scoped3A_172 = arith.constant 7 : i32
    "tpu.region"() ({
      %run_scoped3A_278 = tpu.sem_alloc : memref<!tpu.dma_semaphore, #tpu.memory_space<semaphore_mem>>
      %dma_start3A_279 = arith.constant 896 : i32
      %dma_start3A_280 = arith.constant 0 : i32
      %dma_start3A_281 = tpu.memref_slice %arg8[%dma_start3A_279, %dma_start3A_280] : memref<2048x16xi32, #tpu.memory_space<vmem>> -> memref<128x16xi32, #tpu.memory_space<vmem>>
      %dma_start3A_282 = arith.constant 0 : i32
      %dma_start3A_283 = tpu.memref_slice %arg9[%run_scoped3A_172, %dma_start3A_282] : memref<16x128xi32, #tpu.memory_space<vmem>> -> memref<1x128xi32, #tpu.memory_space<vmem>>
      %dma_start3A_284 = tpu.memref_squeeze %dma_start3A_283 : memref<1x128xi32, #tpu.memory_space<vmem>> -> memref<128xi32, #tpu.memory_space<vmem>>
      %dma_start3A_285 = arith.constant 0 : i32
      %dma_start3A_286 = arith.constant 0 : i32
      %dma_start3A_287 = tpu.memref_slice %arg11[%dma_start3A_285, %dma_start3A_286] : memref<8192x16xi32, #tpu.memory_space<vmem_shared>> -> memref<8192x16xi32, #tpu.memory_space<vmem_shared>>
      tpu.enqueue_indirect_dma source(%dma_start3A_281 : memref<128x16xi32, #tpu.memory_space<vmem>>) target(%dma_start3A_287 : memref<8192x16xi32, #tpu.memory_space<vmem_shared>>) offsets(%dma_start3A_284 : memref<128xi32, #tpu.memory_space<vmem>>) semaphore(%run_scoped3A_278 : memref<!tpu.dma_semaphore, #tpu.memory_space<semaphore_mem>>) {add = true}
      %dma_wait3A = arith.constant 896 : i32
      %dma_wait3A_288 = arith.constant 0 : i32
      %dma_wait3A_289 = tpu.memref_slice %arg8[%dma_wait3A, %dma_wait3A_288] : memref<2048x16xi32, #tpu.memory_space<vmem>> -> memref<128x16xi32, #tpu.memory_space<vmem>>
      %dma_wait3A_290 = arith.constant 0 : i32
      %dma_wait3A_291 = tpu.memref_slice %arg9[%run_scoped3A_172, %dma_wait3A_290] : memref<16x128xi32, #tpu.memory_space<vmem>> -> memref<1x128xi32, #tpu.memory_space<vmem>>
      %dma_wait3A_292 = tpu.memref_squeeze %dma_wait3A_291 : memref<1x128xi32, #tpu.memory_space<vmem>> -> memref<128xi32, #tpu.memory_space<vmem>>
      %dma_wait3A_293 = arith.constant 0 : i32
      %dma_wait3A_294 = arith.constant 0 : i32
      %dma_wait3A_295 = tpu.memref_slice %arg11[%dma_wait3A_293, %dma_wait3A_294] : memref<8192x16xi32, #tpu.memory_space<vmem_shared>> -> memref<8192x16xi32, #tpu.memory_space<vmem_shared>>
      tpu.wait_indirect_dma semaphore(%run_scoped3A_278 : memref<!tpu.dma_semaphore, #tpu.memory_space<semaphore_mem>>) src(%dma_wait3A_289 : memref<128x16xi32, #tpu.memory_space<vmem>>) dst(%dma_wait3A_295 : memref<8192x16xi32, #tpu.memory_space<vmem_shared>>)
      tpu.yield
    }) : () -> ()
    %run_scoped3A_173 = arith.constant 8 : i32
    "tpu.region"() ({
      %run_scoped3A_278 = tpu.sem_alloc : memref<!tpu.dma_semaphore, #tpu.memory_space<semaphore_mem>>
      %dma_start3A_279 = arith.constant 1024 : i32
      %dma_start3A_280 = arith.constant 0 : i32
      %dma_start3A_281 = tpu.memref_slice %arg8[%dma_start3A_279, %dma_start3A_280] : memref<2048x16xi32, #tpu.memory_space<vmem>> -> memref<128x16xi32, #tpu.memory_space<vmem>>
      %dma_start3A_282 = arith.constant 0 : i32
      %dma_start3A_283 = tpu.memref_slice %arg9[%run_scoped3A_173, %dma_start3A_282] : memref<16x128xi32, #tpu.memory_space<vmem>> -> memref<1x128xi32, #tpu.memory_space<vmem>>
      %dma_start3A_284 = tpu.memref_squeeze %dma_start3A_283 : memref<1x128xi32, #tpu.memory_space<vmem>> -> memref<128xi32, #tpu.memory_space<vmem>>
      %dma_start3A_285 = arith.constant 0 : i32
      %dma_start3A_286 = arith.constant 0 : i32
      %dma_start3A_287 = tpu.memref_slice %arg11[%dma_start3A_285, %dma_start3A_286] : memref<8192x16xi32, #tpu.memory_space<vmem_shared>> -> memref<8192x16xi32, #tpu.memory_space<vmem_shared>>
      tpu.enqueue_indirect_dma source(%dma_start3A_281 : memref<128x16xi32, #tpu.memory_space<vmem>>) target(%dma_start3A_287 : memref<8192x16xi32, #tpu.memory_space<vmem_shared>>) offsets(%dma_start3A_284 : memref<128xi32, #tpu.memory_space<vmem>>) semaphore(%run_scoped3A_278 : memref<!tpu.dma_semaphore, #tpu.memory_space<semaphore_mem>>) {add = true}
      %dma_wait3A = arith.constant 1024 : i32
      %dma_wait3A_288 = arith.constant 0 : i32
      %dma_wait3A_289 = tpu.memref_slice %arg8[%dma_wait3A, %dma_wait3A_288] : memref<2048x16xi32, #tpu.memory_space<vmem>> -> memref<128x16xi32, #tpu.memory_space<vmem>>
      %dma_wait3A_290 = arith.constant 0 : i32
      %dma_wait3A_291 = tpu.memref_slice %arg9[%run_scoped3A_173, %dma_wait3A_290] : memref<16x128xi32, #tpu.memory_space<vmem>> -> memref<1x128xi32, #tpu.memory_space<vmem>>
      %dma_wait3A_292 = tpu.memref_squeeze %dma_wait3A_291 : memref<1x128xi32, #tpu.memory_space<vmem>> -> memref<128xi32, #tpu.memory_space<vmem>>
      %dma_wait3A_293 = arith.constant 0 : i32
      %dma_wait3A_294 = arith.constant 0 : i32
      %dma_wait3A_295 = tpu.memref_slice %arg11[%dma_wait3A_293, %dma_wait3A_294] : memref<8192x16xi32, #tpu.memory_space<vmem_shared>> -> memref<8192x16xi32, #tpu.memory_space<vmem_shared>>
      tpu.wait_indirect_dma semaphore(%run_scoped3A_278 : memref<!tpu.dma_semaphore, #tpu.memory_space<semaphore_mem>>) src(%dma_wait3A_289 : memref<128x16xi32, #tpu.memory_space<vmem>>) dst(%dma_wait3A_295 : memref<8192x16xi32, #tpu.memory_space<vmem_shared>>)
      tpu.yield
    }) : () -> ()
    %run_scoped3A_174 = arith.constant 9 : i32
    "tpu.region"() ({
      %run_scoped3A_278 = tpu.sem_alloc : memref<!tpu.dma_semaphore, #tpu.memory_space<semaphore_mem>>
      %dma_start3A_279 = arith.constant 1152 : i32
      %dma_start3A_280 = arith.constant 0 : i32
      %dma_start3A_281 = tpu.memref_slice %arg8[%dma_start3A_279, %dma_start3A_280] : memref<2048x16xi32, #tpu.memory_space<vmem>> -> memref<128x16xi32, #tpu.memory_space<vmem>>
      %dma_start3A_282 = arith.constant 0 : i32
      %dma_start3A_283 = tpu.memref_slice %arg9[%run_scoped3A_174, %dma_start3A_282] : memref<16x128xi32, #tpu.memory_space<vmem>> -> memref<1x128xi32, #tpu.memory_space<vmem>>
      %dma_start3A_284 = tpu.memref_squeeze %dma_start3A_283 : memref<1x128xi32, #tpu.memory_space<vmem>> -> memref<128xi32, #tpu.memory_space<vmem>>
      %dma_start3A_285 = arith.constant 0 : i32
      %dma_start3A_286 = arith.constant 0 : i32
      %dma_start3A_287 = tpu.memref_slice %arg11[%dma_start3A_285, %dma_start3A_286] : memref<8192x16xi32, #tpu.memory_space<vmem_shared>> -> memref<8192x16xi32, #tpu.memory_space<vmem_shared>>
      tpu.enqueue_indirect_dma source(%dma_start3A_281 : memref<128x16xi32, #tpu.memory_space<vmem>>) target(%dma_start3A_287 : memref<8192x16xi32, #tpu.memory_space<vmem_shared>>) offsets(%dma_start3A_284 : memref<128xi32, #tpu.memory_space<vmem>>) semaphore(%run_scoped3A_278 : memref<!tpu.dma_semaphore, #tpu.memory_space<semaphore_mem>>) {add = true}
      %dma_wait3A = arith.constant 1152 : i32
      %dma_wait3A_288 = arith.constant 0 : i32
      %dma_wait3A_289 = tpu.memref_slice %arg8[%dma_wait3A, %dma_wait3A_288] : memref<2048x16xi32, #tpu.memory_space<vmem>> -> memref<128x16xi32, #tpu.memory_space<vmem>>
      %dma_wait3A_290 = arith.constant 0 : i32
      %dma_wait3A_291 = tpu.memref_slice %arg9[%run_scoped3A_174, %dma_wait3A_290] : memref<16x128xi32, #tpu.memory_space<vmem>> -> memref<1x128xi32, #tpu.memory_space<vmem>>
      %dma_wait3A_292 = tpu.memref_squeeze %dma_wait3A_291 : memref<1x128xi32, #tpu.memory_space<vmem>> -> memref<128xi32, #tpu.memory_space<vmem>>
      %dma_wait3A_293 = arith.constant 0 : i32
      %dma_wait3A_294 = arith.constant 0 : i32
      %dma_wait3A_295 = tpu.memref_slice %arg11[%dma_wait3A_293, %dma_wait3A_294] : memref<8192x16xi32, #tpu.memory_space<vmem_shared>> -> memref<8192x16xi32, #tpu.memory_space<vmem_shared>>
      tpu.wait_indirect_dma semaphore(%run_scoped3A_278 : memref<!tpu.dma_semaphore, #tpu.memory_space<semaphore_mem>>) src(%dma_wait3A_289 : memref<128x16xi32, #tpu.memory_space<vmem>>) dst(%dma_wait3A_295 : memref<8192x16xi32, #tpu.memory_space<vmem_shared>>)
      tpu.yield
    }) : () -> ()
    %run_scoped3A_175 = arith.constant 10 : i32
    "tpu.region"() ({
      %run_scoped3A_278 = tpu.sem_alloc : memref<!tpu.dma_semaphore, #tpu.memory_space<semaphore_mem>>
      %dma_start3A_279 = arith.constant 1280 : i32
      %dma_start3A_280 = arith.constant 0 : i32
      %dma_start3A_281 = tpu.memref_slice %arg8[%dma_start3A_279, %dma_start3A_280] : memref<2048x16xi32, #tpu.memory_space<vmem>> -> memref<128x16xi32, #tpu.memory_space<vmem>>
      %dma_start3A_282 = arith.constant 0 : i32
      %dma_start3A_283 = tpu.memref_slice %arg9[%run_scoped3A_175, %dma_start3A_282] : memref<16x128xi32, #tpu.memory_space<vmem>> -> memref<1x128xi32, #tpu.memory_space<vmem>>
      %dma_start3A_284 = tpu.memref_squeeze %dma_start3A_283 : memref<1x128xi32, #tpu.memory_space<vmem>> -> memref<128xi32, #tpu.memory_space<vmem>>
      %dma_start3A_285 = arith.constant 0 : i32
      %dma_start3A_286 = arith.constant 0 : i32
      %dma_start3A_287 = tpu.memref_slice %arg11[%dma_start3A_285, %dma_start3A_286] : memref<8192x16xi32, #tpu.memory_space<vmem_shared>> -> memref<8192x16xi32, #tpu.memory_space<vmem_shared>>
      tpu.enqueue_indirect_dma source(%dma_start3A_281 : memref<128x16xi32, #tpu.memory_space<vmem>>) target(%dma_start3A_287 : memref<8192x16xi32, #tpu.memory_space<vmem_shared>>) offsets(%dma_start3A_284 : memref<128xi32, #tpu.memory_space<vmem>>) semaphore(%run_scoped3A_278 : memref<!tpu.dma_semaphore, #tpu.memory_space<semaphore_mem>>) {add = true}
      %dma_wait3A = arith.constant 1280 : i32
      %dma_wait3A_288 = arith.constant 0 : i32
      %dma_wait3A_289 = tpu.memref_slice %arg8[%dma_wait3A, %dma_wait3A_288] : memref<2048x16xi32, #tpu.memory_space<vmem>> -> memref<128x16xi32, #tpu.memory_space<vmem>>
      %dma_wait3A_290 = arith.constant 0 : i32
      %dma_wait3A_291 = tpu.memref_slice %arg9[%run_scoped3A_175, %dma_wait3A_290] : memref<16x128xi32, #tpu.memory_space<vmem>> -> memref<1x128xi32, #tpu.memory_space<vmem>>
      %dma_wait3A_292 = tpu.memref_squeeze %dma_wait3A_291 : memref<1x128xi32, #tpu.memory_space<vmem>> -> memref<128xi32, #tpu.memory_space<vmem>>
      %dma_wait3A_293 = arith.constant 0 : i32
      %dma_wait3A_294 = arith.constant 0 : i32
      %dma_wait3A_295 = tpu.memref_slice %arg11[%dma_wait3A_293, %dma_wait3A_294] : memref<8192x16xi32, #tpu.memory_space<vmem_shared>> -> memref<8192x16xi32, #tpu.memory_space<vmem_shared>>
      tpu.wait_indirect_dma semaphore(%run_scoped3A_278 : memref<!tpu.dma_semaphore, #tpu.memory_space<semaphore_mem>>) src(%dma_wait3A_289 : memref<128x16xi32, #tpu.memory_space<vmem>>) dst(%dma_wait3A_295 : memref<8192x16xi32, #tpu.memory_space<vmem_shared>>)
      tpu.yield
    }) : () -> ()
    %run_scoped3A_176 = arith.constant 11 : i32
    "tpu.region"() ({
      %run_scoped3A_278 = tpu.sem_alloc : memref<!tpu.dma_semaphore, #tpu.memory_space<semaphore_mem>>
      %dma_start3A_279 = arith.constant 1408 : i32
      %dma_start3A_280 = arith.constant 0 : i32
      %dma_start3A_281 = tpu.memref_slice %arg8[%dma_start3A_279, %dma_start3A_280] : memref<2048x16xi32, #tpu.memory_space<vmem>> -> memref<128x16xi32, #tpu.memory_space<vmem>>
      %dma_start3A_282 = arith.constant 0 : i32
      %dma_start3A_283 = tpu.memref_slice %arg9[%run_scoped3A_176, %dma_start3A_282] : memref<16x128xi32, #tpu.memory_space<vmem>> -> memref<1x128xi32, #tpu.memory_space<vmem>>
      %dma_start3A_284 = tpu.memref_squeeze %dma_start3A_283 : memref<1x128xi32, #tpu.memory_space<vmem>> -> memref<128xi32, #tpu.memory_space<vmem>>
      %dma_start3A_285 = arith.constant 0 : i32
      %dma_start3A_286 = arith.constant 0 : i32
      %dma_start3A_287 = tpu.memref_slice %arg11[%dma_start3A_285, %dma_start3A_286] : memref<8192x16xi32, #tpu.memory_space<vmem_shared>> -> memref<8192x16xi32, #tpu.memory_space<vmem_shared>>
      tpu.enqueue_indirect_dma source(%dma_start3A_281 : memref<128x16xi32, #tpu.memory_space<vmem>>) target(%dma_start3A_287 : memref<8192x16xi32, #tpu.memory_space<vmem_shared>>) offsets(%dma_start3A_284 : memref<128xi32, #tpu.memory_space<vmem>>) semaphore(%run_scoped3A_278 : memref<!tpu.dma_semaphore, #tpu.memory_space<semaphore_mem>>) {add = true}
      %dma_wait3A = arith.constant 1408 : i32
      %dma_wait3A_288 = arith.constant 0 : i32
      %dma_wait3A_289 = tpu.memref_slice %arg8[%dma_wait3A, %dma_wait3A_288] : memref<2048x16xi32, #tpu.memory_space<vmem>> -> memref<128x16xi32, #tpu.memory_space<vmem>>
      %dma_wait3A_290 = arith.constant 0 : i32
      %dma_wait3A_291 = tpu.memref_slice %arg9[%run_scoped3A_176, %dma_wait3A_290] : memref<16x128xi32, #tpu.memory_space<vmem>> -> memref<1x128xi32, #tpu.memory_space<vmem>>
      %dma_wait3A_292 = tpu.memref_squeeze %dma_wait3A_291 : memref<1x128xi32, #tpu.memory_space<vmem>> -> memref<128xi32, #tpu.memory_space<vmem>>
      %dma_wait3A_293 = arith.constant 0 : i32
      %dma_wait3A_294 = arith.constant 0 : i32
      %dma_wait3A_295 = tpu.memref_slice %arg11[%dma_wait3A_293, %dma_wait3A_294] : memref<8192x16xi32, #tpu.memory_space<vmem_shared>> -> memref<8192x16xi32, #tpu.memory_space<vmem_shared>>
      tpu.wait_indirect_dma semaphore(%run_scoped3A_278 : memref<!tpu.dma_semaphore, #tpu.memory_space<semaphore_mem>>) src(%dma_wait3A_289 : memref<128x16xi32, #tpu.memory_space<vmem>>) dst(%dma_wait3A_295 : memref<8192x16xi32, #tpu.memory_space<vmem_shared>>)
      tpu.yield
    }) : () -> ()
    %run_scoped3A_177 = arith.constant 12 : i32
    "tpu.region"() ({
      %run_scoped3A_278 = tpu.sem_alloc : memref<!tpu.dma_semaphore, #tpu.memory_space<semaphore_mem>>
      %dma_start3A_279 = arith.constant 1536 : i32
      %dma_start3A_280 = arith.constant 0 : i32
      %dma_start3A_281 = tpu.memref_slice %arg8[%dma_start3A_279, %dma_start3A_280] : memref<2048x16xi32, #tpu.memory_space<vmem>> -> memref<128x16xi32, #tpu.memory_space<vmem>>
      %dma_start3A_282 = arith.constant 0 : i32
      %dma_start3A_283 = tpu.memref_slice %arg9[%run_scoped3A_177, %dma_start3A_282] : memref<16x128xi32, #tpu.memory_space<vmem>> -> memref<1x128xi32, #tpu.memory_space<vmem>>
      %dma_start3A_284 = tpu.memref_squeeze %dma_start3A_283 : memref<1x128xi32, #tpu.memory_space<vmem>> -> memref<128xi32, #tpu.memory_space<vmem>>
      %dma_start3A_285 = arith.constant 0 : i32
      %dma_start3A_286 = arith.constant 0 : i32
      %dma_start3A_287 = tpu.memref_slice %arg11[%dma_start3A_285, %dma_start3A_286] : memref<8192x16xi32, #tpu.memory_space<vmem_shared>> -> memref<8192x16xi32, #tpu.memory_space<vmem_shared>>
      tpu.enqueue_indirect_dma source(%dma_start3A_281 : memref<128x16xi32, #tpu.memory_space<vmem>>) target(%dma_start3A_287 : memref<8192x16xi32, #tpu.memory_space<vmem_shared>>) offsets(%dma_start3A_284 : memref<128xi32, #tpu.memory_space<vmem>>) semaphore(%run_scoped3A_278 : memref<!tpu.dma_semaphore, #tpu.memory_space<semaphore_mem>>) {add = true}
      %dma_wait3A = arith.constant 1536 : i32
      %dma_wait3A_288 = arith.constant 0 : i32
      %dma_wait3A_289 = tpu.memref_slice %arg8[%dma_wait3A, %dma_wait3A_288] : memref<2048x16xi32, #tpu.memory_space<vmem>> -> memref<128x16xi32, #tpu.memory_space<vmem>>
      %dma_wait3A_290 = arith.constant 0 : i32
      %dma_wait3A_291 = tpu.memref_slice %arg9[%run_scoped3A_177, %dma_wait3A_290] : memref<16x128xi32, #tpu.memory_space<vmem>> -> memref<1x128xi32, #tpu.memory_space<vmem>>
      %dma_wait3A_292 = tpu.memref_squeeze %dma_wait3A_291 : memref<1x128xi32, #tpu.memory_space<vmem>> -> memref<128xi32, #tpu.memory_space<vmem>>
      %dma_wait3A_293 = arith.constant 0 : i32
      %dma_wait3A_294 = arith.constant 0 : i32
      %dma_wait3A_295 = tpu.memref_slice %arg11[%dma_wait3A_293, %dma_wait3A_294] : memref<8192x16xi32, #tpu.memory_space<vmem_shared>> -> memref<8192x16xi32, #tpu.memory_space<vmem_shared>>
      tpu.wait_indirect_dma semaphore(%run_scoped3A_278 : memref<!tpu.dma_semaphore, #tpu.memory_space<semaphore_mem>>) src(%dma_wait3A_289 : memref<128x16xi32, #tpu.memory_space<vmem>>) dst(%dma_wait3A_295 : memref<8192x16xi32, #tpu.memory_space<vmem_shared>>)
      tpu.yield
    }) : () -> ()
    %run_scoped3A_178 = arith.constant 13 : i32
    "tpu.region"() ({
      %run_scoped3A_278 = tpu.sem_alloc : memref<!tpu.dma_semaphore, #tpu.memory_space<semaphore_mem>>
      %dma_start3A_279 = arith.constant 1664 : i32
      %dma_start3A_280 = arith.constant 0 : i32
      %dma_start3A_281 = tpu.memref_slice %arg8[%dma_start3A_279, %dma_start3A_280] : memref<2048x16xi32, #tpu.memory_space<vmem>> -> memref<128x16xi32, #tpu.memory_space<vmem>>
      %dma_start3A_282 = arith.constant 0 : i32
      %dma_start3A_283 = tpu.memref_slice %arg9[%run_scoped3A_178, %dma_start3A_282] : memref<16x128xi32, #tpu.memory_space<vmem>> -> memref<1x128xi32, #tpu.memory_space<vmem>>
      %dma_start3A_284 = tpu.memref_squeeze %dma_start3A_283 : memref<1x128xi32, #tpu.memory_space<vmem>> -> memref<128xi32, #tpu.memory_space<vmem>>
      %dma_start3A_285 = arith.constant 0 : i32
      %dma_start3A_286 = arith.constant 0 : i32
      %dma_start3A_287 = tpu.memref_slice %arg11[%dma_start3A_285, %dma_start3A_286] : memref<8192x16xi32, #tpu.memory_space<vmem_shared>> -> memref<8192x16xi32, #tpu.memory_space<vmem_shared>>
      tpu.enqueue_indirect_dma source(%dma_start3A_281 : memref<128x16xi32, #tpu.memory_space<vmem>>) target(%dma_start3A_287 : memref<8192x16xi32, #tpu.memory_space<vmem_shared>>) offsets(%dma_start3A_284 : memref<128xi32, #tpu.memory_space<vmem>>) semaphore(%run_scoped3A_278 : memref<!tpu.dma_semaphore, #tpu.memory_space<semaphore_mem>>) {add = true}
      %dma_wait3A = arith.constant 1664 : i32
      %dma_wait3A_288 = arith.constant 0 : i32
      %dma_wait3A_289 = tpu.memref_slice %arg8[%dma_wait3A, %dma_wait3A_288] : memref<2048x16xi32, #tpu.memory_space<vmem>> -> memref<128x16xi32, #tpu.memory_space<vmem>>
      %dma_wait3A_290 = arith.constant 0 : i32
      %dma_wait3A_291 = tpu.memref_slice %arg9[%run_scoped3A_178, %dma_wait3A_290] : memref<16x128xi32, #tpu.memory_space<vmem>> -> memref<1x128xi32, #tpu.memory_space<vmem>>
      %dma_wait3A_292 = tpu.memref_squeeze %dma_wait3A_291 : memref<1x128xi32, #tpu.memory_space<vmem>> -> memref<128xi32, #tpu.memory_space<vmem>>
      %dma_wait3A_293 = arith.constant 0 : i32
      %dma_wait3A_294 = arith.constant 0 : i32
      %dma_wait3A_295 = tpu.memref_slice %arg11[%dma_wait3A_293, %dma_wait3A_294] : memref<8192x16xi32, #tpu.memory_space<vmem_shared>> -> memref<8192x16xi32, #tpu.memory_space<vmem_shared>>
      tpu.wait_indirect_dma semaphore(%run_scoped3A_278 : memref<!tpu.dma_semaphore, #tpu.memory_space<semaphore_mem>>) src(%dma_wait3A_289 : memref<128x16xi32, #tpu.memory_space<vmem>>) dst(%dma_wait3A_295 : memref<8192x16xi32, #tpu.memory_space<vmem_shared>>)
      tpu.yield
    }) : () -> ()
    %run_scoped3A_179 = arith.constant 14 : i32
    "tpu.region"() ({
      %run_scoped3A_278 = tpu.sem_alloc : memref<!tpu.dma_semaphore, #tpu.memory_space<semaphore_mem>>
      %dma_start3A_279 = arith.constant 1792 : i32
      %dma_start3A_280 = arith.constant 0 : i32
      %dma_start3A_281 = tpu.memref_slice %arg8[%dma_start3A_279, %dma_start3A_280] : memref<2048x16xi32, #tpu.memory_space<vmem>> -> memref<128x16xi32, #tpu.memory_space<vmem>>
      %dma_start3A_282 = arith.constant 0 : i32
      %dma_start3A_283 = tpu.memref_slice %arg9[%run_scoped3A_179, %dma_start3A_282] : memref<16x128xi32, #tpu.memory_space<vmem>> -> memref<1x128xi32, #tpu.memory_space<vmem>>
      %dma_start3A_284 = tpu.memref_squeeze %dma_start3A_283 : memref<1x128xi32, #tpu.memory_space<vmem>> -> memref<128xi32, #tpu.memory_space<vmem>>
      %dma_start3A_285 = arith.constant 0 : i32
      %dma_start3A_286 = arith.constant 0 : i32
      %dma_start3A_287 = tpu.memref_slice %arg11[%dma_start3A_285, %dma_start3A_286] : memref<8192x16xi32, #tpu.memory_space<vmem_shared>> -> memref<8192x16xi32, #tpu.memory_space<vmem_shared>>
      tpu.enqueue_indirect_dma source(%dma_start3A_281 : memref<128x16xi32, #tpu.memory_space<vmem>>) target(%dma_start3A_287 : memref<8192x16xi32, #tpu.memory_space<vmem_shared>>) offsets(%dma_start3A_284 : memref<128xi32, #tpu.memory_space<vmem>>) semaphore(%run_scoped3A_278 : memref<!tpu.dma_semaphore, #tpu.memory_space<semaphore_mem>>) {add = true}
      %dma_wait3A = arith.constant 1792 : i32
      %dma_wait3A_288 = arith.constant 0 : i32
      %dma_wait3A_289 = tpu.memref_slice %arg8[%dma_wait3A, %dma_wait3A_288] : memref<2048x16xi32, #tpu.memory_space<vmem>> -> memref<128x16xi32, #tpu.memory_space<vmem>>
      %dma_wait3A_290 = arith.constant 0 : i32
      %dma_wait3A_291 = tpu.memref_slice %arg9[%run_scoped3A_179, %dma_wait3A_290] : memref<16x128xi32, #tpu.memory_space<vmem>> -> memref<1x128xi32, #tpu.memory_space<vmem>>
      %dma_wait3A_292 = tpu.memref_squeeze %dma_wait3A_291 : memref<1x128xi32, #tpu.memory_space<vmem>> -> memref<128xi32, #tpu.memory_space<vmem>>
      %dma_wait3A_293 = arith.constant 0 : i32
      %dma_wait3A_294 = arith.constant 0 : i32
      %dma_wait3A_295 = tpu.memref_slice %arg11[%dma_wait3A_293, %dma_wait3A_294] : memref<8192x16xi32, #tpu.memory_space<vmem_shared>> -> memref<8192x16xi32, #tpu.memory_space<vmem_shared>>
      tpu.wait_indirect_dma semaphore(%run_scoped3A_278 : memref<!tpu.dma_semaphore, #tpu.memory_space<semaphore_mem>>) src(%dma_wait3A_289 : memref<128x16xi32, #tpu.memory_space<vmem>>) dst(%dma_wait3A_295 : memref<8192x16xi32, #tpu.memory_space<vmem_shared>>)
      tpu.yield
    }) : () -> ()
    %run_scoped3A_180 = arith.constant 15 : i32
    "tpu.region"() ({
      %run_scoped3A_278 = tpu.sem_alloc : memref<!tpu.dma_semaphore, #tpu.memory_space<semaphore_mem>>
      %dma_start3A_279 = arith.constant 1920 : i32
      %dma_start3A_280 = arith.constant 0 : i32
      %dma_start3A_281 = tpu.memref_slice %arg8[%dma_start3A_279, %dma_start3A_280] : memref<2048x16xi32, #tpu.memory_space<vmem>> -> memref<128x16xi32, #tpu.memory_space<vmem>>
      %dma_start3A_282 = arith.constant 0 : i32
      %dma_start3A_283 = tpu.memref_slice %arg9[%run_scoped3A_180, %dma_start3A_282] : memref<16x128xi32, #tpu.memory_space<vmem>> -> memref<1x128xi32, #tpu.memory_space<vmem>>
      %dma_start3A_284 = tpu.memref_squeeze %dma_start3A_283 : memref<1x128xi32, #tpu.memory_space<vmem>> -> memref<128xi32, #tpu.memory_space<vmem>>
      %dma_start3A_285 = arith.constant 0 : i32
      %dma_start3A_286 = arith.constant 0 : i32
      %dma_start3A_287 = tpu.memref_slice %arg11[%dma_start3A_285, %dma_start3A_286] : memref<8192x16xi32, #tpu.memory_space<vmem_shared>> -> memref<8192x16xi32, #tpu.memory_space<vmem_shared>>
      tpu.enqueue_indirect_dma source(%dma_start3A_281 : memref<128x16xi32, #tpu.memory_space<vmem>>) target(%dma_start3A_287 : memref<8192x16xi32, #tpu.memory_space<vmem_shared>>) offsets(%dma_start3A_284 : memref<128xi32, #tpu.memory_space<vmem>>) semaphore(%run_scoped3A_278 : memref<!tpu.dma_semaphore, #tpu.memory_space<semaphore_mem>>) {add = true}
      %dma_wait3A = arith.constant 1920 : i32
      %dma_wait3A_288 = arith.constant 0 : i32
      %dma_wait3A_289 = tpu.memref_slice %arg8[%dma_wait3A, %dma_wait3A_288] : memref<2048x16xi32, #tpu.memory_space<vmem>> -> memref<128x16xi32, #tpu.memory_space<vmem>>
      %dma_wait3A_290 = arith.constant 0 : i32
      %dma_wait3A_291 = tpu.memref_slice %arg9[%run_scoped3A_180, %dma_wait3A_290] : memref<16x128xi32, #tpu.memory_space<vmem>> -> memref<1x128xi32, #tpu.memory_space<vmem>>
      %dma_wait3A_292 = tpu.memref_squeeze %dma_wait3A_291 : memref<1x128xi32, #tpu.memory_space<vmem>> -> memref<128xi32, #tpu.memory_space<vmem>>
      %dma_wait3A_293 = arith.constant 0 : i32
      %dma_wait3A_294 = arith.constant 0 : i32
      %dma_wait3A_295 = tpu.memref_slice %arg11[%dma_wait3A_293, %dma_wait3A_294] : memref<8192x16xi32, #tpu.memory_space<vmem_shared>> -> memref<8192x16xi32, #tpu.memory_space<vmem_shared>>
      tpu.wait_indirect_dma semaphore(%run_scoped3A_278 : memref<!tpu.dma_semaphore, #tpu.memory_space<semaphore_mem>>) src(%dma_wait3A_289 : memref<128x16xi32, #tpu.memory_space<vmem>>) dst(%dma_wait3A_295 : memref<8192x16xi32, #tpu.memory_space<vmem_shared>>)
      tpu.yield
    }) : () -> ()
    %barrier3A_181 = arith.constant 0 : index
    tpu.barrier barrier_id(%barrier3A_181)
    %mul3A_182 = arith.constant 2048 : i32
    %mul3A_183 = arith.muli %select_n3A, %mul3A_182 : i32
    "tpu.region"() ({
      %run_scoped3A_278 = tpu.sem_alloc : memref<!tpu.dma_semaphore, #tpu.memory_space<semaphore_mem>>
      %dma_start3A_279 = arith.constant 0 : i32
      %dma_start3A_280 = tpu.memref_slice %arg11[%mul3A_183, %dma_start3A_279] : memref<8192x16xi32, #tpu.memory_space<vmem_shared>> -> memref<2048x16xi32, #tpu.memory_space<vmem_shared>>
      %dma_start3A_281 = arith.constant 0 : i32
      %dma_start3A_282 = tpu.memref_slice %arg11[%mul3A_183, %dma_start3A_281] : memref<8192x16xi32, #tpu.memory_space<vmem_shared>> -> memref<2048x16xi32, #tpu.memory_space<vmem_shared>>
      tpu.enqueue_dma source(%dma_start3A_282 : memref<2048x16xi32, #tpu.memory_space<vmem_shared>>) target(%arg8 : memref<2048x16xi32, #tpu.memory_space<vmem>>) target_semaphore(%run_scoped3A_278 : memref<!tpu.dma_semaphore, #tpu.memory_space<semaphore_mem>>)
      %dma_wait3A = arith.constant 0 : i32
      %dma_wait3A_283 = tpu.memref_slice %arg11[%mul3A_183, %dma_wait3A] : memref<8192x16xi32, #tpu.memory_space<vmem_shared>> -> memref<2048x16xi32, #tpu.memory_space<vmem_shared>>
      %dma_wait3A_284 = arith.constant 0 : i32
      %dma_wait3A_285 = tpu.memref_slice %arg11[%mul3A_183, %dma_wait3A_284] : memref<8192x16xi32, #tpu.memory_space<vmem_shared>> -> memref<2048x16xi32, #tpu.memory_space<vmem_shared>>
      tpu.wait_dma2 semaphore(%run_scoped3A_278 : memref<!tpu.dma_semaphore, #tpu.memory_space<semaphore_mem>>) src(%dma_wait3A_285 : memref<2048x16xi32, #tpu.memory_space<vmem_shared>>) dst(%arg8 : memref<2048x16xi32, #tpu.memory_space<vmem>>)
      tpu.yield
    }) : () -> ()
    %barrier3A_184 = arith.constant 0 : index
    tpu.barrier barrier_id(%barrier3A_184)
    %scan3A_185 = arith.constant 0 : i32
    %scan3A_186 = arith.constant false
    %scan3A_187 = arith.constant 0 : i32
    %scan3A_188 = arith.constant 0 : i32
    %scan3A_189 = arith.constant 2048 : i32
    %scan3A_190 = arith.addi %scan3A_188, %scan3A_189 : i32
    %scan3A_191 = arith.constant 1 : i32
    %scan3A_192:4 = scf.for %scan3A_278 = %scan3A_188 to %scan3A_190 step %scan3A_191 iter_args(%scan3A_279 = %scan3A_185, %scan3A_280 = %scan3A_186, %scan3A_281 = %scan3A_187, %scan3A_282 = %scan3A_114#3) -> (i32, i1, i32, i32)  : i32 {
      %sub3A_283 = arith.constant 2047 : i32
      %sub3A_284 = arith.subi %sub3A_283, %scan3A_278 : i32
      %get3A = arith.index_cast %sub3A_284 : i32 to index
      %get3A_285 = arith.constant 0 : index
      %get3A_286 = tpu.vector_load %arg8[%get3A, %get3A_285] {strides = array<i32>} : memref<2048x16xi32, #tpu.memory_space<vmem>>, vector<16xi32>,
      %reduce_sum3A = arith.constant true
      %reduce_sum3A_287 = vector.broadcast %reduce_sum3A : i1 to vector<16xi1>
      %reduce_sum3A_288 = tpu.scan <sum>, %get3A_286 masked %reduce_sum3A_287 : vector<16xi32>, vector<16xi1> -> vector<16xi32>
      %reduce_sum3A_289 = vector.extract %reduce_sum3A_288[15] : i32 from vector<16xi32>
      %add3A_290 = arith.addi %scan3A_279, %reduce_sum3A_289 : i32
      %ge3A = arith.cmpi sge, %add3A_290, %scan3A_114#3 : i32
      %not3A = arith.constant true
      %not3A_291 = arith.xori %scan3A_280, %not3A : i1
      %and3A_292 = arith.andi %ge3A, %not3A_291 : i1
      %select_n3A_293 = arith.select %and3A_292, %sub3A_284, %scan3A_281 : i32
      %sub3A_294 = arith.subi %scan3A_114#3, %scan3A_279 : i32
      %select_n3A_295 = arith.select %and3A_292, %sub3A_294, %scan3A_282 : i32
      %or3A_296 = arith.ori %scan3A_280, %ge3A : i1
      scf.yield %add3A_290, %or3A_296, %select_n3A_293, %select_n3A_295 : i32, i1, i32, i32
    }
    %scan3A_193 = arith.constant 2048 : i32
    %shift_left3A_194 = arith.constant 11 : i32
    %shift_left3A_195 = arith.shli %or3A, %shift_left3A_194 : i32
    %or3A_196 = arith.ori %shift_left3A_195, %scan3A_192#2 : i32
    %scan3A_197 = arith.constant 0 : i32
    %scan3A_198 = arith.constant 0 : i32
    %scan3A_199 = arith.constant 2048 : i32
    %scan3A_200 = arith.addi %scan3A_198, %scan3A_199 : i32
    %scan3A_201 = arith.constant 1 : i32
    %scan3A_202 = scf.for %scan3A_278 = %scan3A_198 to %scan3A_200 step %scan3A_201 iter_args(%scan3A_279 = %scan3A_197) -> (i32)  : i32 {
      %swap3A = arith.index_cast %scan3A_278 : i32 to index
      %swap3A_280 = arith.constant 0 : index
      %swap3A_281 = tpu.vector_load %arg8[%swap3A, %swap3A_280] {strides = array<i32>} : memref<2048x16xi32, #tpu.memory_space<vmem>>, vector<16xi32>,
      tpu.vector_store %arg8[%swap3A, %swap3A_280], %broadcast_in_dim3A_35 {strides = array<i32>} : memref<2048x16xi32, #tpu.memory_space<vmem>>, vector<16xi32>,
      %scan3A_282 = arith.constant 0 : i32
      scf.yield %scan3A_282 : i32
    }
    %scan3A_203 = arith.constant 2048 : i32
    %mul3A_204 = arith.constant 512 : i32
    %mul3A_205 = arith.muli %arg1, %mul3A_204 : i32
    "tpu.region"() ({
      %run_scoped3A_278 = tpu.sem_alloc : memref<!tpu.dma_semaphore, #tpu.memory_space<semaphore_mem>>
      %dma_start3A_279 = arith.constant 0 : i32
      %dma_start3A_280 = arith.constant 0 : i32
      %dma_start3A_281 = tpu.memref_slice %arg8[%dma_start3A_279, %dma_start3A_280] : memref<2048x16xi32, #tpu.memory_space<vmem>> -> memref<512x16xi32, #tpu.memory_space<vmem>>
      %dma_start3A_282 = arith.constant 0 : i32
      %dma_start3A_283 = tpu.memref_slice %arg11[%mul3A_205, %dma_start3A_282] : memref<8192x16xi32, #tpu.memory_space<vmem_shared>> -> memref<512x16xi32, #tpu.memory_space<vmem_shared>>
      %dma_start3A_284 = arith.constant 0 : i32
      %dma_start3A_285 = tpu.memref_slice %arg11[%mul3A_205, %dma_start3A_284] : memref<8192x16xi32, #tpu.memory_space<vmem_shared>> -> memref<512x16xi32, #tpu.memory_space<vmem_shared>>
      %dma_start3A_286 = arith.constant 0 : i32
      %dma_start3A_287 = arith.constant 0 : i32
      %dma_start3A_288 = tpu.memref_slice %arg8[%dma_start3A_286, %dma_start3A_287] : memref<2048x16xi32, #tpu.memory_space<vmem>> -> memref<512x16xi32, #tpu.memory_space<vmem>>
      tpu.enqueue_dma source(%dma_start3A_288 : memref<512x16xi32, #tpu.memory_space<vmem>>) target(%dma_start3A_285 : memref<512x16xi32, #tpu.memory_space<vmem_shared>>) target_semaphore(%run_scoped3A_278 : memref<!tpu.dma_semaphore, #tpu.memory_space<semaphore_mem>>)
      %dma_wait3A = arith.constant 0 : i32
      %dma_wait3A_289 = arith.constant 0 : i32
      %dma_wait3A_290 = tpu.memref_slice %arg8[%dma_wait3A, %dma_wait3A_289] : memref<2048x16xi32, #tpu.memory_space<vmem>> -> memref<512x16xi32, #tpu.memory_space<vmem>>
      %dma_wait3A_291 = arith.constant 0 : i32
      %dma_wait3A_292 = tpu.memref_slice %arg11[%mul3A_205, %dma_wait3A_291] : memref<8192x16xi32, #tpu.memory_space<vmem_shared>> -> memref<512x16xi32, #tpu.memory_space<vmem_shared>>
      %dma_wait3A_293 = arith.constant 0 : i32
      %dma_wait3A_294 = tpu.memref_slice %arg11[%mul3A_205, %dma_wait3A_293] : memref<8192x16xi32, #tpu.memory_space<vmem_shared>> -> memref<512x16xi32, #tpu.memory_space<vmem_shared>>
      %dma_wait3A_295 = arith.constant 0 : i32
      %dma_wait3A_296 = arith.constant 0 : i32
      %dma_wait3A_297 = tpu.memref_slice %arg8[%dma_wait3A_295, %dma_wait3A_296] : memref<2048x16xi32, #tpu.memory_space<vmem>> -> memref<512x16xi32, #tpu.memory_space<vmem>>
      tpu.wait_dma2 semaphore(%run_scoped3A_278 : memref<!tpu.dma_semaphore, #tpu.memory_space<semaphore_mem>>) src(%dma_wait3A_297 : memref<512x16xi32, #tpu.memory_space<vmem>>) dst(%dma_wait3A_294 : memref<512x16xi32, #tpu.memory_space<vmem_shared>>)
      tpu.yield
    }) : () -> ()
    %barrier3A_206 = arith.constant 0 : index
    tpu.barrier barrier_id(%barrier3A_206)
    %broadcast_in_dim3A_207 = arith.constant 0 : i32
    %broadcast_in_dim3A_208 = vector.broadcast %broadcast_in_dim3A_207 : i32 to vector<16xi32>
    %broadcast_in_dim3A_209 = arith.constant 1023 : i32
    %broadcast_in_dim3A_210 = vector.broadcast %broadcast_in_dim3A_209 : i32 to vector<16xi32>
    %broadcast_in_dim3A_211 = arith.constant 1024 : i32
    %broadcast_in_dim3A_212 = vector.broadcast %broadcast_in_dim3A_211 : i32 to vector<16xi32>
    %shift_left3A_213 = arith.constant 10 : i32
    %shift_left3A_214 = arith.shli %or3A_196, %shift_left3A_213 : i32
    %broadcast_in_dim3A_215 = vector.broadcast %shift_left3A_214 : i32 to vector<16xi32>
    %mul3A_216 = arith.constant 24 : i32
    %mul3A_217 = arith.muli %select_n3A_28, %mul3A_216 : i32
    %add3A_218 = arith.constant 0 : i32
    %add3A_219 = arith.addi %mul3A_217, %add3A_218 : i32
    %dma_start3A_220 = arith.constant 0 : i32
    %dma_start3A_221 = tpu.memref_slice %arg2[%add3A_32, %add3A_219, %dma_start3A_220] : memref<8x96x50176xf32, #tpu.memory_space<hbm>> -> memref<1x1x12544xf32, #tpu.memory_space<hbm>>
    %dma_start3A_222 = tpu.memref_squeeze %dma_start3A_221 : memref<1x1x12544xf32, #tpu.memory_space<hbm>> -> memref<12544xf32, #tpu.memory_space<hbm>>
    %dma_start3A_223 = arith.constant 0 : i32
    %dma_start3A_224 = tpu.memref_slice %arg2[%add3A_32, %add3A_219, %dma_start3A_223] : memref<8x96x50176xf32, #tpu.memory_space<hbm>> -> memref<1x1x12544xf32, #tpu.memory_space<hbm>>
    %dma_start3A_225 = tpu.memref_squeeze %dma_start3A_224 : memref<1x1x12544xf32, #tpu.memory_space<hbm>> -> memref<12544xf32, #tpu.memory_space<hbm>>
    tpu.enqueue_dma source(%dma_start3A_225 : memref<12544xf32, #tpu.memory_space<hbm>>) target(%arg6 : memref<12544xf32, #tpu.memory_space<vmem>>) target_semaphore(%arg12 : memref<!tpu.dma_semaphore, #tpu.memory_space<semaphore_mem>>)
    %mul3A_226 = arith.constant 24 : i32
    %mul3A_227 = arith.muli %select_n3A_28, %mul3A_226 : i32
    %add3A_228 = arith.constant 0 : i32
    %add3A_229 = arith.addi %mul3A_227, %add3A_228 : i32
    %dma_start3A_230 = arith.constant 12544 : i32
    %dma_start3A_231 = tpu.memref_slice %arg2[%add3A_32, %add3A_229, %dma_start3A_230] : memref<8x96x50176xf32, #tpu.memory_space<hbm>> -> memref<1x1x12544xf32, #tpu.memory_space<hbm>>
    %dma_start3A_232 = tpu.memref_squeeze %dma_start3A_231 : memref<1x1x12544xf32, #tpu.memory_space<hbm>> -> memref<12544xf32, #tpu.memory_space<hbm>>
    %dma_start3A_233 = arith.constant 12544 : i32
    %dma_start3A_234 = tpu.memref_slice %arg2[%add3A_32, %add3A_229, %dma_start3A_233] : memref<8x96x50176xf32, #tpu.memory_space<hbm>> -> memref<1x1x12544xf32, #tpu.memory_space<hbm>>
    %dma_start3A_235 = tpu.memref_squeeze %dma_start3A_234 : memref<1x1x12544xf32, #tpu.memory_space<hbm>> -> memref<12544xf32, #tpu.memory_space<hbm>>
    tpu.enqueue_dma source(%dma_start3A_235 : memref<12544xf32, #tpu.memory_space<hbm>>) target(%arg7 : memref<12544xf32, #tpu.memory_space<vmem>>) target_semaphore(%arg13 : memref<!tpu.dma_semaphore, #tpu.memory_space<semaphore_mem>>)
    %scan3A_236 = arith.constant 0 : i32
    %scan3A_237 = arith.constant 0 : i32
    %scan3A_238 = arith.constant 48 : i32
    %scan3A_239 = arith.addi %scan3A_237, %scan3A_238 : i32
    %scan3A_240 = arith.constant 1 : i32
    %scan3A_241 = scf.for %scan3A_278 = %scan3A_237 to %scan3A_239 step %scan3A_240 iter_args(%scan3A_279 = %scan3A_236) -> (i32)  : i32 {
      %mul3A_280 = arith.constant 2 : i32
      %mul3A_281 = arith.muli %mul3A_280, %scan3A_278 : i32
      %add3A_282 = arith.constant 0 : i32
      %add3A_283 = arith.addi %mul3A_281, %add3A_282 : i32
      %mul3A_284 = arith.constant 24 : i32
      %mul3A_285 = arith.muli %select_n3A_28, %mul3A_284 : i32
      %jit3A_286 = arith.constant 4 : i32
      %div3A_287 = arith.divsi %add3A_283, %jit3A_286 : i32
      %sign3A_288 = arith.constant 0 : i32
      %sign3A_289 = arith.cmpi sgt, %add3A_283, %sign3A_288 : i32
      %sign3A_290 = arith.extui %sign3A_289 : i1 to i32
      %sign3A_291 = arith.constant 0 : i32
      %sign3A_292 = arith.cmpi slt, %add3A_283, %sign3A_291 : i32
      %sign3A_293 = arith.extui %sign3A_292 : i1 to i32
      %sign3A_294 = arith.subi %sign3A_290, %sign3A_293 : i32
      %sign3A_295 = arith.constant 0 : i32
      %sign3A_296 = arith.cmpi sgt, %jit3A_286, %sign3A_295 : i32
      %sign3A_297 = arith.extui %sign3A_296 : i1 to i32
      %sign3A_298 = arith.constant 0 : i32
      %sign3A_299 = arith.cmpi slt, %jit3A_286, %sign3A_298 : i32
      %sign3A_300 = arith.extui %sign3A_299 : i1 to i32
      %sign3A_301 = arith.subi %sign3A_297, %sign3A_300 : i32
      %ne3A_302 = arith.cmpi ne, %sign3A_294, %sign3A_301 : i32
      %rem3A_303 = arith.remsi %add3A_283, %jit3A_286 : i32
      %ne3A_304 = arith.constant 0 : i32
      %ne3A_305 = arith.cmpi ne, %rem3A_303, %ne3A_304 : i32
      %and3A_306 = arith.andi %ne3A_302, %ne3A_305 : i1
      %sub3A_307 = arith.constant 1 : i32
      %sub3A_308 = arith.subi %div3A_287, %sub3A_307 : i32
      %select_n3A_309 = arith.select %and3A_306, %sub3A_308, %div3A_287 : i32
      %add3A_310 = arith.addi %mul3A_285, %select_n3A_309 : i32
      %jit3A_311 = arith.constant 4 : i32
      %eq3A_312 = arith.constant 0 : i32
      %eq3A_313 = arith.cmpi eq, %jit3A_311, %eq3A_312 : i32
      %jit3A_314 = arith.constant 1 : i32
      %select_n3A_315 = arith.select %eq3A_313, %jit3A_314, %jit3A_311 : i32
      %rem3A_316 = arith.remsi %add3A_283, %select_n3A_315 : i32
      %ne3A_317 = arith.constant 0 : i32
      %ne3A_318 = arith.cmpi ne, %rem3A_316, %ne3A_317 : i32
      %lt3A_319 = arith.constant 0 : i32
      %lt3A_320 = arith.cmpi slt, %rem3A_316, %lt3A_319 : i32
      %lt3A_321 = arith.constant 0 : i32
      %lt3A_322 = arith.cmpi slt, %select_n3A_315, %lt3A_321 : i32
      %ne3A_323 = arith.xori %lt3A_320, %lt3A_322 : i1
      %and3A_324 = arith.andi %ne3A_323, %ne3A_318 : i1
      %add3A_325 = arith.addi %rem3A_316, %select_n3A_315 : i32
      %select_n3A_326 = arith.select %and3A_324, %add3A_325, %rem3A_316 : i32
      %mul3A_327 = arith.constant 12544 : i32
      %mul3A_328 = arith.muli %select_n3A_326, %mul3A_327 : i32
      %dma_wait3A = tpu.memref_slice %arg2[%add3A_32, %add3A_310, %mul3A_328] : memref<8x96x50176xf32, #tpu.memory_space<hbm>> -> memref<1x1x12544xf32, #tpu.memory_space<hbm>>
      %dma_wait3A_329 = tpu.memref_squeeze %dma_wait3A : memref<1x1x12544xf32, #tpu.memory_space<hbm>> -> memref<12544xf32, #tpu.memory_space<hbm>>
      %dma_wait3A_330 = tpu.memref_slice %arg2[%add3A_32, %add3A_310, %mul3A_328] : memref<8x96x50176xf32, #tpu.memory_space<hbm>> -> memref<1x1x12544xf32, #tpu.memory_space<hbm>>
      %dma_wait3A_331 = tpu.memref_squeeze %dma_wait3A_330 : memref<1x1x12544xf32, #tpu.memory_space<hbm>> -> memref<12544xf32, #tpu.memory_space<hbm>>
      tpu.wait_dma2 semaphore(%arg12 : memref<!tpu.dma_semaphore, #tpu.memory_space<semaphore_mem>>) src(%dma_wait3A_331 : memref<12544xf32, #tpu.memory_space<hbm>>) dst(%arg6 : memref<12544xf32, #tpu.memory_space<vmem>>)
      %mul3A_332 = arith.constant 24 : i32
      %mul3A_333 = arith.muli %select_n3A_28, %mul3A_332 : i32
      %jit3A_334 = arith.constant 4 : i32
      %div3A_335 = arith.divsi %add3A_283, %jit3A_334 : i32
      %sign3A_336 = arith.constant 0 : i32
      %sign3A_337 = arith.cmpi sgt, %add3A_283, %sign3A_336 : i32
      %sign3A_338 = arith.extui %sign3A_337 : i1 to i32
      %sign3A_339 = arith.constant 0 : i32
      %sign3A_340 = arith.cmpi slt, %add3A_283, %sign3A_339 : i32
      %sign3A_341 = arith.extui %sign3A_340 : i1 to i32
      %sign3A_342 = arith.subi %sign3A_338, %sign3A_341 : i32
      %sign3A_343 = arith.constant 0 : i32
      %sign3A_344 = arith.cmpi sgt, %jit3A_334, %sign3A_343 : i32
      %sign3A_345 = arith.extui %sign3A_344 : i1 to i32
      %sign3A_346 = arith.constant 0 : i32
      %sign3A_347 = arith.cmpi slt, %jit3A_334, %sign3A_346 : i32
      %sign3A_348 = arith.extui %sign3A_347 : i1 to i32
      %sign3A_349 = arith.subi %sign3A_345, %sign3A_348 : i32
      %ne3A_350 = arith.cmpi ne, %sign3A_342, %sign3A_349 : i32
      %rem3A_351 = arith.remsi %add3A_283, %jit3A_334 : i32
      %ne3A_352 = arith.constant 0 : i32
      %ne3A_353 = arith.cmpi ne, %rem3A_351, %ne3A_352 : i32
      %and3A_354 = arith.andi %ne3A_350, %ne3A_353 : i1
      %sub3A_355 = arith.constant 1 : i32
      %sub3A_356 = arith.subi %div3A_335, %sub3A_355 : i32
      %select_n3A_357 = arith.select %and3A_354, %sub3A_356, %div3A_335 : i32
      %add3A_358 = arith.addi %mul3A_333, %select_n3A_357 : i32
      %get3A = arith.index_cast %add3A_358 : i32 to index
      %get3A_359 = arith.constant 0 : index
      %get3A_360 = tpu.vector_load %arg5[%get3A, %get3A_359] {strides = array<i32>} : memref<96x16xf32, #tpu.memory_space<vmem>>, vector<16xf32>,
      %parallel_loop3A = arith.constant 0 : i32
      %parallel_loop3A_361 = arith.constant 784 : i32
      %parallel_loop3A_362 = arith.constant 1 : i32
      scf.for %parallel_loop3A_464 = %parallel_loop3A to %parallel_loop3A_361 step %parallel_loop3A_362  : i32 {
        %parallel_loop3A_465 = arith.constant 16 : i32
        %parallel_loop3A_466 = arith.muli %parallel_loop3A_464, %parallel_loop3A_465 : i32
        %parallel_loop3A_467 = arith.index_cast %parallel_loop3A_466 : i32 to index
        %parallel_loop3A_468 = tpu.vector_load %arg6[%parallel_loop3A_467] {strides = array<i32>} : memref<12544xf32, #tpu.memory_space<vmem>>, vector<16xf32>,
        %parallel_loop3A_469 = arith.mulf %parallel_loop3A_468, %get3A_360 : vector<16xf32>
        %parallel_loop3A_470 = tpu.bitcast %parallel_loop3A_469 : vector<16xf32> -> vector<16xi32>
        %parallel_loop3A_471 = arith.constant 31 : i32
        %parallel_loop3A_472 = vector.broadcast %parallel_loop3A_471 : i32 to vector<16xi32>
        %parallel_loop3A_473 = arith.shrsi %parallel_loop3A_470, %parallel_loop3A_472 : vector<16xi32>
        %parallel_loop3A_474 = arith.constant -2147483648 : i32
        %parallel_loop3A_475 = vector.broadcast %parallel_loop3A_474 : i32 to vector<16xi32>
        %parallel_loop3A_476 = arith.ori %parallel_loop3A_473, %parallel_loop3A_475 : vector<16xi32>
        %parallel_loop3A_477 = arith.xori %parallel_loop3A_470, %parallel_loop3A_476 : vector<16xi32>
        %parallel_loop3A_478 = arith.shrui %parallel_loop3A_477, %broadcast_in_dim3A_208 : vector<16xi32>
        %parallel_loop3A_479 = arith.subi %parallel_loop3A_478, %broadcast_in_dim3A_215 : vector<16xi32>
        %parallel_loop3A_480 = tpu.bitcast %parallel_loop3A_479 : vector<16xi32> -> vector<16xi32>
        %parallel_loop3A_481 = arith.cmpi ult, %parallel_loop3A_480, %broadcast_in_dim3A_212 : vector<16xi32>
        %parallel_loop3A_482 = arith.andi %parallel_loop3A_479, %broadcast_in_dim3A_210 : vector<16xi32>
        tpu.vector_store_idx %arg8[%parallel_loop3A_482, %iota3A], %broadcast_in_dim3A_33 masked %parallel_loop3A_481 {add = true} : memref<2048x16xi32, #tpu.memory_space<vmem>>[vector<16xi32>, vector<16xi32>], vector<16xi32>, vector<16xi1>
      } {sc.loop_unroll_factor = 8 : i64, sc.parallel_access}
      %add3A_363 = arith.constant 2 : i32
      %add3A_364 = arith.addi %add3A_283, %add3A_363 : i32
      %lt3A_365 = arith.constant 96 : i32
      %lt3A_366 = arith.cmpi slt, %add3A_364, %lt3A_365 : i32
      %convert_element_type3A_367 = arith.extui %lt3A_366 : i1 to i32
      %cond3A_368 = arith.constant 0 : i32
      %cond3A_369 = arith.cmpi ne, %convert_element_type3A_367, %cond3A_368 : i32
      scf.if %cond3A_369 {
        %add3A_464 = arith.constant 2 : i32
        %add3A_465 = arith.addi %add3A_283, %add3A_464 : i32
        %mul3A_466 = arith.constant 24 : i32
        %mul3A_467 = arith.muli %select_n3A_28, %mul3A_466 : i32
        %jit3A_468 = arith.constant 4 : i32
        %div3A_469 = arith.divsi %add3A_465, %jit3A_468 : i32
        %sign3A_470 = arith.constant 0 : i32
        %sign3A_471 = arith.cmpi sgt, %add3A_465, %sign3A_470 : i32
        %sign3A_472 = arith.extui %sign3A_471 : i1 to i32
        %sign3A_473 = arith.constant 0 : i32
        %sign3A_474 = arith.cmpi slt, %add3A_465, %sign3A_473 : i32
        %sign3A_475 = arith.extui %sign3A_474 : i1 to i32
        %sign3A_476 = arith.subi %sign3A_472, %sign3A_475 : i32
        %sign3A_477 = arith.constant 0 : i32
        %sign3A_478 = arith.cmpi sgt, %jit3A_468, %sign3A_477 : i32
        %sign3A_479 = arith.extui %sign3A_478 : i1 to i32
        %sign3A_480 = arith.constant 0 : i32
        %sign3A_481 = arith.cmpi slt, %jit3A_468, %sign3A_480 : i32
        %sign3A_482 = arith.extui %sign3A_481 : i1 to i32
        %sign3A_483 = arith.subi %sign3A_479, %sign3A_482 : i32
        %ne3A_484 = arith.cmpi ne, %sign3A_476, %sign3A_483 : i32
        %rem3A_485 = arith.remsi %add3A_465, %jit3A_468 : i32
        %ne3A_486 = arith.constant 0 : i32
        %ne3A_487 = arith.cmpi ne, %rem3A_485, %ne3A_486 : i32
        %and3A_488 = arith.andi %ne3A_484, %ne3A_487 : i1
        %sub3A_489 = arith.constant 1 : i32
        %sub3A_490 = arith.subi %div3A_469, %sub3A_489 : i32
        %select_n3A_491 = arith.select %and3A_488, %sub3A_490, %div3A_469 : i32
        %add3A_492 = arith.addi %mul3A_467, %select_n3A_491 : i32
        %jit3A_493 = arith.constant 4 : i32
        %eq3A_494 = arith.constant 0 : i32
        %eq3A_495 = arith.cmpi eq, %jit3A_493, %eq3A_494 : i32
        %jit3A_496 = arith.constant 1 : i32
        %select_n3A_497 = arith.select %eq3A_495, %jit3A_496, %jit3A_493 : i32
        %rem3A_498 = arith.remsi %add3A_465, %select_n3A_497 : i32
        %ne3A_499 = arith.constant 0 : i32
        %ne3A_500 = arith.cmpi ne, %rem3A_498, %ne3A_499 : i32
        %lt3A_501 = arith.constant 0 : i32
        %lt3A_502 = arith.cmpi slt, %rem3A_498, %lt3A_501 : i32
        %lt3A_503 = arith.constant 0 : i32
        %lt3A_504 = arith.cmpi slt, %select_n3A_497, %lt3A_503 : i32
        %ne3A_505 = arith.xori %lt3A_502, %lt3A_504 : i1
        %and3A_506 = arith.andi %ne3A_505, %ne3A_500 : i1
        %add3A_507 = arith.addi %rem3A_498, %select_n3A_497 : i32
        %select_n3A_508 = arith.select %and3A_506, %add3A_507, %rem3A_498 : i32
        %mul3A_509 = arith.constant 12544 : i32
        %mul3A_510 = arith.muli %select_n3A_508, %mul3A_509 : i32
        %dma_start3A_511 = tpu.memref_slice %arg2[%add3A_32, %add3A_492, %mul3A_510] : memref<8x96x50176xf32, #tpu.memory_space<hbm>> -> memref<1x1x12544xf32, #tpu.memory_space<hbm>>
        %dma_start3A_512 = tpu.memref_squeeze %dma_start3A_511 : memref<1x1x12544xf32, #tpu.memory_space<hbm>> -> memref<12544xf32, #tpu.memory_space<hbm>>
        %dma_start3A_513 = tpu.memref_slice %arg2[%add3A_32, %add3A_492, %mul3A_510] : memref<8x96x50176xf32, #tpu.memory_space<hbm>> -> memref<1x1x12544xf32, #tpu.memory_space<hbm>>
        %dma_start3A_514 = tpu.memref_squeeze %dma_start3A_513 : memref<1x1x12544xf32, #tpu.memory_space<hbm>> -> memref<12544xf32, #tpu.memory_space<hbm>>
        tpu.enqueue_dma source(%dma_start3A_514 : memref<12544xf32, #tpu.memory_space<hbm>>) target(%arg6 : memref<12544xf32, #tpu.memory_space<vmem>>) target_semaphore(%arg12 : memref<!tpu.dma_semaphore, #tpu.memory_space<semaphore_mem>>)
      } else {
      }
      %mul3A_370 = arith.constant 2 : i32
      %mul3A_371 = arith.muli %mul3A_370, %scan3A_278 : i32
      %add3A_372 = arith.constant 1 : i32
      %add3A_373 = arith.addi %mul3A_371, %add3A_372 : i32
      %mul3A_374 = arith.constant 24 : i32
      %mul3A_375 = arith.muli %select_n3A_28, %mul3A_374 : i32
      %jit3A_376 = arith.constant 4 : i32
      %div3A_377 = arith.divsi %add3A_373, %jit3A_376 : i32
      %sign3A_378 = arith.constant 0 : i32
      %sign3A_379 = arith.cmpi sgt, %add3A_373, %sign3A_378 : i32
      %sign3A_380 = arith.extui %sign3A_379 : i1 to i32
      %sign3A_381 = arith.constant 0 : i32
      %sign3A_382 = arith.cmpi slt, %add3A_373, %sign3A_381 : i32
      %sign3A_383 = arith.extui %sign3A_382 : i1 to i32
      %sign3A_384 = arith.subi %sign3A_380, %sign3A_383 : i32
      %sign3A_385 = arith.constant 0 : i32
      %sign3A_386 = arith.cmpi sgt, %jit3A_376, %sign3A_385 : i32
      %sign3A_387 = arith.extui %sign3A_386 : i1 to i32
      %sign3A_388 = arith.constant 0 : i32
      %sign3A_389 = arith.cmpi slt, %jit3A_376, %sign3A_388 : i32
      %sign3A_390 = arith.extui %sign3A_389 : i1 to i32
      %sign3A_391 = arith.subi %sign3A_387, %sign3A_390 : i32
      %ne3A_392 = arith.cmpi ne, %sign3A_384, %sign3A_391 : i32
      %rem3A_393 = arith.remsi %add3A_373, %jit3A_376 : i32
      %ne3A_394 = arith.constant 0 : i32
      %ne3A_395 = arith.cmpi ne, %rem3A_393, %ne3A_394 : i32
      %and3A_396 = arith.andi %ne3A_392, %ne3A_395 : i1
      %sub3A_397 = arith.constant 1 : i32
      %sub3A_398 = arith.subi %div3A_377, %sub3A_397 : i32
      %select_n3A_399 = arith.select %and3A_396, %sub3A_398, %div3A_377 : i32
      %add3A_400 = arith.addi %mul3A_375, %select_n3A_399 : i32
      %jit3A_401 = arith.constant 4 : i32
      %eq3A_402 = arith.constant 0 : i32
      %eq3A_403 = arith.cmpi eq, %jit3A_401, %eq3A_402 : i32
      %jit3A_404 = arith.constant 1 : i32
      %select_n3A_405 = arith.select %eq3A_403, %jit3A_404, %jit3A_401 : i32
      %rem3A_406 = arith.remsi %add3A_373, %select_n3A_405 : i32
      %ne3A_407 = arith.constant 0 : i32
      %ne3A_408 = arith.cmpi ne, %rem3A_406, %ne3A_407 : i32
      %lt3A_409 = arith.constant 0 : i32
      %lt3A_410 = arith.cmpi slt, %rem3A_406, %lt3A_409 : i32
      %lt3A_411 = arith.constant 0 : i32
      %lt3A_412 = arith.cmpi slt, %select_n3A_405, %lt3A_411 : i32
      %ne3A_413 = arith.xori %lt3A_410, %lt3A_412 : i1
      %and3A_414 = arith.andi %ne3A_413, %ne3A_408 : i1
      %add3A_415 = arith.addi %rem3A_406, %select_n3A_405 : i32
      %select_n3A_416 = arith.select %and3A_414, %add3A_415, %rem3A_406 : i32
      %mul3A_417 = arith.constant 12544 : i32
      %mul3A_418 = arith.muli %select_n3A_416, %mul3A_417 : i32
      %dma_wait3A_419 = tpu.memref_slice %arg2[%add3A_32, %add3A_400, %mul3A_418] : memref<8x96x50176xf32, #tpu.memory_space<hbm>> -> memref<1x1x12544xf32, #tpu.memory_space<hbm>>
      %dma_wait3A_420 = tpu.memref_squeeze %dma_wait3A_419 : memref<1x1x12544xf32, #tpu.memory_space<hbm>> -> memref<12544xf32, #tpu.memory_space<hbm>>
      %dma_wait3A_421 = tpu.memref_slice %arg2[%add3A_32, %add3A_400, %mul3A_418] : memref<8x96x50176xf32, #tpu.memory_space<hbm>> -> memref<1x1x12544xf32, #tpu.memory_space<hbm>>
      %dma_wait3A_422 = tpu.memref_squeeze %dma_wait3A_421 : memref<1x1x12544xf32, #tpu.memory_space<hbm>> -> memref<12544xf32, #tpu.memory_space<hbm>>
      tpu.wait_dma2 semaphore(%arg13 : memref<!tpu.dma_semaphore, #tpu.memory_space<semaphore_mem>>) src(%dma_wait3A_422 : memref<12544xf32, #tpu.memory_space<hbm>>) dst(%arg7 : memref<12544xf32, #tpu.memory_space<vmem>>)
      %mul3A_423 = arith.constant 24 : i32
      %mul3A_424 = arith.muli %select_n3A_28, %mul3A_423 : i32
      %jit3A_425 = arith.constant 4 : i32
      %div3A_426 = arith.divsi %add3A_373, %jit3A_425 : i32
      %sign3A_427 = arith.constant 0 : i32
      %sign3A_428 = arith.cmpi sgt, %add3A_373, %sign3A_427 : i32
      %sign3A_429 = arith.extui %sign3A_428 : i1 to i32
      %sign3A_430 = arith.constant 0 : i32
      %sign3A_431 = arith.cmpi slt, %add3A_373, %sign3A_430 : i32
      %sign3A_432 = arith.extui %sign3A_431 : i1 to i32
      %sign3A_433 = arith.subi %sign3A_429, %sign3A_432 : i32
      %sign3A_434 = arith.constant 0 : i32
      %sign3A_435 = arith.cmpi sgt, %jit3A_425, %sign3A_434 : i32
      %sign3A_436 = arith.extui %sign3A_435 : i1 to i32
      %sign3A_437 = arith.constant 0 : i32
      %sign3A_438 = arith.cmpi slt, %jit3A_425, %sign3A_437 : i32
      %sign3A_439 = arith.extui %sign3A_438 : i1 to i32
      %sign3A_440 = arith.subi %sign3A_436, %sign3A_439 : i32
      %ne3A_441 = arith.cmpi ne, %sign3A_433, %sign3A_440 : i32
      %rem3A_442 = arith.remsi %add3A_373, %jit3A_425 : i32
      %ne3A_443 = arith.constant 0 : i32
      %ne3A_444 = arith.cmpi ne, %rem3A_442, %ne3A_443 : i32
      %and3A_445 = arith.andi %ne3A_441, %ne3A_444 : i1
      %sub3A_446 = arith.constant 1 : i32
      %sub3A_447 = arith.subi %div3A_426, %sub3A_446 : i32
      %select_n3A_448 = arith.select %and3A_445, %sub3A_447, %div3A_426 : i32
      %add3A_449 = arith.addi %mul3A_424, %select_n3A_448 : i32
      %get3A_450 = arith.index_cast %add3A_449 : i32 to index
      %get3A_451 = arith.constant 0 : index
      %get3A_452 = tpu.vector_load %arg5[%get3A_450, %get3A_451] {strides = array<i32>} : memref<96x16xf32, #tpu.memory_space<vmem>>, vector<16xf32>,
      %parallel_loop3A_453 = arith.constant 0 : i32
      %parallel_loop3A_454 = arith.constant 784 : i32
      %parallel_loop3A_455 = arith.constant 1 : i32
      scf.for %parallel_loop3A_464 = %parallel_loop3A_453 to %parallel_loop3A_454 step %parallel_loop3A_455  : i32 {
        %parallel_loop3A_465 = arith.constant 16 : i32
        %parallel_loop3A_466 = arith.muli %parallel_loop3A_464, %parallel_loop3A_465 : i32
        %parallel_loop3A_467 = arith.index_cast %parallel_loop3A_466 : i32 to index
        %parallel_loop3A_468 = tpu.vector_load %arg7[%parallel_loop3A_467] {strides = array<i32>} : memref<12544xf32, #tpu.memory_space<vmem>>, vector<16xf32>,
        %parallel_loop3A_469 = arith.mulf %parallel_loop3A_468, %get3A_452 : vector<16xf32>
        %parallel_loop3A_470 = tpu.bitcast %parallel_loop3A_469 : vector<16xf32> -> vector<16xi32>
        %parallel_loop3A_471 = arith.constant 31 : i32
        %parallel_loop3A_472 = vector.broadcast %parallel_loop3A_471 : i32 to vector<16xi32>
        %parallel_loop3A_473 = arith.shrsi %parallel_loop3A_470, %parallel_loop3A_472 : vector<16xi32>
        %parallel_loop3A_474 = arith.constant -2147483648 : i32
        %parallel_loop3A_475 = vector.broadcast %parallel_loop3A_474 : i32 to vector<16xi32>
        %parallel_loop3A_476 = arith.ori %parallel_loop3A_473, %parallel_loop3A_475 : vector<16xi32>
        %parallel_loop3A_477 = arith.xori %parallel_loop3A_470, %parallel_loop3A_476 : vector<16xi32>
        %parallel_loop3A_478 = arith.shrui %parallel_loop3A_477, %broadcast_in_dim3A_208 : vector<16xi32>
        %parallel_loop3A_479 = arith.subi %parallel_loop3A_478, %broadcast_in_dim3A_215 : vector<16xi32>
        %parallel_loop3A_480 = tpu.bitcast %parallel_loop3A_479 : vector<16xi32> -> vector<16xi32>
        %parallel_loop3A_481 = arith.cmpi ult, %parallel_loop3A_480, %broadcast_in_dim3A_212 : vector<16xi32>
        %parallel_loop3A_482 = arith.andi %parallel_loop3A_479, %broadcast_in_dim3A_210 : vector<16xi32>
        tpu.vector_store_idx %arg8[%parallel_loop3A_482, %iota3A], %broadcast_in_dim3A_33 masked %parallel_loop3A_481 {add = true} : memref<2048x16xi32, #tpu.memory_space<vmem>>[vector<16xi32>, vector<16xi32>], vector<16xi32>, vector<16xi1>
      } {sc.loop_unroll_factor = 8 : i64, sc.parallel_access}
      %add3A_456 = arith.constant 2 : i32
      %add3A_457 = arith.addi %add3A_373, %add3A_456 : i32
      %lt3A_458 = arith.constant 96 : i32
      %lt3A_459 = arith.cmpi slt, %add3A_457, %lt3A_458 : i32
      %convert_element_type3A_460 = arith.extui %lt3A_459 : i1 to i32
      %cond3A_461 = arith.constant 0 : i32
      %cond3A_462 = arith.cmpi ne, %convert_element_type3A_460, %cond3A_461 : i32
      scf.if %cond3A_462 {
        %add3A_464 = arith.constant 2 : i32
        %add3A_465 = arith.addi %add3A_373, %add3A_464 : i32
        %mul3A_466 = arith.constant 24 : i32
        %mul3A_467 = arith.muli %select_n3A_28, %mul3A_466 : i32
        %jit3A_468 = arith.constant 4 : i32
        %div3A_469 = arith.divsi %add3A_465, %jit3A_468 : i32
        %sign3A_470 = arith.constant 0 : i32
        %sign3A_471 = arith.cmpi sgt, %add3A_465, %sign3A_470 : i32
        %sign3A_472 = arith.extui %sign3A_471 : i1 to i32
        %sign3A_473 = arith.constant 0 : i32
        %sign3A_474 = arith.cmpi slt, %add3A_465, %sign3A_473 : i32
        %sign3A_475 = arith.extui %sign3A_474 : i1 to i32
        %sign3A_476 = arith.subi %sign3A_472, %sign3A_475 : i32
        %sign3A_477 = arith.constant 0 : i32
        %sign3A_478 = arith.cmpi sgt, %jit3A_468, %sign3A_477 : i32
        %sign3A_479 = arith.extui %sign3A_478 : i1 to i32
        %sign3A_480 = arith.constant 0 : i32
        %sign3A_481 = arith.cmpi slt, %jit3A_468, %sign3A_480 : i32
        %sign3A_482 = arith.extui %sign3A_481 : i1 to i32
        %sign3A_483 = arith.subi %sign3A_479, %sign3A_482 : i32
        %ne3A_484 = arith.cmpi ne, %sign3A_476, %sign3A_483 : i32
        %rem3A_485 = arith.remsi %add3A_465, %jit3A_468 : i32
        %ne3A_486 = arith.constant 0 : i32
        %ne3A_487 = arith.cmpi ne, %rem3A_485, %ne3A_486 : i32
        %and3A_488 = arith.andi %ne3A_484, %ne3A_487 : i1
        %sub3A_489 = arith.constant 1 : i32
        %sub3A_490 = arith.subi %div3A_469, %sub3A_489 : i32
        %select_n3A_491 = arith.select %and3A_488, %sub3A_490, %div3A_469 : i32
        %add3A_492 = arith.addi %mul3A_467, %select_n3A_491 : i32
        %jit3A_493 = arith.constant 4 : i32
        %eq3A_494 = arith.constant 0 : i32
        %eq3A_495 = arith.cmpi eq, %jit3A_493, %eq3A_494 : i32
        %jit3A_496 = arith.constant 1 : i32
        %select_n3A_497 = arith.select %eq3A_495, %jit3A_496, %jit3A_493 : i32
        %rem3A_498 = arith.remsi %add3A_465, %select_n3A_497 : i32
        %ne3A_499 = arith.constant 0 : i32
        %ne3A_500 = arith.cmpi ne, %rem3A_498, %ne3A_499 : i32
        %lt3A_501 = arith.constant 0 : i32
        %lt3A_502 = arith.cmpi slt, %rem3A_498, %lt3A_501 : i32
        %lt3A_503 = arith.constant 0 : i32
        %lt3A_504 = arith.cmpi slt, %select_n3A_497, %lt3A_503 : i32
        %ne3A_505 = arith.xori %lt3A_502, %lt3A_504 : i1
        %and3A_506 = arith.andi %ne3A_505, %ne3A_500 : i1
        %add3A_507 = arith.addi %rem3A_498, %select_n3A_497 : i32
        %select_n3A_508 = arith.select %and3A_506, %add3A_507, %rem3A_498 : i32
        %mul3A_509 = arith.constant 12544 : i32
        %mul3A_510 = arith.muli %select_n3A_508, %mul3A_509 : i32
        %dma_start3A_511 = tpu.memref_slice %arg2[%add3A_32, %add3A_492, %mul3A_510] : memref<8x96x50176xf32, #tpu.memory_space<hbm>> -> memref<1x1x12544xf32, #tpu.memory_space<hbm>>
        %dma_start3A_512 = tpu.memref_squeeze %dma_start3A_511 : memref<1x1x12544xf32, #tpu.memory_space<hbm>> -> memref<12544xf32, #tpu.memory_space<hbm>>
        %dma_start3A_513 = tpu.memref_slice %arg2[%add3A_32, %add3A_492, %mul3A_510] : memref<8x96x50176xf32, #tpu.memory_space<hbm>> -> memref<1x1x12544xf32, #tpu.memory_space<hbm>>
        %dma_start3A_514 = tpu.memref_squeeze %dma_start3A_513 : memref<1x1x12544xf32, #tpu.memory_space<hbm>> -> memref<12544xf32, #tpu.memory_space<hbm>>
        tpu.enqueue_dma source(%dma_start3A_514 : memref<12544xf32, #tpu.memory_space<hbm>>) target(%arg7 : memref<12544xf32, #tpu.memory_space<vmem>>) target_semaphore(%arg13 : memref<!tpu.dma_semaphore, #tpu.memory_space<semaphore_mem>>)
      } else {
      }
      %scan3A_463 = arith.constant 0 : i32
      scf.yield %scan3A_463 : i32
    }
    %scan3A_242 = arith.constant 48 : i32
    %run_scoped3A_243 = arith.constant 0 : i32
    "tpu.region"() ({
      %run_scoped3A_278 = tpu.sem_alloc : memref<!tpu.dma_semaphore, #tpu.memory_space<semaphore_mem>>
      %dma_start3A_279 = arith.constant 0 : i32
      %dma_start3A_280 = arith.constant 0 : i32
      %dma_start3A_281 = tpu.memref_slice %arg8[%dma_start3A_279, %dma_start3A_280] : memref<2048x16xi32, #tpu.memory_space<vmem>> -> memref<128x16xi32, #tpu.memory_space<vmem>>
      %dma_start3A_282 = arith.constant 0 : i32
      %dma_start3A_283 = tpu.memref_slice %arg9[%run_scoped3A_243, %dma_start3A_282] : memref<16x128xi32, #tpu.memory_space<vmem>> -> memref<1x128xi32, #tpu.memory_space<vmem>>
      %dma_start3A_284 = tpu.memref_squeeze %dma_start3A_283 : memref<1x128xi32, #tpu.memory_space<vmem>> -> memref<128xi32, #tpu.memory_space<vmem>>
      %dma_start3A_285 = arith.constant 0 : i32
      %dma_start3A_286 = arith.constant 0 : i32
      %dma_start3A_287 = tpu.memref_slice %arg11[%dma_start3A_285, %dma_start3A_286] : memref<8192x16xi32, #tpu.memory_space<vmem_shared>> -> memref<8192x16xi32, #tpu.memory_space<vmem_shared>>
      tpu.enqueue_indirect_dma source(%dma_start3A_281 : memref<128x16xi32, #tpu.memory_space<vmem>>) target(%dma_start3A_287 : memref<8192x16xi32, #tpu.memory_space<vmem_shared>>) offsets(%dma_start3A_284 : memref<128xi32, #tpu.memory_space<vmem>>) semaphore(%run_scoped3A_278 : memref<!tpu.dma_semaphore, #tpu.memory_space<semaphore_mem>>) {add = true}
      %dma_wait3A = arith.constant 0 : i32
      %dma_wait3A_288 = arith.constant 0 : i32
      %dma_wait3A_289 = tpu.memref_slice %arg8[%dma_wait3A, %dma_wait3A_288] : memref<2048x16xi32, #tpu.memory_space<vmem>> -> memref<128x16xi32, #tpu.memory_space<vmem>>
      %dma_wait3A_290 = arith.constant 0 : i32
      %dma_wait3A_291 = tpu.memref_slice %arg9[%run_scoped3A_243, %dma_wait3A_290] : memref<16x128xi32, #tpu.memory_space<vmem>> -> memref<1x128xi32, #tpu.memory_space<vmem>>
      %dma_wait3A_292 = tpu.memref_squeeze %dma_wait3A_291 : memref<1x128xi32, #tpu.memory_space<vmem>> -> memref<128xi32, #tpu.memory_space<vmem>>
      %dma_wait3A_293 = arith.constant 0 : i32
      %dma_wait3A_294 = arith.constant 0 : i32
      %dma_wait3A_295 = tpu.memref_slice %arg11[%dma_wait3A_293, %dma_wait3A_294] : memref<8192x16xi32, #tpu.memory_space<vmem_shared>> -> memref<8192x16xi32, #tpu.memory_space<vmem_shared>>
      tpu.wait_indirect_dma semaphore(%run_scoped3A_278 : memref<!tpu.dma_semaphore, #tpu.memory_space<semaphore_mem>>) src(%dma_wait3A_289 : memref<128x16xi32, #tpu.memory_space<vmem>>) dst(%dma_wait3A_295 : memref<8192x16xi32, #tpu.memory_space<vmem_shared>>)
      tpu.yield
    }) : () -> ()
    %run_scoped3A_244 = arith.constant 1 : i32
    "tpu.region"() ({
      %run_scoped3A_278 = tpu.sem_alloc : memref<!tpu.dma_semaphore, #tpu.memory_space<semaphore_mem>>
      %dma_start3A_279 = arith.constant 128 : i32
      %dma_start3A_280 = arith.constant 0 : i32
      %dma_start3A_281 = tpu.memref_slice %arg8[%dma_start3A_279, %dma_start3A_280] : memref<2048x16xi32, #tpu.memory_space<vmem>> -> memref<128x16xi32, #tpu.memory_space<vmem>>
      %dma_start3A_282 = arith.constant 0 : i32
      %dma_start3A_283 = tpu.memref_slice %arg9[%run_scoped3A_244, %dma_start3A_282] : memref<16x128xi32, #tpu.memory_space<vmem>> -> memref<1x128xi32, #tpu.memory_space<vmem>>
      %dma_start3A_284 = tpu.memref_squeeze %dma_start3A_283 : memref<1x128xi32, #tpu.memory_space<vmem>> -> memref<128xi32, #tpu.memory_space<vmem>>
      %dma_start3A_285 = arith.constant 0 : i32
      %dma_start3A_286 = arith.constant 0 : i32
      %dma_start3A_287 = tpu.memref_slice %arg11[%dma_start3A_285, %dma_start3A_286] : memref<8192x16xi32, #tpu.memory_space<vmem_shared>> -> memref<8192x16xi32, #tpu.memory_space<vmem_shared>>
      tpu.enqueue_indirect_dma source(%dma_start3A_281 : memref<128x16xi32, #tpu.memory_space<vmem>>) target(%dma_start3A_287 : memref<8192x16xi32, #tpu.memory_space<vmem_shared>>) offsets(%dma_start3A_284 : memref<128xi32, #tpu.memory_space<vmem>>) semaphore(%run_scoped3A_278 : memref<!tpu.dma_semaphore, #tpu.memory_space<semaphore_mem>>) {add = true}
      %dma_wait3A = arith.constant 128 : i32
      %dma_wait3A_288 = arith.constant 0 : i32
      %dma_wait3A_289 = tpu.memref_slice %arg8[%dma_wait3A, %dma_wait3A_288] : memref<2048x16xi32, #tpu.memory_space<vmem>> -> memref<128x16xi32, #tpu.memory_space<vmem>>
      %dma_wait3A_290 = arith.constant 0 : i32
      %dma_wait3A_291 = tpu.memref_slice %arg9[%run_scoped3A_244, %dma_wait3A_290] : memref<16x128xi32, #tpu.memory_space<vmem>> -> memref<1x128xi32, #tpu.memory_space<vmem>>
      %dma_wait3A_292 = tpu.memref_squeeze %dma_wait3A_291 : memref<1x128xi32, #tpu.memory_space<vmem>> -> memref<128xi32, #tpu.memory_space<vmem>>
      %dma_wait3A_293 = arith.constant 0 : i32
      %dma_wait3A_294 = arith.constant 0 : i32
      %dma_wait3A_295 = tpu.memref_slice %arg11[%dma_wait3A_293, %dma_wait3A_294] : memref<8192x16xi32, #tpu.memory_space<vmem_shared>> -> memref<8192x16xi32, #tpu.memory_space<vmem_shared>>
      tpu.wait_indirect_dma semaphore(%run_scoped3A_278 : memref<!tpu.dma_semaphore, #tpu.memory_space<semaphore_mem>>) src(%dma_wait3A_289 : memref<128x16xi32, #tpu.memory_space<vmem>>) dst(%dma_wait3A_295 : memref<8192x16xi32, #tpu.memory_space<vmem_shared>>)
      tpu.yield
    }) : () -> ()
    %run_scoped3A_245 = arith.constant 2 : i32
    "tpu.region"() ({
      %run_scoped3A_278 = tpu.sem_alloc : memref<!tpu.dma_semaphore, #tpu.memory_space<semaphore_mem>>
      %dma_start3A_279 = arith.constant 256 : i32
      %dma_start3A_280 = arith.constant 0 : i32
      %dma_start3A_281 = tpu.memref_slice %arg8[%dma_start3A_279, %dma_start3A_280] : memref<2048x16xi32, #tpu.memory_space<vmem>> -> memref<128x16xi32, #tpu.memory_space<vmem>>
      %dma_start3A_282 = arith.constant 0 : i32
      %dma_start3A_283 = tpu.memref_slice %arg9[%run_scoped3A_245, %dma_start3A_282] : memref<16x128xi32, #tpu.memory_space<vmem>> -> memref<1x128xi32, #tpu.memory_space<vmem>>
      %dma_start3A_284 = tpu.memref_squeeze %dma_start3A_283 : memref<1x128xi32, #tpu.memory_space<vmem>> -> memref<128xi32, #tpu.memory_space<vmem>>
      %dma_start3A_285 = arith.constant 0 : i32
      %dma_start3A_286 = arith.constant 0 : i32
      %dma_start3A_287 = tpu.memref_slice %arg11[%dma_start3A_285, %dma_start3A_286] : memref<8192x16xi32, #tpu.memory_space<vmem_shared>> -> memref<8192x16xi32, #tpu.memory_space<vmem_shared>>
      tpu.enqueue_indirect_dma source(%dma_start3A_281 : memref<128x16xi32, #tpu.memory_space<vmem>>) target(%dma_start3A_287 : memref<8192x16xi32, #tpu.memory_space<vmem_shared>>) offsets(%dma_start3A_284 : memref<128xi32, #tpu.memory_space<vmem>>) semaphore(%run_scoped3A_278 : memref<!tpu.dma_semaphore, #tpu.memory_space<semaphore_mem>>) {add = true}
      %dma_wait3A = arith.constant 256 : i32
      %dma_wait3A_288 = arith.constant 0 : i32
      %dma_wait3A_289 = tpu.memref_slice %arg8[%dma_wait3A, %dma_wait3A_288] : memref<2048x16xi32, #tpu.memory_space<vmem>> -> memref<128x16xi32, #tpu.memory_space<vmem>>
      %dma_wait3A_290 = arith.constant 0 : i32
      %dma_wait3A_291 = tpu.memref_slice %arg9[%run_scoped3A_245, %dma_wait3A_290] : memref<16x128xi32, #tpu.memory_space<vmem>> -> memref<1x128xi32, #tpu.memory_space<vmem>>
      %dma_wait3A_292 = tpu.memref_squeeze %dma_wait3A_291 : memref<1x128xi32, #tpu.memory_space<vmem>> -> memref<128xi32, #tpu.memory_space<vmem>>
      %dma_wait3A_293 = arith.constant 0 : i32
      %dma_wait3A_294 = arith.constant 0 : i32
      %dma_wait3A_295 = tpu.memref_slice %arg11[%dma_wait3A_293, %dma_wait3A_294] : memref<8192x16xi32, #tpu.memory_space<vmem_shared>> -> memref<8192x16xi32, #tpu.memory_space<vmem_shared>>
      tpu.wait_indirect_dma semaphore(%run_scoped3A_278 : memref<!tpu.dma_semaphore, #tpu.memory_space<semaphore_mem>>) src(%dma_wait3A_289 : memref<128x16xi32, #tpu.memory_space<vmem>>) dst(%dma_wait3A_295 : memref<8192x16xi32, #tpu.memory_space<vmem_shared>>)
      tpu.yield
    }) : () -> ()
    %run_scoped3A_246 = arith.constant 3 : i32
    "tpu.region"() ({
      %run_scoped3A_278 = tpu.sem_alloc : memref<!tpu.dma_semaphore, #tpu.memory_space<semaphore_mem>>
      %dma_start3A_279 = arith.constant 384 : i32
      %dma_start3A_280 = arith.constant 0 : i32
      %dma_start3A_281 = tpu.memref_slice %arg8[%dma_start3A_279, %dma_start3A_280] : memref<2048x16xi32, #tpu.memory_space<vmem>> -> memref<128x16xi32, #tpu.memory_space<vmem>>
      %dma_start3A_282 = arith.constant 0 : i32
      %dma_start3A_283 = tpu.memref_slice %arg9[%run_scoped3A_246, %dma_start3A_282] : memref<16x128xi32, #tpu.memory_space<vmem>> -> memref<1x128xi32, #tpu.memory_space<vmem>>
      %dma_start3A_284 = tpu.memref_squeeze %dma_start3A_283 : memref<1x128xi32, #tpu.memory_space<vmem>> -> memref<128xi32, #tpu.memory_space<vmem>>
      %dma_start3A_285 = arith.constant 0 : i32
      %dma_start3A_286 = arith.constant 0 : i32
      %dma_start3A_287 = tpu.memref_slice %arg11[%dma_start3A_285, %dma_start3A_286] : memref<8192x16xi32, #tpu.memory_space<vmem_shared>> -> memref<8192x16xi32, #tpu.memory_space<vmem_shared>>
      tpu.enqueue_indirect_dma source(%dma_start3A_281 : memref<128x16xi32, #tpu.memory_space<vmem>>) target(%dma_start3A_287 : memref<8192x16xi32, #tpu.memory_space<vmem_shared>>) offsets(%dma_start3A_284 : memref<128xi32, #tpu.memory_space<vmem>>) semaphore(%run_scoped3A_278 : memref<!tpu.dma_semaphore, #tpu.memory_space<semaphore_mem>>) {add = true}
      %dma_wait3A = arith.constant 384 : i32
      %dma_wait3A_288 = arith.constant 0 : i32
      %dma_wait3A_289 = tpu.memref_slice %arg8[%dma_wait3A, %dma_wait3A_288] : memref<2048x16xi32, #tpu.memory_space<vmem>> -> memref<128x16xi32, #tpu.memory_space<vmem>>
      %dma_wait3A_290 = arith.constant 0 : i32
      %dma_wait3A_291 = tpu.memref_slice %arg9[%run_scoped3A_246, %dma_wait3A_290] : memref<16x128xi32, #tpu.memory_space<vmem>> -> memref<1x128xi32, #tpu.memory_space<vmem>>
      %dma_wait3A_292 = tpu.memref_squeeze %dma_wait3A_291 : memref<1x128xi32, #tpu.memory_space<vmem>> -> memref<128xi32, #tpu.memory_space<vmem>>
      %dma_wait3A_293 = arith.constant 0 : i32
      %dma_wait3A_294 = arith.constant 0 : i32
      %dma_wait3A_295 = tpu.memref_slice %arg11[%dma_wait3A_293, %dma_wait3A_294] : memref<8192x16xi32, #tpu.memory_space<vmem_shared>> -> memref<8192x16xi32, #tpu.memory_space<vmem_shared>>
      tpu.wait_indirect_dma semaphore(%run_scoped3A_278 : memref<!tpu.dma_semaphore, #tpu.memory_space<semaphore_mem>>) src(%dma_wait3A_289 : memref<128x16xi32, #tpu.memory_space<vmem>>) dst(%dma_wait3A_295 : memref<8192x16xi32, #tpu.memory_space<vmem_shared>>)
      tpu.yield
    }) : () -> ()
    %run_scoped3A_247 = arith.constant 4 : i32
    "tpu.region"() ({
      %run_scoped3A_278 = tpu.sem_alloc : memref<!tpu.dma_semaphore, #tpu.memory_space<semaphore_mem>>
      %dma_start3A_279 = arith.constant 512 : i32
      %dma_start3A_280 = arith.constant 0 : i32
      %dma_start3A_281 = tpu.memref_slice %arg8[%dma_start3A_279, %dma_start3A_280] : memref<2048x16xi32, #tpu.memory_space<vmem>> -> memref<128x16xi32, #tpu.memory_space<vmem>>
      %dma_start3A_282 = arith.constant 0 : i32
      %dma_start3A_283 = tpu.memref_slice %arg9[%run_scoped3A_247, %dma_start3A_282] : memref<16x128xi32, #tpu.memory_space<vmem>> -> memref<1x128xi32, #tpu.memory_space<vmem>>
      %dma_start3A_284 = tpu.memref_squeeze %dma_start3A_283 : memref<1x128xi32, #tpu.memory_space<vmem>> -> memref<128xi32, #tpu.memory_space<vmem>>
      %dma_start3A_285 = arith.constant 0 : i32
      %dma_start3A_286 = arith.constant 0 : i32
      %dma_start3A_287 = tpu.memref_slice %arg11[%dma_start3A_285, %dma_start3A_286] : memref<8192x16xi32, #tpu.memory_space<vmem_shared>> -> memref<8192x16xi32, #tpu.memory_space<vmem_shared>>
      tpu.enqueue_indirect_dma source(%dma_start3A_281 : memref<128x16xi32, #tpu.memory_space<vmem>>) target(%dma_start3A_287 : memref<8192x16xi32, #tpu.memory_space<vmem_shared>>) offsets(%dma_start3A_284 : memref<128xi32, #tpu.memory_space<vmem>>) semaphore(%run_scoped3A_278 : memref<!tpu.dma_semaphore, #tpu.memory_space<semaphore_mem>>) {add = true}
      %dma_wait3A = arith.constant 512 : i32
      %dma_wait3A_288 = arith.constant 0 : i32
      %dma_wait3A_289 = tpu.memref_slice %arg8[%dma_wait3A, %dma_wait3A_288] : memref<2048x16xi32, #tpu.memory_space<vmem>> -> memref<128x16xi32, #tpu.memory_space<vmem>>
      %dma_wait3A_290 = arith.constant 0 : i32
      %dma_wait3A_291 = tpu.memref_slice %arg9[%run_scoped3A_247, %dma_wait3A_290] : memref<16x128xi32, #tpu.memory_space<vmem>> -> memref<1x128xi32, #tpu.memory_space<vmem>>
      %dma_wait3A_292 = tpu.memref_squeeze %dma_wait3A_291 : memref<1x128xi32, #tpu.memory_space<vmem>> -> memref<128xi32, #tpu.memory_space<vmem>>
      %dma_wait3A_293 = arith.constant 0 : i32
      %dma_wait3A_294 = arith.constant 0 : i32
      %dma_wait3A_295 = tpu.memref_slice %arg11[%dma_wait3A_293, %dma_wait3A_294] : memref<8192x16xi32, #tpu.memory_space<vmem_shared>> -> memref<8192x16xi32, #tpu.memory_space<vmem_shared>>
      tpu.wait_indirect_dma semaphore(%run_scoped3A_278 : memref<!tpu.dma_semaphore, #tpu.memory_space<semaphore_mem>>) src(%dma_wait3A_289 : memref<128x16xi32, #tpu.memory_space<vmem>>) dst(%dma_wait3A_295 : memref<8192x16xi32, #tpu.memory_space<vmem_shared>>)
      tpu.yield
    }) : () -> ()
    %run_scoped3A_248 = arith.constant 5 : i32
    "tpu.region"() ({
      %run_scoped3A_278 = tpu.sem_alloc : memref<!tpu.dma_semaphore, #tpu.memory_space<semaphore_mem>>
      %dma_start3A_279 = arith.constant 640 : i32
      %dma_start3A_280 = arith.constant 0 : i32
      %dma_start3A_281 = tpu.memref_slice %arg8[%dma_start3A_279, %dma_start3A_280] : memref<2048x16xi32, #tpu.memory_space<vmem>> -> memref<128x16xi32, #tpu.memory_space<vmem>>
      %dma_start3A_282 = arith.constant 0 : i32
      %dma_start3A_283 = tpu.memref_slice %arg9[%run_scoped3A_248, %dma_start3A_282] : memref<16x128xi32, #tpu.memory_space<vmem>> -> memref<1x128xi32, #tpu.memory_space<vmem>>
      %dma_start3A_284 = tpu.memref_squeeze %dma_start3A_283 : memref<1x128xi32, #tpu.memory_space<vmem>> -> memref<128xi32, #tpu.memory_space<vmem>>
      %dma_start3A_285 = arith.constant 0 : i32
      %dma_start3A_286 = arith.constant 0 : i32
      %dma_start3A_287 = tpu.memref_slice %arg11[%dma_start3A_285, %dma_start3A_286] : memref<8192x16xi32, #tpu.memory_space<vmem_shared>> -> memref<8192x16xi32, #tpu.memory_space<vmem_shared>>
      tpu.enqueue_indirect_dma source(%dma_start3A_281 : memref<128x16xi32, #tpu.memory_space<vmem>>) target(%dma_start3A_287 : memref<8192x16xi32, #tpu.memory_space<vmem_shared>>) offsets(%dma_start3A_284 : memref<128xi32, #tpu.memory_space<vmem>>) semaphore(%run_scoped3A_278 : memref<!tpu.dma_semaphore, #tpu.memory_space<semaphore_mem>>) {add = true}
      %dma_wait3A = arith.constant 640 : i32
      %dma_wait3A_288 = arith.constant 0 : i32
      %dma_wait3A_289 = tpu.memref_slice %arg8[%dma_wait3A, %dma_wait3A_288] : memref<2048x16xi32, #tpu.memory_space<vmem>> -> memref<128x16xi32, #tpu.memory_space<vmem>>
      %dma_wait3A_290 = arith.constant 0 : i32
      %dma_wait3A_291 = tpu.memref_slice %arg9[%run_scoped3A_248, %dma_wait3A_290] : memref<16x128xi32, #tpu.memory_space<vmem>> -> memref<1x128xi32, #tpu.memory_space<vmem>>
      %dma_wait3A_292 = tpu.memref_squeeze %dma_wait3A_291 : memref<1x128xi32, #tpu.memory_space<vmem>> -> memref<128xi32, #tpu.memory_space<vmem>>
      %dma_wait3A_293 = arith.constant 0 : i32
      %dma_wait3A_294 = arith.constant 0 : i32
      %dma_wait3A_295 = tpu.memref_slice %arg11[%dma_wait3A_293, %dma_wait3A_294] : memref<8192x16xi32, #tpu.memory_space<vmem_shared>> -> memref<8192x16xi32, #tpu.memory_space<vmem_shared>>
      tpu.wait_indirect_dma semaphore(%run_scoped3A_278 : memref<!tpu.dma_semaphore, #tpu.memory_space<semaphore_mem>>) src(%dma_wait3A_289 : memref<128x16xi32, #tpu.memory_space<vmem>>) dst(%dma_wait3A_295 : memref<8192x16xi32, #tpu.memory_space<vmem_shared>>)
      tpu.yield
    }) : () -> ()
    %run_scoped3A_249 = arith.constant 6 : i32
    "tpu.region"() ({
      %run_scoped3A_278 = tpu.sem_alloc : memref<!tpu.dma_semaphore, #tpu.memory_space<semaphore_mem>>
      %dma_start3A_279 = arith.constant 768 : i32
      %dma_start3A_280 = arith.constant 0 : i32
      %dma_start3A_281 = tpu.memref_slice %arg8[%dma_start3A_279, %dma_start3A_280] : memref<2048x16xi32, #tpu.memory_space<vmem>> -> memref<128x16xi32, #tpu.memory_space<vmem>>
      %dma_start3A_282 = arith.constant 0 : i32
      %dma_start3A_283 = tpu.memref_slice %arg9[%run_scoped3A_249, %dma_start3A_282] : memref<16x128xi32, #tpu.memory_space<vmem>> -> memref<1x128xi32, #tpu.memory_space<vmem>>
      %dma_start3A_284 = tpu.memref_squeeze %dma_start3A_283 : memref<1x128xi32, #tpu.memory_space<vmem>> -> memref<128xi32, #tpu.memory_space<vmem>>
      %dma_start3A_285 = arith.constant 0 : i32
      %dma_start3A_286 = arith.constant 0 : i32
      %dma_start3A_287 = tpu.memref_slice %arg11[%dma_start3A_285, %dma_start3A_286] : memref<8192x16xi32, #tpu.memory_space<vmem_shared>> -> memref<8192x16xi32, #tpu.memory_space<vmem_shared>>
      tpu.enqueue_indirect_dma source(%dma_start3A_281 : memref<128x16xi32, #tpu.memory_space<vmem>>) target(%dma_start3A_287 : memref<8192x16xi32, #tpu.memory_space<vmem_shared>>) offsets(%dma_start3A_284 : memref<128xi32, #tpu.memory_space<vmem>>) semaphore(%run_scoped3A_278 : memref<!tpu.dma_semaphore, #tpu.memory_space<semaphore_mem>>) {add = true}
      %dma_wait3A = arith.constant 768 : i32
      %dma_wait3A_288 = arith.constant 0 : i32
      %dma_wait3A_289 = tpu.memref_slice %arg8[%dma_wait3A, %dma_wait3A_288] : memref<2048x16xi32, #tpu.memory_space<vmem>> -> memref<128x16xi32, #tpu.memory_space<vmem>>
      %dma_wait3A_290 = arith.constant 0 : i32
      %dma_wait3A_291 = tpu.memref_slice %arg9[%run_scoped3A_249, %dma_wait3A_290] : memref<16x128xi32, #tpu.memory_space<vmem>> -> memref<1x128xi32, #tpu.memory_space<vmem>>
      %dma_wait3A_292 = tpu.memref_squeeze %dma_wait3A_291 : memref<1x128xi32, #tpu.memory_space<vmem>> -> memref<128xi32, #tpu.memory_space<vmem>>
      %dma_wait3A_293 = arith.constant 0 : i32
      %dma_wait3A_294 = arith.constant 0 : i32
      %dma_wait3A_295 = tpu.memref_slice %arg11[%dma_wait3A_293, %dma_wait3A_294] : memref<8192x16xi32, #tpu.memory_space<vmem_shared>> -> memref<8192x16xi32, #tpu.memory_space<vmem_shared>>
      tpu.wait_indirect_dma semaphore(%run_scoped3A_278 : memref<!tpu.dma_semaphore, #tpu.memory_space<semaphore_mem>>) src(%dma_wait3A_289 : memref<128x16xi32, #tpu.memory_space<vmem>>) dst(%dma_wait3A_295 : memref<8192x16xi32, #tpu.memory_space<vmem_shared>>)
      tpu.yield
    }) : () -> ()
    %run_scoped3A_250 = arith.constant 7 : i32
    "tpu.region"() ({
      %run_scoped3A_278 = tpu.sem_alloc : memref<!tpu.dma_semaphore, #tpu.memory_space<semaphore_mem>>
      %dma_start3A_279 = arith.constant 896 : i32
      %dma_start3A_280 = arith.constant 0 : i32
      %dma_start3A_281 = tpu.memref_slice %arg8[%dma_start3A_279, %dma_start3A_280] : memref<2048x16xi32, #tpu.memory_space<vmem>> -> memref<128x16xi32, #tpu.memory_space<vmem>>
      %dma_start3A_282 = arith.constant 0 : i32
      %dma_start3A_283 = tpu.memref_slice %arg9[%run_scoped3A_250, %dma_start3A_282] : memref<16x128xi32, #tpu.memory_space<vmem>> -> memref<1x128xi32, #tpu.memory_space<vmem>>
      %dma_start3A_284 = tpu.memref_squeeze %dma_start3A_283 : memref<1x128xi32, #tpu.memory_space<vmem>> -> memref<128xi32, #tpu.memory_space<vmem>>
      %dma_start3A_285 = arith.constant 0 : i32
      %dma_start3A_286 = arith.constant 0 : i32
      %dma_start3A_287 = tpu.memref_slice %arg11[%dma_start3A_285, %dma_start3A_286] : memref<8192x16xi32, #tpu.memory_space<vmem_shared>> -> memref<8192x16xi32, #tpu.memory_space<vmem_shared>>
      tpu.enqueue_indirect_dma source(%dma_start3A_281 : memref<128x16xi32, #tpu.memory_space<vmem>>) target(%dma_start3A_287 : memref<8192x16xi32, #tpu.memory_space<vmem_shared>>) offsets(%dma_start3A_284 : memref<128xi32, #tpu.memory_space<vmem>>) semaphore(%run_scoped3A_278 : memref<!tpu.dma_semaphore, #tpu.memory_space<semaphore_mem>>) {add = true}
      %dma_wait3A = arith.constant 896 : i32
      %dma_wait3A_288 = arith.constant 0 : i32
      %dma_wait3A_289 = tpu.memref_slice %arg8[%dma_wait3A, %dma_wait3A_288] : memref<2048x16xi32, #tpu.memory_space<vmem>> -> memref<128x16xi32, #tpu.memory_space<vmem>>
      %dma_wait3A_290 = arith.constant 0 : i32
      %dma_wait3A_291 = tpu.memref_slice %arg9[%run_scoped3A_250, %dma_wait3A_290] : memref<16x128xi32, #tpu.memory_space<vmem>> -> memref<1x128xi32, #tpu.memory_space<vmem>>
      %dma_wait3A_292 = tpu.memref_squeeze %dma_wait3A_291 : memref<1x128xi32, #tpu.memory_space<vmem>> -> memref<128xi32, #tpu.memory_space<vmem>>
      %dma_wait3A_293 = arith.constant 0 : i32
      %dma_wait3A_294 = arith.constant 0 : i32
      %dma_wait3A_295 = tpu.memref_slice %arg11[%dma_wait3A_293, %dma_wait3A_294] : memref<8192x16xi32, #tpu.memory_space<vmem_shared>> -> memref<8192x16xi32, #tpu.memory_space<vmem_shared>>
      tpu.wait_indirect_dma semaphore(%run_scoped3A_278 : memref<!tpu.dma_semaphore, #tpu.memory_space<semaphore_mem>>) src(%dma_wait3A_289 : memref<128x16xi32, #tpu.memory_space<vmem>>) dst(%dma_wait3A_295 : memref<8192x16xi32, #tpu.memory_space<vmem_shared>>)
      tpu.yield
    }) : () -> ()
    %run_scoped3A_251 = arith.constant 8 : i32
    "tpu.region"() ({
      %run_scoped3A_278 = tpu.sem_alloc : memref<!tpu.dma_semaphore, #tpu.memory_space<semaphore_mem>>
      %dma_start3A_279 = arith.constant 1024 : i32
      %dma_start3A_280 = arith.constant 0 : i32
      %dma_start3A_281 = tpu.memref_slice %arg8[%dma_start3A_279, %dma_start3A_280] : memref<2048x16xi32, #tpu.memory_space<vmem>> -> memref<128x16xi32, #tpu.memory_space<vmem>>
      %dma_start3A_282 = arith.constant 0 : i32
      %dma_start3A_283 = tpu.memref_slice %arg9[%run_scoped3A_251, %dma_start3A_282] : memref<16x128xi32, #tpu.memory_space<vmem>> -> memref<1x128xi32, #tpu.memory_space<vmem>>
      %dma_start3A_284 = tpu.memref_squeeze %dma_start3A_283 : memref<1x128xi32, #tpu.memory_space<vmem>> -> memref<128xi32, #tpu.memory_space<vmem>>
      %dma_start3A_285 = arith.constant 0 : i32
      %dma_start3A_286 = arith.constant 0 : i32
      %dma_start3A_287 = tpu.memref_slice %arg11[%dma_start3A_285, %dma_start3A_286] : memref<8192x16xi32, #tpu.memory_space<vmem_shared>> -> memref<8192x16xi32, #tpu.memory_space<vmem_shared>>
      tpu.enqueue_indirect_dma source(%dma_start3A_281 : memref<128x16xi32, #tpu.memory_space<vmem>>) target(%dma_start3A_287 : memref<8192x16xi32, #tpu.memory_space<vmem_shared>>) offsets(%dma_start3A_284 : memref<128xi32, #tpu.memory_space<vmem>>) semaphore(%run_scoped3A_278 : memref<!tpu.dma_semaphore, #tpu.memory_space<semaphore_mem>>) {add = true}
      %dma_wait3A = arith.constant 1024 : i32
      %dma_wait3A_288 = arith.constant 0 : i32
      %dma_wait3A_289 = tpu.memref_slice %arg8[%dma_wait3A, %dma_wait3A_288] : memref<2048x16xi32, #tpu.memory_space<vmem>> -> memref<128x16xi32, #tpu.memory_space<vmem>>
      %dma_wait3A_290 = arith.constant 0 : i32
      %dma_wait3A_291 = tpu.memref_slice %arg9[%run_scoped3A_251, %dma_wait3A_290] : memref<16x128xi32, #tpu.memory_space<vmem>> -> memref<1x128xi32, #tpu.memory_space<vmem>>
      %dma_wait3A_292 = tpu.memref_squeeze %dma_wait3A_291 : memref<1x128xi32, #tpu.memory_space<vmem>> -> memref<128xi32, #tpu.memory_space<vmem>>
      %dma_wait3A_293 = arith.constant 0 : i32
      %dma_wait3A_294 = arith.constant 0 : i32
      %dma_wait3A_295 = tpu.memref_slice %arg11[%dma_wait3A_293, %dma_wait3A_294] : memref<8192x16xi32, #tpu.memory_space<vmem_shared>> -> memref<8192x16xi32, #tpu.memory_space<vmem_shared>>
      tpu.wait_indirect_dma semaphore(%run_scoped3A_278 : memref<!tpu.dma_semaphore, #tpu.memory_space<semaphore_mem>>) src(%dma_wait3A_289 : memref<128x16xi32, #tpu.memory_space<vmem>>) dst(%dma_wait3A_295 : memref<8192x16xi32, #tpu.memory_space<vmem_shared>>)
      tpu.yield
    }) : () -> ()
    %run_scoped3A_252 = arith.constant 9 : i32
    "tpu.region"() ({
      %run_scoped3A_278 = tpu.sem_alloc : memref<!tpu.dma_semaphore, #tpu.memory_space<semaphore_mem>>
      %dma_start3A_279 = arith.constant 1152 : i32
      %dma_start3A_280 = arith.constant 0 : i32
      %dma_start3A_281 = tpu.memref_slice %arg8[%dma_start3A_279, %dma_start3A_280] : memref<2048x16xi32, #tpu.memory_space<vmem>> -> memref<128x16xi32, #tpu.memory_space<vmem>>
      %dma_start3A_282 = arith.constant 0 : i32
      %dma_start3A_283 = tpu.memref_slice %arg9[%run_scoped3A_252, %dma_start3A_282] : memref<16x128xi32, #tpu.memory_space<vmem>> -> memref<1x128xi32, #tpu.memory_space<vmem>>
      %dma_start3A_284 = tpu.memref_squeeze %dma_start3A_283 : memref<1x128xi32, #tpu.memory_space<vmem>> -> memref<128xi32, #tpu.memory_space<vmem>>
      %dma_start3A_285 = arith.constant 0 : i32
      %dma_start3A_286 = arith.constant 0 : i32
      %dma_start3A_287 = tpu.memref_slice %arg11[%dma_start3A_285, %dma_start3A_286] : memref<8192x16xi32, #tpu.memory_space<vmem_shared>> -> memref<8192x16xi32, #tpu.memory_space<vmem_shared>>
      tpu.enqueue_indirect_dma source(%dma_start3A_281 : memref<128x16xi32, #tpu.memory_space<vmem>>) target(%dma_start3A_287 : memref<8192x16xi32, #tpu.memory_space<vmem_shared>>) offsets(%dma_start3A_284 : memref<128xi32, #tpu.memory_space<vmem>>) semaphore(%run_scoped3A_278 : memref<!tpu.dma_semaphore, #tpu.memory_space<semaphore_mem>>) {add = true}
      %dma_wait3A = arith.constant 1152 : i32
      %dma_wait3A_288 = arith.constant 0 : i32
      %dma_wait3A_289 = tpu.memref_slice %arg8[%dma_wait3A, %dma_wait3A_288] : memref<2048x16xi32, #tpu.memory_space<vmem>> -> memref<128x16xi32, #tpu.memory_space<vmem>>
      %dma_wait3A_290 = arith.constant 0 : i32
      %dma_wait3A_291 = tpu.memref_slice %arg9[%run_scoped3A_252, %dma_wait3A_290] : memref<16x128xi32, #tpu.memory_space<vmem>> -> memref<1x128xi32, #tpu.memory_space<vmem>>
      %dma_wait3A_292 = tpu.memref_squeeze %dma_wait3A_291 : memref<1x128xi32, #tpu.memory_space<vmem>> -> memref<128xi32, #tpu.memory_space<vmem>>
      %dma_wait3A_293 = arith.constant 0 : i32
      %dma_wait3A_294 = arith.constant 0 : i32
      %dma_wait3A_295 = tpu.memref_slice %arg11[%dma_wait3A_293, %dma_wait3A_294] : memref<8192x16xi32, #tpu.memory_space<vmem_shared>> -> memref<8192x16xi32, #tpu.memory_space<vmem_shared>>
      tpu.wait_indirect_dma semaphore(%run_scoped3A_278 : memref<!tpu.dma_semaphore, #tpu.memory_space<semaphore_mem>>) src(%dma_wait3A_289 : memref<128x16xi32, #tpu.memory_space<vmem>>) dst(%dma_wait3A_295 : memref<8192x16xi32, #tpu.memory_space<vmem_shared>>)
      tpu.yield
    }) : () -> ()
    %run_scoped3A_253 = arith.constant 10 : i32
    "tpu.region"() ({
      %run_scoped3A_278 = tpu.sem_alloc : memref<!tpu.dma_semaphore, #tpu.memory_space<semaphore_mem>>
      %dma_start3A_279 = arith.constant 1280 : i32
      %dma_start3A_280 = arith.constant 0 : i32
      %dma_start3A_281 = tpu.memref_slice %arg8[%dma_start3A_279, %dma_start3A_280] : memref<2048x16xi32, #tpu.memory_space<vmem>> -> memref<128x16xi32, #tpu.memory_space<vmem>>
      %dma_start3A_282 = arith.constant 0 : i32
      %dma_start3A_283 = tpu.memref_slice %arg9[%run_scoped3A_253, %dma_start3A_282] : memref<16x128xi32, #tpu.memory_space<vmem>> -> memref<1x128xi32, #tpu.memory_space<vmem>>
      %dma_start3A_284 = tpu.memref_squeeze %dma_start3A_283 : memref<1x128xi32, #tpu.memory_space<vmem>> -> memref<128xi32, #tpu.memory_space<vmem>>
      %dma_start3A_285 = arith.constant 0 : i32
      %dma_start3A_286 = arith.constant 0 : i32
      %dma_start3A_287 = tpu.memref_slice %arg11[%dma_start3A_285, %dma_start3A_286] : memref<8192x16xi32, #tpu.memory_space<vmem_shared>> -> memref<8192x16xi32, #tpu.memory_space<vmem_shared>>
      tpu.enqueue_indirect_dma source(%dma_start3A_281 : memref<128x16xi32, #tpu.memory_space<vmem>>) target(%dma_start3A_287 : memref<8192x16xi32, #tpu.memory_space<vmem_shared>>) offsets(%dma_start3A_284 : memref<128xi32, #tpu.memory_space<vmem>>) semaphore(%run_scoped3A_278 : memref<!tpu.dma_semaphore, #tpu.memory_space<semaphore_mem>>) {add = true}
      %dma_wait3A = arith.constant 1280 : i32
      %dma_wait3A_288 = arith.constant 0 : i32
      %dma_wait3A_289 = tpu.memref_slice %arg8[%dma_wait3A, %dma_wait3A_288] : memref<2048x16xi32, #tpu.memory_space<vmem>> -> memref<128x16xi32, #tpu.memory_space<vmem>>
      %dma_wait3A_290 = arith.constant 0 : i32
      %dma_wait3A_291 = tpu.memref_slice %arg9[%run_scoped3A_253, %dma_wait3A_290] : memref<16x128xi32, #tpu.memory_space<vmem>> -> memref<1x128xi32, #tpu.memory_space<vmem>>
      %dma_wait3A_292 = tpu.memref_squeeze %dma_wait3A_291 : memref<1x128xi32, #tpu.memory_space<vmem>> -> memref<128xi32, #tpu.memory_space<vmem>>
      %dma_wait3A_293 = arith.constant 0 : i32
      %dma_wait3A_294 = arith.constant 0 : i32
      %dma_wait3A_295 = tpu.memref_slice %arg11[%dma_wait3A_293, %dma_wait3A_294] : memref<8192x16xi32, #tpu.memory_space<vmem_shared>> -> memref<8192x16xi32, #tpu.memory_space<vmem_shared>>
      tpu.wait_indirect_dma semaphore(%run_scoped3A_278 : memref<!tpu.dma_semaphore, #tpu.memory_space<semaphore_mem>>) src(%dma_wait3A_289 : memref<128x16xi32, #tpu.memory_space<vmem>>) dst(%dma_wait3A_295 : memref<8192x16xi32, #tpu.memory_space<vmem_shared>>)
      tpu.yield
    }) : () -> ()
    %run_scoped3A_254 = arith.constant 11 : i32
    "tpu.region"() ({
      %run_scoped3A_278 = tpu.sem_alloc : memref<!tpu.dma_semaphore, #tpu.memory_space<semaphore_mem>>
      %dma_start3A_279 = arith.constant 1408 : i32
      %dma_start3A_280 = arith.constant 0 : i32
      %dma_start3A_281 = tpu.memref_slice %arg8[%dma_start3A_279, %dma_start3A_280] : memref<2048x16xi32, #tpu.memory_space<vmem>> -> memref<128x16xi32, #tpu.memory_space<vmem>>
      %dma_start3A_282 = arith.constant 0 : i32
      %dma_start3A_283 = tpu.memref_slice %arg9[%run_scoped3A_254, %dma_start3A_282] : memref<16x128xi32, #tpu.memory_space<vmem>> -> memref<1x128xi32, #tpu.memory_space<vmem>>
      %dma_start3A_284 = tpu.memref_squeeze %dma_start3A_283 : memref<1x128xi32, #tpu.memory_space<vmem>> -> memref<128xi32, #tpu.memory_space<vmem>>
      %dma_start3A_285 = arith.constant 0 : i32
      %dma_start3A_286 = arith.constant 0 : i32
      %dma_start3A_287 = tpu.memref_slice %arg11[%dma_start3A_285, %dma_start3A_286] : memref<8192x16xi32, #tpu.memory_space<vmem_shared>> -> memref<8192x16xi32, #tpu.memory_space<vmem_shared>>
      tpu.enqueue_indirect_dma source(%dma_start3A_281 : memref<128x16xi32, #tpu.memory_space<vmem>>) target(%dma_start3A_287 : memref<8192x16xi32, #tpu.memory_space<vmem_shared>>) offsets(%dma_start3A_284 : memref<128xi32, #tpu.memory_space<vmem>>) semaphore(%run_scoped3A_278 : memref<!tpu.dma_semaphore, #tpu.memory_space<semaphore_mem>>) {add = true}
      %dma_wait3A = arith.constant 1408 : i32
      %dma_wait3A_288 = arith.constant 0 : i32
      %dma_wait3A_289 = tpu.memref_slice %arg8[%dma_wait3A, %dma_wait3A_288] : memref<2048x16xi32, #tpu.memory_space<vmem>> -> memref<128x16xi32, #tpu.memory_space<vmem>>
      %dma_wait3A_290 = arith.constant 0 : i32
      %dma_wait3A_291 = tpu.memref_slice %arg9[%run_scoped3A_254, %dma_wait3A_290] : memref<16x128xi32, #tpu.memory_space<vmem>> -> memref<1x128xi32, #tpu.memory_space<vmem>>
      %dma_wait3A_292 = tpu.memref_squeeze %dma_wait3A_291 : memref<1x128xi32, #tpu.memory_space<vmem>> -> memref<128xi32, #tpu.memory_space<vmem>>
      %dma_wait3A_293 = arith.constant 0 : i32
      %dma_wait3A_294 = arith.constant 0 : i32
      %dma_wait3A_295 = tpu.memref_slice %arg11[%dma_wait3A_293, %dma_wait3A_294] : memref<8192x16xi32, #tpu.memory_space<vmem_shared>> -> memref<8192x16xi32, #tpu.memory_space<vmem_shared>>
      tpu.wait_indirect_dma semaphore(%run_scoped3A_278 : memref<!tpu.dma_semaphore, #tpu.memory_space<semaphore_mem>>) src(%dma_wait3A_289 : memref<128x16xi32, #tpu.memory_space<vmem>>) dst(%dma_wait3A_295 : memref<8192x16xi32, #tpu.memory_space<vmem_shared>>)
      tpu.yield
    }) : () -> ()
    %run_scoped3A_255 = arith.constant 12 : i32
    "tpu.region"() ({
      %run_scoped3A_278 = tpu.sem_alloc : memref<!tpu.dma_semaphore, #tpu.memory_space<semaphore_mem>>
      %dma_start3A_279 = arith.constant 1536 : i32
      %dma_start3A_280 = arith.constant 0 : i32
      %dma_start3A_281 = tpu.memref_slice %arg8[%dma_start3A_279, %dma_start3A_280] : memref<2048x16xi32, #tpu.memory_space<vmem>> -> memref<128x16xi32, #tpu.memory_space<vmem>>
      %dma_start3A_282 = arith.constant 0 : i32
      %dma_start3A_283 = tpu.memref_slice %arg9[%run_scoped3A_255, %dma_start3A_282] : memref<16x128xi32, #tpu.memory_space<vmem>> -> memref<1x128xi32, #tpu.memory_space<vmem>>
      %dma_start3A_284 = tpu.memref_squeeze %dma_start3A_283 : memref<1x128xi32, #tpu.memory_space<vmem>> -> memref<128xi32, #tpu.memory_space<vmem>>
      %dma_start3A_285 = arith.constant 0 : i32
      %dma_start3A_286 = arith.constant 0 : i32
      %dma_start3A_287 = tpu.memref_slice %arg11[%dma_start3A_285, %dma_start3A_286] : memref<8192x16xi32, #tpu.memory_space<vmem_shared>> -> memref<8192x16xi32, #tpu.memory_space<vmem_shared>>
      tpu.enqueue_indirect_dma source(%dma_start3A_281 : memref<128x16xi32, #tpu.memory_space<vmem>>) target(%dma_start3A_287 : memref<8192x16xi32, #tpu.memory_space<vmem_shared>>) offsets(%dma_start3A_284 : memref<128xi32, #tpu.memory_space<vmem>>) semaphore(%run_scoped3A_278 : memref<!tpu.dma_semaphore, #tpu.memory_space<semaphore_mem>>) {add = true}
      %dma_wait3A = arith.constant 1536 : i32
      %dma_wait3A_288 = arith.constant 0 : i32
      %dma_wait3A_289 = tpu.memref_slice %arg8[%dma_wait3A, %dma_wait3A_288] : memref<2048x16xi32, #tpu.memory_space<vmem>> -> memref<128x16xi32, #tpu.memory_space<vmem>>
      %dma_wait3A_290 = arith.constant 0 : i32
      %dma_wait3A_291 = tpu.memref_slice %arg9[%run_scoped3A_255, %dma_wait3A_290] : memref<16x128xi32, #tpu.memory_space<vmem>> -> memref<1x128xi32, #tpu.memory_space<vmem>>
      %dma_wait3A_292 = tpu.memref_squeeze %dma_wait3A_291 : memref<1x128xi32, #tpu.memory_space<vmem>> -> memref<128xi32, #tpu.memory_space<vmem>>
      %dma_wait3A_293 = arith.constant 0 : i32
      %dma_wait3A_294 = arith.constant 0 : i32
      %dma_wait3A_295 = tpu.memref_slice %arg11[%dma_wait3A_293, %dma_wait3A_294] : memref<8192x16xi32, #tpu.memory_space<vmem_shared>> -> memref<8192x16xi32, #tpu.memory_space<vmem_shared>>
      tpu.wait_indirect_dma semaphore(%run_scoped3A_278 : memref<!tpu.dma_semaphore, #tpu.memory_space<semaphore_mem>>) src(%dma_wait3A_289 : memref<128x16xi32, #tpu.memory_space<vmem>>) dst(%dma_wait3A_295 : memref<8192x16xi32, #tpu.memory_space<vmem_shared>>)
      tpu.yield
    }) : () -> ()
    %run_scoped3A_256 = arith.constant 13 : i32
    "tpu.region"() ({
      %run_scoped3A_278 = tpu.sem_alloc : memref<!tpu.dma_semaphore, #tpu.memory_space<semaphore_mem>>
      %dma_start3A_279 = arith.constant 1664 : i32
      %dma_start3A_280 = arith.constant 0 : i32
      %dma_start3A_281 = tpu.memref_slice %arg8[%dma_start3A_279, %dma_start3A_280] : memref<2048x16xi32, #tpu.memory_space<vmem>> -> memref<128x16xi32, #tpu.memory_space<vmem>>
      %dma_start3A_282 = arith.constant 0 : i32
      %dma_start3A_283 = tpu.memref_slice %arg9[%run_scoped3A_256, %dma_start3A_282] : memref<16x128xi32, #tpu.memory_space<vmem>> -> memref<1x128xi32, #tpu.memory_space<vmem>>
      %dma_start3A_284 = tpu.memref_squeeze %dma_start3A_283 : memref<1x128xi32, #tpu.memory_space<vmem>> -> memref<128xi32, #tpu.memory_space<vmem>>
      %dma_start3A_285 = arith.constant 0 : i32
      %dma_start3A_286 = arith.constant 0 : i32
      %dma_start3A_287 = tpu.memref_slice %arg11[%dma_start3A_285, %dma_start3A_286] : memref<8192x16xi32, #tpu.memory_space<vmem_shared>> -> memref<8192x16xi32, #tpu.memory_space<vmem_shared>>
      tpu.enqueue_indirect_dma source(%dma_start3A_281 : memref<128x16xi32, #tpu.memory_space<vmem>>) target(%dma_start3A_287 : memref<8192x16xi32, #tpu.memory_space<vmem_shared>>) offsets(%dma_start3A_284 : memref<128xi32, #tpu.memory_space<vmem>>) semaphore(%run_scoped3A_278 : memref<!tpu.dma_semaphore, #tpu.memory_space<semaphore_mem>>) {add = true}
      %dma_wait3A = arith.constant 1664 : i32
      %dma_wait3A_288 = arith.constant 0 : i32
      %dma_wait3A_289 = tpu.memref_slice %arg8[%dma_wait3A, %dma_wait3A_288] : memref<2048x16xi32, #tpu.memory_space<vmem>> -> memref<128x16xi32, #tpu.memory_space<vmem>>
      %dma_wait3A_290 = arith.constant 0 : i32
      %dma_wait3A_291 = tpu.memref_slice %arg9[%run_scoped3A_256, %dma_wait3A_290] : memref<16x128xi32, #tpu.memory_space<vmem>> -> memref<1x128xi32, #tpu.memory_space<vmem>>
      %dma_wait3A_292 = tpu.memref_squeeze %dma_wait3A_291 : memref<1x128xi32, #tpu.memory_space<vmem>> -> memref<128xi32, #tpu.memory_space<vmem>>
      %dma_wait3A_293 = arith.constant 0 : i32
      %dma_wait3A_294 = arith.constant 0 : i32
      %dma_wait3A_295 = tpu.memref_slice %arg11[%dma_wait3A_293, %dma_wait3A_294] : memref<8192x16xi32, #tpu.memory_space<vmem_shared>> -> memref<8192x16xi32, #tpu.memory_space<vmem_shared>>
      tpu.wait_indirect_dma semaphore(%run_scoped3A_278 : memref<!tpu.dma_semaphore, #tpu.memory_space<semaphore_mem>>) src(%dma_wait3A_289 : memref<128x16xi32, #tpu.memory_space<vmem>>) dst(%dma_wait3A_295 : memref<8192x16xi32, #tpu.memory_space<vmem_shared>>)
      tpu.yield
    }) : () -> ()
    %run_scoped3A_257 = arith.constant 14 : i32
    "tpu.region"() ({
      %run_scoped3A_278 = tpu.sem_alloc : memref<!tpu.dma_semaphore, #tpu.memory_space<semaphore_mem>>
      %dma_start3A_279 = arith.constant 1792 : i32
      %dma_start3A_280 = arith.constant 0 : i32
      %dma_start3A_281 = tpu.memref_slice %arg8[%dma_start3A_279, %dma_start3A_280] : memref<2048x16xi32, #tpu.memory_space<vmem>> -> memref<128x16xi32, #tpu.memory_space<vmem>>
      %dma_start3A_282 = arith.constant 0 : i32
      %dma_start3A_283 = tpu.memref_slice %arg9[%run_scoped3A_257, %dma_start3A_282] : memref<16x128xi32, #tpu.memory_space<vmem>> -> memref<1x128xi32, #tpu.memory_space<vmem>>
      %dma_start3A_284 = tpu.memref_squeeze %dma_start3A_283 : memref<1x128xi32, #tpu.memory_space<vmem>> -> memref<128xi32, #tpu.memory_space<vmem>>
      %dma_start3A_285 = arith.constant 0 : i32
      %dma_start3A_286 = arith.constant 0 : i32
      %dma_start3A_287 = tpu.memref_slice %arg11[%dma_start3A_285, %dma_start3A_286] : memref<8192x16xi32, #tpu.memory_space<vmem_shared>> -> memref<8192x16xi32, #tpu.memory_space<vmem_shared>>
      tpu.enqueue_indirect_dma source(%dma_start3A_281 : memref<128x16xi32, #tpu.memory_space<vmem>>) target(%dma_start3A_287 : memref<8192x16xi32, #tpu.memory_space<vmem_shared>>) offsets(%dma_start3A_284 : memref<128xi32, #tpu.memory_space<vmem>>) semaphore(%run_scoped3A_278 : memref<!tpu.dma_semaphore, #tpu.memory_space<semaphore_mem>>) {add = true}
      %dma_wait3A = arith.constant 1792 : i32
      %dma_wait3A_288 = arith.constant 0 : i32
      %dma_wait3A_289 = tpu.memref_slice %arg8[%dma_wait3A, %dma_wait3A_288] : memref<2048x16xi32, #tpu.memory_space<vmem>> -> memref<128x16xi32, #tpu.memory_space<vmem>>
      %dma_wait3A_290 = arith.constant 0 : i32
      %dma_wait3A_291 = tpu.memref_slice %arg9[%run_scoped3A_257, %dma_wait3A_290] : memref<16x128xi32, #tpu.memory_space<vmem>> -> memref<1x128xi32, #tpu.memory_space<vmem>>
      %dma_wait3A_292 = tpu.memref_squeeze %dma_wait3A_291 : memref<1x128xi32, #tpu.memory_space<vmem>> -> memref<128xi32, #tpu.memory_space<vmem>>
      %dma_wait3A_293 = arith.constant 0 : i32
      %dma_wait3A_294 = arith.constant 0 : i32
      %dma_wait3A_295 = tpu.memref_slice %arg11[%dma_wait3A_293, %dma_wait3A_294] : memref<8192x16xi32, #tpu.memory_space<vmem_shared>> -> memref<8192x16xi32, #tpu.memory_space<vmem_shared>>
      tpu.wait_indirect_dma semaphore(%run_scoped3A_278 : memref<!tpu.dma_semaphore, #tpu.memory_space<semaphore_mem>>) src(%dma_wait3A_289 : memref<128x16xi32, #tpu.memory_space<vmem>>) dst(%dma_wait3A_295 : memref<8192x16xi32, #tpu.memory_space<vmem_shared>>)
      tpu.yield
    }) : () -> ()
    %run_scoped3A_258 = arith.constant 15 : i32
    "tpu.region"() ({
      %run_scoped3A_278 = tpu.sem_alloc : memref<!tpu.dma_semaphore, #tpu.memory_space<semaphore_mem>>
      %dma_start3A_279 = arith.constant 1920 : i32
      %dma_start3A_280 = arith.constant 0 : i32
      %dma_start3A_281 = tpu.memref_slice %arg8[%dma_start3A_279, %dma_start3A_280] : memref<2048x16xi32, #tpu.memory_space<vmem>> -> memref<128x16xi32, #tpu.memory_space<vmem>>
      %dma_start3A_282 = arith.constant 0 : i32
      %dma_start3A_283 = tpu.memref_slice %arg9[%run_scoped3A_258, %dma_start3A_282] : memref<16x128xi32, #tpu.memory_space<vmem>> -> memref<1x128xi32, #tpu.memory_space<vmem>>
      %dma_start3A_284 = tpu.memref_squeeze %dma_start3A_283 : memref<1x128xi32, #tpu.memory_space<vmem>> -> memref<128xi32, #tpu.memory_space<vmem>>
      %dma_start3A_285 = arith.constant 0 : i32
      %dma_start3A_286 = arith.constant 0 : i32
      %dma_start3A_287 = tpu.memref_slice %arg11[%dma_start3A_285, %dma_start3A_286] : memref<8192x16xi32, #tpu.memory_space<vmem_shared>> -> memref<8192x16xi32, #tpu.memory_space<vmem_shared>>
      tpu.enqueue_indirect_dma source(%dma_start3A_281 : memref<128x16xi32, #tpu.memory_space<vmem>>) target(%dma_start3A_287 : memref<8192x16xi32, #tpu.memory_space<vmem_shared>>) offsets(%dma_start3A_284 : memref<128xi32, #tpu.memory_space<vmem>>) semaphore(%run_scoped3A_278 : memref<!tpu.dma_semaphore, #tpu.memory_space<semaphore_mem>>) {add = true}
      %dma_wait3A = arith.constant 1920 : i32
      %dma_wait3A_288 = arith.constant 0 : i32
      %dma_wait3A_289 = tpu.memref_slice %arg8[%dma_wait3A, %dma_wait3A_288] : memref<2048x16xi32, #tpu.memory_space<vmem>> -> memref<128x16xi32, #tpu.memory_space<vmem>>
      %dma_wait3A_290 = arith.constant 0 : i32
      %dma_wait3A_291 = tpu.memref_slice %arg9[%run_scoped3A_258, %dma_wait3A_290] : memref<16x128xi32, #tpu.memory_space<vmem>> -> memref<1x128xi32, #tpu.memory_space<vmem>>
      %dma_wait3A_292 = tpu.memref_squeeze %dma_wait3A_291 : memref<1x128xi32, #tpu.memory_space<vmem>> -> memref<128xi32, #tpu.memory_space<vmem>>
      %dma_wait3A_293 = arith.constant 0 : i32
      %dma_wait3A_294 = arith.constant 0 : i32
      %dma_wait3A_295 = tpu.memref_slice %arg11[%dma_wait3A_293, %dma_wait3A_294] : memref<8192x16xi32, #tpu.memory_space<vmem_shared>> -> memref<8192x16xi32, #tpu.memory_space<vmem_shared>>
      tpu.wait_indirect_dma semaphore(%run_scoped3A_278 : memref<!tpu.dma_semaphore, #tpu.memory_space<semaphore_mem>>) src(%dma_wait3A_289 : memref<128x16xi32, #tpu.memory_space<vmem>>) dst(%dma_wait3A_295 : memref<8192x16xi32, #tpu.memory_space<vmem_shared>>)
      tpu.yield
    }) : () -> ()
    %barrier3A_259 = arith.constant 0 : index
    tpu.barrier barrier_id(%barrier3A_259)
    %mul3A_260 = arith.constant 2048 : i32
    %mul3A_261 = arith.muli %select_n3A, %mul3A_260 : i32
    "tpu.region"() ({
      %run_scoped3A_278 = tpu.sem_alloc : memref<!tpu.dma_semaphore, #tpu.memory_space<semaphore_mem>>
      %dma_start3A_279 = arith.constant 0 : i32
      %dma_start3A_280 = tpu.memref_slice %arg11[%mul3A_261, %dma_start3A_279] : memref<8192x16xi32, #tpu.memory_space<vmem_shared>> -> memref<2048x16xi32, #tpu.memory_space<vmem_shared>>
      %dma_start3A_281 = arith.constant 0 : i32
      %dma_start3A_282 = tpu.memref_slice %arg11[%mul3A_261, %dma_start3A_281] : memref<8192x16xi32, #tpu.memory_space<vmem_shared>> -> memref<2048x16xi32, #tpu.memory_space<vmem_shared>>
      tpu.enqueue_dma source(%dma_start3A_282 : memref<2048x16xi32, #tpu.memory_space<vmem_shared>>) target(%arg8 : memref<2048x16xi32, #tpu.memory_space<vmem>>) target_semaphore(%run_scoped3A_278 : memref<!tpu.dma_semaphore, #tpu.memory_space<semaphore_mem>>)
      %dma_wait3A = arith.constant 0 : i32
      %dma_wait3A_283 = tpu.memref_slice %arg11[%mul3A_261, %dma_wait3A] : memref<8192x16xi32, #tpu.memory_space<vmem_shared>> -> memref<2048x16xi32, #tpu.memory_space<vmem_shared>>
      %dma_wait3A_284 = arith.constant 0 : i32
      %dma_wait3A_285 = tpu.memref_slice %arg11[%mul3A_261, %dma_wait3A_284] : memref<8192x16xi32, #tpu.memory_space<vmem_shared>> -> memref<2048x16xi32, #tpu.memory_space<vmem_shared>>
      tpu.wait_dma2 semaphore(%run_scoped3A_278 : memref<!tpu.dma_semaphore, #tpu.memory_space<semaphore_mem>>) src(%dma_wait3A_285 : memref<2048x16xi32, #tpu.memory_space<vmem_shared>>) dst(%arg8 : memref<2048x16xi32, #tpu.memory_space<vmem>>)
      tpu.yield
    }) : () -> ()
    %barrier3A_262 = arith.constant 0 : index
    tpu.barrier barrier_id(%barrier3A_262)
    %scan3A_263 = arith.constant 0 : i32
    %scan3A_264 = arith.constant false
    %scan3A_265 = arith.constant 0 : i32
    %scan3A_266 = arith.constant 0 : i32
    %scan3A_267 = arith.constant 1024 : i32
    %scan3A_268 = arith.addi %scan3A_266, %scan3A_267 : i32
    %scan3A_269 = arith.constant 1 : i32
    %scan3A_270:4 = scf.for %scan3A_278 = %scan3A_266 to %scan3A_268 step %scan3A_269 iter_args(%scan3A_279 = %scan3A_263, %scan3A_280 = %scan3A_264, %scan3A_281 = %scan3A_265, %scan3A_282 = %scan3A_192#3) -> (i32, i1, i32, i32)  : i32 {
      %sub3A_283 = arith.constant 1023 : i32
      %sub3A_284 = arith.subi %sub3A_283, %scan3A_278 : i32
      %get3A = arith.index_cast %sub3A_284 : i32 to index
      %get3A_285 = arith.constant 0 : index
      %get3A_286 = tpu.vector_load %arg8[%get3A, %get3A_285] {strides = array<i32>} : memref<2048x16xi32, #tpu.memory_space<vmem>>, vector<16xi32>,
      %reduce_sum3A = arith.constant true
      %reduce_sum3A_287 = vector.broadcast %reduce_sum3A : i1 to vector<16xi1>
      %reduce_sum3A_288 = tpu.scan <sum>, %get3A_286 masked %reduce_sum3A_287 : vector<16xi32>, vector<16xi1> -> vector<16xi32>
      %reduce_sum3A_289 = vector.extract %reduce_sum3A_288[15] : i32 from vector<16xi32>
      %add3A_290 = arith.addi %scan3A_279, %reduce_sum3A_289 : i32
      %ge3A = arith.cmpi sge, %add3A_290, %scan3A_192#3 : i32
      %not3A = arith.constant true
      %not3A_291 = arith.xori %scan3A_280, %not3A : i1
      %and3A_292 = arith.andi %ge3A, %not3A_291 : i1
      %select_n3A_293 = arith.select %and3A_292, %sub3A_284, %scan3A_281 : i32
      %sub3A_294 = arith.subi %scan3A_192#3, %scan3A_279 : i32
      %select_n3A_295 = arith.select %and3A_292, %sub3A_294, %scan3A_282 : i32
      %or3A_296 = arith.ori %scan3A_280, %ge3A : i1
      scf.yield %add3A_290, %or3A_296, %select_n3A_293, %select_n3A_295 : i32, i1, i32, i32
    }
    %scan3A_271 = arith.constant 1024 : i32
    %shift_left3A_272 = arith.constant 10 : i32
    %shift_left3A_273 = arith.shli %or3A_196, %shift_left3A_272 : i32
    %or3A_274 = arith.ori %shift_left3A_273, %scan3A_270#2 : i32
    %eq3A_275 = arith.constant 0 : i32
    %eq3A_276 = arith.cmpi eq, %select_n3A_28, %eq3A_275 : i32
    %convert_element_type3A = arith.extui %eq3A_276 : i1 to i32
    %cond3A = arith.constant 0 : i32
    %cond3A_277 = arith.cmpi ne, %convert_element_type3A, %cond3A : i32
    scf.if %cond3A_277 {
      %broadcast_in_dim3A_278 = vector.broadcast %or3A_274 : i32 to vector<16xi32>
      %swap3A = arith.constant 0 : index
      %swap3A_279 = tpu.vector_load %arg10[%swap3A] {strides = array<i32>} : memref<16xi32, #tpu.memory_space<vmem>>, vector<16xi32>,
      tpu.vector_store %arg10[%swap3A], %broadcast_in_dim3A_278 {strides = array<i32>} : memref<16xi32, #tpu.memory_space<vmem>>, vector<16xi32>,
      "tpu.region"() ({
        %run_scoped3A_280 = tpu.sem_alloc : memref<!tpu.dma_semaphore, #tpu.memory_space<semaphore_mem>>
        %dma_start3A_281 = arith.constant 0 : i32
        %dma_start3A_282 = tpu.memref_slice %arg4[%add3A_30, %dma_start3A_281] : memref<8x16xi32, #tpu.memory_space<hbm>> -> memref<1x16xi32, #tpu.memory_space<hbm>>
        %dma_start3A_283 = tpu.memref_squeeze %dma_start3A_282 : memref<1x16xi32, #tpu.memory_space<hbm>> -> memref<16xi32, #tpu.memory_space<hbm>>
        %dma_start3A_284 = arith.constant 0 : i32
        %dma_start3A_285 = tpu.memref_slice %arg4[%add3A_30, %dma_start3A_284] : memref<8x16xi32, #tpu.memory_space<hbm>> -> memref<1x16xi32, #tpu.memory_space<hbm>>
        %dma_start3A_286 = tpu.memref_squeeze %dma_start3A_285 : memref<1x16xi32, #tpu.memory_space<hbm>> -> memref<16xi32, #tpu.memory_space<hbm>>
        tpu.enqueue_dma source(%arg10 : memref<16xi32, #tpu.memory_space<vmem>>) target(%dma_start3A_286 : memref<16xi32, #tpu.memory_space<hbm>>) target_semaphore(%run_scoped3A_280 : memref<!tpu.dma_semaphore, #tpu.memory_space<semaphore_mem>>)
        %dma_wait3A = arith.constant 0 : i32
        %dma_wait3A_287 = tpu.memref_slice %arg4[%add3A_30, %dma_wait3A] : memref<8x16xi32, #tpu.memory_space<hbm>> -> memref<1x16xi32, #tpu.memory_space<hbm>>
        %dma_wait3A_288 = tpu.memref_squeeze %dma_wait3A_287 : memref<1x16xi32, #tpu.memory_space<hbm>> -> memref<16xi32, #tpu.memory_space<hbm>>
        %dma_wait3A_289 = arith.constant 0 : i32
        %dma_wait3A_290 = tpu.memref_slice %arg4[%add3A_30, %dma_wait3A_289] : memref<8x16xi32, #tpu.memory_space<hbm>> -> memref<1x16xi32, #tpu.memory_space<hbm>>
        %dma_wait3A_291 = tpu.memref_squeeze %dma_wait3A_290 : memref<1x16xi32, #tpu.memory_space<hbm>> -> memref<16xi32, #tpu.memory_space<hbm>>
        tpu.wait_dma2 semaphore(%run_scoped3A_280 : memref<!tpu.dma_semaphore, #tpu.memory_space<semaphore_mem>>) src(%arg10 : memref<16xi32, #tpu.memory_space<vmem>>) dst(%dma_wait3A_291 : memref<16xi32, #tpu.memory_space<hbm>>)
        tpu.yield
      }) : () -> ()
    } else {
    }
    return
  }
}

module attributes {stable_mosaic.version = 14 : i64} {
  func.func @_apply_body(%arg0: i32, %arg1: i32, %arg2: memref<1x1x16xi32, #tpu.memory_space<smem>>, %arg3: memref<1x96x1xf32, #tpu.memory_space<vmem>>, %arg4: memref<1x96x12544xf32, #tpu.memory_space<vmem>>, %arg5: memref<1x96x12544xf32, #tpu.memory_space<vmem>>) attributes {dimension_semantics = [#tpu.dimension_semantics<arbitrary>, #tpu.dimension_semantics<arbitrary>], iteration_bounds = array<i64: 8, 4>, scalar_prefetch = 0 : i64, scratch_operands = 0 : i64, tpu.core_type = #tpu.core_type<tc>, window_params = [{transform_indices = @transform_0, window_bounds = array<i64: 1, 1, 16>}, {pipeline_mode = #tpu.pipeline_mode<synchronous>, transform_indices = @transform_1, window_bounds = array<i64: 1, 96, 1>}, {transform_indices = @transform_2, window_bounds = array<i64: 1, 96, 12544>}, {transform_indices = @transform_3, window_bounds = array<i64: 1, 96, 12544>}]} {
    %get3A = arith.constant 0 : index
    %get3A_0 = arith.constant 0 : index
    %get3A_1 = arith.constant 0 : index
    %get3A_2 = vector.load %arg4[%get3A, %get3A_0, %get3A_1] : memref<1x96x12544xf32, #tpu.memory_space<vmem>>, vector<1x96x12544xf32>
    %get3A_3 = arith.constant 0 : index
    %get3A_4 = arith.constant 0 : index
    %get3A_5 = arith.constant 0 : index
    %get3A_6 = vector.load %arg3[%get3A_3, %get3A_4, %get3A_5] : memref<1x96x1xf32, #tpu.memory_space<vmem>>, vector<1x96x1xf32>
    %mul3A = vector.broadcast %get3A_6 : vector<1x96x1xf32> to vector<1x96x12544xf32>
    %mul3A_7 = arith.mulf %get3A_2, %mul3A : vector<1x96x12544xf32>
    %bitcast_convert_type3A = tpu.bitcast %mul3A_7 : vector<1x96x12544xf32> -> vector<1x96x12544xi32>
    %shift_right_arithmetic3A = arith.constant 31 : i32
    %shift_right_arithmetic3A_8 = vector.broadcast %shift_right_arithmetic3A : i32 to vector<1x96x12544xi32>
    %shift_right_arithmetic3A_9 = arith.shrsi %bitcast_convert_type3A, %shift_right_arithmetic3A_8 : vector<1x96x12544xi32>
    %or3A = arith.constant -2147483648 : i32
    %or3A_10 = vector.broadcast %or3A : i32 to vector<1x96x12544xi32>
    %or3A_11 = arith.ori %shift_right_arithmetic3A_9, %or3A_10 : vector<1x96x12544xi32>
    %xor3A = arith.xori %bitcast_convert_type3A, %or3A_11 : vector<1x96x12544xi32>
    %bitcast_convert_type3A_12 = tpu.bitcast %xor3A : vector<1x96x12544xi32> -> vector<1x96x12544xi32>
    %get3A_13 = arith.constant 0 : index
    %get3A_14 = arith.constant 0 : index
    %get3A_15 = arith.constant 0 : index
    %get3A_16 = memref.load %arg2[%get3A_13, %get3A_14, %get3A_15] : memref<1x1x16xi32, #tpu.memory_space<smem>>
    %bitcast_convert_type3A_17 = arith.bitcast %get3A_16 : i32 to i32
    %ge3A = vector.broadcast %bitcast_convert_type3A_17 : i32 to vector<1x96x12544xi32>
    %ge3A_18 = arith.cmpi uge, %bitcast_convert_type3A_12, %ge3A : vector<1x96x12544xi32>
    %jit3A = arith.constant 0.000000e+00 : f32
    %broadcast_in_dim3A = vector.broadcast %jit3A : f32 to vector<1x96x12544xf32>
    %select_n3A = arith.select %ge3A_18, %get3A_2, %broadcast_in_dim3A : vector<1x96x12544xi1>, vector<1x96x12544xf32>
    %swap3A = arith.constant 0 : index
    %swap3A_19 = arith.constant 0 : index
    %swap3A_20 = arith.constant 0 : index
    %swap3A_21 = vector.load %arg5[%swap3A, %swap3A_19, %swap3A_20] : memref<1x96x12544xf32, #tpu.memory_space<vmem>>, vector<1x96x12544xf32>
    tpu.vector_store %arg5[%swap3A, %swap3A_19, %swap3A_20], %select_n3A {strides = array<i32>} : memref<1x96x12544xf32, #tpu.memory_space<vmem>>, vector<1x96x12544xf32>,
    return
  }
  func.func @transform_0(%arg0: i32, %arg1: i32) -> (i32, i32, i32) {
    %c0_i32 = arith.constant 0 : i32
    %c0_i32_0 = arith.constant 0 : i32
    %c0_i32_1 = arith.constant 0 : i32
    return %arg0, %c0_i32, %c0_i32_0 : i32, i32, i32
  }
  func.func @transform_1(%arg0: i32, %arg1: i32) -> (i32, i32, i32) {
    %c0_i32 = arith.constant 0 : i32
    %c0_i32_0 = arith.constant 0 : i32
    %c0_i32_1 = arith.constant 0 : i32
    %c0_i32_2 = arith.constant 0 : i32
    return %c0_i32, %c0_i32_0, %c0_i32_1 : i32, i32, i32
  }
  func.func @transform_2(%arg0: i32, %arg1: i32) -> (i32, i32, i32) {
    %c0_i32 = arith.constant 0 : i32
    %c0_i32_0 = arith.constant 0 : i32
    return %arg0, %c0_i32, %arg1 : i32, i32, i32
  }
  func.func @transform_3(%arg0: i32, %arg1: i32) -> (i32, i32, i32) {
    %c0_i32 = arith.constant 0 : i32
    %c0_i32_0 = arith.constant 0 : i32
    return %arg0, %c0_i32, %arg1 : i32, i32, i32
  }
}

</mosaic_0001>

<sc_bundles>
// kernel: kernel.4.cloned.1.call-start
scs
__scs_entry_jumppad:
0x0: {  	(pc) =	sbr.rel $0x88, $3  }
0x1: {  	(tag) =	ssettag $0x0;
	lr =	simm.s32 $0x1  }
0x2: {  	[smem:$0x3F9F] =	sst lr;
	_ =	strace $0xD0000000  }
0x3: {  	_ = 	snop  }
0x4: {  	_ = 	snop  }
0x5: {  	_ = 	snop  }
0x6: {  	_ = 	snop  }
0x7: {  	_ = 	snop  }
__scs_overlays_trampoline_lowered:
0x8: {  	[smem:$0x3FAE] =	sst s0  }
0x9: {  	[smem:$0x3FAF] =	sst s1  }
0xa: {  	[smem:$0x3FB0] =	sst s2  }
0xb: {  	[smem:$0x3FB1] =	sst s3  }
0xc: {  	[smem:$0x3FB2] =	sst s4  }
0xd: {  	[smem:$0x3FB3] =	sst s5  }
0xe: {  	[smem:$0x3FB4] =	sst s6  }
0xf: {  	[smem:$0x3FB5] =	sst s7  }
0x10: {  	[smem:$0x3FB6] =	sst s8  }
0x11: {  	[smem:$0x3FB7] =	sst s9;
	s0 =	simm.s32 @!p0 $0x0  }
0x12: {  	s1 =	sld [smem:$0x3F9D];
	s0 =	simm.s32 @p0 $0x1  }
0x13: {  	[smem:$0x3FB8] =	sst s0;
	s0 =	simm.s32 @!p1 $0x0  }
0x14: {  	s2 =	sld [smem:$0x3F9C];
	s0 =	simm.s32 @p1 $0x1  }
0x15: {  	[smem:$0x3FB9] =	sst s0;
	s0 =	simm.s32 @!p2 $0x0  }
0x16: {  	s3 =	sld [smem:$0x3FDB];
	s0 =	simm.s32 @p2 $0x1  }
0x17: {  	s4 =	simm.s32 $0x1BF5;
	[smem:$0x3FBB] =	sst s0  }
0x18: {  	s0 =	sld [smem:$0x3F9E];
	_ =	swait.ge [sflag:s4], $0x0  }
0x19: {  	s7 =	sld [smem:$0x3F9F]  }
0x1a: {  	s8 =	sadd.s32 $0xFFFFE003, lr  }
0x1b: {  	s9 =	sadd.s32 $0xFFFFFEF7, lr;
	s5 =	simm.s32 $0xFFFFFFFF;
	p2 =	slt.u32 s8, $0xFFFFF086  }
0x1c: {  	p1 =	slt.u32 s9, $0xF7A;
	s5 =	simm.s32 @!p2 $0x0  }
0x1d: {  	s5 =	simm.s32 @p1 $0x1;
	p0 =	seq.s32 s7, s2  }
0x1e: {  	s7 =	smul.u32 @!p0 $0xF7A, s2;
	p2 =	seq.s32 @!p0 s5, $0x0  }
0x1f: {  	s9 =	smul.u32 $0xF7A, s1;
	s8 =	simm.s32 @!p0 $0x1BF5;
	p2 =	por !p2, p0  }
0x20: {  	[sflag:s8] =	ssyncset.s32 @!p0 $0xFFFFF086;
	s6 =	sadd.s32 @!p0 s3, s7;
	s7 =	simm.s32 @!p0 $0x108  }
0x21: {  	s3 =	sadd.s32 s3, s9;
	s6 =	sadd.s32 @!p0 $0x88, s6;
	s7 =	simm.s32 @p2 $0x1082  }
0x22: {  	[simem:s7], [sflag:s8] =	dma.local @!p0 [hbm:s6], $0xF7A  }
0x23: {  	s9 =	sor.u32 $0xD0000000, s2;
	s6 =	simm.s32 $0x108;
	_ =	swait.ge @!p0 [sflag:s8], $0x0  }
0x24: {  	s3 =	sadd.s32 $0x88, s3;
	s6 =	simm.s32 @!p1 $0x1082;
	[sflag:s4] =	ssyncset.s32 $0xFFFFF086  }
0x25: {  	[simem:s6], [sflag:s4] =	dma.local [hbm:s3], $0xF7A  }
0x26: {  	[smem:$0x3F9F] =	sst s1;
	(tag) =	ssettag s2;
	_ =	strace s9  }
0x27: {  	s1 =	sld [smem:$0x3FAF]  }
0x28: {  	s2 =	sld [smem:$0x3FB0]  }
0x29: {  	s4 =	sld [smem:$0x3FB2]  }
0x2a: {  	p0 =	seq.s32 s5, $0x0;
	s5 =	sld [smem:$0x3FB3]  }
0x2b: {  	s6 =	sld [smem:$0x3FB4]  }
0x2c: {  	s7 =	sld [smem:$0x3FB5]  }
0x2d: {  	s3 =	simm.s32 $0x108;
	s8 =	sld [smem:$0x3FB6]  }
0x2e: {  	s3 =	simm.s32 @!p0 $0x1082;
	s9 =	sld [smem:$0x3FB7]  }
0x2f: {  	lr =	sadd.s32 s0, s3;
	s0 =	sld [smem:$0x3FAE]  }
0x30: {  	s3 =	sld [smem:$0x3FB1]  }
0x31: {  	[smem:$0x3FBA] =	sst s10  }
0x32: {  	s10 =	sld [smem:$0x3FB8];
	_ =	sdelay $0x3  }
0x33: {  	p0 =	seq.s32 s10, $0x1;
	s10 =	sld [smem:$0x3FBA];
	_ =	sdelay $0x3  }
0x34: {  	[smem:$0x3FBA] =	sst s10  }
0x35: {  	s10 =	sld [smem:$0x3FB9];
	_ =	sdelay $0x3  }
0x36: {  	p1 =	seq.s32 s10, $0x1;
	s10 =	sld [smem:$0x3FBA];
	_ =	sdelay $0x3  }
0x37: {  	[smem:$0x3FBA] =	sst s10  }
0x38: {  	s10 =	sld [smem:$0x3FBB]  }
0x39: {  	_ = 	snop;
	(pc) =	sbr.ind lr, $3  }
0x3a: {  	_ = 	snop  }
0x3b: {  	_ = 	snop  }
0x3c: {  	p2 =	seq.s32 s10, $0x1;
	s10 =	sld [smem:$0x3FBA]  }
0x3d: {  	_ =	shalt  }
0x3e: {  	_ =	shalt  }
0x3f: {  	_ =	shalt  }
0x40: {  	_ =	shalt  }
0x41: {  	_ =	shalt  }
0x42: {  	_ =	shalt  }
0x43: {  	_ =	shalt  }
0x44: {  	_ =	shalt  }
0x45: {  	_ =	shalt  }
0x46: {  	_ =	shalt  }
0x47: {  	_ =	shalt  }
0x48: {  	_ =	shalt  }
0x49: {  	_ =	shalt  }
0x4a: {  	_ =	shalt  }
0x4b: {  	_ =	shalt  }
0x4c: {  	_ =	shalt  }
0x4d: {  	_ =	shalt  }
0x4e: {  	_ =	shalt  }
0x4f: {  	_ =	shalt  }
0x50: {  	_ =	shalt  }
0x51: {  	_ =	shalt  }
0x52: {  	_ =	shalt  }
0x53: {  	_ =	shalt  }
0x54: {  	_ =	shalt  }
0x55: {  	_ =	shalt  }
0x56: {  	_ =	shalt  }
0x57: {  	_ =	shalt  }
0x58: {  	_ =	shalt  }
0x59: {  	_ =	shalt  }
0x5a: {  	_ =	shalt  }
0x5b: {  	_ =	shalt  }
0x5c: {  	_ =	shalt  }
0x5d: {  	_ =	shalt  }
0x5e: {  	_ =	shalt  }
0x5f: {  	_ =	shalt  }
0x60: {  	_ =	shalt  }
0x61: {  	_ =	shalt  }
0x62: {  	_ =	shalt  }
0x63: {  	_ =	shalt  }
0x64: {  	_ =	shalt  }
0x65: {  	_ =	shalt  }
0x66: {  	_ =	shalt  }
0x67: {  	_ =	shalt  }
0x68: {  	_ =	shalt  }
0x69: {  	_ =	shalt  }
0x6a: {  	_ =	shalt  }
0x6b: {  	_ =	shalt  }
0x6c: {  	_ =	shalt  }
0x6d: {  	_ =	shalt  }
0x6e: {  	_ =	shalt  }
0x6f: {  	_ =	shalt  }
0x70: {  	_ =	shalt  }
0x71: {  	_ =	shalt  }
0x72: {  	_ =	shalt  }
0x73: {  	_ =	shalt  }
0x74: {  	_ =	shalt  }
0x75: {  	_ =	shalt  }
0x76: {  	_ =	shalt  }
0x77: {  	_ =	shalt  }
0x78: {  	_ =	shalt  }
0x79: {  	_ =	shalt  }
0x7a: {  	_ =	shalt  }
0x7b: {  	_ =	shalt  }
0x7c: {  	_ =	shalt  }
0x7d: {  	_ =	shalt  }
0x7e: {  	_ =	shalt  }
0x7f: {  	_ =	shalt  }
0x80: {  	_ =	shalt  }
0x81: {  	_ =	shalt  }
0x82: {  	_ =	shalt  }
0x83: {  	_ =	shalt  }
0x84: {  	_ =	shalt  }
0x85: {  	_ =	shalt  }
0x86: {  	_ =	shalt  }
0x87: {  	_ =	shalt  }
.Lfunc_end0:
.L_simem_size_0:
called_computation_lowered:
.L_overlay_start_0:
0x88: {  	s2 =	sld [smem:$0x3FD9]  }
0x89: {  	s3 =	sld [smem:$0x3FFE];
	_ =	sdelay $0x1  }
0x8a: {  	s1 =	srdreg.scid  }
0x8b: {  	s0 =	sand.u32 $0x1, s1  }
0x8c: {  	s17 =	sshll.u32 s0, $0xA;
	s2 =	sadd.s32 s3, s2  }
0x8d: {  	s2 =	sadd.s32 s2, s17  }
0x8e: {  	[smem:$0x3FC6] =	sst s2  }
0x8f: {  	_ = 	snop  }
0x90: {  	s2 =	sld [smem:$0x3FD0];
	(tm) =	ssettm $0x1  }
0x91: {  	s18 =	sld [smem:$0x3FFB];
	_ =	sdelay $0x3  }
0x92: {  	_ =	strace s18  }
0x93: {  	s3 =	sld [smem:$0x3FFC];
	_ =	sdelay $0x3  }
0x94: {  	_ =	strace s3  }
0x95: {  	s3 =	sld [smem:$0x3FFD];
	_ =	sdelay $0x3  }
0x96: {  	_ =	strace s3  }
0x97: {  	_ =	strace $0x8FFFFFFF  }
0x98: {  	s19 =	sld [smem:$0x3FDB];
	_ =	sdelay $0x1  }
0x99: {  	s4 =	simm.s32 $_scs_section_size  }
0x9a: {  	s5 =	simm.s32 $_size__tile_overlayer_lowered;
	s6 =	simm.s32 $_tile_overlayer_lowered  }
0x9b: {  	s22 =	simm.s32 $0x1BFF;
	s21 =	sshll.u32 s6, $0x1;
	s3 =	sadd.s32 s4, s19  }
0x9c: {  	s7 =	simm.s32 $0x0;
	s20 =	sshll.u32 s5, $0x1;
	s5 =	sadd.s32 s21, s3  }
0x9d: {  	[timem:s7], [sflag:s22] =	dma.local [hbm:s5], s20  }
0x9e: {  	_ =	swait.ge [sflag:s22], s20  }
0x9f: {  	s4 =	ssub.s32 $0x0, s20;
	[sflag:s22] =	ssyncset.done $0x0  }
0xa0: {  	[sflag:s22] =	ssyncadd.s32 s4;
	_ =	sdelay $0x1  }
0xa1: {  	s23 =	simm.s32 $0x1B8B  }
0xa2: {  	_ =	swait.ge [sflag:s23], $0x1  }
0xa3: {  	[sflag:s23] =	ssyncset.done $0x0  }
0xa4: {  	s25 =	simm.s32 $0x1B8E;
	s24 =	sld [smem:$0x3FFE];
	[sflag:s23] =	ssyncadd.s32 $0xFFFFFFFF  }
0xa5: {  	s26 =	simm.s32 $execute0_lowered;
	[smem:$0x3FD2] =	sst s25  }
0xa6: {  	s5 =	sshll.u32 s26, $0x1;
	_ =	strace $0x80000046;
	[dreg:$0x1] =	wrdreg $0xFFFFFFFF  }
0xa7: {  	s28 =	simm.s32 $_size_execute0_lowered;
	s3 =	sadd.s32 s3, s5;
	[dreg:$0x0] =	wrdreg $0x0  }
0xa8: {  	s5 =	sshll.u32 s28, $0x1;
	[dreg:$0x2] =	wrdreg s3  }
0xa9: {  	[dreg:$0x3] =	wrdreg s5  }
0xaa: {  	[dreg:$0x4] =	wrdreg $0xC0  }
0xab: {  	_ =	task [dreg:s7], $0x5FFFF  }
0xac: {  	[dreg:$0x1] =	wrdreg $0xFFFFFFFF  }
0xad: {  	[dreg:$0x0] =	wrdreg $0x60  }
0xae: {  	[dreg:$0x2] =	wrdreg s2  }
0xaf: {  	[dreg:$0x3] =	wrdreg s24  }
0xb0: {  	[dreg:$0x4] =	wrdreg $0xF0100  }
0xb1: {  	[dreg:$0x5] =	wrdreg $0x9  }
0xb2: {  	_ =	task.clear_ibuf [dreg:s7], $0x6FFFF;
	_ =	strace $0x90000046  }
0xb3: {  	s29 =	simm.s32 $0x9;
	_ =	strace $0x80000048  }
0xb4: {  	_ =	swait.ge [sflag:s29], $0x1  }
0xb5: {  	[sflag:s29] =	ssyncadd.s32 $0xFFFFFFFF  }
0xb6: {  	_ =	strace $0x90000048  }
0xb7: {  	_ =	sfence  }
0xb8: {  	s30 =	sld [smem:$0x0];
	_ =	sdelay $0x2  }
0xb9: {  	s31 =	sshll.u32 s1, $0xD;
	s1 =	sshrl.u32 s1, $0x2  }
0xba: {  	s3 =	sand.u32 $0x4000, s31;
	s1 =	sadd.s32 s1, s30  }
0xbb: {  	s0 =	sor.u32 s3, s0;
	s1 =	sshll.u32 s1, $0x11  }
0xbc: {  	s0 =	sor.u32 s1, s0  }
0xbd: {  	s0 =	sadd.s32 $0x8F2B, s0  }
0xbe: {  	[sflag:s0] =	ssyncadd.remote.s32 $0x1  }
0xbf: {  	_ =	sfence.sel $0xFFFF  }
0xc0: {  	[dreg:$0x0] =	wrdreg $0xFFFFFFFF;
	(pc) =	sbr.abs _section_cstart, $3  }
0xc1: {  	[dreg:$0x1] =	wrdreg $0xFFFFFFFF  }
0xc2: {  	_ =	task.clear_ibuf [dreg:s7], $0x2FFFF;
	_ =	strace $0x9FFFFFFF  }
0xc3: {  	(tm) =	ssettm $0x7FFFFFFF  }
tec
execute0_lowered:
.L_overlay_start_1:
0x0: {  	(tag) =	ssettag $0x1  }
0x1: {  	s1 =	rddreg [dreg:$0x0]  }
0x2: {  	s0 =	srdreg.scid;
	s2 =	rddreg [dreg:$0x1]  }
0x3: {  	s10 =	stileid.u32;
	s3 =	rddreg [dreg:$0x2];
	s4 =	simm.s32 $0x0  }
0x4: {  	s15 =	simm.s32 $0x3;
	s16 =	simm.s32 $0x6800;
	s31 =	simm.s32 $0x600  }
0x5: {  	s18 =	simm.s32 $0x3700;
	s19 =	simm.s32 $0x1;
	s20 =	simm.s32 $0x2  }
0x6: {  	s21 =	simm.s32 $0x80;
	s23 =	simm.s32 $0x0;
	s0 =	sand.u32 $0x1, s0  }
0x7: {  	s6 =	sshrl.u32 s10, $0x2;
	[smem:$0x7FF] =	sst s4;
	s13 =	sand.u32 $0x3, s10  }
0x8: {  	s9 =	sadd.s32 $0xA00, s2;
	s29 =	sshll.u32 s10, $0xD;
	s5 =	sshll.u32 s0, $0x2  }
0x9: {  	_ =	strace $0x80000047;
	s0 =	ssub.s32 $0x2, s0;
	s8 =	smul.u32 $0x126000, s13  }
0xa: {  	[dreg:$0x4] =	wrdreg s9;
	s10 =	smul.u32 $0x18, s13;
	s7 =	sor.u32 s6, s5  }
0xb: {  	s28 =	sshrl.u32 s0, $0x1;
	s5 =	smul.u32 $0x498000, s7;
	s7 =	sshll.u32 s7, $0x1  }
0xc: {  	p0 =	sne.s32 s13, $0x0;
	s0 =	ssub.s32 s0, s28;
	s2 =	sadd.s32 s7, s2  }
0xd: {  	s7 =	sshll.u32 s6, $0xB;
	s6 =	sshll.u32 s6, $0xF;
	s8 =	sadd.s32 s8, s5  }
0xe: {  	s0 =	smax.u32 s0, $0x1;
	s12 =	sadd.s32 s6, s3;
	s30 =	sshrl.u32 s8, $0x3  }
0xf: {  	s2 =	sadd.s32 $0xC00, s2;
	[dreg:$0x6] =	wrdreg s0;
	s9 =	sadd.s32 s1, s30  }
0x10: {  	v0 =	vlaneseq.u32;
	v1 =	vimm.s32 $0x0;
	v2 =	vimm.s32 $0x1;
	s8 =	sadd.s32 s29, s3;
	[dreg:$0x5] =	wrdreg s2;
	s11 =	sadd.s32 $0x620, s9  }
.LBB2_1:
0x11: {  	s0 =	rddreg [dreg:$0x4]  }
0x12: {  	[tilespmem:s4], [sflag:$0x3] =	stream.linear.gather [hbm4b:s0+s4], $0x600, $0x38;
	[tilespmem:$0x11010] =	vst v63  }
0x13: {  	s24 =	sadd.s32 $0x0, s7;
	_ =	swait.ge [sflag:s15], $0x600  }
0x14: {  	s6 =	sadd.s32 $0x70, s24;
	[sflag:s15] =	ssyncset.done $0x0  }
0x15: {  	s2 =	simm.s32 $0xE840;
	s13 =	sadd.s32 $0x10, s24;
	v3 =	vor.u32 s6, v0;
	[sflag:s15] =	ssyncadd.s32 $0xFFFFFA00  }
0x16: {  	s29 =	sadd.s32 $0x50, s24;
	v4 =	vor.u32 s13, v0;
	[tilespmem:s2+$0x30] =	vst v3  }
0x17: {  	s25 =	sadd.s32 $0x20, s24;
	v5 =	vor.u32 s29, v0;
	[tilespmem:s2+$0xFFFFFFD0] =	vst v4  }
0x18: {  	s26 =	sadd.s32 $0x30, s24;
	v3 =	vor.u32 s25, v0;
	[tilespmem:s2+$0x10] =	vst v5  }
0x19: {  	s28 =	sadd.s32 $0x40, s24;
	v4 =	vor.u32 s26, v0;
	[tilespmem:s2+$0xFFFFFFE0] =	vst v3  }
0x1a: {  	s30 =	sadd.s32 $0x60, s24;
	v3 =	vor.u32 s28, v0;
	[tilespmem:s2+$0xFFFFFFF0] =	vst v4  }
0x1b: {  	s0 =	sadd.s32 $0x80, s7;
	s6 =	simm.s32 $0x100;
	v4 =	vor.u32 s30, v0;
	[tilespmem:s2+$0x0] =	vst v3;
	v3 =	vor.u32 s24, v0  }
.LBB2_2:
0x1c: {  	p1 =	sne.s32 s6, $0x780;
	v5 =	vor.u32 s0, v0;
	s13 =	sadd.s32 $0x10, s0;
	s14 =	sadd.s32 $0x70, s0;
	[tilespmem:s2+$0x20] =	vst v4  }
0x1d: {  	s17 =	sadd.s32 $0x30, s0;
	v4 =	vor.u32 s13, v0;
	s13 =	sadd.s32 $0x20, s0;
	v6 =	vor.u32 s14, v0;
	[tilespmem:s2+$0xFFFFFFC0] =	vst v3;
	s2 =	sadd.s32 $0x80, s2;
	v3 =	vmov v5  }
0x1e: {  	v7 =	vor.u32 s17, v0;
	s14 =	sadd.s32 $0x50, s0;
	v5 =	vor.u32 s13, v0;
	s13 =	sadd.s32 $0x40, s0;
	s0 =	sadd.s32 $0x60, s0;
	[tilespmem:s2+$0x30] =	vst v6  }
.Ltmp0:
0x1f: {  	v8 =	vor.u32 s14, v0;
	[tilespmem:s2+$0xFFFFFFD0] =	vst v4;
	v6 =	vor.u32 s13, v0;
	v4 =	vor.u32 s0, v0;
	(pc) =	sbr.rel @p1 .LBB2_2-.Ltmp0, $4  }
0x20: {  	[tilespmem:s2+$0xFFFFFFE0] =	vst v5  }
0x21: {  	[tilespmem:s2+$0xFFFFFFF0] =	vst v7  }
0x22: {  	[tilespmem:s2+$0x0] =	vst v6  }
0x23: {  	s0 =	sadd.s32 s6, s7;
	s6 =	sadd.s32 $0x80, s6;
	[tilespmem:s2+$0x10] =	vst v8  }
0x24: {  	s6 =	sadd.s32 $0x70, s0;
	[tilespmem:s2+$0x20] =	vst v4  }
0x25: {  	s13 =	sadd.s32 $0x10, s0;
	[tilespmem:s2+$0xFFFFFFC0] =	vst v3;
	s24 =	sadd.s32 $0x80, s2;
	v60 =	vor.u32 s6, v0  }
0x26: {  	s25 =	sadd.s32 $0x20, s0;
	v3 =	vor.u32 s13, v0;
	[tilespmem:s24+$0x30] =	vst v60  }
0x27: {  	s28 =	sadd.s32 $0x40, s0;
	v61 =	vor.u32 s25, v0;
	[tilespmem:s24+$0xFFFFFFD0] =	vst v3  }
0x28: {  	s30 =	sadd.s32 $0x60, s0;
	v62 =	vor.u32 s28, v0;
	[tilespmem:s24+$0xFFFFFFE0] =	vst v61  }
0x29: {  	s26 =	sadd.s32 $0x30, s0;
	v63 =	vor.u32 s30, v0;
	[tilespmem:s24+$0x0] =	vst v62  }
0x2a: {  	s29 =	sadd.s32 $0x50, s0;
	v3 =	vor.u32 s26, v0;
	[tilespmem:s24+$0x20] =	vst v63  }
0x2b: {  	[tilespmem:s24+$0xFFFFFFF0] =	vst v3;
	v3 =	vor.u32 s29, v0  }
0x2c: {  	[tilespmem:s24+$0x10] =	vst v3;
	v3 =	vor.u32 s0, v0  }
0x2d: {  	s2 =	simm.s32 $0x0;
	s0 =	simm.s32 $0x40;
	[tilespmem:s24+$0xFFFFFFC0] =	vst v3  }
.LBB2_4:
0x2e: {  	p1 =	sne.s32 s0, $0x1FFC0;
	[tilespmem:s2+$0x6800] =	vst v1;
	s2 =	smov.u32 s0;
	s0 =	sadd.s32 $0x40, s0  }
.Ltmp1:
0x2f: {  	(pc) =	sbr.rel @p1 .LBB2_4-.Ltmp1, $2  }
0x30: {  	_ =	sdelay $0x2  }
0x31: {  	s2 =	sshra.s32 s2, $0x2  }
0x32: {  	[tilespmem:s2+$0x6800] =	vst v1  }
0x33: {  	[spmem:s8] =	stream.linear.scatter [tilespmem:s16], [sflag:$0x3], $0x2000, $0x38;
	[tilespmem:$0x11010] =	vst v63  }
0x34: {  	_ =	swait.ge [sflag:s15], $0x2000  }
0x35: {  	[sflag:s15] =	ssyncset.done $0x0  }
0x36: {  	[sflag:s15] =	ssyncadd.s32 $0xFFFFE000  }
0x37: {  	s24 =	simm.s32 $0x0;
	[bflag:$0x0] =	sbarrier.arrive $0xFFFF  }
0x38: {  	[tilespmem:s31], [sflag:$0x1] =	stream.linear.gather [hbm4b:s9+s24], $0x3100, $0x38;
	[tilespmem:$0x11010] =	vst v63  }
0x39: {  	_ = 	snop  }
0x3a: {  	[tilespmem:s18], [sflag:$0x2] =	stream.linear.gather [hbm4b:s11+s24], $0x3100, $0x38;
	[tilespmem:$0x11010] =	vst v63  }
.LBB2_6:
0x3b: {  	_ =	swait.ge [sflag:s19], $0x3100  }
0x3c: {  	[sflag:s19] =	ssyncset.done $0x0  }
0x3d: {  	s30 =	simm.s32 $0x640;
	[sflag:s19] =	ssyncadd.s32 $0xFFFFCF00  }
0x3e: {  	v4 =	vld [tilespmem:s30+$0x30]  }
0x3f: {  	s0 =	sshrl.u32 s24, $0x1;
	v5 =	vld [tilespmem:s30+$0xFFFFFFD0]  }
0x40: {  	s0 =	sadd.s32 s10, s0;
	v6 =	vld [tilespmem:s30+$0xFFFFFFE0]  }
0x41: {  	s0 =	sshll.u32 s0, $0x6;
	v7 =	vld [tilespmem:s30+$0xFFFFFFF0]  }
0x42: {  	s26 =	sshrl.u32 s0, $0x2;
	v8 =	vld [tilespmem:s30+$0x0]  }
0x43: {  	v3 =	vld [tilespmem:s26+$0x0]  }
0x44: {  	v9 =	vld [tilespmem:s30+$0x10]  }
0x45: {  	v10 =	vld [tilespmem:s30+$0x20]  }
0x46: {  	v11 =	vld [tilespmem:s30+$0xFFFFFFC0];
	_ =	sdelay $0x1  }
0x47: {  	v4 =	vmul.f32 v4, v3;
	v5 =	vmul.f32 v5, v3  }
0x48: {  	v6 =	vmul.f32 v6, v3;
	v7 =	vmul.f32 v7, v3  }
0x49: {  	v15 =	vmul.f32 v8, v3;
	v63 =	vmul.f32 v9, v3;
	v12 =	vshra.s32 v4, $0x1F  }
0x4a: {  	v16 =	vmul.f32 v10, v3;
	v10 =	vmul.f32 v11, v3;
	v12 =	vor.u32 $0x80000000, v12  }
0x4b: {  	v13 =	vshra.s32 v5, $0x1F;
	v14 =	vshra.s32 v6, $0x1F;
	v4 =	vxor.u32 v4, v12  }
0x4c: {  	v8 =	vshra.s32 v7, $0x1F;
	v9 =	vshra.s32 v15, $0x1F;
	v4 =	vshrl.u32 v4, $0x11  }
0x4d: {  	v11 =	vshra.s32 v63, $0x1F;
	v17 =	vshra.s32 v16, $0x1F;
	v4 =	vand.u32 $0x7FF0, v4  }
0x4e: {  	v18 =	vshra.s32 v10, $0x1F;
	v13 =	vor.u32 $0x80000000, v13;
	v4 =	vor.u32 v0, v4  }
0x4f: {  	v14 =	vor.u32 $0x80000000, v14;
	v19 =	vor.u32 $0x80000000, v8;
	v20 =	vor.u32 $0x80000000, v9  }
0x50: {  	v8 =	vor.u32 $0x80000000, v18;
	v11 =	vor.u32 $0x80000000, v11;
	v17 =	vor.u32 $0x80000000, v17  }
0x51: {  	v9 =	vxor.u32 v10, v8;
	v10 =	vxor.u32 v5, v13;
	v8 =	vxor.u32 v6, v14  }
0x52: {  	v6 =	vxor.u32 v15, v20;
	v5 =	vshrl.u32 v9, $0x11;
	v9 =	vxor.u32 v7, v19  }
0x53: {  	s25 =	simm.s32 $0x0;
	s28 =	simm.s32 $0x6C0;
	v10 =	vshrl.u32 v10, $0x11;
	v7 =	vxor.u32 v63, v11;
	[tilespmem:v4+s16+$0x0] =	vst.idx.add.s32.msk $0xffff, v2;
	v4 =	vxor.u32 v16, v17  }
.LBB2_7:
0x54: {  	v11 =	vld [tilespmem:s28+$0x30];
	s25 =	sadd.s32 $0x8, s25;
	v8 =	vshrl.u32 v8, $0x11;
	v9 =	vshrl.u32 v9, $0x11;
	v6 =	vshrl.u32 v6, $0x11  }
0x55: {  	v5 =	vand.u32 $0x7FF0, v5;
	v7 =	vshrl.u32 v7, $0x11;
	v4 =	vshrl.u32 v4, $0x11;
	v12 =	vld [tilespmem:s28+$0xFFFFFFD0];
	p1 =	slt.u32 s25, $0x308  }
0x56: {  	v10 =	vand.u32 $0x7FF0, v10;
	v8 =	vand.u32 $0x7FF0, v8;
	v9 =	vand.u32 $0x7FF0, v9;
	v13 =	vld [tilespmem:s28+$0xFFFFFFE0]  }
0x57: {  	v6 =	vand.u32 $0x7FF0, v6;
	v7 =	vand.u32 $0x7FF0, v7;
	v4 =	vand.u32 $0x7FF0, v4;
	v14 =	vld [tilespmem:s28+$0xFFFFFFF0]  }
0x58: {  	v5 =	vor.u32 v0, v5;
	v10 =	vor.u32 v0, v10;
	v8 =	vor.u32 v0, v8;
	v15 =	vld [tilespmem:s28+$0x0]  }
0x59: {  	v9 =	vor.u32 v0, v9;
	v6 =	vor.u32 v0, v6;
	v16 =	vld [tilespmem:s28+$0x10];
	v11 =	vmul.f32 v11, v3  }
0x5a: {  	v7 =	vor.u32 v0, v7;
	v4 =	vor.u32 v0, v4;
	v12 =	vmul.f32 v12, v3;
	v17 =	vld [tilespmem:s28+$0x20]  }
0x5b: {  	v18 =	vld [tilespmem:s28+$0xFFFFFFC0];
	v13 =	vmul.f32 v13, v3;
	v19 =	vshra.s32 v11, $0x1F  }
0x5c: {  	v20 =	vshra.s32 v12, $0x1F;
	v14 =	vmul.f32 v14, v3;
	v19 =	vor.u32 $0x80000000, v19  }
0x5d: {  	v21 =	vshra.s32 v13, $0x1F;
	v15 =	vmul.f32 v15, v3;
	v11 =	vxor.u32 v11, v19;
	[tilespmem:v5+s16+$0x0] =	vst.idx.add.s32.msk $0xffff, v2  }
0x5e: {  	v5 =	vshra.s32 v14, $0x1F;
	v16 =	vmul.f32 v16, v3;
	v11 =	vshrl.u32 v11, $0x11;
	[tilespmem:v10+s16+$0x0] =	vst.idx.add.s32.msk $0xffff, v2  }
0x5f: {  	v10 =	vshra.s32 v15, $0x1F;
	v17 =	vmul.f32 v17, v3;
	v11 =	vand.u32 $0x7FF0, v11;
	[tilespmem:v8+s16+$0x0] =	vst.idx.add.s32.msk $0xffff, v2  }
0x60: {  	v8 =	vmul.f32 v18, v3;
	v18 =	vshra.s32 v16, $0x1F;
	v11 =	vor.u32 v0, v11;
	[tilespmem:v9+s16+$0x0] =	vst.idx.add.s32.msk $0xffff, v2  }
0x61: {  	v19 =	vor.u32 $0x80000000, v21;
	v9 =	vor.u32 $0x80000000, v20;
	v20 =	vshra.s32 v17, $0x1F;
	[tilespmem:v6+s16+$0x0] =	vst.idx.add.s32.msk $0xffff, v2  }
.Ltmp2:
0x62: {  	v21 =	vor.u32 $0x80000000, v5;
	v10 =	vor.u32 $0x80000000, v10;
	v6 =	vshra.s32 v8, $0x1F;
	[tilespmem:v7+s16+$0x0] =	vst.idx.add.s32.msk $0xffff, v2;
	(pc) =	sbr.rel @p1 .LBB2_7-.Ltmp2, $4  }
0x63: {  	v7 =	vor.u32 $0x80000000, v18;
	v18 =	vor.u32 $0x80000000, v20;
	v5 =	vor.u32 $0x80000000, v6;
	[tilespmem:v4+s16+$0x0] =	vst.idx.add.s32.msk $0xffff, v2  }
0x64: {  	v12 =	vxor.u32 v12, v9;
	v4 =	vxor.u32 v8, v5;
	v8 =	vxor.u32 v13, v19  }
0x65: {  	v9 =	vxor.u32 v14, v21;
	v6 =	vxor.u32 v15, v10;
	v5 =	vshrl.u32 v4, $0x11;
	[tilespmem:v11+s16+$0x0] =	vst.idx.add.s32.msk $0xffff, v2  }
0x66: {  	s28 =	sadd.s32 $0x80, s28;
	v10 =	vshrl.u32 v12, $0x11;
	v7 =	vxor.u32 v16, v7;
	v4 =	vxor.u32 v17, v18  }
0x67: {  	v3 =	vand.u32 $0x7FF0, v5  }
0x68: {  	v5 =	vshrl.u32 v8, $0x11;
	v8 =	vand.u32 $0x7FF0, v10;
	v3 =	vor.u32 v0, v3  }
0x69: {  	v9 =	vshrl.u32 v9, $0x11;
	v5 =	vand.u32 $0x7FF0, v5;
	v8 =	vor.u32 v0, v8  }
0x6a: {  	v6 =	vshrl.u32 v6, $0x11;
	v9 =	vand.u32 $0x7FF0, v9;
	v5 =	vor.u32 v0, v5  }
0x6b: {  	v7 =	vshrl.u32 v7, $0x11;
	s25 =	sshll.u32 s24, $0x1;
	p1 =	seq.s32 s24, $0x2F;
	v6 =	vand.u32 $0x7FF0, v6;
	v9 =	vor.u32 v0, v9  }
0x6c: {  	v4 =	vshrl.u32 v4, $0x11;
	v7 =	vand.u32 $0x7FF0, v7;
	s0 =	sadd.s32 @!p1 $0x2, s25;
	v6 =	vor.u32 v0, v6  }
0x6d: {  	v4 =	vand.u32 $0x7FF0, v4;
	v7 =	vor.u32 v0, v7;
	s2 =	sshrl.u32 @!p1 s0, $0x2;
	s0 =	sand.u32 @!p1 $0x2, s0;
	[tilespmem:v3+s16+$0x0] =	vst.idx.add.s32.msk $0xffff, v2  }
0x6e: {  	s2 =	sadd.s32 @!p1 s10, s2;
	s0 =	smul.u32 @!p1 $0x3100, s0;
	v3 =	vor.u32 v0, v4;
	[tilespmem:v8+s16+$0x0] =	vst.idx.add.s32.msk $0xffff, v2  }
0x6f: {  	s2 =	smul.u32 @!p1 $0xC400, s2;
	[tilespmem:v5+s16+$0x0] =	vst.idx.add.s32.msk $0xffff, v2  }
0x70: {  	s0 =	sor.u32 @!p1 s5, s0;
	[tilespmem:v9+s16+$0x0] =	vst.idx.add.s32.msk $0xffff, v2  }
0x71: {  	s0 =	sadd.s32 @!p1 s2, s0;
	[tilespmem:v6+s16+$0x0] =	vst.idx.add.s32.msk $0xffff, v2  }
0x72: {  	[tilespmem:v7+s16+$0x0] =	vst.idx.add.s32.msk $0xffff, v2;
	s0 =	sshrl.u32 @!p1 s0, $0x3  }
0x73: {  	s6 =	simm.s32 @!p1 $0x600;
	s2 =	simm.s32 @!p1 $0x0;
	s0 =	sadd.s32 @!p1 s1, s0;
	[tilespmem:v3+s16+$0x0] =	vst.idx.add.s32.msk $0xffff, v2  }
0x74: {  	[tilespmem:s6], [sflag:$0x1] =	stream.linear.gather @!p1 [hbm4b:s0+s2], $0x3100, $0x38;
	[tilespmem:$0x11010] =	vst v63  }
0x75: {  	_ =	swait.ge [sflag:s20], $0x3100  }
0x76: {  	[sflag:s20] =	ssyncset.done $0x0  }
0x77: {  	[sflag:s20] =	ssyncadd.s32 $0xFFFFCF00  }
0x78: {  	s30 =	simm.s32 $0x3740;
	v3 =	vld [tilespmem:s26+$0x0]  }
0x79: {  	v4 =	vld [tilespmem:s30+$0x30]  }
0x7a: {  	v5 =	vld [tilespmem:s30+$0xFFFFFFD0]  }
0x7b: {  	v6 =	vld [tilespmem:s30+$0xFFFFFFE0]  }
0x7c: {  	v7 =	vld [tilespmem:s30+$0xFFFFFFF0]  }
0x7d: {  	v8 =	vld [tilespmem:s30+$0x0]  }
0x7e: {  	v9 =	vld [tilespmem:s30+$0x10]  }
0x7f: {  	v10 =	vld [tilespmem:s30+$0x20]  }
0x80: {  	v11 =	vld [tilespmem:s30+$0xFFFFFFC0];
	_ =	sdelay $0x1  }
0x81: {  	v4 =	vmul.f32 v4, v3;
	v5 =	vmul.f32 v5, v3  }
0x82: {  	v6 =	vmul.f32 v6, v3;
	v7 =	vmul.f32 v7, v3  }
0x83: {  	v15 =	vmul.f32 v8, v3;
	v63 =	vmul.f32 v9, v3;
	v12 =	vshra.s32 v4, $0x1F  }
0x84: {  	v16 =	vmul.f32 v10, v3;
	v10 =	vmul.f32 v11, v3;
	v12 =	vor.u32 $0x80000000, v12  }
0x85: {  	v13 =	vshra.s32 v5, $0x1F;
	v14 =	vshra.s32 v6, $0x1F;
	v4 =	vxor.u32 v4, v12  }
0x86: {  	v8 =	vshra.s32 v7, $0x1F;
	v9 =	vshra.s32 v15, $0x1F;
	v4 =	vshrl.u32 v4, $0x11  }
0x87: {  	v11 =	vshra.s32 v63, $0x1F;
	v17 =	vshra.s32 v16, $0x1F;
	v4 =	vand.u32 $0x7FF0, v4  }
0x88: {  	v18 =	vshra.s32 v10, $0x1F;
	v13 =	vor.u32 $0x80000000, v13;
	v4 =	vor.u32 v0, v4  }
0x89: {  	v14 =	vor.u32 $0x80000000, v14;
	v19 =	vor.u32 $0x80000000, v8;
	v20 =	vor.u32 $0x80000000, v9  }
0x8a: {  	v8 =	vor.u32 $0x80000000, v18;
	v11 =	vor.u32 $0x80000000, v11;
	v17 =	vor.u32 $0x80000000, v17  }
0x8b: {  	v9 =	vxor.u32 v10, v8;
	v10 =	vxor.u32 v5, v13;
	v8 =	vxor.u32 v6, v14  }
0x8c: {  	v6 =	vxor.u32 v15, v20;
	v5 =	vshrl.u32 v9, $0x11;
	v9 =	vxor.u32 v7, v19  }
0x8d: {  	s28 =	simm.s32 $0x37C0;
	s26 =	simm.s32 $0x0;
	v10 =	vshrl.u32 v10, $0x11;
	v7 =	vxor.u32 v63, v11;
	[tilespmem:v4+s16+$0x0] =	vst.idx.add.s32.msk $0xffff, v2;
	v4 =	vxor.u32 v16, v17  }
.LBB2_9:
0x8e: {  	v11 =	vld [tilespmem:s28+$0x30];
	s26 =	sadd.s32 $0x8, s26;
	v8 =	vshrl.u32 v8, $0x11;
	v9 =	vshrl.u32 v9, $0x11;
	v6 =	vshrl.u32 v6, $0x11  }
0x8f: {  	v5 =	vand.u32 $0x7FF0, v5;
	v7 =	vshrl.u32 v7, $0x11;
	v4 =	vshrl.u32 v4, $0x11;
	v12 =	vld [tilespmem:s28+$0xFFFFFFD0];
	p2 =	slt.u32 s26, $0x308  }
0x90: {  	v10 =	vand.u32 $0x7FF0, v10;
	v8 =	vand.u32 $0x7FF0, v8;
	v9 =	vand.u32 $0x7FF0, v9;
	v13 =	vld [tilespmem:s28+$0xFFFFFFE0]  }
0x91: {  	v6 =	vand.u32 $0x7FF0, v6;
	v7 =	vand.u32 $0x7FF0, v7;
	v4 =	vand.u32 $0x7FF0, v4;
	v14 =	vld [tilespmem:s28+$0xFFFFFFF0]  }
0x92: {  	v5 =	vor.u32 v0, v5;
	v10 =	vor.u32 v0, v10;
	v8 =	vor.u32 v0, v8;
	v15 =	vld [tilespmem:s28+$0x0]  }
0x93: {  	v9 =	vor.u32 v0, v9;
	v6 =	vor.u32 v0, v6;
	v16 =	vld [tilespmem:s28+$0x10];
	v11 =	vmul.f32 v11, v3  }
0x94: {  	v7 =	vor.u32 v0, v7;
	v4 =	vor.u32 v0, v4;
	v12 =	vmul.f32 v12, v3;
	v17 =	vld [tilespmem:s28+$0x20]  }
0x95: {  	v18 =	vld [tilespmem:s28+$0xFFFFFFC0];
	v13 =	vmul.f32 v13, v3;
	v19 =	vshra.s32 v11, $0x1F  }
0x96: {  	v20 =	vshra.s32 v12, $0x1F;
	v14 =	vmul.f32 v14, v3;
	v19 =	vor.u32 $0x80000000, v19  }
0x97: {  	v21 =	vshra.s32 v13, $0x1F;
	v15 =	vmul.f32 v15, v3;
	v11 =	vxor.u32 v11, v19;
	[tilespmem:v5+s16+$0x0] =	vst.idx.add.s32.msk $0xffff, v2  }
0x98: {  	v5 =	vshra.s32 v14, $0x1F;
	v16 =	vmul.f32 v16, v3;
	v11 =	vshrl.u32 v11, $0x11;
	[tilespmem:v10+s16+$0x0] =	vst.idx.add.s32.msk $0xffff, v2  }
0x99: {  	v10 =	vshra.s32 v15, $0x1F;
	v17 =	vmul.f32 v17, v3;
	v11 =	vand.u32 $0x7FF0, v11;
	[tilespmem:v8+s16+$0x0] =	vst.idx.add.s32.msk $0xffff, v2  }
0x9a: {  	v8 =	vmul.f32 v18, v3;
	v18 =	vshra.s32 v16, $0x1F;
	v11 =	vor.u32 v0, v11;
	[tilespmem:v9+s16+$0x0] =	vst.idx.add.s32.msk $0xffff, v2  }
0x9b: {  	v19 =	vor.u32 $0x80000000, v21;
	v9 =	vor.u32 $0x80000000, v20;
	v20 =	vshra.s32 v17, $0x1F;
	[tilespmem:v6+s16+$0x0] =	vst.idx.add.s32.msk $0xffff, v2  }
.Ltmp3:
0x9c: {  	v21 =	vor.u32 $0x80000000, v5;
	v10 =	vor.u32 $0x80000000, v10;
	v6 =	vshra.s32 v8, $0x1F;
	[tilespmem:v7+s16+$0x0] =	vst.idx.add.s32.msk $0xffff, v2;
	(pc) =	sbr.rel @p2 .LBB2_9-.Ltmp3, $4  }
0x9d: {  	v7 =	vor.u32 $0x80000000, v18;
	v18 =	vor.u32 $0x80000000, v20;
	v5 =	vor.u32 $0x80000000, v6;
	[tilespmem:v4+s16+$0x0] =	vst.idx.add.s32.msk $0xffff, v2  }
0x9e: {  	v12 =	vxor.u32 v12, v9;
	v4 =	vxor.u32 v8, v5;
	v8 =	vxor.u32 v13, v19  }
0x9f: {  	v9 =	vxor.u32 v14, v21;
	v6 =	vxor.u32 v15, v10;
	v5 =	vshrl.u32 v4, $0x11;
	[tilespmem:v11+s16+$0x0] =	vst.idx.add.s32.msk $0xffff, v2  }
0xa0: {  	s28 =	sadd.s32 $0x80, s28;
	v10 =	vshrl.u32 v12, $0x11;
	v7 =	vxor.u32 v16, v7;
	v4 =	vxor.u32 v17, v18  }
0xa1: {  	v3 =	vand.u32 $0x7FF0, v5  }
0xa2: {  	v62 =	vshrl.u32 v8, $0x11;
	v63 =	vand.u32 $0x7FF0, v10;
	v3 =	vor.u32 v0, v3  }
0xa3: {  	v9 =	vshrl.u32 v9, $0x11;
	v5 =	vand.u32 $0x7FF0, v62;
	v8 =	vor.u32 v0, v63  }
0xa4: {  	v6 =	vshrl.u32 v6, $0x11;
	v9 =	vand.u32 $0x7FF0, v9;
	v5 =	vor.u32 v0, v5  }
0xa5: {  	v7 =	vshrl.u32 v7, $0x11;
	v6 =	vand.u32 $0x7FF0, v6;
	v9 =	vor.u32 v0, v9  }
0xa6: {  	v4 =	vshrl.u32 v4, $0x11;
	v7 =	vand.u32 $0x7FF0, v7;
	v6 =	vor.u32 v0, v6  }
0xa7: {  	v4 =	vand.u32 $0x7FF0, v4;
	v7 =	vor.u32 v0, v7;
	[tilespmem:v3+s16+$0x0] =	vst.idx.add.s32.msk $0xffff, v2  }
0xa8: {  	v3 =	vor.u32 v0, v4;
	[tilespmem:v8+s16+$0x0] =	vst.idx.add.s32.msk $0xffff, v2  }
.Ltmp4:
0xa9: {  	[tilespmem:v5+s16+$0x0] =	vst.idx.add.s32.msk $0xffff, v2;
	(pc) =	sbr.rel @p1 .LBB2_12-.Ltmp4, $4  }
0xaa: {  	[tilespmem:v9+s16+$0x0] =	vst.idx.add.s32.msk $0xffff, v2  }
0xab: {  	[tilespmem:v6+s16+$0x0] =	vst.idx.add.s32.msk $0xffff, v2  }
0xac: {  	[tilespmem:v7+s16+$0x0] =	vst.idx.add.s32.msk $0xffff, v2  }
0xad: {  	[tilespmem:v3+s16+$0x0] =	vst.idx.add.s32.msk $0xffff, v2  }
0xae: {  	s0 =	sadd.s32 $0x3, s25  }
0xaf: {  	s2 =	sshrl.u32 s0, $0x2;
	s0 =	sand.u32 $0x3, s0  }
0xb0: {  	s2 =	sadd.s32 s10, s2;
	s0 =	smul.u32 $0x3100, s0  }
0xb1: {  	s2 =	smul.u32 $0xC400, s2  }
.Ltmp5:
0xb2: {  	s0 =	sadd.s32 s5, s0;
	(pc) =	sbr.rel .LBB2_6-.Ltmp5, $4  }
0xb3: {  	s0 =	sadd.s32 s2, s0  }
0xb4: {  	s0 =	sshrl.u32 s0, $0x3  }
0xb5: {  	s24 =	sadd.s32 $0x1, s24;
	s0 =	sadd.s32 s1, s0  }
0xb6: {  	[tilespmem:s18], [sflag:$0x2] =	stream.linear.gather [hbm4b:s0+s4], $0x3100, $0x38;
	[tilespmem:$0x11010] =	vst v63  }
.LBB2_12:
0xb7: {  	s0 =	simm.s32 $0xE800  }
0xb8: {  	[spmem:s3] =	stream.indirect.scatter.add.s32 [tilespmem:s16], [sflag:$0x3], $0x10, s0, s21, $0xb8;
	[tilespmem:$0x11010] =	vst v63  }
0xb9: {  	_ =	swait.ge [sflag:s15], $0x800  }
0xba: {  	[sflag:s15] =	ssyncset.done $0x0  }
0xbb: {  	s22 =	simm.s32 $0xE880;
	s2 =	simm.s32 $0x7000;
	[sflag:s15] =	ssyncadd.s32 $0xFFFFF800  }
0xbc: {  	[spmem:s3] =	stream.indirect.scatter.add.s32 [tilespmem:s2], [sflag:$0x3], $0x10, s22, s21, $0xb8;
	[tilespmem:$0x11010] =	vst v63  }
0xbd: {  	_ =	swait.ge [sflag:s15], $0x800  }
0xbe: {  	[sflag:s15] =	ssyncset.done $0x0  }
0xbf: {  	s24 =	simm.s32 $0xE900;
	s25 =	simm.s32 $0x7800;
	[sflag:s15] =	ssyncadd.s32 $0xFFFFF800  }
0xc0: {  	[spmem:s3] =	stream.indirect.scatter.add.s32 [tilespmem:s25], [sflag:$0x3], $0x10, s24, s21, $0xb8;
	[tilespmem:$0x11010] =	vst v63  }
0xc1: {  	_ =	swait.ge [sflag:s15], $0x800  }
0xc2: {  	[sflag:s15] =	ssyncset.done $0x0  }
0xc3: {  	s26 =	simm.s32 $0xE980;
	s30 =	simm.s32 $0x8000;
	[sflag:s15] =	ssyncadd.s32 $0xFFFFF800  }
0xc4: {  	[spmem:s3] =	stream.indirect.scatter.add.s32 [tilespmem:s30], [sflag:$0x3], $0x10, s26, s21, $0xb8;
	[tilespmem:$0x11010] =	vst v63  }
0xc5: {  	_ =	swait.ge [sflag:s15], $0x800  }
0xc6: {  	[sflag:s15] =	ssyncset.done $0x0  }
0xc7: {  	s6 =	simm.s32 $0x8800;
	s2 =	simm.s32 $0xEA00;
	[sflag:s15] =	ssyncadd.s32 $0xFFFFF800  }
0xc8: {  	[spmem:s3] =	stream.indirect.scatter.add.s32 [tilespmem:s6], [sflag:$0x3], $0x10, s2, s21, $0xb8;
	[tilespmem:$0x11010] =	vst v63  }
0xc9: {  	_ =	swait.ge [sflag:s15], $0x800  }
0xca: {  	[sflag:s15] =	ssyncset.done $0x0  }
0xcb: {  	s13 =	simm.s32 $0xEA80;
	s14 =	simm.s32 $0x9000;
	[sflag:s15] =	ssyncadd.s32 $0xFFFFF800  }
0xcc: {  	[spmem:s3] =	stream.indirect.scatter.add.s32 [tilespmem:s14], [sflag:$0x3], $0x10, s13, s21, $0xb8;
	[tilespmem:$0x11010] =	vst v63  }
0xcd: {  	_ =	swait.ge [sflag:s15], $0x800  }
0xce: {  	[sflag:s15] =	ssyncset.done $0x0  }
0xcf: {  	s17 =	simm.s32 $0xEB00;
	s22 =	simm.s32 $0x9800;
	[sflag:s15] =	ssyncadd.s32 $0xFFFFF800  }
0xd0: {  	[spmem:s3] =	stream.indirect.scatter.add.s32 [tilespmem:s22], [sflag:$0x3], $0x10, s17, s21, $0xb8;
	[tilespmem:$0x11010] =	vst v63  }
0xd1: {  	_ =	swait.ge [sflag:s15], $0x800  }
0xd2: {  	[sflag:s15] =	ssyncset.done $0x0  }
0xd3: {  	s24 =	simm.s32 $0xEB80;
	s25 =	simm.s32 $0xA000;
	[sflag:s15] =	ssyncadd.s32 $0xFFFFF800  }
0xd4: {  	[spmem:s3] =	stream.indirect.scatter.add.s32 [tilespmem:s25], [sflag:$0x3], $0x10, s24, s21, $0xb8;
	[tilespmem:$0x11010] =	vst v63  }
0xd5: {  	_ =	swait.ge [sflag:s15], $0x800  }
0xd6: {  	[sflag:s15] =	ssyncset.done $0x0  }
0xd7: {  	s26 =	simm.s32 $0xEC00;
	s30 =	simm.s32 $0xA800;
	[sflag:s15] =	ssyncadd.s32 $0xFFFFF800  }
0xd8: {  	[spmem:s3] =	stream.indirect.scatter.add.s32 [tilespmem:s30], [sflag:$0x3], $0x10, s26, s21, $0xb8;
	[tilespmem:$0x11010] =	vst v63  }
0xd9: {  	_ =	swait.ge [sflag:s15], $0x800  }
0xda: {  	[sflag:s15] =	ssyncset.done $0x0  }
0xdb: {  	s2 =	simm.s32 $0xEC80;
	s6 =	simm.s32 $0xB000;
	[sflag:s15] =	ssyncadd.s32 $0xFFFFF800  }
0xdc: {  	[spmem:s3] =	stream.indirect.scatter.add.s32 [tilespmem:s6], [sflag:$0x3], $0x10, s2, s21, $0xb8;
	[tilespmem:$0x11010] =	vst v63  }
0xdd: {  	_ =	swait.ge [sflag:s15], $0x800  }
0xde: {  	[sflag:s15] =	ssyncset.done $0x0  }
0xdf: {  	s13 =	simm.s32 $0xED00;
	s14 =	simm.s32 $0xB800;
	[sflag:s15] =	ssyncadd.s32 $0xFFFFF800  }
0xe0: {  	[spmem:s3] =	stream.indirect.scatter.add.s32 [tilespmem:s14], [sflag:$0x3], $0x10, s13, s21, $0xb8;
	[tilespmem:$0x11010] =	vst v63  }
0xe1: {  	_ =	swait.ge [sflag:s15], $0x800  }
0xe2: {  	[sflag:s15] =	ssyncset.done $0x0  }
0xe3: {  	s17 =	simm.s32 $0xED80;
	s22 =	simm.s32 $0xC000;
	[sflag:s15] =	ssyncadd.s32 $0xFFFFF800  }
0xe4: {  	[spmem:s3] =	stream.indirect.scatter.add.s32 [tilespmem:s22], [sflag:$0x3], $0x10, s17, s21, $0xb8;
	[tilespmem:$0x11010] =	vst v63  }
0xe5: {  	_ =	swait.ge [sflag:s15], $0x800  }
0xe6: {  	[sflag:s15] =	ssyncset.done $0x0  }
0xe7: {  	s24 =	simm.s32 $0xEE00;
	s25 =	simm.s32 $0xC800;
	[sflag:s15] =	ssyncadd.s32 $0xFFFFF800  }
0xe8: {  	[spmem:s3] =	stream.indirect.scatter.add.s32 [tilespmem:s25], [sflag:$0x3], $0x10, s24, s21, $0xb8;
	[tilespmem:$0x11010] =	vst v63  }
0xe9: {  	_ =	swait.ge [sflag:s15], $0x800  }
0xea: {  	[sflag:s15] =	ssyncset.done $0x0  }
0xeb: {  	s26 =	simm.s32 $0xEE80;
	s30 =	simm.s32 $0xD000;
	[sflag:s15] =	ssyncadd.s32 $0xFFFFF800  }
0xec: {  	[spmem:s3] =	stream.indirect.scatter.add.s32 [tilespmem:s30], [sflag:$0x3], $0x10, s26, s21, $0xb8;
	[tilespmem:$0x11010] =	vst v63  }
0xed: {  	_ =	swait.ge [sflag:s15], $0x800  }
0xee: {  	[sflag:s15] =	ssyncset.done $0x0  }
0xef: {  	s6 =	simm.s32 $0xEF00;
	s13 =	simm.s32 $0xD800;
	[sflag:s15] =	ssyncadd.s32 $0xFFFFF800  }
0xf0: {  	[spmem:s3] =	stream.indirect.scatter.add.s32 [tilespmem:s13], [sflag:$0x3], $0x10, s6, s21, $0xb8;
	[tilespmem:$0x11010] =	vst v63  }
0xf1: {  	_ =	swait.ge [sflag:s15], $0x800  }
0xf2: {  	[sflag:s15] =	ssyncset.done $0x0  }
0xf3: {  	s14 =	simm.s32 $0xEF80;
	s17 =	simm.s32 $0xE000;
	[sflag:s15] =	ssyncadd.s32 $0xFFFFF800  }
0xf4: {  	[spmem:s3] =	stream.indirect.scatter.add.s32 [tilespmem:s17], [sflag:$0x3], $0x10, s14, s21, $0xb8;
	[tilespmem:$0x11010] =	vst v63  }
0xf5: {  	_ =	swait.ge [sflag:s15], $0x800  }
0xf6: {  	[sflag:s15] =	ssyncset.done $0x0  }
0xf7: {  	[sflag:s15] =	ssyncadd.s32 $0xFFFFF800  }
0xf8: {  	[bflag:$0x0] =	sbarrier.arrive $0xFFFF  }
0xf9: {  	[tilespmem:s16], [sflag:$0x3] =	stream.linear.gather [spmem:s12], $0x8000, $0x38;
	[tilespmem:$0x11010] =	vst v63  }
0xfa: {  	_ =	swait.ge [sflag:s15], $0x8000  }
0xfb: {  	[sflag:s15] =	ssyncset.done $0x0  }
0xfc: {  	[sflag:s15] =	ssyncadd.s32 $0xFFFF8000  }
0xfd: {  	s22 =	simm.s32 $0xE7F0;
	[bflag:$0x0] =	sbarrier.arrive $0xFFFF  }
0xfe: {  	v3 =	vld [tilespmem:s22+$0x0];
	_ =	sdelay $0x4  }
0xff: {  	(xrf0) =	vadd.scan.msk.s32 $0xffff, v3;
	_ =	sdelay $0x5  }
0x100: {  	v3, _, _ =	vpop (xrf0)  }
0x101: {  	(v2sf) =	vpush v3, $0xF  }
0x102: {  	s24 =	simm.s32 $0xE7E0  }
0x103: {  	s25 =	simm.s32 $0xE7D0;
	v3 =	vld [tilespmem:s24+$0x0]  }
0x104: {  	v4 =	vld [tilespmem:s25+$0x0];
	_ =	sdelay $0x3  }
0x105: {  	(xrf0) =	vadd.scan.msk.s32 $0xffff, v3  }
0x106: {  	(xrf0) =	vadd.scan.msk.s32 $0xffff, v4;
	_ =	sdelay $0x4  }
0x107: {  	v4, _, _ =	vpop (xrf0)  }
0x108: {  	(v2sf) =	vpush v4, $0xF;
	v4, _, _ =	vpop (xrf0)  }
0x109: {  	s26 =	simm.s32 $0xE7C0;
	s30 =	spop (v2sf);
	(v2sf) =	vpush v4, $0xF  }
0x10a: {  	v3 =	vld [tilespmem:s26+$0x0];
	_ =	sdelay $0x3  }
0x10b: {  	p1 =	por $0x0, $0x0;
	s29 =	simm.s32 $0x7FD;
	s28 =	simm.s32 $0x7FB  }
0x10c: {  	s2 =	simm.s32 $0x7FE;
	s6 =	simm.s32 $0x7FF;
	s13 =	simm.s32 $0x0;
	(xrf0) =	vadd.scan.msk.s32 $0xffff, v3  }
0x10d: {  	s14 =	simm.s32 $0xE7B0;
	s17 =	simm.s32 $0x7FA;
	s25 =	simm.s32 $0x7FC  }
0x10e: {  	s24 =	simm.s32 $0x7599A;
	s26 =	simm.s32 $0x0;
	v3 =	vld [tilespmem:s14+$0x0];
	s0 =	sadd.s32 $0x0, s30  }
.LBB2_13:
0x10f: {  	p2 =	sne.s32 s17, $0x0;
	p3 =	sgt.s32 s0, $0x75999;
	p4 =	por !p1, !p1  }
0x110: {  	s30 =	smov.u32 s13;
	s13 =	smov.u32 s0;
	p4 =	por !p3, !p4  }
.Ltmp6:
0x111: {  	s30 =	ssub.s32 $0x7599A, s30;
	p4 =	por !p4, !p4;
	(pc) =	sbr.rel @p2 .LBB2_13-.Ltmp6, $4  }
0x112: {  	v4, _, _ =	vpop (xrf0);
	s26 =	smov.u32 @p4 s6;
	s24 =	smov.u32 @p4 s30;
	s6 =	smov.u32 s2  }
0x113: {  	s2 =	smov.u32 s29;
	s29 =	smov.u32 s25;
	s25 =	smov.u32 s28;
	(xrf0) =	vadd.scan.msk.s32 $0xffff, v3;
	(v2sf) =	vpush v4, $0xF  }
0x114: {  	s14 =	sadd.s32 $0xFFFFFFF0, s14;
	s28 =	smov.u32 s17;
	s30 =	spop (v2sf)  }
0x115: {  	p1 =	por p1, p3;
	s17 =	sadd.s32 $0xFFFFFFFF, s17;
	v3 =	vld [tilespmem:s14+$0x0];
	s0 =	sadd.s32 s0, s30  }
0x116: {  	_ =	sdelay $0x3  }
0x117: {  	(xrf0) =	vadd.scan.msk.s32 $0xffff, v3;
	_ =	sdelay $0x3  }
0x118: {  	v3, _, _ =	vpop (xrf0)  }
0x119: {  	(v2sf) =	vpush v3, $0xF  }
0x11a: {  	v3, _, _ =	vpop (xrf0)  }
0x11b: {  	(v2sf) =	vpush v3, $0xF;
	_ =	sdelay $0x3  }
0x11c: {  	p2 =	sgt.s32 s0, $0x75999;
	p3 =	por !p1, !p1  }
0x11d: {  	s14 =	spop (v2sf);
	p3 =	por !p2, !p3  }
0x11e: {  	s13 =	ssub.s32 $0x7599A, s13;
	p2 =	por p1, p2;
	p3 =	por !p3, !p3  }
0x11f: {  	p5 =	por !p2, !p2;
	s26 =	smov.u32 @p3 s6;
	s6 =	sadd.s32 s0, s14  }
0x120: {  	s24 =	smov.u32 @p3 s13;
	s0 =	ssub.s32 $0x7599A, s0;
	p4 =	sgt.s32 s6, $0x75999  }
0x121: {  	p3 =	por !p4, !p5;
	p1 =	por p2, p4;
	s17 =	spop (v2sf)  }
0x122: {  	p2 =	por !p3, !p3;
	p4 =	por !p1, !p1;
	s13 =	sadd.s32 s6, s17  }
0x123: {  	s26 =	smov.u32 @p2 s2;
	s24 =	smov.u32 @p2 s0;
	p6 =	sgt.s32 s13, $0x75999  }
0x124: {  	s2 =	ssub.s32 $0x7599A, s6;
	p4 =	por !p6, !p4;
	p1 =	por p1, p6  }
0x125: {  	p2 =	por !p4, !p4;
	p5 =	por !p1, !p1;
	s22 =	spop (v2sf)  }
0x126: {  	s26 =	smov.u32 @p2 s29;
	s24 =	smov.u32 @p2 s2;
	s0 =	sadd.s32 s13, s22  }
0x127: {  	s2 =	ssub.s32 $0x7599A, s13;
	p4 =	sgt.s32 s0, $0x75999;
	s30 =	spop (v2sf)  }
0x128: {  	p1 =	por p1, p4;
	p3 =	por !p4, !p5;
	s6 =	sadd.s32 s0, s30  }
0x129: {  	p1 =	por !p1, !p1;
	p2 =	por !p3, !p3;
	p6 =	sgt.s32 s6, $0x75999  }
0x12a: {  	s26 =	smov.u32 @p2 s25;
	s24 =	smov.u32 @p2 s2;
	p1 =	por !p6, !p1  }
0x12b: {  	s2 =	simm.s32 $0x0;
	s0 =	ssub.s32 $0x7599A, s0;
	p1 =	por !p1, !p1  }
0x12c: {  	s26 =	smov.u32 @p1 s28;
	s24 =	smov.u32 @p1 s0;
	s0 =	simm.s32 $0x40  }
.LBB2_15:
0x12d: {  	p1 =	sne.s32 s0, $0x1FFC0;
	[tilespmem:s2+$0x6800] =	vst v1;
	s2 =	smov.u32 s0;
	s0 =	sadd.s32 $0x40, s0  }
.Ltmp7:
0x12e: {  	(pc) =	sbr.rel @p1 .LBB2_15-.Ltmp7, $2  }
0x12f: {  	_ =	sdelay $0x2  }
0x130: {  	s2 =	sshra.s32 s2, $0x2  }
0x131: {  	[tilespmem:s2+$0x6800] =	vst v1  }
0x132: {  	[spmem:s8] =	stream.linear.scatter [tilespmem:s16], [sflag:$0x3], $0x2000, $0x38;
	[tilespmem:$0x11010] =	vst v63  }
0x133: {  	_ =	swait.ge [sflag:s15], $0x2000  }
0x134: {  	[sflag:s15] =	ssyncset.done $0x0  }
0x135: {  	[sflag:s15] =	ssyncadd.s32 $0xFFFFE000  }
0x136: {  	s25 =	simm.s32 $0x0;
	[bflag:$0x0] =	sbarrier.arrive $0xFFFF  }
0x137: {  	[tilespmem:s31], [sflag:$0x1] =	stream.linear.gather [hbm4b:s9+s25], $0x3100, $0x38;
	[tilespmem:$0x11010] =	vst v63  }
0x138: {  	s26 =	sshll.u32 s26, $0xB  }
0x139: {  	v3 =	vmov s26;
	[tilespmem:s18], [sflag:$0x2] =	stream.linear.gather [hbm4b:s11+s25], $0x3100, $0x38;
	[tilespmem:$0x11010] =	vst v63  }
.LBB2_17:
0x13a: {  	_ =	swait.ge [sflag:s19], $0x3100  }
0x13b: {  	[sflag:s19] =	ssyncset.done $0x0  }
0x13c: {  	s31 =	simm.s32 $0x640;
	[sflag:s19] =	ssyncadd.s32 $0xFFFFCF00  }
0x13d: {  	s0 =	sshrl.u32 s25, $0x1;
	v5 =	vld [tilespmem:s31+$0x30]  }
0x13e: {  	s0 =	sadd.s32 s10, s0;
	v6 =	vld [tilespmem:s31+$0xFFFFFFD0]  }
0x13f: {  	s0 =	sshll.u32 s0, $0x6;
	v7 =	vld [tilespmem:s31+$0xFFFFFFE0]  }
0x140: {  	s29 =	sshrl.u32 s0, $0x2;
	v8 =	vld [tilespmem:s31+$0xFFFFFFF0]  }
0x141: {  	v4 =	vld [tilespmem:s29+$0x0]  }
0x142: {  	v9 =	vld [tilespmem:s31+$0x0]  }
0x143: {  	v10 =	vld [tilespmem:s31+$0x10]  }
0x144: {  	v11 =	vld [tilespmem:s31+$0x20]  }
0x145: {  	v12 =	vld [tilespmem:s31+$0xFFFFFFC0]  }
0x146: {  	v5 =	vmul.f32 v5, v4  }
0x147: {  	v6 =	vmul.f32 v6, v4;
	v7 =	vmul.f32 v7, v4  }
0x148: {  	v8 =	vmul.f32 v8, v4;
	v9 =	vmul.f32 v9, v4  }
0x149: {  	v10 =	vmul.f32 v10, v4;
	v11 =	vmul.f32 v11, v4  }
0x14a: {  	v12 =	vmul.f32 v12, v4;
	v13 =	vshra.s32 v5, $0x1F;
	v14 =	vshra.s32 v6, $0x1F  }
0x14b: {  	v15 =	vshra.s32 v7, $0x1F;
	v17 =	vshra.s32 v10, $0x1F;
	v18 =	vshra.s32 v11, $0x1F  }
0x14c: {  	v13 =	vor.u32 $0x80000000, v13;
	v14 =	vor.u32 $0x80000000, v14;
	v15 =	vor.u32 $0x80000000, v15  }
0x14d: {  	v17 =	vor.u32 $0x80000000, v17;
	v18 =	vor.u32 $0x80000000, v18;
	v5 =	vxor.u32 v5, v13  }
0x14e: {  	v13 =	vshra.s32 v8, $0x1F;
	v6 =	vxor.u32 v6, v14;
	v7 =	vxor.u32 v7, v15  }
0x14f: {  	v10 =	vxor.u32 v10, v17;
	v11 =	vxor.u32 v11, v18;
	v16 =	vshrl.u32 v5, $0xA  }
0x150: {  	v5 =	vshrl.u32 v5, $0x6;
	v13 =	vor.u32 $0x80000000, v13;
	v15 =	vshrl.u32 v6, $0xA  }
0x151: {  	v22 =	vshrl.u32 v10, $0xA;
	v23 =	vshrl.u32 v11, $0xA;
	v24 =	vshrl.u32 v6, $0x6  }
0x152: {  	v6 =	vshrl.u32 v10, $0x6;
	v16 =	vsub.s32 v16, v3;
	v5 =	vand.u32 $0x7FF0, v5  }
0x153: {  	v8 =	vxor.u32 v8, v13;
	v15 =	vsub.s32 v15, v3;
	vm0 =	vlt.u32 v16, $0x800  }
0x154: {  	v16 =	vshra.s32 v9, $0x1F;
	v19 =	vor.u32 v0, v5;
	v5 =	vshra.s32 v12, $0x1F  }
0x155: {  	v17 =	vshrl.u32 v8, $0xA;
	v5 =	vor.u32 $0x80000000, v5;
	v16 =	vor.u32 $0x80000000, v16  }
0x156: {  	v5 =	vxor.u32 v12, v5;
	v13 =	vxor.u32 v9, v16;
	v16 =	vshrl.u32 v7, $0xA  }
0x157: {  	v12 =	vshrl.u32 v7, $0x6;
	v9 =	vshrl.u32 v8, $0x6;
	v7 =	vsub.s32 v22, v3  }
0x158: {  	v14 =	vshrl.u32 v5, $0xA;
	v20 =	vshrl.u32 v13, $0xA;
	v21 =	vshrl.u32 v5, $0x6  }
0x159: {  	v8 =	vshrl.u32 v13, $0x6;
	v5 =	vshrl.u32 v11, $0x6;
	v13 =	vsub.s32 v17, v3  }
0x15a: {  	v11 =	vsub.s32 v23, v3;
	v18 =	vsub.s32 v14, v3;
	v14 =	vsub.s32 v16, v3  }
0x15b: {  	s28 =	simm.s32 $0x0;
	s30 =	simm.s32 $0x6C0;
	v10 =	vsub.s32 v20, v3;
	v17 =	vand.u32 $0x7FF0, v21;
	v16 =	vand.u32 $0x7FF0, v24;
	[tilespmem:v19+s16+$0x0] =	vst.idx.add.s32.msk vm0, v2  }
.LBB2_18:
0x15c: {  	v19 =	vld [tilespmem:s30+$0x30];
	s28 =	sadd.s32 $0x8, s28;
	v12 =	vand.u32 $0x7FF0, v12;
	v9 =	vand.u32 $0x7FF0, v9;
	v8 =	vand.u32 $0x7FF0, v8  }
0x15d: {  	vm5 =	vlt.u32 v18, $0x800;
	v6 =	vand.u32 $0x7FF0, v6;
	v5 =	vand.u32 $0x7FF0, v5;
	v20 =	vld [tilespmem:s30+$0xFFFFFFD0];
	p1 =	slt.u32 s28, $0x308  }
0x15e: {  	vm6 =	vlt.u32 v15, $0x800;
	vm4 =	vlt.u32 v14, $0x800;
	vm3 =	vlt.u32 v13, $0x800;
	v18 =	vld [tilespmem:s30+$0xFFFFFFE0]  }
0x15f: {  	vm2 =	vlt.u32 v10, $0x800;
	vm1 =	vlt.u32 v7, $0x800;
	vm0 =	vlt.u32 v11, $0x800;
	v13 =	vld [tilespmem:s30+$0xFFFFFFF0]  }
0x160: {  	v10 =	vor.u32 v0, v17;
	v11 =	vor.u32 v0, v16;
	v12 =	vor.u32 v0, v12;
	v7 =	vld [tilespmem:s30+$0x0]  }
0x161: {  	v9 =	vor.u32 v0, v9;
	v8 =	vor.u32 v0, v8;
	v14 =	vld [tilespmem:s30+$0x10];
	v15 =	vmul.f32 v19, v4  }
0x162: {  	v6 =	vor.u32 v0, v6;
	v5 =	vor.u32 v0, v5;
	v16 =	vmul.f32 v20, v4;
	v17 =	vld [tilespmem:s30+$0x20]  }
0x163: {  	v19 =	vld [tilespmem:s30+$0xFFFFFFC0];
	v18 =	vmul.f32 v18, v4;
	v20 =	vshra.s32 v15, $0x1F  }
0x164: {  	v21 =	vshra.s32 v16, $0x1F;
	v13 =	vmul.f32 v13, v4;
	v20 =	vor.u32 $0x80000000, v20  }
0x165: {  	v22 =	vshra.s32 v18, $0x1F;
	v7 =	vmul.f32 v7, v4;
	v15 =	vxor.u32 v15, v20;
	[tilespmem:v10+s16+$0x0] =	vst.idx.add.s32.msk vm5, v2  }
0x166: {  	v10 =	vshra.s32 v13, $0x1F;
	v14 =	vmul.f32 v14, v4;
	v20 =	vshrl.u32 v15, $0xA;
	[tilespmem:v11+s16+$0x0] =	vst.idx.add.s32.msk vm6, v2  }
0x167: {  	v15 =	vshrl.u32 v15, $0x6;
	v11 =	vmul.f32 v17, v4;
	v17 =	vsub.s32 v20, v3;
	[tilespmem:v12+s16+$0x0] =	vst.idx.add.s32.msk vm4, v2  }
0x168: {  	v15 =	vand.u32 $0x7FF0, v15;
	v12 =	vmul.f32 v19, v4;
	vm4 =	vlt.u32 v17, $0x800;
	[tilespmem:v9+s16+$0x0] =	vst.idx.add.s32.msk vm3, v2  }
0x169: {  	v9 =	vshra.s32 v7, $0x1F;
	v17 =	vshra.s32 v14, $0x1F;
	v15 =	vor.u32 v0, v15;
	[tilespmem:v8+s16+$0x0] =	vst.idx.add.s32.msk vm2, v2  }
0x16a: {  	v19 =	vor.u32 $0x80000000, v21;
	v20 =	vshra.s32 v11, $0x1F;
	v8 =	vshra.s32 v12, $0x1F;
	[tilespmem:v6+s16+$0x0] =	vst.idx.add.s32.msk vm1, v2  }
0x16b: {  	v10 =	vor.u32 $0x80000000, v10;
	v6 =	vor.u32 $0x80000000, v8;
	v8 =	vor.u32 $0x80000000, v22;
	[tilespmem:v5+s16+$0x0] =	vst.idx.add.s32.msk vm0, v2  }
0x16c: {  	v5 =	vor.u32 $0x80000000, v9;
	v9 =	vor.u32 $0x80000000, v17;
	v17 =	vor.u32 $0x80000000, v20  }
0x16d: {  	v6 =	vxor.u32 v12, v6;
	v12 =	vxor.u32 v16, v19;
	v8 =	vxor.u32 v18, v8  }
0x16e: {  	v10 =	vxor.u32 v13, v10;
	v5 =	vxor.u32 v7, v5;
	v16 =	vshrl.u32 v6, $0xA;
	[tilespmem:v15+s16+$0x0] =	vst.idx.add.s32.msk vm4, v2  }
0x16f: {  	v13 =	vxor.u32 v14, v9;
	v11 =	vxor.u32 v11, v17;
	v7 =	vshrl.u32 v12, $0xA  }
0x170: {  	v17 =	vshrl.u32 v10, $0xA;
	v14 =	vshrl.u32 v8, $0xA;
	v19 =	vshrl.u32 v5, $0xA  }
0x171: {  	v20 =	vshrl.u32 v6, $0x6;
	v21 =	vshrl.u32 v13, $0xA;
	v22 =	vshrl.u32 v11, $0xA  }
.Ltmp8:
0x172: {  	v9 =	vshrl.u32 v10, $0x6;
	v23 =	vshrl.u32 v12, $0x6;
	v12 =	vshrl.u32 v8, $0x6;
	(pc) =	sbr.rel @p1 .LBB2_18-.Ltmp8, $4  }
0x173: {  	v8 =	vshrl.u32 v5, $0x6;
	v6 =	vshrl.u32 v13, $0x6;
	v5 =	vshrl.u32 v11, $0x6  }
0x174: {  	v18 =	vsub.s32 v16, v3;
	v15 =	vsub.s32 v7, v3;
	v14 =	vsub.s32 v14, v3  }
0x175: {  	v13 =	vsub.s32 v17, v3;
	v10 =	vsub.s32 v19, v3;
	v7 =	vsub.s32 v21, v3  }
0x176: {  	s30 =	sadd.s32 $0x80, s30;
	v17 =	vand.u32 $0x7FF0, v20;
	v16 =	vand.u32 $0x7FF0, v23;
	v11 =	vsub.s32 v22, v3  }
0x177: {  	vm0 =	vlt.u32 v18, $0x800  }
0x178: {  	vm1 =	vlt.u32 v15, $0x800;
	v4 =	vor.u32 v0, v17  }
0x179: {  	v12 =	vand.u32 $0x7FF0, v12;
	vm2 =	vlt.u32 v14, $0x800;
	v14 =	vor.u32 v0, v16  }
0x17a: {  	v9 =	vand.u32 $0x7FF0, v9;
	vm3 =	vlt.u32 v13, $0x800;
	v12 =	vor.u32 v0, v12  }
0x17b: {  	v8 =	vand.u32 $0x7FF0, v8;
	vm4 =	vlt.u32 v10, $0x800;
	s28 =	sshll.u32 s25, $0x1;
	p1 =	seq.s32 s25, $0x2F;
	v9 =	vor.u32 v0, v9  }
0x17c: {  	v6 =	vand.u32 $0x7FF0, v6;
	vm5 =	vlt.u32 v7, $0x800;
	v7 =	vor.u32 v0, v8;
	s0 =	sadd.s32 @!p1 $0x2, s28  }
0x17d: {  	v5 =	vand.u32 $0x7FF0, v5;
	vm6 =	vlt.u32 v11, $0x800;
	v6 =	vor.u32 v0, v6;
	s2 =	sshrl.u32 @!p1 s0, $0x2;
	s0 =	sand.u32 @!p1 $0x2, s0;
	[tilespmem:v4+s16+$0x0] =	vst.idx.add.s32.msk vm0, v2  }
0x17e: {  	s2 =	sadd.s32 @!p1 s10, s2;
	s0 =	smul.u32 @!p1 $0x3100, s0;
	v4 =	vor.u32 v0, v5;
	[tilespmem:v14+s16+$0x0] =	vst.idx.add.s32.msk vm1, v2  }
0x17f: {  	s2 =	smul.u32 @!p1 $0xC400, s2;
	[tilespmem:v12+s16+$0x0] =	vst.idx.add.s32.msk vm2, v2  }
0x180: {  	s0 =	sor.u32 @!p1 s5, s0;
	[tilespmem:v9+s16+$0x0] =	vst.idx.add.s32.msk vm3, v2  }
0x181: {  	[tilespmem:v7+s16+$0x0] =	vst.idx.add.s32.msk vm4, v2;
	s0 =	sadd.s32 @!p1 s2, s0  }
0x182: {  	[tilespmem:v6+s16+$0x0] =	vst.idx.add.s32.msk vm5, v2;
	s0 =	sshrl.u32 @!p1 s0, $0x3  }
0x183: {  	s6 =	simm.s32 @!p1 $0x600;
	s2 =	simm.s32 @!p1 $0x0;
	s0 =	sadd.s32 @!p1 s1, s0;
	[tilespmem:v4+s16+$0x0] =	vst.idx.add.s32.msk vm6, v2  }
0x184: {  	[tilespmem:s6], [sflag:$0x1] =	stream.linear.gather @!p1 [hbm4b:s0+s2], $0x3100, $0x38;
	[tilespmem:$0x11010] =	vst v63  }
0x185: {  	_ =	swait.ge [sflag:s20], $0x3100  }
0x186: {  	[sflag:s20] =	ssyncset.done $0x0  }
0x187: {  	[sflag:s20] =	ssyncadd.s32 $0xFFFFCF00  }
0x188: {  	s31 =	simm.s32 $0x3740;
	v4 =	vld [tilespmem:s29+$0x0]  }
0x189: {  	v5 =	vld [tilespmem:s31+$0x30]  }
0x18a: {  	v6 =	vld [tilespmem:s31+$0xFFFFFFD0]  }
0x18b: {  	v7 =	vld [tilespmem:s31+$0xFFFFFFE0]  }
0x18c: {  	v8 =	vld [tilespmem:s31+$0xFFFFFFF0]  }
0x18d: {  	v9 =	vld [tilespmem:s31+$0x0]  }
0x18e: {  	v10 =	vld [tilespmem:s31+$0x10]  }
0x18f: {  	v11 =	vld [tilespmem:s31+$0x20]  }
0x190: {  	v12 =	vld [tilespmem:s31+$0xFFFFFFC0]  }
0x191: {  	v5 =	vmul.f32 v5, v4  }
0x192: {  	v6 =	vmul.f32 v6, v4;
	v7 =	vmul.f32 v7, v4  }
0x193: {  	v8 =	vmul.f32 v8, v4;
	v9 =	vmul.f32 v9, v4  }
0x194: {  	v10 =	vmul.f32 v10, v4;
	v11 =	vmul.f32 v11, v4  }
0x195: {  	v12 =	vmul.f32 v12, v4;
	v13 =	vshra.s32 v5, $0x1F;
	v14 =	vshra.s32 v6, $0x1F  }
0x196: {  	v15 =	vshra.s32 v7, $0x1F;
	v17 =	vshra.s32 v10, $0x1F;
	v18 =	vshra.s32 v11, $0x1F  }
0x197: {  	v13 =	vor.u32 $0x80000000, v13;
	v14 =	vor.u32 $0x80000000, v14;
	v15 =	vor.u32 $0x80000000, v15  }
0x198: {  	v17 =	vor.u32 $0x80000000, v17;
	v18 =	vor.u32 $0x80000000, v18;
	v5 =	vxor.u32 v5, v13  }
0x199: {  	v13 =	vshra.s32 v8, $0x1F;
	v6 =	vxor.u32 v6, v14;
	v7 =	vxor.u32 v7, v15  }
0x19a: {  	v10 =	vxor.u32 v10, v17;
	v15 =	vxor.u32 v11, v18;
	v16 =	vshrl.u32 v5, $0xA  }
0x19b: {  	v5 =	vshrl.u32 v5, $0x6;
	v13 =	vor.u32 $0x80000000, v13;
	v14 =	vshrl.u32 v6, $0xA  }
0x19c: {  	v22 =	vshrl.u32 v10, $0xA;
	v23 =	vshrl.u32 v15, $0xA;
	v24 =	vshrl.u32 v6, $0x6  }
0x19d: {  	v11 =	vshrl.u32 v7, $0x6;
	v6 =	vshrl.u32 v10, $0x6;
	v16 =	vsub.s32 v16, v3  }
0x19e: {  	v5 =	vand.u32 $0x7FF0, v5;
	v8 =	vxor.u32 v8, v13;
	vm15 =	vlt.u32 v16, $0x800  }
0x19f: {  	v16 =	vshra.s32 v9, $0x1F;
	v19 =	vor.u32 v0, v5;
	v5 =	vshra.s32 v12, $0x1F  }
0x1a0: {  	v17 =	vshrl.u32 v8, $0xA;
	v5 =	vor.u32 $0x80000000, v5;
	v16 =	vor.u32 $0x80000000, v16  }
0x1a1: {  	v5 =	vxor.u32 v12, v5;
	v13 =	vxor.u32 v9, v16;
	v16 =	vshrl.u32 v7, $0xA  }
0x1a2: {  	v9 =	vshrl.u32 v8, $0x6;
	v7 =	vsub.s32 v22, v3;
	v12 =	vshrl.u32 v5, $0xA  }
0x1a3: {  	v20 =	vshrl.u32 v13, $0xA;
	v21 =	vshrl.u32 v5, $0x6;
	v8 =	vshrl.u32 v13, $0x6  }
0x1a4: {  	v5 =	vshrl.u32 v15, $0x6;
	v15 =	vsub.s32 v14, v3;
	v14 =	vsub.s32 v16, v3  }
0x1a5: {  	v13 =	vsub.s32 v17, v3;
	v16 =	vand.u32 $0x7FF0, v24;
	v18 =	vsub.s32 v12, v3  }
0x1a6: {  	s30 =	simm.s32 $0x37C0;
	s29 =	simm.s32 $0x0;
	v10 =	vsub.s32 v20, v3;
	v17 =	vand.u32 $0x7FF0, v21;
	v12 =	vsub.s32 v23, v3;
	[tilespmem:v19+s16+$0x0] =	vst.idx.add.s32.msk vm15, v2  }
.LBB2_20:
0x1a7: {  	v19 =	vld [tilespmem:s30+$0x30];
	s29 =	sadd.s32 $0x8, s29;
	v11 =	vand.u32 $0x7FF0, v11;
	v9 =	vand.u32 $0x7FF0, v9;
	v8 =	vand.u32 $0x7FF0, v8  }
0x1a8: {  	vm5 =	vlt.u32 v18, $0x800;
	v6 =	vand.u32 $0x7FF0, v6;
	v5 =	vand.u32 $0x7FF0, v5;
	v20 =	vld [tilespmem:s30+$0xFFFFFFD0];
	p2 =	slt.u32 s29, $0x308  }
0x1a9: {  	vm6 =	vlt.u32 v15, $0x800;
	vm4 =	vlt.u32 v14, $0x800;
	vm3 =	vlt.u32 v13, $0x800;
	v18 =	vld [tilespmem:s30+$0xFFFFFFE0]  }
0x1aa: {  	vm2 =	vlt.u32 v10, $0x800;
	vm1 =	vlt.u32 v7, $0x800;
	vm0 =	vlt.u32 v12, $0x800;
	v13 =	vld [tilespmem:s30+$0xFFFFFFF0]  }
0x1ab: {  	v10 =	vor.u32 v0, v17;
	v12 =	vor.u32 v0, v16;
	v11 =	vor.u32 v0, v11;
	v7 =	vld [tilespmem:s30+$0x0]  }
0x1ac: {  	v9 =	vor.u32 v0, v9;
	v8 =	vor.u32 v0, v8;
	v14 =	vld [tilespmem:s30+$0x10];
	v15 =	vmul.f32 v19, v4  }
0x1ad: {  	v6 =	vor.u32 v0, v6;
	v5 =	vor.u32 v0, v5;
	v16 =	vmul.f32 v20, v4;
	v17 =	vld [tilespmem:s30+$0x20]  }
0x1ae: {  	v19 =	vld [tilespmem:s30+$0xFFFFFFC0];
	v18 =	vmul.f32 v18, v4;
	v20 =	vshra.s32 v15, $0x1F  }
0x1af: {  	v21 =	vshra.s32 v16, $0x1F;
	v13 =	vmul.f32 v13, v4;
	v20 =	vor.u32 $0x80000000, v20  }
0x1b0: {  	v22 =	vshra.s32 v18, $0x1F;
	v7 =	vmul.f32 v7, v4;
	v15 =	vxor.u32 v15, v20;
	[tilespmem:v10+s16+$0x0] =	vst.idx.add.s32.msk vm5, v2  }
0x1b1: {  	v10 =	vshra.s32 v13, $0x1F;
	v14 =	vmul.f32 v14, v4;
	v20 =	vshrl.u32 v15, $0xA;
	[tilespmem:v12+s16+$0x0] =	vst.idx.add.s32.msk vm6, v2  }
0x1b2: {  	v15 =	vshrl.u32 v15, $0x6;
	v12 =	vmul.f32 v17, v4;
	v17 =	vsub.s32 v20, v3;
	[tilespmem:v11+s16+$0x0] =	vst.idx.add.s32.msk vm4, v2  }
0x1b3: {  	v15 =	vand.u32 $0x7FF0, v15;
	v11 =	vmul.f32 v19, v4;
	vm4 =	vlt.u32 v17, $0x800;
	[tilespmem:v9+s16+$0x0] =	vst.idx.add.s32.msk vm3, v2  }
0x1b4: {  	v9 =	vshra.s32 v7, $0x1F;
	v17 =	vshra.s32 v14, $0x1F;
	v15 =	vor.u32 v0, v15;
	[tilespmem:v8+s16+$0x0] =	vst.idx.add.s32.msk vm2, v2  }
0x1b5: {  	v19 =	vor.u32 $0x80000000, v21;
	v20 =	vshra.s32 v12, $0x1F;
	v8 =	vshra.s32 v11, $0x1F;
	[tilespmem:v6+s16+$0x0] =	vst.idx.add.s32.msk vm1, v2  }
0x1b6: {  	v10 =	vor.u32 $0x80000000, v10;
	v6 =	vor.u32 $0x80000000, v8;
	v8 =	vor.u32 $0x80000000, v22;
	[tilespmem:v5+s16+$0x0] =	vst.idx.add.s32.msk vm0, v2  }
0x1b7: {  	v5 =	vor.u32 $0x80000000, v9;
	v9 =	vor.u32 $0x80000000, v17;
	v17 =	vor.u32 $0x80000000, v20  }
0x1b8: {  	v6 =	vxor.u32 v11, v6;
	v11 =	vxor.u32 v16, v19;
	v8 =	vxor.u32 v18, v8  }
0x1b9: {  	v10 =	vxor.u32 v13, v10;
	v5 =	vxor.u32 v7, v5;
	v16 =	vshrl.u32 v6, $0xA;
	[tilespmem:v15+s16+$0x0] =	vst.idx.add.s32.msk vm4, v2  }
0x1ba: {  	v13 =	vxor.u32 v14, v9;
	v12 =	vxor.u32 v12, v17;
	v7 =	vshrl.u32 v11, $0xA  }
0x1bb: {  	v17 =	vshrl.u32 v10, $0xA;
	v14 =	vshrl.u32 v8, $0xA;
	v19 =	vshrl.u32 v5, $0xA  }
0x1bc: {  	v20 =	vshrl.u32 v6, $0x6;
	v21 =	vshrl.u32 v13, $0xA;
	v22 =	vshrl.u32 v12, $0xA  }
.Ltmp9:
0x1bd: {  	v9 =	vshrl.u32 v10, $0x6;
	v23 =	vshrl.u32 v11, $0x6;
	v11 =	vshrl.u32 v8, $0x6;
	(pc) =	sbr.rel @p2 .LBB2_20-.Ltmp9, $4  }
0x1be: {  	v8 =	vshrl.u32 v5, $0x6;
	v6 =	vshrl.u32 v13, $0x6;
	v5 =	vshrl.u32 v12, $0x6  }
0x1bf: {  	v18 =	vsub.s32 v16, v3;
	v15 =	vsub.s32 v7, v3;
	v14 =	vsub.s32 v14, v3  }
0x1c0: {  	v13 =	vsub.s32 v17, v3;
	v10 =	vsub.s32 v19, v3;
	v7 =	vsub.s32 v21, v3  }
0x1c1: {  	s30 =	sadd.s32 $0x80, s30;
	v17 =	vand.u32 $0x7FF0, v20;
	v16 =	vand.u32 $0x7FF0, v23;
	v12 =	vsub.s32 v22, v3  }
0x1c2: {  	vm0 =	vlt.u32 v18, $0x800  }
0x1c3: {  	vm1 =	vlt.u32 v15, $0x800;
	v4 =	vor.u32 v0, v17  }
0x1c4: {  	v11 =	vand.u32 $0x7FF0, v11;
	vm2 =	vlt.u32 v14, $0x800;
	v62 =	vor.u32 v0, v16  }
0x1c5: {  	v9 =	vand.u32 $0x7FF0, v9;
	vm3 =	vlt.u32 v13, $0x800;
	v11 =	vor.u32 v0, v11  }
0x1c6: {  	v8 =	vand.u32 $0x7FF0, v8;
	vm4 =	vlt.u32 v10, $0x800;
	v9 =	vor.u32 v0, v9  }
0x1c7: {  	v6 =	vand.u32 $0x7FF0, v6;
	vm5 =	vlt.u32 v7, $0x800;
	v63 =	vor.u32 v0, v8  }
0x1c8: {  	v5 =	vand.u32 $0x7FF0, v5;
	vm6 =	vlt.u32 v12, $0x800;
	v6 =	vor.u32 v0, v6;
	[tilespmem:v4+s16+$0x0] =	vst.idx.add.s32.msk vm0, v2  }
0x1c9: {  	v4 =	vor.u32 v0, v5;
	[tilespmem:v62+s16+$0x0] =	vst.idx.add.s32.msk vm1, v2  }
.Ltmp10:
0x1ca: {  	[tilespmem:v11+s16+$0x0] =	vst.idx.add.s32.msk vm2, v2;
	(pc) =	sbr.rel @p1 .LBB2_23-.Ltmp10, $4  }
0x1cb: {  	[tilespmem:v9+s16+$0x0] =	vst.idx.add.s32.msk vm3, v2  }
0x1cc: {  	[tilespmem:v63+s16+$0x0] =	vst.idx.add.s32.msk vm4, v2  }
0x1cd: {  	[tilespmem:v6+s16+$0x0] =	vst.idx.add.s32.msk vm5, v2  }
0x1ce: {  	[tilespmem:v4+s16+$0x0] =	vst.idx.add.s32.msk vm6, v2  }
0x1cf: {  	s0 =	sadd.s32 $0x3, s28  }
0x1d0: {  	s2 =	sshrl.u32 s0, $0x2;
	s0 =	sand.u32 $0x3, s0  }
0x1d1: {  	s2 =	sadd.s32 s10, s2;
	s0 =	smul.u32 $0x3100, s0  }
0x1d2: {  	s2 =	smul.u32 $0xC400, s2  }
.Ltmp11:
0x1d3: {  	s0 =	sadd.s32 s5, s0;
	(pc) =	sbr.rel .LBB2_17-.Ltmp11, $4  }
0x1d4: {  	s0 =	sadd.s32 s2, s0  }
0x1d5: {  	s0 =	sshrl.u32 s0, $0x3  }
0x1d6: {  	s25 =	sadd.s32 $0x1, s25;
	s0 =	sadd.s32 s1, s0  }
0x1d7: {  	[tilespmem:s18], [sflag:$0x2] =	stream.linear.gather [hbm4b:s0+s4], $0x3100, $0x38;
	[tilespmem:$0x11010] =	vst v63  }
.LBB2_23:
0x1d8: {  	s0 =	simm.s32 $0xE800  }
0x1d9: {  	[spmem:s3] =	stream.indirect.scatter.add.s32 [tilespmem:s16], [sflag:$0x3], $0x10, s0, s21, $0xb8;
	[tilespmem:$0x11010] =	vst v63  }
0x1da: {  	_ =	swait.ge [sflag:s15], $0x800  }
0x1db: {  	[sflag:s15] =	ssyncset.done $0x0  }
0x1dc: {  	s17 =	simm.s32 $0xE880;
	s2 =	simm.s32 $0x7000;
	[sflag:s15] =	ssyncadd.s32 $0xFFFFF800  }
0x1dd: {  	[spmem:s3] =	stream.indirect.scatter.add.s32 [tilespmem:s2], [sflag:$0x3], $0x10, s17, s21, $0xb8;
	[tilespmem:$0x11010] =	vst v63  }
0x1de: {  	_ =	swait.ge [sflag:s15], $0x800  }
0x1df: {  	[sflag:s15] =	ssyncset.done $0x0  }
0x1e0: {  	s22 =	simm.s32 $0xE900;
	s25 =	simm.s32 $0x7800;
	[sflag:s15] =	ssyncadd.s32 $0xFFFFF800  }
0x1e1: {  	[spmem:s3] =	stream.indirect.scatter.add.s32 [tilespmem:s25], [sflag:$0x3], $0x10, s22, s21, $0xb8;
	[tilespmem:$0x11010] =	vst v63  }
0x1e2: {  	_ =	swait.ge [sflag:s15], $0x800  }
0x1e3: {  	[sflag:s15] =	ssyncset.done $0x0  }
0x1e4: {  	s6 =	simm.s32 $0xE980;
	s13 =	simm.s32 $0x8000;
	[sflag:s15] =	ssyncadd.s32 $0xFFFFF800  }
0x1e5: {  	[spmem:s3] =	stream.indirect.scatter.add.s32 [tilespmem:s13], [sflag:$0x3], $0x10, s6, s21, $0xb8;
	[tilespmem:$0x11010] =	vst v63  }
0x1e6: {  	_ =	swait.ge [sflag:s15], $0x800  }
0x1e7: {  	[sflag:s15] =	ssyncset.done $0x0  }
0x1e8: {  	s14 =	simm.s32 $0xEA00;
	s17 =	simm.s32 $0x8800;
	[sflag:s15] =	ssyncadd.s32 $0xFFFFF800  }
0x1e9: {  	[spmem:s3] =	stream.indirect.scatter.add.s32 [tilespmem:s17], [sflag:$0x3], $0x10, s14, s21, $0xb8;
	[tilespmem:$0x11010] =	vst v63  }
0x1ea: {  	_ =	swait.ge [sflag:s15], $0x800  }
0x1eb: {  	[sflag:s15] =	ssyncset.done $0x0  }
0x1ec: {  	s22 =	simm.s32 $0xEA80;
	s25 =	simm.s32 $0x9000;
	[sflag:s15] =	ssyncadd.s32 $0xFFFFF800  }
0x1ed: {  	[spmem:s3] =	stream.indirect.scatter.add.s32 [tilespmem:s25], [sflag:$0x3], $0x10, s22, s21, $0xb8;
	[tilespmem:$0x11010] =	vst v63  }
0x1ee: {  	_ =	swait.ge [sflag:s15], $0x800  }
0x1ef: {  	[sflag:s15] =	ssyncset.done $0x0  }
0x1f0: {  	s6 =	simm.s32 $0xEB00;
	s13 =	simm.s32 $0x9800;
	[sflag:s15] =	ssyncadd.s32 $0xFFFFF800  }
0x1f1: {  	[spmem:s3] =	stream.indirect.scatter.add.s32 [tilespmem:s13], [sflag:$0x3], $0x10, s6, s21, $0xb8;
	[tilespmem:$0x11010] =	vst v63  }
0x1f2: {  	_ =	swait.ge [sflag:s15], $0x800  }
0x1f3: {  	[sflag:s15] =	ssyncset.done $0x0  }
0x1f4: {  	s14 =	simm.s32 $0xEB80;
	s17 =	simm.s32 $0xA000;
	[sflag:s15] =	ssyncadd.s32 $0xFFFFF800  }
0x1f5: {  	[spmem:s3] =	stream.indirect.scatter.add.s32 [tilespmem:s17], [sflag:$0x3], $0x10, s14, s21, $0xb8;
	[tilespmem:$0x11010] =	vst v63  }
0x1f6: {  	_ =	swait.ge [sflag:s15], $0x800  }
0x1f7: {  	[sflag:s15] =	ssyncset.done $0x0  }
0x1f8: {  	s22 =	simm.s32 $0xEC00;
	s25 =	simm.s32 $0xA800;
	[sflag:s15] =	ssyncadd.s32 $0xFFFFF800  }
0x1f9: {  	[spmem:s3] =	stream.indirect.scatter.add.s32 [tilespmem:s25], [sflag:$0x3], $0x10, s22, s21, $0xb8;
	[tilespmem:$0x11010] =	vst v63  }
0x1fa: {  	_ =	swait.ge [sflag:s15], $0x800  }
0x1fb: {  	[sflag:s15] =	ssyncset.done $0x0  }
0x1fc: {  	s6 =	simm.s32 $0xEC80;
	s13 =	simm.s32 $0xB000;
	[sflag:s15] =	ssyncadd.s32 $0xFFFFF800  }
0x1fd: {  	[spmem:s3] =	stream.indirect.scatter.add.s32 [tilespmem:s13], [sflag:$0x3], $0x10, s6, s21, $0xb8;
	[tilespmem:$0x11010] =	vst v63  }
0x1fe: {  	_ =	swait.ge [sflag:s15], $0x800  }
0x1ff: {  	[sflag:s15] =	ssyncset.done $0x0  }
0x200: {  	s14 =	simm.s32 $0xED00;
	s17 =	simm.s32 $0xB800;
	[sflag:s15] =	ssyncadd.s32 $0xFFFFF800  }
0x201: {  	[spmem:s3] =	stream.indirect.scatter.add.s32 [tilespmem:s17], [sflag:$0x3], $0x10, s14, s21, $0xb8;
	[tilespmem:$0x11010] =	vst v63  }
0x202: {  	_ =	swait.ge [sflag:s15], $0x800  }
0x203: {  	[sflag:s15] =	ssyncset.done $0x0  }
0x204: {  	s22 =	simm.s32 $0xED80;
	s25 =	simm.s32 $0xC000;
	[sflag:s15] =	ssyncadd.s32 $0xFFFFF800  }
0x205: {  	[spmem:s3] =	stream.indirect.scatter.add.s32 [tilespmem:s25], [sflag:$0x3], $0x10, s22, s21, $0xb8;
	[tilespmem:$0x11010] =	vst v63  }
0x206: {  	_ =	swait.ge [sflag:s15], $0x800  }
0x207: {  	[sflag:s15] =	ssyncset.done $0x0  }
0x208: {  	s6 =	simm.s32 $0xEE00;
	s13 =	simm.s32 $0xC800;
	[sflag:s15] =	ssyncadd.s32 $0xFFFFF800  }
0x209: {  	[spmem:s3] =	stream.indirect.scatter.add.s32 [tilespmem:s13], [sflag:$0x3], $0x10, s6, s21, $0xb8;
	[tilespmem:$0x11010] =	vst v63  }
0x20a: {  	_ =	swait.ge [sflag:s15], $0x800  }
0x20b: {  	[sflag:s15] =	ssyncset.done $0x0  }
0x20c: {  	s14 =	simm.s32 $0xEE80;
	s17 =	simm.s32 $0xD000;
	[sflag:s15] =	ssyncadd.s32 $0xFFFFF800  }
0x20d: {  	[spmem:s3] =	stream.indirect.scatter.add.s32 [tilespmem:s17], [sflag:$0x3], $0x10, s14, s21, $0xb8;
	[tilespmem:$0x11010] =	vst v63  }
0x20e: {  	_ =	swait.ge [sflag:s15], $0x800  }
0x20f: {  	[sflag:s15] =	ssyncset.done $0x0  }
0x210: {  	s22 =	simm.s32 $0xEF00;
	s25 =	simm.s32 $0xD800;
	[sflag:s15] =	ssyncadd.s32 $0xFFFFF800  }
0x211: {  	[spmem:s3] =	stream.indirect.scatter.add.s32 [tilespmem:s25], [sflag:$0x3], $0x10, s22, s21, $0xb8;
	[tilespmem:$0x11010] =	vst v63  }
0x212: {  	_ =	swait.ge [sflag:s15], $0x800  }
0x213: {  	[sflag:s15] =	ssyncset.done $0x0  }
0x214: {  	s2 =	simm.s32 $0xEF80;
	s6 =	simm.s32 $0xE000;
	[sflag:s15] =	ssyncadd.s32 $0xFFFFF800  }
0x215: {  	[spmem:s3] =	stream.indirect.scatter.add.s32 [tilespmem:s6], [sflag:$0x3], $0x10, s2, s21, $0xb8;
	[tilespmem:$0x11010] =	vst v63  }
0x216: {  	_ =	swait.ge [sflag:s15], $0x800  }
0x217: {  	[sflag:s15] =	ssyncset.done $0x0  }
0x218: {  	[sflag:s15] =	ssyncadd.s32 $0xFFFFF800  }
0x219: {  	[bflag:$0x0] =	sbarrier.arrive $0xFFFF  }
0x21a: {  	[tilespmem:s16], [sflag:$0x3] =	stream.linear.gather [spmem:s12], $0x8000, $0x38;
	[tilespmem:$0x11010] =	vst v63  }
0x21b: {  	_ =	swait.ge [sflag:s15], $0x8000  }
0x21c: {  	[sflag:s15] =	ssyncset.done $0x0  }
0x21d: {  	[sflag:s15] =	ssyncadd.s32 $0xFFFF8000  }
0x21e: {  	s13 =	simm.s32 $0xE7F0;
	[bflag:$0x0] =	sbarrier.arrive $0xFFFF  }
0x21f: {  	v3 =	vld [tilespmem:s13+$0x0];
	_ =	sdelay $0x4  }
0x220: {  	(xrf0) =	vadd.scan.msk.s32 $0xffff, v3;
	_ =	sdelay $0x5  }
0x221: {  	v3, _, _ =	vpop (xrf0)  }
0x222: {  	(v2sf) =	vpush v3, $0xF  }
0x223: {  	s14 =	simm.s32 $0xE7E0  }
0x224: {  	s17 =	simm.s32 $0xE7D0;
	v3 =	vld [tilespmem:s14+$0x0]  }
0x225: {  	v4 =	vld [tilespmem:s17+$0x0];
	_ =	sdelay $0x3  }
0x226: {  	(xrf0) =	vadd.scan.msk.s32 $0xffff, v3  }
0x227: {  	(xrf0) =	vadd.scan.msk.s32 $0xffff, v4;
	_ =	sdelay $0x4  }
0x228: {  	v4, _, _ =	vpop (xrf0)  }
0x229: {  	(v2sf) =	vpush v4, $0xF;
	v4, _, _ =	vpop (xrf0)  }
0x22a: {  	s22 =	simm.s32 $0xE7C0;
	s25 =	spop (v2sf);
	(v2sf) =	vpush v4, $0xF  }
0x22b: {  	v3 =	vld [tilespmem:s22+$0x0];
	_ =	sdelay $0x3  }
0x22c: {  	p1 =	por $0x0, $0x0;
	s29 =	simm.s32 $0x0;
	s31 =	simm.s32 $0x7FD  }
0x22d: {  	s28 =	simm.s32 $0x7FC;
	s30 =	simm.s32 $0x7FB;
	s6 =	simm.s32 $0x7FF;
	(xrf0) =	vadd.scan.msk.s32 $0xffff, v3  }
0x22e: {  	s2 =	simm.s32 $0x7FE;
	s17 =	simm.s32 $0x7FA;
	s14 =	simm.s32 $0xE7B0  }
0x22f: {  	s13 =	simm.s32 $0x0;
	v3 =	vld [tilespmem:s14+$0x0];
	s0 =	sadd.s32 $0x0, s25;
	s25 =	smov.u32 s24  }
.LBB2_24:
0x230: {  	p2 =	sne.s32 s17, $0x0;
	p3 =	sge.s32 s0, s24;
	p4 =	por !p1, !p1  }
0x231: {  	s22 =	smov.u32 s13;
	s13 =	smov.u32 s0;
	p4 =	por !p3, !p4  }
.Ltmp12:
0x232: {  	s22 =	ssub.s32 s24, s22;
	p4 =	por !p4, !p4;
	(pc) =	sbr.rel @p2 .LBB2_24-.Ltmp12, $4  }
0x233: {  	v4, _, _ =	vpop (xrf0);
	s29 =	smov.u32 @p4 s6;
	s25 =	smov.u32 @p4 s22;
	s6 =	smov.u32 s2  }
0x234: {  	s2 =	smov.u32 s31;
	s31 =	smov.u32 s28;
	s28 =	smov.u32 s30;
	(xrf0) =	vadd.scan.msk.s32 $0xffff, v3;
	(v2sf) =	vpush v4, $0xF  }
0x235: {  	s14 =	sadd.s32 $0xFFFFFFF0, s14;
	s30 =	smov.u32 s17;
	s22 =	spop (v2sf)  }
0x236: {  	p1 =	por p1, p3;
	s17 =	sadd.s32 $0xFFFFFFFF, s17;
	v3 =	vld [tilespmem:s14+$0x0];
	s0 =	sadd.s32 s0, s22  }
0x237: {  	_ =	sdelay $0x3  }
0x238: {  	(xrf0) =	vadd.scan.msk.s32 $0xffff, v3;
	_ =	sdelay $0x3  }
0x239: {  	v3, _, _ =	vpop (xrf0)  }
0x23a: {  	(v2sf) =	vpush v3, $0xF  }
0x23b: {  	v3, _, _ =	vpop (xrf0)  }
0x23c: {  	(v2sf) =	vpush v3, $0xF;
	_ =	sdelay $0x3  }
0x23d: {  	p2 =	sge.s32 s0, s24;
	p3 =	por !p1, !p1  }
0x23e: {  	s14 =	spop (v2sf);
	p3 =	por !p2, !p3  }
0x23f: {  	s13 =	ssub.s32 s24, s13;
	p2 =	por p1, p2;
	p3 =	por !p3, !p3  }
0x240: {  	p5 =	por !p2, !p2;
	s29 =	smov.u32 @p3 s6;
	s6 =	sadd.s32 s0, s14  }
0x241: {  	s25 =	smov.u32 @p3 s13;
	s0 =	ssub.s32 s24, s0;
	p4 =	sge.s32 s6, s24  }
0x242: {  	p3 =	por !p4, !p5;
	p1 =	por p2, p4;
	s17 =	spop (v2sf)  }
0x243: {  	p2 =	por !p3, !p3;
	p4 =	por !p1, !p1;
	s13 =	sadd.s32 s6, s17  }
0x244: {  	s29 =	smov.u32 @p2 s2;
	s25 =	smov.u32 @p2 s0;
	p6 =	sge.s32 s13, s24  }
0x245: {  	s2 =	ssub.s32 s24, s6;
	p4 =	por !p6, !p4;
	p1 =	por p1, p6  }
0x246: {  	p2 =	por !p4, !p4;
	p5 =	por !p1, !p1;
	s22 =	spop (v2sf)  }
0x247: {  	s29 =	smov.u32 @p2 s31;
	s25 =	smov.u32 @p2 s2;
	s0 =	sadd.s32 s13, s22  }
0x248: {  	s2 =	ssub.s32 s24, s13;
	p4 =	sge.s32 s0, s24;
	s31 =	spop (v2sf)  }
0x249: {  	p1 =	por p1, p4;
	p3 =	por !p4, !p5;
	s6 =	sadd.s32 s0, s31  }
0x24a: {  	p1 =	por !p1, !p1;
	p2 =	por !p3, !p3;
	p6 =	sge.s32 s6, s24  }
0x24b: {  	s29 =	smov.u32 @p2 s28;
	s25 =	smov.u32 @p2 s2;
	p1 =	por !p6, !p1  }
0x24c: {  	s2 =	simm.s32 $0x0;
	s0 =	ssub.s32 s24, s0;
	p1 =	por !p1, !p1  }
0x24d: {  	s29 =	smov.u32 @p1 s30;
	s25 =	smov.u32 @p1 s0;
	s0 =	simm.s32 $0x40  }
.LBB2_26:
0x24e: {  	p1 =	sne.s32 s0, $0x1FFC0;
	[tilespmem:s2+$0x6800] =	vst v1;
	s2 =	smov.u32 s0;
	s0 =	sadd.s32 $0x40, s0  }
.Ltmp13:
0x24f: {  	(pc) =	sbr.rel @p1 .LBB2_26-.Ltmp13, $2  }
0x250: {  	_ =	sdelay $0x2  }
0x251: {  	s2 =	sshra.s32 s2, $0x2  }
0x252: {  	[tilespmem:s2+$0x6800] =	vst v1  }
0x253: {  	[spmem:s8] =	stream.linear.scatter [tilespmem:s16], [sflag:$0x3], $0x2000, $0x38;
	[tilespmem:$0x11010] =	vst v63  }
0x254: {  	_ =	swait.ge [sflag:s15], $0x2000  }
0x255: {  	[sflag:s15] =	ssyncset.done $0x0  }
0x256: {  	s28 =	simm.s32 $0x0;
	[sflag:s15] =	ssyncadd.s32 $0xFFFFE000  }
0x257: {  	s31 =	simm.s32 $0x600;
	s0 =	sor.u32 s26, s29;
	[bflag:$0x0] =	sbarrier.arrive $0xFFFF  }
0x258: {  	[tilespmem:s31], [sflag:$0x1] =	stream.linear.gather [hbm4b:s9+s28], $0x3100, $0x38;
	[tilespmem:$0x11010] =	vst v63  }
0x259: {  	s24 =	sshll.u32 s0, $0xA  }
0x25a: {  	v3 =	vmov s24;
	[tilespmem:s18], [sflag:$0x2] =	stream.linear.gather [hbm4b:s11+s28], $0x3100, $0x38;
	[tilespmem:$0x11010] =	vst v63  }
.LBB2_28:
0x25b: {  	_ =	swait.ge [sflag:s19], $0x3100  }
0x25c: {  	[sflag:s19] =	ssyncset.done $0x0  }
0x25d: {  	s26 =	simm.s32 $0x640;
	[sflag:s19] =	ssyncadd.s32 $0xFFFFCF00  }
0x25e: {  	s0 =	sshrl.u32 s28, $0x1;
	v5 =	vld [tilespmem:s26+$0x30]  }
0x25f: {  	s0 =	sadd.s32 s10, s0;
	v6 =	vld [tilespmem:s26+$0xFFFFFFD0]  }
0x260: {  	s0 =	sshll.u32 s0, $0x6;
	v7 =	vld [tilespmem:s26+$0xFFFFFFE0]  }
0x261: {  	s29 =	sshrl.u32 s0, $0x2;
	v8 =	vld [tilespmem:s26+$0xFFFFFFF0]  }
0x262: {  	v4 =	vld [tilespmem:s29+$0x0]  }
0x263: {  	v9 =	vld [tilespmem:s26+$0x0]  }
0x264: {  	v10 =	vld [tilespmem:s26+$0x10]  }
0x265: {  	v11 =	vld [tilespmem:s26+$0x20]  }
0x266: {  	v12 =	vld [tilespmem:s26+$0xFFFFFFC0]  }
0x267: {  	v5 =	vmul.f32 v5, v4  }
0x268: {  	v6 =	vmul.f32 v6, v4;
	v7 =	vmul.f32 v7, v4  }
0x269: {  	v8 =	vmul.f32 v8, v4;
	v9 =	vmul.f32 v9, v4  }
0x26a: {  	v10 =	vmul.f32 v10, v4;
	v11 =	vmul.f32 v11, v4  }
0x26b: {  	v12 =	vmul.f32 v12, v4;
	v13 =	vshra.s32 v5, $0x1F;
	v14 =	vshra.s32 v6, $0x1F  }
0x26c: {  	v15 =	vshra.s32 v7, $0x1F;
	v16 =	vshra.s32 v10, $0x1F;
	v18 =	vshra.s32 v11, $0x1F  }
0x26d: {  	v19 =	vshra.s32 v12, $0x1F;
	v13 =	vor.u32 $0x80000000, v13;
	v14 =	vor.u32 $0x80000000, v14  }
0x26e: {  	v15 =	vor.u32 $0x80000000, v15;
	v19 =	vor.u32 $0x80000000, v19;
	v16 =	vor.u32 $0x80000000, v16  }
0x26f: {  	v18 =	vor.u32 $0x80000000, v18;
	v5 =	vxor.u32 v5, v13;
	v12 =	vxor.u32 v12, v19  }
0x270: {  	v14 =	vxor.u32 v6, v14;
	v20 =	vxor.u32 v7, v15;
	v6 =	vxor.u32 v10, v16  }
0x271: {  	v13 =	vsub.s32 v5, v3;
	v5 =	vshll.u32 v5, $0x4;
	v19 =	vshll.u32 v12, $0x4  }
0x272: {  	v10 =	vshll.u32 v14, $0x4;
	v22 =	vshll.u32 v20, $0x4;
	v15 =	vsub.s32 v12, v3  }
0x273: {  	vm0 =	vlt.u32 v13, $0x400;
	v5 =	vand.u32 $0x3FF0, v5;
	v13 =	vshra.s32 v8, $0x1F  }
0x274: {  	v17 =	vor.u32 v0, v5;
	v5 =	vshra.s32 v9, $0x1F;
	v13 =	vor.u32 $0x80000000, v13  }
0x275: {  	v12 =	vand.u32 $0x3FF0, v10;
	v5 =	vor.u32 $0x80000000, v5;
	v21 =	vxor.u32 v8, v13  }
0x276: {  	v13 =	vsub.s32 v20, v3;
	v8 =	vxor.u32 v9, v5;
	v5 =	vxor.u32 v11, v18  }
0x277: {  	v23 =	vshll.u32 v21, $0x4;
	v9 =	vshll.u32 v6, $0x4;
	v11 =	vand.u32 $0x3FF0, v19  }
0x278: {  	v18 =	vsub.s32 v14, v3;
	v14 =	vsub.s32 v21, v3;
	v16 =	vshll.u32 v8, $0x4  }
0x279: {  	s30 =	simm.s32 $0x6C0;
	s26 =	simm.s32 $0x0;
	v7 =	vshll.u32 v5, $0x4;
	v10 =	vand.u32 $0x3FF0, v23;
	[tilespmem:v17+s16+$0x0] =	vst.idx.add.s32.msk vm0, v2;
	v17 =	vand.u32 $0x3FF0, v22  }
.LBB2_29:
0x27a: {  	v19 =	vld [tilespmem:s30+$0x30];
	s26 =	sadd.s32 $0x8, s26;
	v8 =	vsub.s32 v8, v3;
	v16 =	vand.u32 $0x3FF0, v16;
	v6 =	vsub.s32 v6, v3  }
0x27b: {  	v9 =	vand.u32 $0x3FF0, v9;
	v5 =	vsub.s32 v5, v3;
	v7 =	vand.u32 $0x3FF0, v7;
	v20 =	vld [tilespmem:s30+$0xFFFFFFD0];
	p1 =	slt.u32 s26, $0x308  }
0x27c: {  	vm6 =	vlt.u32 v15, $0x400;
	v11 =	vor.u32 v0, v11;
	vm5 =	vlt.u32 v18, $0x400;
	v21 =	vld [tilespmem:s30+$0xFFFFFFE0]  }
0x27d: {  	v12 =	vor.u32 v0, v12;
	vm4 =	vlt.u32 v13, $0x400;
	v13 =	vor.u32 v0, v17;
	v15 =	vld [tilespmem:s30+$0xFFFFFFF0]  }
0x27e: {  	vm3 =	vlt.u32 v14, $0x400;
	v10 =	vor.u32 v0, v10;
	vm0 =	vlt.u32 v8, $0x400;
	v17 =	vld [tilespmem:s30+$0x0]  }
0x27f: {  	v16 =	vor.u32 v0, v16;
	vm1 =	vlt.u32 v6, $0x400;
	v8 =	vld [tilespmem:s30+$0x10];
	v14 =	vmul.f32 v19, v4  }
0x280: {  	v9 =	vor.u32 v0, v9;
	vm2 =	vlt.u32 v5, $0x400;
	v6 =	vmul.f32 v20, v4;
	v18 =	vld [tilespmem:s30+$0x20]  }
0x281: {  	v7 =	vor.u32 v0, v7;
	v5 =	vld [tilespmem:s30+$0xFFFFFFC0];
	v19 =	vmul.f32 v21, v4;
	v20 =	vshra.s32 v14, $0x1F  }
0x282: {  	v21 =	vshra.s32 v6, $0x1F;
	v15 =	vmul.f32 v15, v4;
	v20 =	vor.u32 $0x80000000, v20;
	[tilespmem:v11+s16+$0x0] =	vst.idx.add.s32.msk vm6, v2  }
0x283: {  	v11 =	vshra.s32 v19, $0x1F;
	v17 =	vmul.f32 v17, v4;
	v14 =	vxor.u32 v14, v20;
	[tilespmem:v12+s16+$0x0] =	vst.idx.add.s32.msk vm5, v2  }
0x284: {  	v12 =	vmul.f32 v8, v4;
	v8 =	vsub.s32 v14, v3;
	v14 =	vshll.u32 v14, $0x4;
	[tilespmem:v13+s16+$0x0] =	vst.idx.add.s32.msk vm4, v2  }
0x285: {  	v13 =	vmul.f32 v18, v4;
	vm4 =	vlt.u32 v8, $0x400;
	v8 =	vand.u32 $0x3FF0, v14;
	[tilespmem:v10+s16+$0x0] =	vst.idx.add.s32.msk vm3, v2  }
0x286: {  	v10 =	vshra.s32 v15, $0x1F;
	v5 =	vmul.f32 v5, v4;
	v8 =	vor.u32 v0, v8;
	[tilespmem:v16+s16+$0x0] =	vst.idx.add.s32.msk vm0, v2  }
0x287: {  	v14 =	vshra.s32 v17, $0x1F;
	v16 =	vshra.s32 v12, $0x1F;
	v18 =	vshra.s32 v13, $0x1F;
	[tilespmem:v9+s16+$0x0] =	vst.idx.add.s32.msk vm1, v2  }
0x288: {  	v20 =	vor.u32 $0x80000000, v21;
	v11 =	vor.u32 $0x80000000, v11;
	v9 =	vshra.s32 v5, $0x1F;
	[tilespmem:v7+s16+$0x0] =	vst.idx.add.s32.msk vm2, v2  }
0x289: {  	v7 =	vor.u32 $0x80000000, v9;
	v9 =	vor.u32 $0x80000000, v10;
	v10 =	vor.u32 $0x80000000, v14  }
0x28a: {  	v14 =	vor.u32 $0x80000000, v18;
	v7 =	vxor.u32 v5, v7;
	v5 =	vor.u32 $0x80000000, v16  }
0x28b: {  	v20 =	vxor.u32 v6, v20;
	v19 =	vxor.u32 v19, v11;
	v18 =	vshll.u32 v7, $0x4;
	[tilespmem:v8+s16+$0x0] =	vst.idx.add.s32.msk vm4, v2  }
0x28c: {  	v21 =	vxor.u32 v15, v9;
	v8 =	vxor.u32 v17, v10;
	v6 =	vxor.u32 v12, v5  }
.Ltmp14:
0x28d: {  	v10 =	vshll.u32 v20, $0x4;
	v17 =	vshll.u32 v19, $0x4;
	v5 =	vxor.u32 v13, v14;
	(pc) =	sbr.rel @p1 .LBB2_29-.Ltmp14, $4  }
0x28e: {  	v22 =	vshll.u32 v21, $0x4;
	v16 =	vshll.u32 v8, $0x4;
	v9 =	vshll.u32 v6, $0x4  }
0x28f: {  	v15 =	vsub.s32 v7, v3;
	v11 =	vand.u32 $0x3FF0, v18;
	v7 =	vshll.u32 v5, $0x4  }
0x290: {  	v13 =	vsub.s32 v19, v3;
	v18 =	vsub.s32 v20, v3;
	v12 =	vand.u32 $0x3FF0, v10  }
0x291: {  	s30 =	sadd.s32 $0x80, s30;
	v14 =	vsub.s32 v21, v3;
	v17 =	vand.u32 $0x3FF0, v17;
	v10 =	vand.u32 $0x3FF0, v22  }
0x292: {  	vm0 =	vlt.u32 v15, $0x400  }
0x293: {  	v4 =	vsub.s32 v8, v3;
	v8 =	vor.u32 v0, v11;
	vm1 =	vlt.u32 v18, $0x400  }
0x294: {  	v11 =	vand.u32 $0x3FF0, v16;
	v12 =	vor.u32 v0, v12;
	vm2 =	vlt.u32 v13, $0x400  }
0x295: {  	v6 =	vsub.s32 v6, v3;
	v13 =	vor.u32 v0, v17;
	vm3 =	vlt.u32 v14, $0x400  }
0x296: {  	v9 =	vand.u32 $0x3FF0, v9;
	v10 =	vor.u32 v0, v10;
	s26 =	sshll.u32 s28, $0x1;
	p1 =	seq.s32 s28, $0x2F;
	vm4 =	vlt.u32 v4, $0x400  }
0x297: {  	v4 =	vsub.s32 v5, v3;
	v5 =	vor.u32 v0, v11;
	vm5 =	vlt.u32 v6, $0x400;
	s0 =	sadd.s32 @!p1 $0x2, s26  }
0x298: {  	v6 =	vand.u32 $0x3FF0, v7;
	v7 =	vor.u32 v0, v9;
	vm6 =	vlt.u32 v4, $0x400;
	s2 =	sshrl.u32 @!p1 s0, $0x2;
	s0 =	sand.u32 @!p1 $0x2, s0;
	[tilespmem:v8+s16+$0x0] =	vst.idx.add.s32.msk vm0, v2  }
0x299: {  	v4 =	vor.u32 v0, v6;
	s2 =	sadd.s32 @!p1 s10, s2;
	s0 =	smul.u32 @!p1 $0x3100, s0;
	[tilespmem:v12+s16+$0x0] =	vst.idx.add.s32.msk vm1, v2  }
0x29a: {  	s2 =	smul.u32 @!p1 $0xC400, s2;
	[tilespmem:v13+s16+$0x0] =	vst.idx.add.s32.msk vm2, v2  }
0x29b: {  	s0 =	sor.u32 @!p1 s5, s0;
	[tilespmem:v10+s16+$0x0] =	vst.idx.add.s32.msk vm3, v2  }
0x29c: {  	s0 =	sadd.s32 @!p1 s2, s0;
	[tilespmem:v5+s16+$0x0] =	vst.idx.add.s32.msk vm4, v2  }
0x29d: {  	[tilespmem:v7+s16+$0x0] =	vst.idx.add.s32.msk vm5, v2;
	s0 =	sshrl.u32 @!p1 s0, $0x3  }
0x29e: {  	s6 =	simm.s32 @!p1 $0x600;
	s2 =	simm.s32 @!p1 $0x0;
	[tilespmem:v4+s16+$0x0] =	vst.idx.add.s32.msk vm6, v2;
	s0 =	sadd.s32 @!p1 s1, s0  }
0x29f: {  	[tilespmem:s6], [sflag:$0x1] =	stream.linear.gather @!p1 [hbm4b:s0+s2], $0x3100, $0x38;
	[tilespmem:$0x11010] =	vst v63  }
0x2a0: {  	_ =	swait.ge [sflag:s20], $0x3100  }
0x2a1: {  	[sflag:s20] =	ssyncset.done $0x0  }
0x2a2: {  	[sflag:s20] =	ssyncadd.s32 $0xFFFFCF00  }
0x2a3: {  	s22 =	simm.s32 $0x3740;
	v4 =	vld [tilespmem:s29+$0x0]  }
0x2a4: {  	v5 =	vld [tilespmem:s22+$0x30]  }
0x2a5: {  	v6 =	vld [tilespmem:s22+$0xFFFFFFD0]  }
0x2a6: {  	v7 =	vld [tilespmem:s22+$0xFFFFFFE0]  }
0x2a7: {  	v8 =	vld [tilespmem:s22+$0xFFFFFFF0]  }
0x2a8: {  	v9 =	vld [tilespmem:s22+$0x0]  }
0x2a9: {  	v10 =	vld [tilespmem:s22+$0x10]  }
0x2aa: {  	v11 =	vld [tilespmem:s22+$0x20]  }
0x2ab: {  	v12 =	vld [tilespmem:s22+$0xFFFFFFC0]  }
0x2ac: {  	v5 =	vmul.f32 v5, v4  }
0x2ad: {  	v6 =	vmul.f32 v6, v4;
	v7 =	vmul.f32 v7, v4  }
0x2ae: {  	v8 =	vmul.f32 v8, v4;
	v9 =	vmul.f32 v9, v4  }
0x2af: {  	v10 =	vmul.f32 v10, v4;
	v11 =	vmul.f32 v11, v4  }
0x2b0: {  	v12 =	vmul.f32 v12, v4;
	v13 =	vshra.s32 v5, $0x1F;
	v14 =	vshra.s32 v6, $0x1F  }
0x2b1: {  	v15 =	vshra.s32 v7, $0x1F;
	v16 =	vshra.s32 v10, $0x1F;
	v18 =	vshra.s32 v11, $0x1F  }
0x2b2: {  	v19 =	vshra.s32 v12, $0x1F;
	v13 =	vor.u32 $0x80000000, v13;
	v14 =	vor.u32 $0x80000000, v14  }
0x2b3: {  	v15 =	vor.u32 $0x80000000, v15;
	v19 =	vor.u32 $0x80000000, v19;
	v16 =	vor.u32 $0x80000000, v16  }
0x2b4: {  	v18 =	vor.u32 $0x80000000, v18;
	v5 =	vxor.u32 v5, v13;
	v12 =	vxor.u32 v12, v19  }
0x2b5: {  	v14 =	vxor.u32 v6, v14;
	v20 =	vxor.u32 v7, v15;
	v6 =	vxor.u32 v10, v16  }
0x2b6: {  	v13 =	vsub.s32 v5, v3;
	v5 =	vshll.u32 v5, $0x4;
	v19 =	vshll.u32 v12, $0x4  }
0x2b7: {  	v10 =	vshll.u32 v14, $0x4;
	v22 =	vshll.u32 v20, $0x4;
	v15 =	vsub.s32 v12, v3  }
0x2b8: {  	vm15 =	vlt.u32 v13, $0x400;
	v5 =	vand.u32 $0x3FF0, v5;
	v13 =	vshra.s32 v8, $0x1F  }
0x2b9: {  	v17 =	vor.u32 v0, v5;
	v5 =	vshra.s32 v9, $0x1F;
	v13 =	vor.u32 $0x80000000, v13  }
0x2ba: {  	v12 =	vand.u32 $0x3FF0, v10;
	v5 =	vor.u32 $0x80000000, v5;
	v21 =	vxor.u32 v8, v13  }
0x2bb: {  	v13 =	vsub.s32 v20, v3;
	v7 =	vxor.u32 v9, v5;
	v5 =	vxor.u32 v11, v18  }
0x2bc: {  	v23 =	vshll.u32 v21, $0x4;
	v9 =	vshll.u32 v6, $0x4;
	v11 =	vand.u32 $0x3FF0, v19  }
0x2bd: {  	v18 =	vsub.s32 v14, v3;
	v14 =	vsub.s32 v21, v3;
	v16 =	vshll.u32 v7, $0x4  }
0x2be: {  	s30 =	simm.s32 $0x37C0;
	s29 =	simm.s32 $0x0;
	v8 =	vshll.u32 v5, $0x4;
	v10 =	vand.u32 $0x3FF0, v23;
	[tilespmem:v17+s16+$0x0] =	vst.idx.add.s32.msk vm15, v2;
	v17 =	vand.u32 $0x3FF0, v22  }
.LBB2_31:
0x2bf: {  	v19 =	vld [tilespmem:s30+$0x30];
	s29 =	sadd.s32 $0x8, s29;
	v7 =	vsub.s32 v7, v3;
	v16 =	vand.u32 $0x3FF0, v16;
	v6 =	vsub.s32 v6, v3  }
0x2c0: {  	v9 =	vand.u32 $0x3FF0, v9;
	v5 =	vsub.s32 v5, v3;
	v8 =	vand.u32 $0x3FF0, v8;
	v20 =	vld [tilespmem:s30+$0xFFFFFFD0];
	p2 =	slt.u32 s29, $0x308  }
0x2c1: {  	vm6 =	vlt.u32 v15, $0x400;
	v11 =	vor.u32 v0, v11;
	vm5 =	vlt.u32 v18, $0x400;
	v21 =	vld [tilespmem:s30+$0xFFFFFFE0]  }
0x2c2: {  	v12 =	vor.u32 v0, v12;
	vm4 =	vlt.u32 v13, $0x400;
	v13 =	vor.u32 v0, v17;
	v15 =	vld [tilespmem:s30+$0xFFFFFFF0]  }
0x2c3: {  	vm3 =	vlt.u32 v14, $0x400;
	v10 =	vor.u32 v0, v10;
	vm0 =	vlt.u32 v7, $0x400;
	v17 =	vld [tilespmem:s30+$0x0]  }
0x2c4: {  	v16 =	vor.u32 v0, v16;
	vm1 =	vlt.u32 v6, $0x400;
	v7 =	vld [tilespmem:s30+$0x10];
	v14 =	vmul.f32 v19, v4  }
0x2c5: {  	v9 =	vor.u32 v0, v9;
	vm2 =	vlt.u32 v5, $0x400;
	v6 =	vmul.f32 v20, v4;
	v18 =	vld [tilespmem:s30+$0x20]  }
0x2c6: {  	v8 =	vor.u32 v0, v8;
	v5 =	vld [tilespmem:s30+$0xFFFFFFC0];
	v19 =	vmul.f32 v21, v4;
	v20 =	vshra.s32 v14, $0x1F  }
0x2c7: {  	v21 =	vshra.s32 v6, $0x1F;
	v15 =	vmul.f32 v15, v4;
	v20 =	vor.u32 $0x80000000, v20;
	[tilespmem:v11+s16+$0x0] =	vst.idx.add.s32.msk vm6, v2  }
0x2c8: {  	v11 =	vshra.s32 v19, $0x1F;
	v17 =	vmul.f32 v17, v4;
	v14 =	vxor.u32 v14, v20;
	[tilespmem:v12+s16+$0x0] =	vst.idx.add.s32.msk vm5, v2  }
0x2c9: {  	v12 =	vmul.f32 v7, v4;
	v7 =	vsub.s32 v14, v3;
	v14 =	vshll.u32 v14, $0x4;
	[tilespmem:v13+s16+$0x0] =	vst.idx.add.s32.msk vm4, v2  }
0x2ca: {  	v13 =	vmul.f32 v18, v4;
	vm4 =	vlt.u32 v7, $0x400;
	v7 =	vand.u32 $0x3FF0, v14;
	[tilespmem:v10+s16+$0x0] =	vst.idx.add.s32.msk vm3, v2  }
0x2cb: {  	v10 =	vshra.s32 v15, $0x1F;
	v5 =	vmul.f32 v5, v4;
	v7 =	vor.u32 v0, v7;
	[tilespmem:v16+s16+$0x0] =	vst.idx.add.s32.msk vm0, v2  }
0x2cc: {  	v14 =	vshra.s32 v17, $0x1F;
	v16 =	vshra.s32 v12, $0x1F;
	v18 =	vshra.s32 v13, $0x1F;
	[tilespmem:v9+s16+$0x0] =	vst.idx.add.s32.msk vm1, v2  }
0x2cd: {  	v20 =	vor.u32 $0x80000000, v21;
	v11 =	vor.u32 $0x80000000, v11;
	v9 =	vshra.s32 v5, $0x1F;
	[tilespmem:v8+s16+$0x0] =	vst.idx.add.s32.msk vm2, v2  }
0x2ce: {  	v8 =	vor.u32 $0x80000000, v9;
	v9 =	vor.u32 $0x80000000, v10;
	v10 =	vor.u32 $0x80000000, v14  }
0x2cf: {  	v14 =	vor.u32 $0x80000000, v18;
	v8 =	vxor.u32 v5, v8;
	v5 =	vor.u32 $0x80000000, v16  }
0x2d0: {  	v20 =	vxor.u32 v6, v20;
	v19 =	vxor.u32 v19, v11;
	v18 =	vshll.u32 v8, $0x4;
	[tilespmem:v7+s16+$0x0] =	vst.idx.add.s32.msk vm4, v2  }
0x2d1: {  	v21 =	vxor.u32 v15, v9;
	v7 =	vxor.u32 v17, v10;
	v6 =	vxor.u32 v12, v5  }
.Ltmp15:
0x2d2: {  	v10 =	vshll.u32 v20, $0x4;
	v17 =	vshll.u32 v19, $0x4;
	v5 =	vxor.u32 v13, v14;
	(pc) =	sbr.rel @p2 .LBB2_31-.Ltmp15, $4  }
0x2d3: {  	v22 =	vshll.u32 v21, $0x4;
	v16 =	vshll.u32 v7, $0x4;
	v9 =	vshll.u32 v6, $0x4  }
0x2d4: {  	v15 =	vsub.s32 v8, v3;
	v11 =	vand.u32 $0x3FF0, v18;
	v8 =	vshll.u32 v5, $0x4  }
0x2d5: {  	v13 =	vsub.s32 v19, v3;
	v18 =	vsub.s32 v20, v3;
	v12 =	vand.u32 $0x3FF0, v10  }
0x2d6: {  	s30 =	sadd.s32 $0x80, s30;
	v14 =	vsub.s32 v21, v3;
	v17 =	vand.u32 $0x3FF0, v17;
	v10 =	vand.u32 $0x3FF0, v22  }
0x2d7: {  	vm0 =	vlt.u32 v15, $0x400  }
0x2d8: {  	v4 =	vsub.s32 v7, v3;
	v59 =	vor.u32 v0, v11;
	vm1 =	vlt.u32 v18, $0x400  }
0x2d9: {  	v60 =	vand.u32 $0x3FF0, v16;
	v12 =	vor.u32 v0, v12;
	vm2 =	vlt.u32 v13, $0x400  }
0x2da: {  	v6 =	vsub.s32 v6, v3;
	v61 =	vor.u32 v0, v17;
	vm3 =	vlt.u32 v14, $0x400  }
0x2db: {  	v9 =	vand.u32 $0x3FF0, v9;
	v10 =	vor.u32 v0, v10;
	vm4 =	vlt.u32 v4, $0x400  }
0x2dc: {  	v4 =	vsub.s32 v5, v3;
	v5 =	vor.u32 v0, v60;
	vm5 =	vlt.u32 v6, $0x400  }
0x2dd: {  	v62 =	vand.u32 $0x3FF0, v8;
	v63 =	vor.u32 v0, v9;
	vm6 =	vlt.u32 v4, $0x400;
	[tilespmem:v59+s16+$0x0] =	vst.idx.add.s32.msk vm0, v2  }
0x2de: {  	v4 =	vor.u32 v0, v62;
	[tilespmem:v12+s16+$0x0] =	vst.idx.add.s32.msk vm1, v2  }
.Ltmp16:
0x2df: {  	[tilespmem:v61+s16+$0x0] =	vst.idx.add.s32.msk vm2, v2;
	(pc) =	sbr.rel @p1 .LBB2_34-.Ltmp16, $4  }
0x2e0: {  	[tilespmem:v10+s16+$0x0] =	vst.idx.add.s32.msk vm3, v2  }
0x2e1: {  	[tilespmem:v5+s16+$0x0] =	vst.idx.add.s32.msk vm4, v2  }
0x2e2: {  	[tilespmem:v63+s16+$0x0] =	vst.idx.add.s32.msk vm5, v2  }
0x2e3: {  	[tilespmem:v4+s16+$0x0] =	vst.idx.add.s32.msk vm6, v2  }
0x2e4: {  	s0 =	sadd.s32 $0x3, s26  }
0x2e5: {  	s2 =	sshrl.u32 s0, $0x2;
	s0 =	sand.u32 $0x3, s0  }
0x2e6: {  	s2 =	sadd.s32 s10, s2;
	s0 =	smul.u32 $0x3100, s0  }
0x2e7: {  	s2 =	smul.u32 $0xC400, s2  }
.Ltmp17:
0x2e8: {  	s0 =	sadd.s32 s5, s0;
	(pc) =	sbr.rel .LBB2_28-.Ltmp17, $4  }
0x2e9: {  	s0 =	sadd.s32 s2, s0  }
0x2ea: {  	s0 =	sshrl.u32 s0, $0x3  }
0x2eb: {  	s28 =	sadd.s32 $0x1, s28;
	s0 =	sadd.s32 s1, s0  }
0x2ec: {  	[tilespmem:s18], [sflag:$0x2] =	stream.linear.gather [hbm4b:s0+s4], $0x3100, $0x38;
	[tilespmem:$0x11010] =	vst v63  }
.LBB2_34:
0x2ed: {  	s0 =	simm.s32 $0xE800  }
0x2ee: {  	[spmem:s3] =	stream.indirect.scatter.add.s32 [tilespmem:s16], [sflag:$0x3], $0x10, s0, s21, $0xb8;
	[tilespmem:$0x11010] =	vst v63  }
0x2ef: {  	_ =	swait.ge [sflag:s15], $0x800  }
0x2f0: {  	[sflag:s15] =	ssyncset.done $0x0  }
0x2f1: {  	s22 =	simm.s32 $0xE880;
	s2 =	simm.s32 $0x7000;
	[sflag:s15] =	ssyncadd.s32 $0xFFFFF800  }
0x2f2: {  	[spmem:s3] =	stream.indirect.scatter.add.s32 [tilespmem:s2], [sflag:$0x3], $0x10, s22, s21, $0xb8;
	[tilespmem:$0x11010] =	vst v63  }
0x2f3: {  	_ =	swait.ge [sflag:s15], $0x800  }
0x2f4: {  	[sflag:s15] =	ssyncset.done $0x0  }
0x2f5: {  	s26 =	simm.s32 $0xE900;
	s30 =	simm.s32 $0x7800;
	[sflag:s15] =	ssyncadd.s32 $0xFFFFF800  }
0x2f6: {  	[spmem:s3] =	stream.indirect.scatter.add.s32 [tilespmem:s30], [sflag:$0x3], $0x10, s26, s21, $0xb8;
	[tilespmem:$0x11010] =	vst v63  }
0x2f7: {  	_ =	swait.ge [sflag:s15], $0x800  }
0x2f8: {  	[sflag:s15] =	ssyncset.done $0x0  }
0x2f9: {  	s6 =	simm.s32 $0x8000;
	s2 =	simm.s32 $0xE980;
	[sflag:s15] =	ssyncadd.s32 $0xFFFFF800  }
0x2fa: {  	[spmem:s3] =	stream.indirect.scatter.add.s32 [tilespmem:s6], [sflag:$0x3], $0x10, s2, s21, $0xb8;
	[tilespmem:$0x11010] =	vst v63  }
0x2fb: {  	_ =	swait.ge [sflag:s15], $0x800  }
0x2fc: {  	[sflag:s15] =	ssyncset.done $0x0  }
0x2fd: {  	s13 =	simm.s32 $0xEA00;
	s14 =	simm.s32 $0x8800;
	[sflag:s15] =	ssyncadd.s32 $0xFFFFF800  }
0x2fe: {  	[spmem:s3] =	stream.indirect.scatter.add.s32 [tilespmem:s14], [sflag:$0x3], $0x10, s13, s21, $0xb8;
	[tilespmem:$0x11010] =	vst v63  }
0x2ff: {  	_ =	swait.ge [sflag:s15], $0x800  }
0x300: {  	[sflag:s15] =	ssyncset.done $0x0  }
0x301: {  	s17 =	simm.s32 $0xEA80;
	s22 =	simm.s32 $0x9000;
	[sflag:s15] =	ssyncadd.s32 $0xFFFFF800  }
0x302: {  	[spmem:s3] =	stream.indirect.scatter.add.s32 [tilespmem:s22], [sflag:$0x3], $0x10, s17, s21, $0xb8;
	[tilespmem:$0x11010] =	vst v63  }
0x303: {  	_ =	swait.ge [sflag:s15], $0x800  }
0x304: {  	[sflag:s15] =	ssyncset.done $0x0  }
0x305: {  	s26 =	simm.s32 $0xEB00;
	s30 =	simm.s32 $0x9800;
	[sflag:s15] =	ssyncadd.s32 $0xFFFFF800  }
0x306: {  	[spmem:s3] =	stream.indirect.scatter.add.s32 [tilespmem:s30], [sflag:$0x3], $0x10, s26, s21, $0xb8;
	[tilespmem:$0x11010] =	vst v63  }
0x307: {  	_ =	swait.ge [sflag:s15], $0x800  }
0x308: {  	[sflag:s15] =	ssyncset.done $0x0  }
0x309: {  	s2 =	simm.s32 $0xEB80;
	s6 =	simm.s32 $0xA000;
	[sflag:s15] =	ssyncadd.s32 $0xFFFFF800  }
0x30a: {  	[spmem:s3] =	stream.indirect.scatter.add.s32 [tilespmem:s6], [sflag:$0x3], $0x10, s2, s21, $0xb8;
	[tilespmem:$0x11010] =	vst v63  }
0x30b: {  	_ =	swait.ge [sflag:s15], $0x800  }
0x30c: {  	[sflag:s15] =	ssyncset.done $0x0  }
0x30d: {  	s13 =	simm.s32 $0xEC00;
	s14 =	simm.s32 $0xA800;
	[sflag:s15] =	ssyncadd.s32 $0xFFFFF800  }
0x30e: {  	[spmem:s3] =	stream.indirect.scatter.add.s32 [tilespmem:s14], [sflag:$0x3], $0x10, s13, s21, $0xb8;
	[tilespmem:$0x11010] =	vst v63  }
0x30f: {  	_ =	swait.ge [sflag:s15], $0x800  }
0x310: {  	[sflag:s15] =	ssyncset.done $0x0  }
0x311: {  	s17 =	simm.s32 $0xEC80;
	s22 =	simm.s32 $0xB000;
	[sflag:s15] =	ssyncadd.s32 $0xFFFFF800  }
0x312: {  	[spmem:s3] =	stream.indirect.scatter.add.s32 [tilespmem:s22], [sflag:$0x3], $0x10, s17, s21, $0xb8;
	[tilespmem:$0x11010] =	vst v63  }
0x313: {  	_ =	swait.ge [sflag:s15], $0x800  }
0x314: {  	[sflag:s15] =	ssyncset.done $0x0  }
0x315: {  	s26 =	simm.s32 $0xED00;
	s30 =	simm.s32 $0xB800;
	[sflag:s15] =	ssyncadd.s32 $0xFFFFF800  }
0x316: {  	[spmem:s3] =	stream.indirect.scatter.add.s32 [tilespmem:s30], [sflag:$0x3], $0x10, s26, s21, $0xb8;
	[tilespmem:$0x11010] =	vst v63  }
0x317: {  	_ =	swait.ge [sflag:s15], $0x800  }
0x318: {  	[sflag:s15] =	ssyncset.done $0x0  }
0x319: {  	s2 =	simm.s32 $0xED80;
	s6 =	simm.s32 $0xC000;
	[sflag:s15] =	ssyncadd.s32 $0xFFFFF800  }
0x31a: {  	[spmem:s3] =	stream.indirect.scatter.add.s32 [tilespmem:s6], [sflag:$0x3], $0x10, s2, s21, $0xb8;
	[tilespmem:$0x11010] =	vst v63  }
0x31b: {  	_ =	swait.ge [sflag:s15], $0x800  }
0x31c: {  	[sflag:s15] =	ssyncset.done $0x0  }
0x31d: {  	s13 =	simm.s32 $0xEE00;
	s14 =	simm.s32 $0xC800;
	[sflag:s15] =	ssyncadd.s32 $0xFFFFF800  }
0x31e: {  	[spmem:s3] =	stream.indirect.scatter.add.s32 [tilespmem:s14], [sflag:$0x3], $0x10, s13, s21, $0xb8;
	[tilespmem:$0x11010] =	vst v63  }
0x31f: {  	_ =	swait.ge [sflag:s15], $0x800  }
0x320: {  	[sflag:s15] =	ssyncset.done $0x0  }
0x321: {  	s17 =	simm.s32 $0xEE80;
	s22 =	simm.s32 $0xD000;
	[sflag:s15] =	ssyncadd.s32 $0xFFFFF800  }
0x322: {  	[spmem:s3] =	stream.indirect.scatter.add.s32 [tilespmem:s22], [sflag:$0x3], $0x10, s17, s21, $0xb8;
	[tilespmem:$0x11010] =	vst v63  }
0x323: {  	_ =	swait.ge [sflag:s15], $0x800  }
0x324: {  	[sflag:s15] =	ssyncset.done $0x0  }
0x325: {  	s26 =	simm.s32 $0xEF00;
	s30 =	simm.s32 $0xD800;
	[sflag:s15] =	ssyncadd.s32 $0xFFFFF800  }
0x326: {  	[spmem:s3] =	stream.indirect.scatter.add.s32 [tilespmem:s30], [sflag:$0x3], $0x10, s26, s21, $0xb8;
	[tilespmem:$0x11010] =	vst v63  }
0x327: {  	_ =	swait.ge [sflag:s15], $0x800  }
0x328: {  	[sflag:s15] =	ssyncset.done $0x0  }
0x329: {  	s6 =	simm.s32 $0xEF80;
	s13 =	simm.s32 $0xE000;
	[sflag:s15] =	ssyncadd.s32 $0xFFFFF800  }
0x32a: {  	[spmem:s3] =	stream.indirect.scatter.add.s32 [tilespmem:s13], [sflag:$0x3], $0x10, s6, s21, $0xb8;
	[tilespmem:$0x11010] =	vst v63  }
0x32b: {  	_ =	swait.ge [sflag:s15], $0x800  }
0x32c: {  	[sflag:s15] =	ssyncset.done $0x0  }
0x32d: {  	[sflag:s15] =	ssyncadd.s32 $0xFFFFF800  }
0x32e: {  	[bflag:$0x0] =	sbarrier.arrive $0xFFFF  }
0x32f: {  	[tilespmem:s16], [sflag:$0x3] =	stream.linear.gather [spmem:s12], $0x8000, $0x38;
	[tilespmem:$0x11010] =	vst v63  }
0x330: {  	_ =	swait.ge [sflag:s15], $0x8000  }
0x331: {  	[sflag:s15] =	ssyncset.done $0x0  }
0x332: {  	[sflag:s15] =	ssyncadd.s32 $0xFFFF8000  }
0x333: {  	s14 =	simm.s32 $0xA7F0;
	[bflag:$0x0] =	sbarrier.arrive $0xFFFF  }
0x334: {  	v3 =	vld [tilespmem:s14+$0x0];
	_ =	sdelay $0x4  }
0x335: {  	(xrf0) =	vadd.scan.msk.s32 $0xffff, v3;
	_ =	sdelay $0x5  }
0x336: {  	v3, _, _ =	vpop (xrf0)  }
0x337: {  	(v2sf) =	vpush v3, $0xF;
	_ =	sdelay $0x1  }
0x338: {  	s17 =	simm.s32 $0xA7E0  }
0x339: {  	v3 =	vld [tilespmem:s17+$0x0]  }
0x33a: {  	s22 =	simm.s32 $0xA7D0  }
0x33b: {  	v4 =	vld [tilespmem:s22+$0x0];
	_ =	sdelay $0x2  }
0x33c: {  	(xrf0) =	vadd.scan.msk.s32 $0xffff, v3;
	_ =	sdelay $0x1  }
0x33d: {  	(xrf0) =	vadd.scan.msk.s32 $0xffff, v4;
	_ =	sdelay $0x2  }
0x33e: {  	s26 =	simm.s32 $0xA7C0  }
0x33f: {  	v5 =	vld [tilespmem:s26+$0x0];
	v4, _, _ =	vpop (xrf0)  }
0x340: {  	s13 =	spop (v2sf);
	(v2sf) =	vpush v4, $0xF  }
0x341: {  	v4, _, _ =	vpop (xrf0)  }
0x342: {  	(v2sf) =	vpush v4, $0xF;
	_ =	sdelay $0x1  }
0x343: {  	s30 =	simm.s32 $0xA7B0;
	(xrf0) =	vadd.scan.msk.s32 $0xffff, v5  }
0x344: {  	v3 =	vld [tilespmem:s30+$0x0];
	_ =	sdelay $0x1  }
0x345: {  	p1 =	por $0x0, $0x0;
	s29 =	simm.s32 $0x3FF;
	s28 =	simm.s32 $0x3FC  }
0x346: {  	s0 =	simm.s32 $0x3FD;
	s2 =	simm.s32 $0x3FB;
	s6 =	simm.s32 $0x3FE  }
0x347: {  	s26 =	simm.s32 $0x0;
	s14 =	simm.s32 $0x3FA;
	s13 =	sadd.s32 $0x0, s13  }
0x348: {  	s29 =	smov.u32 @p1 s26;
	s17 =	simm.s32 $0xA7A0;
	(xrf0) =	vadd.scan.msk.s32 $0xffff, v3;
	v3, _, _ =	vpop (xrf0);
	p2 =	sge.s32 s13, s25  }
.LBB2_35:
0x349: {  	p1 =	por p1, p2  }
0x34a: {  	v4 =	vld [tilespmem:s17+$0x0];
	(v2sf) =	vpush v3, $0xF;
	s22 =	smov.u32 s14;
	p3 =	sne.s32 s14, $0x0;
	s14 =	sadd.s32 $0xFFFFFFFF, s14  }
.Ltmp18:
0x34b: {  	s26 =	smov.u32 @p2 s29;
	s29 =	smov.u32 s6;
	(pc) =	sbr.rel @p3 .LBB2_35-.Ltmp18, $4  }
0x34c: {  	s6 =	smov.u32 s0;
	s0 =	smov.u32 s28;
	s29 =	smov.u32 @p1 s26  }
0x34d: {  	s28 =	smov.u32 s2;
	s2 =	smov.u32 s22;
	s30 =	spop (v2sf)  }
0x34e: {  	s13 =	sadd.s32 s13, s30  }
0x34f: {  	s17 =	sadd.s32 $0xFFFFFFF0, s17;
	(xrf0) =	vadd.scan.msk.s32 $0xffff, v4;
	v3, _, _ =	vpop (xrf0);
	p2 =	sge.s32 s13, s25  }
0x350: {  	_ =	sdelay $0x3  }
0x351: {  	(v2sf) =	vpush v3, $0xF  }
0x352: {  	v3, _, _ =	vpop (xrf0)  }
0x353: {  	(v2sf) =	vpush v3, $0xF;
	_ =	sdelay $0x8  }
0x354: {  	s14 =	spop (v2sf)  }
0x355: {  	s26 =	smov.u32 @p2 s29;
	p1 =	por p1, p2;
	s13 =	sadd.s32 s13, s14  }
0x356: {  	s6 =	smov.u32 @p1 s26;
	p2 =	sge.s32 s13, s25;
	s30 =	spop (v2sf)  }
0x357: {  	p1 =	por p1, p2;
	s26 =	smov.u32 @p2 s6;
	s14 =	sadd.s32 s13, s30  }
0x358: {  	s0 =	smov.u32 @p1 s26;
	p2 =	sge.s32 s14, s25;
	s17 =	spop (v2sf)  }
0x359: {  	p1 =	por p1, p2;
	s26 =	smov.u32 @p2 s0;
	s22 =	sadd.s32 s14, s17  }
0x35a: {  	s28 =	smov.u32 @p1 s26;
	p2 =	sge.s32 s22, s25;
	s29 =	spop (v2sf)  }
0x35b: {  	p1 =	por p1, p2;
	s26 =	smov.u32 @p2 s28;
	s0 =	sadd.s32 s22, s29  }
0x35c: {  	s2 =	smov.u32 @p1 s26;
	p1 =	sge.s32 s0, s25  }
0x35d: {  	s26 =	smov.u32 @p1 s2  }
0x35e: {  	s0 =	sor.u32 @!p0 s24, s26  }
0x35f: {  	v3 =	vmov @!p0 s0  }
0x360: {  	s6 =	rddreg [dreg:$0x5];
	s2 =	simm.s32 @!p0 $0xF000;
	s0 =	simm.s32 @!p0 $0x0;
	[tilespmem:$0xF000] =	vst @!p0 v3  }
0x361: {  	[hbm4b:s6+s0] =	stream.linear.scatter @!p0 [tilespmem:s2], [sflag:$0x3], $0x10, $0x38;
	[tilespmem:$0x11010] =	vst v63  }
0x362: {  	s0 =	simm.s32 @!p0 $0x3  }
0x363: {  	_ =	swait.ge @!p0 [sflag:s0], $0x10  }
0x364: {  	s23 =	sadd.s32 $0x1, s23;
	s30 =	rddreg [dreg:$0x6]  }
0x365: {  	p1 =	sne.s32 s23, s30  }
.Ltmp19:
0x366: {  	_ = 	snop;
	(pc) =	sbr.rel @p1 .LBB2_1-.Ltmp19, $3  }
0x367: {  	_ =	sdelay $0x1  }
0x368: {  	[sflag:s0] =	ssyncset.done @!p0 $0x0  }
0x369: {  	[sflag:s0] =	ssyncadd.s32 @!p0 $0xFFFFFFF0  }
0x36a: {  	_ =	sfence.sel $0x180000  }
0x36b: {  	[bflag:$0x0] =	sbarrier.arrive $0xFFFF  }
0x36c: {  	_ =	strace $0x90000047  }
0x36d: {  	s0 =	stileid.u32;
	[bflag:$0x2] =	sbarrier.arrive $0xFFFF  }
0x36e: {  	p0 =	sne.s32 s0, $0x0;
	s0 =	rddreg [dreg:$0x3]  }
0x36f: {  	s0 =	sadd.s32 @!p0 $0x100000, s0  }
0x370: {  	[sflag:s0] =	ssyncadd.tile.s32 @!p0 $0x1;
	_ =	shalt  }
.Lfunc_end2:
_tile_overlayer_lowered:
.L_overlay_start_2:
0x371: {  	(tag) =	ssettag $0x2  }
0x372: {  	s0 =	rddreg [dreg:$0x0];
	s2 =	stileid.u32  }
0x373: {  	s1 =	rddreg [dreg:$0x1];
	p0 =	sne.s32 s2, $0x0  }
0x374: {  	s3 =	rddreg [dreg:$0x2];
	[bflag:$0x3] =	sbarrier.arrive $0xFFFF;
	s2 =	simm.s32 @!p0 $0x1C03  }
0x375: {  	[timem:s3], [sflag:s2] =	dma.local @!p0 [hbm:s0], s1  }
0x376: {  	s0 =	simm.s32 @!p0 $0x3  }
0x377: {  	_ =	swait.ge @!p0 [sflag:s0], s1  }
0x378: {  	s1 =	ssub.s32 @!p0 $0x0, s1;
	[sflag:s0] =	ssyncset.done @!p0 $0x0  }
0x379: {  	[sflag:s0] =	ssyncadd.s32 @!p0 s1  }
0x37a: {  	[bflag:$0x3] =	sbarrier.arrive $0xFFFF  }
0x37b: {  	_ =	shalt  }

</sc_bundles>
